<compile_context>
chip_gen: v7x
topology: tpu7x:2x2x1
jax: 0.10.2.dev20260603
libtpu: 0.0.44.dev20260713+nightly
codegen_flags: <defaults>
</compile_context>

<pallas_src>
import functools

import jax
import jax.numpy as jnp
from jax import lax
from jax.experimental import pallas as pl
from jax.experimental.pallas import tpu as pltpu
from jax.experimental.pallas import tpu_sc as plsc

_VAR0 = 0.1
_VAR1 = 0.2
_TOP_K = 200
_P = 20000
_PP = 20480
_NSL = 80
_NCH = _PP // 16
_NL1 = _NCH // 16
_NL2 = 5
_KPAD = 224
_OUTW = _TOP_K * 8 + 16


def _prep_kernel(ct_ref, conf_ref, loc_ref, prior_ref, scores_ref, pts_ref):
    conf_t = ct_ref[0]
    conf = conf_ref[0]
    mx = jnp.max(conf, axis=0, keepdims=True)
    e = jnp.exp(conf - mx)
    z = jnp.sum(e, axis=0, keepdims=True)
    probs = e / z
    fg = probs[1:, :]
    pos = jax.lax.broadcasted_iota(jnp.int32, (20, _PP), 1)
    valid = (fg >= conf_t) & (pos < _P)
    scores_ref[0] = jnp.where(valid, fg, 0.0)

    l = loc_ref[0]
    lx, ly, lw, lh = l[0:1], l[1:2], l[2:3], l[3:4]
    pcx, pcy, pw, ph = (prior_ref[0:1], prior_ref[1:2],
                        prior_ref[2:3], prior_ref[3:4])
    cx = pcx + lx * (_VAR0) * pw
    cy = pcy + ly * (_VAR0) * ph
    w = pw * jnp.exp(lw * _VAR1)
    h = ph * jnp.exp(lh * _VAR1)
    pts_ref[0, 0:1, :] = cx - w * 0.5
    pts_ref[0, 1:2, :] = cy - h * 0.5
    pts_ref[0, 2:3, :] = cx + w * 0.5
    pts_ref[0, 3:4, :] = cy + h * 0.5


def _sc_nms(nt_hbm, scores_hbm, pts_hbm, out_hbm,
            thr_v, s_v, x1_v, y1_v, x2_v, y2_v,
            l1_v, l2_v, kx1_v, ky1_v, kx2_v, ky2_v, ka_v, out_v):
    nc = 2
    wid = lax.axis_index("s") * nc + lax.axis_index("c")
    lane = lax.iota(jnp.int32, 16)
    zero16 = jnp.zeros((16,), jnp.float32)
    eps16 = jnp.full((16,), 1e-12, jnp.float32)
    last_mask = lane == 15

    pltpu.sync_copy(nt_hbm, thr_v)
    thrv = thr_v[...]

    for si in range(3):
        sl = si * 32 + wid

        @pl.when(sl < _NSL)
        def _process(sl=sl):
            bi = sl // 20
            pltpu.sync_copy(scores_hbm.at[sl], s_v)
            pltpu.sync_copy(pts_hbm.at[bi, 0], x1_v)
            pltpu.sync_copy(pts_hbm.at[bi, 1], y1_v)
            pltpu.sync_copy(pts_hbm.at[bi, 2], x2_v)
            pltpu.sync_copy(pts_hbm.at[bi, 3], y2_v)

            def _zero_k(i, _):
                kx1_v[pl.ds(i * 16, 16)] = zero16
                ky1_v[pl.ds(i * 16, 16)] = zero16
                kx2_v[pl.ds(i * 16, 16)] = zero16
                ky2_v[pl.ds(i * 16, 16)] = zero16
                ka_v[pl.ds(i * 16, 16)] = zero16
                return 0
            lax.fori_loop(0, _KPAD // 16, _zero_k, 0)

            def _zero_o(i, _):
                out_v[pl.ds(i * 16, 16)] = zero16
                return 0
            lax.fori_loop(0, _OUTW // 16, _zero_o, 0)

            def _build_l1(ch, _):
                v = s_v[pl.ds(ch * 16, 16)]
                cm = plsc.cummax(v)
                idxv = jnp.full((16,), ch, jnp.int32)
                plsc.store_scatter(l1_v, [idxv], cm, mask=last_mask)
                return 0
            lax.fori_loop(0, _NCH, _build_l1, 0)

            def _build_l2(g, _):
                v = l1_v[pl.ds(g * 16, 16)]
                cm = plsc.cummax(v)
                idxv = jnp.full((16,), g, jnp.int32)
                plsc.store_scatter(l2_v, [idxv], cm, mask=last_mask)
                return 0
            lax.fori_loop(0, _NL1, _build_l2, 0)

            def cond(carry):
                k, done = carry
                return (k < _TOP_K) & jnp.logical_not(done)

            def body(carry):
                k, done = carry
                t0 = l2_v[pl.ds(0, 16)]
                t1 = l2_v[pl.ds(16, 16)]
                t2 = l2_v[pl.ds(32, 16)]
                t3 = l2_v[pl.ds(48, 16)]
                t4 = l2_v[pl.ds(64, 16)]
                mv = jnp.maximum(jnp.maximum(jnp.maximum(t0, t1),
                                             jnp.maximum(t2, t3)), t4)
                m = jnp.max(mv)
                sel = m > 0.0

                c2v = jnp.full((16,), jnp.int32(2 ** 30))
                for i, tv in ((4, t4), (3, t3), (2, t2), (1, t1), (0, t0)):
                    mk = tv == m
                    cnt = plsc.all_reduce_population_count(mk)
                    ffs = plsc.all_reduce_ffs(mk)
                    c2v = jnp.where(cnt > 0, i * 16 + ffs, c2v)
                c2 = jnp.max(jnp.where(lane == 0, c2v, 0))

                v1 = l1_v[pl.ds(c2 * 16, 16)]
                chv = c2 * 16 + plsc.all_reduce_ffs(v1 == m)
                ch = jnp.max(jnp.where(lane == 0, chv, 0))

                sv = s_v[pl.ds(ch * 16, 16)]
                ffs_e = plsc.all_reduce_ffs(sv == m)
                idxv = ch * 16 + ffs_e

                sv2 = jnp.where(lane == ffs_e, 0.0, sv)
                s_v[pl.ds(ch * 16, 16)] = sv2
                cm1 = jnp.max(sv2)
                nl1 = jnp.where(lane == (ch - c2 * 16), cm1, v1)
                l1_v[pl.ds(c2 * 16, 16)] = nl1
                cm2 = jnp.max(nl1)
                g2 = c2 // 16
                l2c = l2_v[pl.ds(g2 * 16, 16)]
                l2_v[pl.ds(g2 * 16, 16)] = jnp.where(
                    lane == (c2 - g2 * 16), cm2, l2c)

                cx1 = plsc.load_gather(x1_v, [idxv])
                cy1 = plsc.load_gather(y1_v, [idxv])
                cx2 = plsc.load_gather(x2_v, [idxv])
                cy2 = plsc.load_gather(y2_v, [idxv])
                a1 = (jnp.maximum(cx2 - cx1, zero16)
                      * jnp.maximum(cy2 - cy1, zero16))

                sup = lane < 0
                for kv in range(_KPAD // 16):
                    kx1 = kx1_v[pl.ds(kv * 16, 16)]
                    ky1 = ky1_v[pl.ds(kv * 16, 16)]
                    kx2 = kx2_v[pl.ds(kv * 16, 16)]
                    ky2 = ky2_v[pl.ds(kv * 16, 16)]
                    ka = ka_v[pl.ds(kv * 16, 16)]
                    iw = jnp.maximum(jnp.minimum(cx2, kx2)
                                     - jnp.maximum(cx1, kx1), zero16)
                    ih = jnp.maximum(jnp.minimum(cy2, ky2)
                                     - jnp.maximum(cy1, ky1), zero16)
                    inter = iw * ih
                    un = a1 + ka - inter
                    sup = sup | (inter > thrv * jnp.maximum(un, eps16))
                nsup = plsc.all_reduce_population_count(sup)
                supp_any = jnp.max(nsup) > 0
                keep = sel & jnp.logical_not(supp_any)

                @pl.when(keep)
                def _():
                    kb = (k // 16) * 16
                    klane = k - kb
                    kc = kx1_v[pl.ds(kb, 16)]
                    kx1_v[pl.ds(kb, 16)] = jnp.where(lane == klane, cx1, kc)
                    kc = ky1_v[pl.ds(kb, 16)]
                    ky1_v[pl.ds(kb, 16)] = jnp.where(lane == klane, cy1, kc)
                    kc = kx2_v[pl.ds(kb, 16)]
                    kx2_v[pl.ds(kb, 16)] = jnp.where(lane == klane, cx2, kc)
                    kc = ky2_v[pl.ds(kb, 16)]
                    ky2_v[pl.ds(kb, 16)] = jnp.where(lane == klane, cy2, kc)
                    kc = ka_v[pl.ds(kb, 16)]
                    ka_v[pl.ds(kb, 16)] = jnp.where(lane == klane, a1, kc)
                    ocx = (cx1 + cx2) * 0.5
                    ocy = (cy1 + cy2) * 0.5
                    ow = cx2 - cx1
                    oh = cy2 - cy1
                    row = jnp.where(lane == 0, m,
                          jnp.where(lane == 1, ocx,
                          jnp.where(lane == 2, ocy,
                          jnp.where(lane == 3, ow,
                          jnp.where(lane == 4, oh, zero16)))))
                    out_v[pl.ds(k * 8, 16)] = row

                k2 = k + jnp.where(keep, 1, 0)
                return (k2, jnp.logical_not(sel))

            lax.while_loop(cond, body, (jnp.int32(0), False))
            pltpu.sync_copy(out_v, out_hbm.at[sl])


@jax.jit
def kernel(loc_data, conf_data, prior_data, conf_thresh, nms_thresh):
    B = loc_data.shape[0]
    C = conf_data.shape[1] - 1

    conf_p = jnp.pad(conf_data, ((0, 0), (0, 0), (0, _PP - _P)))
    loc_p = jnp.pad(loc_data, ((0, 0), (0, 0), (0, _PP - _P)))
    prior_p = jnp.pad(prior_data.T, ((0, 0), (0, _PP - _P)))

    scores, pts = pl.pallas_call(
        _prep_kernel,
        grid=(B,),
        in_specs=[
            pl.BlockSpec(memory_space=pltpu.SMEM),
            pl.BlockSpec((1, C + 1, _PP), lambda b: (b, 0, 0)),
            pl.BlockSpec((1, 4, _PP), lambda b: (b, 0, 0)),
            pl.BlockSpec((4, _PP), lambda b: (0, 0)),
        ],
        out_specs=[
            pl.BlockSpec((1, C, _PP), lambda b: (b, 0, 0)),
            pl.BlockSpec((1, 4, _PP), lambda b: (b, 0, 0)),
        ],
        out_shape=[
            jax.ShapeDtypeStruct((B, C, _PP), jnp.float32),
            jax.ShapeDtypeStruct((B, 4, _PP), jnp.float32),
        ],
    )(conf_thresh.reshape(1), conf_p, loc_p, prior_p)

    scores2 = scores.reshape(_NSL, _PP)
    ntv = jnp.broadcast_to(nms_thresh, (16,)).astype(jnp.float32)

    mesh = plsc.VectorSubcoreMesh(core_axis_name="c", subcore_axis_name="s")
    out = pl.kernel(
        _sc_nms,
        out_type=jax.ShapeDtypeStruct((_NSL, _OUTW), jnp.float32),
        mesh=mesh,
        compiler_params=pltpu.CompilerParams(needs_layout_passes=False),
        scratch_types=[
            pltpu.VMEM((16,), jnp.float32),
            pltpu.VMEM((_PP,), jnp.float32),
            pltpu.VMEM((_PP,), jnp.float32),
            pltpu.VMEM((_PP,), jnp.float32),
            pltpu.VMEM((_PP,), jnp.float32),
            pltpu.VMEM((_PP,), jnp.float32),
            pltpu.VMEM((_NCH,), jnp.float32),
            pltpu.VMEM((_NL1,), jnp.float32),
            pltpu.VMEM((_KPAD,), jnp.float32),
            pltpu.VMEM((_KPAD,), jnp.float32),
            pltpu.VMEM((_KPAD,), jnp.float32),
            pltpu.VMEM((_KPAD,), jnp.float32),
            pltpu.VMEM((_KPAD,), jnp.float32),
            pltpu.VMEM((_OUTW,), jnp.float32),
        ],
    )(ntv, scores2, pts)

    out = out[:, :_TOP_K * 8].reshape(B, C, _TOP_K, 8)
    return out[..., :5]

# --- scband reference (transcript-rebuilt; emitter-appended) ---
"""Pipeline reference for scband-detect-65953517797530 (READ-ONLY COPY).

The authoritative reference and input builder live on the scoring server;
editing this copy changes nothing except your own understanding.
"""

import jax, jax.numpy as jnp
import numpy as np

VARIANCE = (0.1, 0.2)
TOP_K = 200


def setup_inputs(seed: int = 0) -> dict:
    key = jax.random.key(seed)
    k1, k2, k3, k4 = jax.random.split(key, 4)
    loc_data = jax.random.normal(k1, (4, 4, 20000), dtype=jnp.float32)
    conf_data = jax.random.normal(k2, (4, 21, 20000), dtype=jnp.float32)
    cxcy = jax.random.uniform(k3, (20000, 2), dtype=jnp.float32)
    wh = jax.random.uniform(k4, (20000, 2), dtype=jnp.float32) * 0.3 + 0.01
    prior_data = jnp.concatenate([cxcy, wh], axis=1)
    return {
        "loc_data": loc_data,
        "conf_data": conf_data,
        "prior_data": prior_data,
        "conf_thresh": jnp.float32(0.01),
        "nms_thresh": jnp.float32(0.45),
    }


def decode(loc, priors, variances):
    # loc: [P,4], priors: [P,4] in (cx,cy,w,h) -> center-size decoded boxes [P,4]
    cxcy = priors[:, :2] + loc[:, :2] * variances[0] * priors[:, 2:]
    wh = priors[:, 2:] * jnp.exp(loc[:, 2:] * variances[1])
    return jnp.concatenate([cxcy, wh], axis=1)


def point_form(boxes):
    return jnp.concatenate([boxes[:, :2] - boxes[:, 2:] / 2.0,
                            boxes[:, :2] + boxes[:, 2:] / 2.0], axis=1)


def _iou_one_to_many(box, boxes):
    lt = jnp.maximum(box[:2], boxes[:, :2])
    rb = jnp.minimum(box[2:], boxes[:, 2:])
    wh = jnp.clip(rb - lt, 0.0, None)
    inter = wh[:, 0] * wh[:, 1]
    area1 = jnp.clip(box[2] - box[0], 0.0, None) * jnp.clip(box[3] - box[1], 0.0, None)
    area2 = jnp.clip(boxes[:, 2] - boxes[:, 0], 0.0, None) * jnp.clip(boxes[:, 3] - boxes[:, 1], 0.0, None)
    union = area1 + area2 - inter
    return inter / jnp.maximum(union, 1e-12)


def _nms_single(points, boxes_cs, scores, valid, nms_thresh, top_k):
    # hard NMS over one (batch, class) slice with static shapes.
    neg = jnp.float32(-jnp.inf)

    def body(valid_live, _):
        masked = jnp.where(valid_live, scores, neg)
        idx = jnp.argmax(masked)
        sel = valid_live[idx]
        box = points[idx]
        iou = _iou_one_to_many(box, points)
        new_valid = valid_live & (iou <= nms_thresh)
        new_valid = new_valid.at[idx].set(False)
        new_valid = jnp.where(sel, new_valid, valid_live)
        row = jnp.where(
            sel,
            jnp.concatenate([scores[idx][None], boxes_cs[idx]]),
            jnp.zeros((5,), dtype=scores.dtype),
        )
        return new_valid, row

    _, rows = jax.lax.scan(body, valid, xs=None, length=top_k)
    return rows  # [top_k, 5] = (score, cx, cy, w, h)


def reference(loc_data, conf_data, prior_data, conf_thresh, nms_thresh):
    variances = VARIANCE
    top_k = TOP_K
    # class_activation == 'softmax': softmax over class dim, drop background class 0
    conf_preds = jax.nn.softmax(conf_data, axis=1)[:, 1:]  # [B, Cf, P]
    conf_mask = conf_preds >= conf_thresh  # [B, Cf, P]
    # decode all priors per batch element (masked-out ones can never be selected)
    boxes_cs = jax.vmap(lambda l: decode(l.T, prior_data, variances))(loc_data)  # [B, P, 4]
    points = jax.vmap(point_form)(boxes_cs)  # [B, P, 4]

    def per_batch(pts, bcs, sc, vm):
        return jax.vmap(lambda s, v: _nms_single(pts, bcs, s, v, nms_thresh, top_k))(sc, vm)

    output = jax.vmap(per_batch)(points, boxes_cs, conf_preds, conf_mask)
    return output  # [B, num_classes-1, top_k, 5]

if __name__ == "__main__":
    import jax
    _d = setup_inputs()
    print(jax.jit(kernel)(*tuple(_d.values())))

</pallas_src>

<mosaic_0001>
#map = affine_map<(d0, d1) -> (0)>
#map1 = affine_map<(d0, d1) -> (0, 0)>
#map2 = affine_map<(d0, d1) -> (0, 0, 0)>
module attributes {stable_mosaic.version = 14 : i64} {
  func.func @_sc_nms(%arg0: i32, %arg1: i32, %arg2: memref<16xf32, #tpu.memory_space<hbm>>, %arg3: memref<80x20480xf32, #tpu.memory_space<hbm>>, %arg4: memref<4x4x20480xf32, #tpu.memory_space<hbm>>, %arg5: memref<80x1616xf32, #tpu.memory_space<hbm>>, %arg6: memref<16xf32, #tpu.memory_space<vmem>>, %arg7: memref<20480xf32, #tpu.memory_space<vmem>>, %arg8: memref<20480xf32, #tpu.memory_space<vmem>>, %arg9: memref<20480xf32, #tpu.memory_space<vmem>>, %arg10: memref<20480xf32, #tpu.memory_space<vmem>>, %arg11: memref<20480xf32, #tpu.memory_space<vmem>>, %arg12: memref<1280xf32, #tpu.memory_space<vmem>>, %arg13: memref<80xf32, #tpu.memory_space<vmem>>, %arg14: memref<224xf32, #tpu.memory_space<vmem>>, %arg15: memref<224xf32, #tpu.memory_space<vmem>>, %arg16: memref<224xf32, #tpu.memory_space<vmem>>, %arg17: memref<224xf32, #tpu.memory_space<vmem>>, %arg18: memref<224xf32, #tpu.memory_space<vmem>>, %arg19: memref<1616xf32, #tpu.memory_space<vmem>>) attributes {dimension_semantics = [#tpu.dimension_semantics<core_parallel>, #tpu.dimension_semantics<subcore_parallel>], iteration_bounds = array<i64: 2, 16>, scalar_prefetch = 0 : i64, scratch_operands = 14 : i64, tpu.core_type = #tpu.core_type<sc_vector_subcore>, window_params = [{transform_indices = #map}, {transform_indices = #map1}, {transform_indices = #map2}, {transform_indices = #map1}]} {
    %mul3A = arith.constant 2 : i32
    %mul3A_0 = arith.muli %arg1, %mul3A : i32
    %add3A = arith.addi %mul3A_0, %arg0 : i32
    %iota3A = tpu.iota {dimensions = array<i32: 0>} : vector<16xi32>
    %broadcast_in_dim3A = arith.constant 0.000000e+00 : f32
    %broadcast_in_dim3A_1 = vector.broadcast %broadcast_in_dim3A : f32 to vector<16xf32>
    %broadcast_in_dim3A_2 = arith.constant 9.99999996E-13 : f32
    %broadcast_in_dim3A_3 = vector.broadcast %broadcast_in_dim3A_2 : f32 to vector<16xf32>
    %eq3A = arith.constant 15 : i32
    %eq3A_4 = vector.broadcast %eq3A : i32 to vector<16xi32>
    %eq3A_5 = arith.cmpi eq, %iota3A, %eq3A_4 : vector<16xi32>
    "tpu.region"() ({
      %run_scoped3A = tpu.sem_alloc : memref<!tpu.dma_semaphore, #tpu.memory_space<semaphore_mem>>
      tpu.enqueue_dma source(%arg2 : memref<16xf32, #tpu.memory_space<hbm>>) target(%arg6 : memref<16xf32, #tpu.memory_space<vmem>>) target_semaphore(%run_scoped3A : memref<!tpu.dma_semaphore, #tpu.memory_space<semaphore_mem>>)
      tpu.wait_dma2 semaphore(%run_scoped3A : memref<!tpu.dma_semaphore, #tpu.memory_space<semaphore_mem>>) src(%arg2 : memref<16xf32, #tpu.memory_space<hbm>>) dst(%arg6 : memref<16xf32, #tpu.memory_space<vmem>>)
      tpu.yield
    }) : () -> ()
    %get3A = arith.constant 0 : index
    %get3A_6 = tpu.vector_load %arg6[%get3A] {strides = array<i32>} : memref<16xf32, #tpu.memory_space<vmem>>, vector<16xf32>,
    %add3A_7 = arith.constant 0 : i32
    %add3A_8 = arith.addi %add3A_7, %add3A : i32
    %lt3A = arith.constant 80 : i32
    %lt3A_9 = arith.cmpi slt, %add3A_8, %lt3A : i32
    %convert_element_type3A = arith.extui %lt3A_9 : i1 to i32
    %cond3A = arith.constant 0 : i32
    %cond3A_10 = arith.cmpi ne, %convert_element_type3A, %cond3A : i32
    scf.if %cond3A_10 {
      %jit3A = arith.constant 20 : i32
      %div3A = arith.divsi %add3A_8, %jit3A : i32
      %sign3A = arith.constant 0 : i32
      %sign3A_25 = arith.cmpi sgt, %add3A_8, %sign3A : i32
      %sign3A_26 = arith.extui %sign3A_25 : i1 to i32
      %sign3A_27 = arith.constant 0 : i32
      %sign3A_28 = arith.cmpi slt, %add3A_8, %sign3A_27 : i32
      %sign3A_29 = arith.extui %sign3A_28 : i1 to i32
      %sign3A_30 = arith.subi %sign3A_26, %sign3A_29 : i32
      %sign3A_31 = arith.constant 0 : i32
      %sign3A_32 = arith.cmpi sgt, %jit3A, %sign3A_31 : i32
      %sign3A_33 = arith.extui %sign3A_32 : i1 to i32
      %sign3A_34 = arith.constant 0 : i32
      %sign3A_35 = arith.cmpi slt, %jit3A, %sign3A_34 : i32
      %sign3A_36 = arith.extui %sign3A_35 : i1 to i32
      %sign3A_37 = arith.subi %sign3A_33, %sign3A_36 : i32
      %ne3A = arith.cmpi ne, %sign3A_30, %sign3A_37 : i32
      %rem3A = arith.remsi %add3A_8, %jit3A : i32
      %ne3A_38 = arith.constant 0 : i32
      %ne3A_39 = arith.cmpi ne, %rem3A, %ne3A_38 : i32
      %and3A = arith.andi %ne3A, %ne3A_39 : i1
      %sub3A = arith.constant 1 : i32
      %sub3A_40 = arith.subi %div3A, %sub3A : i32
      %select_n3A = arith.select %and3A, %sub3A_40, %div3A : i32
      "tpu.region"() ({
        %run_scoped3A_73 = tpu.sem_alloc : memref<!tpu.dma_semaphore, #tpu.memory_space<semaphore_mem>>
        %dma_start3A = arith.constant 0 : i32
        %dma_start3A_74 = tpu.memref_slice %arg3[%add3A_8, %dma_start3A] : memref<80x20480xf32, #tpu.memory_space<hbm>> -> memref<1x20480xf32, #tpu.memory_space<hbm>>
        %dma_start3A_75 = tpu.memref_squeeze %dma_start3A_74 : memref<1x20480xf32, #tpu.memory_space<hbm>> -> memref<20480xf32, #tpu.memory_space<hbm>>
        %dma_start3A_76 = arith.constant 0 : i32
        %dma_start3A_77 = tpu.memref_slice %arg3[%add3A_8, %dma_start3A_76] : memref<80x20480xf32, #tpu.memory_space<hbm>> -> memref<1x20480xf32, #tpu.memory_space<hbm>>
        %dma_start3A_78 = tpu.memref_squeeze %dma_start3A_77 : memref<1x20480xf32, #tpu.memory_space<hbm>> -> memref<20480xf32, #tpu.memory_space<hbm>>
        tpu.enqueue_dma source(%dma_start3A_78 : memref<20480xf32, #tpu.memory_space<hbm>>) target(%arg7 : memref<20480xf32, #tpu.memory_space<vmem>>) target_semaphore(%run_scoped3A_73 : memref<!tpu.dma_semaphore, #tpu.memory_space<semaphore_mem>>)
        %dma_wait3A = arith.constant 0 : i32
        %dma_wait3A_79 = tpu.memref_slice %arg3[%add3A_8, %dma_wait3A] : memref<80x20480xf32, #tpu.memory_space<hbm>> -> memref<1x20480xf32, #tpu.memory_space<hbm>>
        %dma_wait3A_80 = tpu.memref_squeeze %dma_wait3A_79 : memref<1x20480xf32, #tpu.memory_space<hbm>> -> memref<20480xf32, #tpu.memory_space<hbm>>
        %dma_wait3A_81 = arith.constant 0 : i32
        %dma_wait3A_82 = tpu.memref_slice %arg3[%add3A_8, %dma_wait3A_81] : memref<80x20480xf32, #tpu.memory_space<hbm>> -> memref<1x20480xf32, #tpu.memory_space<hbm>>
        %dma_wait3A_83 = tpu.memref_squeeze %dma_wait3A_82 : memref<1x20480xf32, #tpu.memory_space<hbm>> -> memref<20480xf32, #tpu.memory_space<hbm>>
        tpu.wait_dma2 semaphore(%run_scoped3A_73 : memref<!tpu.dma_semaphore, #tpu.memory_space<semaphore_mem>>) src(%dma_wait3A_83 : memref<20480xf32, #tpu.memory_space<hbm>>) dst(%arg7 : memref<20480xf32, #tpu.memory_space<vmem>>)
        tpu.yield
      }) : () -> ()
      %run_scoped3A = arith.constant 0 : i32
      "tpu.region"() ({
        %run_scoped3A_73 = tpu.sem_alloc : memref<!tpu.dma_semaphore, #tpu.memory_space<semaphore_mem>>
        %dma_start3A = arith.constant 0 : i32
        %dma_start3A_74 = tpu.memref_slice %arg4[%select_n3A, %run_scoped3A, %dma_start3A] : memref<4x4x20480xf32, #tpu.memory_space<hbm>> -> memref<1x1x20480xf32, #tpu.memory_space<hbm>>
        %dma_start3A_75 = tpu.memref_squeeze %dma_start3A_74 : memref<1x1x20480xf32, #tpu.memory_space<hbm>> -> memref<20480xf32, #tpu.memory_space<hbm>>
        %dma_start3A_76 = arith.constant 0 : i32
        %dma_start3A_77 = tpu.memref_slice %arg4[%select_n3A, %run_scoped3A, %dma_start3A_76] : memref<4x4x20480xf32, #tpu.memory_space<hbm>> -> memref<1x1x20480xf32, #tpu.memory_space<hbm>>
        %dma_start3A_78 = tpu.memref_squeeze %dma_start3A_77 : memref<1x1x20480xf32, #tpu.memory_space<hbm>> -> memref<20480xf32, #tpu.memory_space<hbm>>
        tpu.enqueue_dma source(%dma_start3A_78 : memref<20480xf32, #tpu.memory_space<hbm>>) target(%arg8 : memref<20480xf32, #tpu.memory_space<vmem>>) target_semaphore(%run_scoped3A_73 : memref<!tpu.dma_semaphore, #tpu.memory_space<semaphore_mem>>)
        %dma_wait3A = arith.constant 0 : i32
        %dma_wait3A_79 = tpu.memref_slice %arg4[%select_n3A, %run_scoped3A, %dma_wait3A] : memref<4x4x20480xf32, #tpu.memory_space<hbm>> -> memref<1x1x20480xf32, #tpu.memory_space<hbm>>
        %dma_wait3A_80 = tpu.memref_squeeze %dma_wait3A_79 : memref<1x1x20480xf32, #tpu.memory_space<hbm>> -> memref<20480xf32, #tpu.memory_space<hbm>>
        %dma_wait3A_81 = arith.constant 0 : i32
        %dma_wait3A_82 = tpu.memref_slice %arg4[%select_n3A, %run_scoped3A, %dma_wait3A_81] : memref<4x4x20480xf32, #tpu.memory_space<hbm>> -> memref<1x1x20480xf32, #tpu.memory_space<hbm>>
        %dma_wait3A_83 = tpu.memref_squeeze %dma_wait3A_82 : memref<1x1x20480xf32, #tpu.memory_space<hbm>> -> memref<20480xf32, #tpu.memory_space<hbm>>
        tpu.wait_dma2 semaphore(%run_scoped3A_73 : memref<!tpu.dma_semaphore, #tpu.memory_space<semaphore_mem>>) src(%dma_wait3A_83 : memref<20480xf32, #tpu.memory_space<hbm>>) dst(%arg8 : memref<20480xf32, #tpu.memory_space<vmem>>)
        tpu.yield
      }) : () -> ()
      %run_scoped3A_41 = arith.constant 1 : i32
      "tpu.region"() ({
        %run_scoped3A_73 = tpu.sem_alloc : memref<!tpu.dma_semaphore, #tpu.memory_space<semaphore_mem>>
        %dma_start3A = arith.constant 0 : i32
        %dma_start3A_74 = tpu.memref_slice %arg4[%select_n3A, %run_scoped3A_41, %dma_start3A] : memref<4x4x20480xf32, #tpu.memory_space<hbm>> -> memref<1x1x20480xf32, #tpu.memory_space<hbm>>
        %dma_start3A_75 = tpu.memref_squeeze %dma_start3A_74 : memref<1x1x20480xf32, #tpu.memory_space<hbm>> -> memref<20480xf32, #tpu.memory_space<hbm>>
        %dma_start3A_76 = arith.constant 0 : i32
        %dma_start3A_77 = tpu.memref_slice %arg4[%select_n3A, %run_scoped3A_41, %dma_start3A_76] : memref<4x4x20480xf32, #tpu.memory_space<hbm>> -> memref<1x1x20480xf32, #tpu.memory_space<hbm>>
        %dma_start3A_78 = tpu.memref_squeeze %dma_start3A_77 : memref<1x1x20480xf32, #tpu.memory_space<hbm>> -> memref<20480xf32, #tpu.memory_space<hbm>>
        tpu.enqueue_dma source(%dma_start3A_78 : memref<20480xf32, #tpu.memory_space<hbm>>) target(%arg9 : memref<20480xf32, #tpu.memory_space<vmem>>) target_semaphore(%run_scoped3A_73 : memref<!tpu.dma_semaphore, #tpu.memory_space<semaphore_mem>>)
        %dma_wait3A = arith.constant 0 : i32
        %dma_wait3A_79 = tpu.memref_slice %arg4[%select_n3A, %run_scoped3A_41, %dma_wait3A] : memref<4x4x20480xf32, #tpu.memory_space<hbm>> -> memref<1x1x20480xf32, #tpu.memory_space<hbm>>
        %dma_wait3A_80 = tpu.memref_squeeze %dma_wait3A_79 : memref<1x1x20480xf32, #tpu.memory_space<hbm>> -> memref<20480xf32, #tpu.memory_space<hbm>>
        %dma_wait3A_81 = arith.constant 0 : i32
        %dma_wait3A_82 = tpu.memref_slice %arg4[%select_n3A, %run_scoped3A_41, %dma_wait3A_81] : memref<4x4x20480xf32, #tpu.memory_space<hbm>> -> memref<1x1x20480xf32, #tpu.memory_space<hbm>>
        %dma_wait3A_83 = tpu.memref_squeeze %dma_wait3A_82 : memref<1x1x20480xf32, #tpu.memory_space<hbm>> -> memref<20480xf32, #tpu.memory_space<hbm>>
        tpu.wait_dma2 semaphore(%run_scoped3A_73 : memref<!tpu.dma_semaphore, #tpu.memory_space<semaphore_mem>>) src(%dma_wait3A_83 : memref<20480xf32, #tpu.memory_space<hbm>>) dst(%arg9 : memref<20480xf32, #tpu.memory_space<vmem>>)
        tpu.yield
      }) : () -> ()
      %run_scoped3A_42 = arith.constant 2 : i32
      "tpu.region"() ({
        %run_scoped3A_73 = tpu.sem_alloc : memref<!tpu.dma_semaphore, #tpu.memory_space<semaphore_mem>>
        %dma_start3A = arith.constant 0 : i32
        %dma_start3A_74 = tpu.memref_slice %arg4[%select_n3A, %run_scoped3A_42, %dma_start3A] : memref<4x4x20480xf32, #tpu.memory_space<hbm>> -> memref<1x1x20480xf32, #tpu.memory_space<hbm>>
        %dma_start3A_75 = tpu.memref_squeeze %dma_start3A_74 : memref<1x1x20480xf32, #tpu.memory_space<hbm>> -> memref<20480xf32, #tpu.memory_space<hbm>>
        %dma_start3A_76 = arith.constant 0 : i32
        %dma_start3A_77 = tpu.memref_slice %arg4[%select_n3A, %run_scoped3A_42, %dma_start3A_76] : memref<4x4x20480xf32, #tpu.memory_space<hbm>> -> memref<1x1x20480xf32, #tpu.memory_space<hbm>>
        %dma_start3A_78 = tpu.memref_squeeze %dma_start3A_77 : memref<1x1x20480xf32, #tpu.memory_space<hbm>> -> memref<20480xf32, #tpu.memory_space<hbm>>
        tpu.enqueue_dma source(%dma_start3A_78 : memref<20480xf32, #tpu.memory_space<hbm>>) target(%arg10 : memref<20480xf32, #tpu.memory_space<vmem>>) target_semaphore(%run_scoped3A_73 : memref<!tpu.dma_semaphore, #tpu.memory_space<semaphore_mem>>)
        %dma_wait3A = arith.constant 0 : i32
        %dma_wait3A_79 = tpu.memref_slice %arg4[%select_n3A, %run_scoped3A_42, %dma_wait3A] : memref<4x4x20480xf32, #tpu.memory_space<hbm>> -> memref<1x1x20480xf32, #tpu.memory_space<hbm>>
        %dma_wait3A_80 = tpu.memref_squeeze %dma_wait3A_79 : memref<1x1x20480xf32, #tpu.memory_space<hbm>> -> memref<20480xf32, #tpu.memory_space<hbm>>
        %dma_wait3A_81 = arith.constant 0 : i32
        %dma_wait3A_82 = tpu.memref_slice %arg4[%select_n3A, %run_scoped3A_42, %dma_wait3A_81] : memref<4x4x20480xf32, #tpu.memory_space<hbm>> -> memref<1x1x20480xf32, #tpu.memory_space<hbm>>
        %dma_wait3A_83 = tpu.memref_squeeze %dma_wait3A_82 : memref<1x1x20480xf32, #tpu.memory_space<hbm>> -> memref<20480xf32, #tpu.memory_space<hbm>>
        tpu.wait_dma2 semaphore(%run_scoped3A_73 : memref<!tpu.dma_semaphore, #tpu.memory_space<semaphore_mem>>) src(%dma_wait3A_83 : memref<20480xf32, #tpu.memory_space<hbm>>) dst(%arg10 : memref<20480xf32, #tpu.memory_space<vmem>>)
        tpu.yield
      }) : () -> ()
      %run_scoped3A_43 = arith.constant 3 : i32
      "tpu.region"() ({
        %run_scoped3A_73 = tpu.sem_alloc : memref<!tpu.dma_semaphore, #tpu.memory_space<semaphore_mem>>
        %dma_start3A = arith.constant 0 : i32
        %dma_start3A_74 = tpu.memref_slice %arg4[%select_n3A, %run_scoped3A_43, %dma_start3A] : memref<4x4x20480xf32, #tpu.memory_space<hbm>> -> memref<1x1x20480xf32, #tpu.memory_space<hbm>>
        %dma_start3A_75 = tpu.memref_squeeze %dma_start3A_74 : memref<1x1x20480xf32, #tpu.memory_space<hbm>> -> memref<20480xf32, #tpu.memory_space<hbm>>
        %dma_start3A_76 = arith.constant 0 : i32
        %dma_start3A_77 = tpu.memref_slice %arg4[%select_n3A, %run_scoped3A_43, %dma_start3A_76] : memref<4x4x20480xf32, #tpu.memory_space<hbm>> -> memref<1x1x20480xf32, #tpu.memory_space<hbm>>
        %dma_start3A_78 = tpu.memref_squeeze %dma_start3A_77 : memref<1x1x20480xf32, #tpu.memory_space<hbm>> -> memref<20480xf32, #tpu.memory_space<hbm>>
        tpu.enqueue_dma source(%dma_start3A_78 : memref<20480xf32, #tpu.memory_space<hbm>>) target(%arg11 : memref<20480xf32, #tpu.memory_space<vmem>>) target_semaphore(%run_scoped3A_73 : memref<!tpu.dma_semaphore, #tpu.memory_space<semaphore_mem>>)
        %dma_wait3A = arith.constant 0 : i32
        %dma_wait3A_79 = tpu.memref_slice %arg4[%select_n3A, %run_scoped3A_43, %dma_wait3A] : memref<4x4x20480xf32, #tpu.memory_space<hbm>> -> memref<1x1x20480xf32, #tpu.memory_space<hbm>>
        %dma_wait3A_80 = tpu.memref_squeeze %dma_wait3A_79 : memref<1x1x20480xf32, #tpu.memory_space<hbm>> -> memref<20480xf32, #tpu.memory_space<hbm>>
        %dma_wait3A_81 = arith.constant 0 : i32
        %dma_wait3A_82 = tpu.memref_slice %arg4[%select_n3A, %run_scoped3A_43, %dma_wait3A_81] : memref<4x4x20480xf32, #tpu.memory_space<hbm>> -> memref<1x1x20480xf32, #tpu.memory_space<hbm>>
        %dma_wait3A_83 = tpu.memref_squeeze %dma_wait3A_82 : memref<1x1x20480xf32, #tpu.memory_space<hbm>> -> memref<20480xf32, #tpu.memory_space<hbm>>
        tpu.wait_dma2 semaphore(%run_scoped3A_73 : memref<!tpu.dma_semaphore, #tpu.memory_space<semaphore_mem>>) src(%dma_wait3A_83 : memref<20480xf32, #tpu.memory_space<hbm>>) dst(%arg11 : memref<20480xf32, #tpu.memory_space<vmem>>)
        tpu.yield
      }) : () -> ()
      %scan3A = arith.constant 0 : i32
      %scan3A_44 = arith.constant 0 : i32
      %scan3A_45 = arith.constant 14 : i32
      %scan3A_46 = arith.addi %scan3A_44, %scan3A_45 : i32
      %scan3A_47 = arith.constant 1 : i32
      %scan3A_48 = scf.for %scan3A_73 = %scan3A_44 to %scan3A_46 step %scan3A_47 iter_args(%scan3A_74 = %scan3A) -> (i32)  : i32 {
        %mul3A_75 = arith.constant 16 : i32
        %mul3A_76 = arith.muli %scan3A_73, %mul3A_75 : i32
        %swap3A = arith.index_cast %mul3A_76 : i32 to index
        %swap3A_77 = tpu.vector_load %arg14[%swap3A] {strides = array<i32>} : memref<224xf32, #tpu.memory_space<vmem>>, vector<16xf32>,
        tpu.vector_store %arg14[%swap3A], %broadcast_in_dim3A_1 {strides = array<i32>} : memref<224xf32, #tpu.memory_space<vmem>>, vector<16xf32>,
        %mul3A_78 = arith.constant 16 : i32
        %mul3A_79 = arith.muli %scan3A_73, %mul3A_78 : i32
        %swap3A_80 = arith.index_cast %mul3A_79 : i32 to index
        %swap3A_81 = tpu.vector_load %arg15[%swap3A_80] {strides = array<i32>} : memref<224xf32, #tpu.memory_space<vmem>>, vector<16xf32>,
        tpu.vector_store %arg15[%swap3A_80], %broadcast_in_dim3A_1 {strides = array<i32>} : memref<224xf32, #tpu.memory_space<vmem>>, vector<16xf32>,
        %mul3A_82 = arith.constant 16 : i32
        %mul3A_83 = arith.muli %scan3A_73, %mul3A_82 : i32
        %swap3A_84 = arith.index_cast %mul3A_83 : i32 to index
        %swap3A_85 = tpu.vector_load %arg16[%swap3A_84] {strides = array<i32>} : memref<224xf32, #tpu.memory_space<vmem>>, vector<16xf32>,
        tpu.vector_store %arg16[%swap3A_84], %broadcast_in_dim3A_1 {strides = array<i32>} : memref<224xf32, #tpu.memory_space<vmem>>, vector<16xf32>,
        %mul3A_86 = arith.constant 16 : i32
        %mul3A_87 = arith.muli %scan3A_73, %mul3A_86 : i32
        %swap3A_88 = arith.index_cast %mul3A_87 : i32 to index
        %swap3A_89 = tpu.vector_load %arg17[%swap3A_88] {strides = array<i32>} : memref<224xf32, #tpu.memory_space<vmem>>, vector<16xf32>,
        tpu.vector_store %arg17[%swap3A_88], %broadcast_in_dim3A_1 {strides = array<i32>} : memref<224xf32, #tpu.memory_space<vmem>>, vector<16xf32>,
        %mul3A_90 = arith.constant 16 : i32
        %mul3A_91 = arith.muli %scan3A_73, %mul3A_90 : i32
        %swap3A_92 = arith.index_cast %mul3A_91 : i32 to index
        %swap3A_93 = tpu.vector_load %arg18[%swap3A_92] {strides = array<i32>} : memref<224xf32, #tpu.memory_space<vmem>>, vector<16xf32>,
        tpu.vector_store %arg18[%swap3A_92], %broadcast_in_dim3A_1 {strides = array<i32>} : memref<224xf32, #tpu.memory_space<vmem>>, vector<16xf32>,
        %scan3A_94 = arith.constant 0 : i32
        scf.yield %scan3A_94 : i32
      }
      %scan3A_49 = arith.constant 14 : i32
      %scan3A_50 = arith.constant 0 : i32
      %scan3A_51 = arith.constant 0 : i32
      %scan3A_52 = arith.constant 101 : i32
      %scan3A_53 = arith.addi %scan3A_51, %scan3A_52 : i32
      %scan3A_54 = arith.constant 1 : i32
      %scan3A_55 = scf.for %scan3A_73 = %scan3A_51 to %scan3A_53 step %scan3A_54 iter_args(%scan3A_74 = %scan3A_50) -> (i32)  : i32 {
        %mul3A_75 = arith.constant 16 : i32
        %mul3A_76 = arith.muli %scan3A_73, %mul3A_75 : i32
        %swap3A = arith.index_cast %mul3A_76 : i32 to index
        %swap3A_77 = tpu.vector_load %arg19[%swap3A] {strides = array<i32>} : memref<1616xf32, #tpu.memory_space<vmem>>, vector<16xf32>,
        tpu.vector_store %arg19[%swap3A], %broadcast_in_dim3A_1 {strides = array<i32>} : memref<1616xf32, #tpu.memory_space<vmem>>, vector<16xf32>,
        %scan3A_78 = arith.constant 0 : i32
        scf.yield %scan3A_78 : i32
      }
      %scan3A_56 = arith.constant 101 : i32
      %scan3A_57 = arith.constant 0 : i32
      %scan3A_58 = arith.constant 0 : i32
      %scan3A_59 = arith.constant 1280 : i32
      %scan3A_60 = arith.addi %scan3A_58, %scan3A_59 : i32
      %scan3A_61 = arith.constant 1 : i32
      %scan3A_62 = scf.for %scan3A_73 = %scan3A_58 to %scan3A_60 step %scan3A_61 iter_args(%scan3A_74 = %scan3A_57) -> (i32)  : i32 {
        %mul3A_75 = arith.constant 16 : i32
        %mul3A_76 = arith.muli %scan3A_73, %mul3A_75 : i32
        %get3A_77 = arith.index_cast %mul3A_76 : i32 to index
        %get3A_78 = tpu.vector_load %arg7[%get3A_77] {strides = array<i32>} : memref<20480xf32, #tpu.memory_space<vmem>>, vector<16xf32>,
        %broadcast_in_dim3A_79 = arith.constant true
        %broadcast_in_dim3A_80 = vector.broadcast %broadcast_in_dim3A_79 : i1 to vector<16xi1>
        %masked_cummax3A = tpu.scan <max>, %get3A_78 masked %broadcast_in_dim3A_80 : vector<16xf32>, vector<16xi1> -> vector<16xf32>
        %broadcast_in_dim3A_81 = vector.broadcast %scan3A_73 : i32 to vector<16xi32>
        tpu.vector_store_idx %arg12[%broadcast_in_dim3A_81], %masked_cummax3A masked %eq3A_5 : memref<1280xf32, #tpu.memory_space<vmem>>[vector<16xi32>], vector<16xf32>, vector<16xi1>
        %scan3A_82 = arith.constant 0 : i32
        scf.yield %scan3A_82 : i32
      }
      %scan3A_63 = arith.constant 1280 : i32
      %scan3A_64 = arith.constant 0 : i32
      %scan3A_65 = arith.constant 0 : i32
      %scan3A_66 = arith.constant 80 : i32
      %scan3A_67 = arith.addi %scan3A_65, %scan3A_66 : i32
      %scan3A_68 = arith.constant 1 : i32
      %scan3A_69 = scf.for %scan3A_73 = %scan3A_65 to %scan3A_67 step %scan3A_68 iter_args(%scan3A_74 = %scan3A_64) -> (i32)  : i32 {
        %mul3A_75 = arith.constant 16 : i32
        %mul3A_76 = arith.muli %scan3A_73, %mul3A_75 : i32
        %get3A_77 = arith.index_cast %mul3A_76 : i32 to index
        %get3A_78 = tpu.vector_load %arg12[%get3A_77] {strides = array<i32>} : memref<1280xf32, #tpu.memory_space<vmem>>, vector<16xf32>,
        %broadcast_in_dim3A_79 = arith.constant true
        %broadcast_in_dim3A_80 = vector.broadcast %broadcast_in_dim3A_79 : i1 to vector<16xi1>
        %masked_cummax3A = tpu.scan <max>, %get3A_78 masked %broadcast_in_dim3A_80 : vector<16xf32>, vector<16xi1> -> vector<16xf32>
        %broadcast_in_dim3A_81 = vector.broadcast %scan3A_73 : i32 to vector<16xi32>
        tpu.vector_store_idx %arg13[%broadcast_in_dim3A_81], %masked_cummax3A masked %eq3A_5 : memref<80xf32, #tpu.memory_space<vmem>>[vector<16xi32>], vector<16xf32>, vector<16xi1>
        %scan3A_82 = arith.constant 0 : i32
        scf.yield %scan3A_82 : i32
      }
      %scan3A_70 = arith.constant 80 : i32
      %while3A = arith.constant 0 : i32
      %while3A_71 = arith.constant false
      %while3A_72:2 = scf.while (%while3A_73 = %while3A, %while3A_74 = %while3A_71) : (i32, i1) -> (i32, i1) {
        %lt3A_75 = arith.constant 200 : i32
        %lt3A_76 = arith.cmpi slt, %while3A_73, %lt3A_75 : i32
        %not3A = arith.constant true
        %not3A_77 = arith.xori %while3A_74, %not3A : i1
        %and3A_78 = arith.andi %lt3A_76, %not3A_77 : i1
        scf.condition(%and3A_78) %while3A_73, %while3A_74 : i32, i1
      } do {
      ^bb0(%while3A_73: i32, %while3A_74: i1):
        %get3A_75 = arith.constant 0 : index
        %get3A_76 = tpu.vector_load %arg13[%get3A_75] {strides = array<i32>} : memref<80xf32, #tpu.memory_space<vmem>>, vector<16xf32>,
        %get3A_77 = arith.constant 16 : index
        %get3A_78 = tpu.vector_load %arg13[%get3A_77] {strides = array<i32>} : memref<80xf32, #tpu.memory_space<vmem>>, vector<16xf32>,
        %get3A_79 = arith.constant 32 : index
        %get3A_80 = tpu.vector_load %arg13[%get3A_79] {strides = array<i32>} : memref<80xf32, #tpu.memory_space<vmem>>, vector<16xf32>,
        %get3A_81 = arith.constant 48 : index
        %get3A_82 = tpu.vector_load %arg13[%get3A_81] {strides = array<i32>} : memref<80xf32, #tpu.memory_space<vmem>>, vector<16xf32>,
        %get3A_83 = arith.constant 64 : index
        %get3A_84 = tpu.vector_load %arg13[%get3A_83] {strides = array<i32>} : memref<80xf32, #tpu.memory_space<vmem>>, vector<16xf32>,
        %max3A = arith.maximumf %get3A_76, %get3A_78 : vector<16xf32>
        %max3A_85 = arith.maximumf %get3A_80, %get3A_82 : vector<16xf32>
        %max3A_86 = arith.maximumf %max3A, %max3A_85 : vector<16xf32>
        %max3A_87 = arith.maximumf %max3A_86, %get3A_84 : vector<16xf32>
        %reduce_max3A = arith.constant true
        %reduce_max3A_88 = vector.broadcast %reduce_max3A : i1 to vector<16xi1>
        %reduce_max3A_89 = tpu.scan <max>, %max3A_87 masked %reduce_max3A_88 : vector<16xf32>, vector<16xi1> -> vector<16xf32>
        %reduce_max3A_90 = vector.extract %reduce_max3A_89[15] : f32 from vector<16xf32>
        %gt3A = arith.constant 0.000000e+00 : f32
        %gt3A_91 = arith.cmpf ogt, %reduce_max3A_90, %gt3A : f32
        %broadcast_in_dim3A_92 = arith.constant 1073741824 : i32
        %broadcast_in_dim3A_93 = vector.broadcast %broadcast_in_dim3A_92 : i32 to vector<16xi32>
        %eq3A_94 = vector.broadcast %reduce_max3A_90 : f32 to vector<16xf32>
        %eq3A_95 = arith.cmpf oeq, %get3A_84, %eq3A_94 : vector<16xf32>
        %all_reduce_population_count3A = tpu.all_reduce %eq3A_95 {dim = 0 : i64, kind = #tpu.reduction_kind<sum>} : vector<16xi1> -> vector<16xi32>
        %all_reduce_ffs3A = tpu.all_reduce %eq3A_95 {dim = 0 : i64, kind = #tpu.reduction_kind<find_first_set>} : vector<16xi1> -> vector<16xi32>
        %gt3A_96 = arith.constant 0 : i32
        %gt3A_97 = vector.broadcast %gt3A_96 : i32 to vector<16xi32>
        %gt3A_98 = arith.cmpi sgt, %all_reduce_population_count3A, %gt3A_97 : vector<16xi32>
        %add3A_99 = arith.constant 64 : i32
        %add3A_100 = vector.broadcast %add3A_99 : i32 to vector<16xi32>
        %add3A_101 = arith.addi %add3A_100, %all_reduce_ffs3A : vector<16xi32>
        %select_n3A_102 = arith.select %gt3A_98, %add3A_101, %broadcast_in_dim3A_93 : vector<16xi1>, vector<16xi32>
        %eq3A_103 = vector.broadcast %reduce_max3A_90 : f32 to vector<16xf32>
        %eq3A_104 = arith.cmpf oeq, %get3A_82, %eq3A_103 : vector<16xf32>
        %all_reduce_population_count3A_105 = tpu.all_reduce %eq3A_104 {dim = 0 : i64, kind = #tpu.reduction_kind<sum>} : vector<16xi1> -> vector<16xi32>
        %all_reduce_ffs3A_106 = tpu.all_reduce %eq3A_104 {dim = 0 : i64, kind = #tpu.reduction_kind<find_first_set>} : vector<16xi1> -> vector<16xi32>
        %gt3A_107 = arith.constant 0 : i32
        %gt3A_108 = vector.broadcast %gt3A_107 : i32 to vector<16xi32>
        %gt3A_109 = arith.cmpi sgt, %all_reduce_population_count3A_105, %gt3A_108 : vector<16xi32>
        %add3A_110 = arith.constant 48 : i32
        %add3A_111 = vector.broadcast %add3A_110 : i32 to vector<16xi32>
        %add3A_112 = arith.addi %add3A_111, %all_reduce_ffs3A_106 : vector<16xi32>
        %select_n3A_113 = arith.select %gt3A_109, %add3A_112, %select_n3A_102 : vector<16xi1>, vector<16xi32>
        %eq3A_114 = vector.broadcast %reduce_max3A_90 : f32 to vector<16xf32>
        %eq3A_115 = arith.cmpf oeq, %get3A_80, %eq3A_114 : vector<16xf32>
        %all_reduce_population_count3A_116 = tpu.all_reduce %eq3A_115 {dim = 0 : i64, kind = #tpu.reduction_kind<sum>} : vector<16xi1> -> vector<16xi32>
        %all_reduce_ffs3A_117 = tpu.all_reduce %eq3A_115 {dim = 0 : i64, kind = #tpu.reduction_kind<find_first_set>} : vector<16xi1> -> vector<16xi32>
        %gt3A_118 = arith.constant 0 : i32
        %gt3A_119 = vector.broadcast %gt3A_118 : i32 to vector<16xi32>
        %gt3A_120 = arith.cmpi sgt, %all_reduce_population_count3A_116, %gt3A_119 : vector<16xi32>
        %add3A_121 = arith.constant 32 : i32
        %add3A_122 = vector.broadcast %add3A_121 : i32 to vector<16xi32>
        %add3A_123 = arith.addi %add3A_122, %all_reduce_ffs3A_117 : vector<16xi32>
        %select_n3A_124 = arith.select %gt3A_120, %add3A_123, %select_n3A_113 : vector<16xi1>, vector<16xi32>
        %eq3A_125 = vector.broadcast %reduce_max3A_90 : f32 to vector<16xf32>
        %eq3A_126 = arith.cmpf oeq, %get3A_78, %eq3A_125 : vector<16xf32>
        %all_reduce_population_count3A_127 = tpu.all_reduce %eq3A_126 {dim = 0 : i64, kind = #tpu.reduction_kind<sum>} : vector<16xi1> -> vector<16xi32>
        %all_reduce_ffs3A_128 = tpu.all_reduce %eq3A_126 {dim = 0 : i64, kind = #tpu.reduction_kind<find_first_set>} : vector<16xi1> -> vector<16xi32>
        %gt3A_129 = arith.constant 0 : i32
        %gt3A_130 = vector.broadcast %gt3A_129 : i32 to vector<16xi32>
        %gt3A_131 = arith.cmpi sgt, %all_reduce_population_count3A_127, %gt3A_130 : vector<16xi32>
        %add3A_132 = arith.constant 16 : i32
        %add3A_133 = vector.broadcast %add3A_132 : i32 to vector<16xi32>
        %add3A_134 = arith.addi %add3A_133, %all_reduce_ffs3A_128 : vector<16xi32>
        %select_n3A_135 = arith.select %gt3A_131, %add3A_134, %select_n3A_124 : vector<16xi1>, vector<16xi32>
        %eq3A_136 = vector.broadcast %reduce_max3A_90 : f32 to vector<16xf32>
        %eq3A_137 = arith.cmpf oeq, %get3A_76, %eq3A_136 : vector<16xf32>
        %all_reduce_population_count3A_138 = tpu.all_reduce %eq3A_137 {dim = 0 : i64, kind = #tpu.reduction_kind<sum>} : vector<16xi1> -> vector<16xi32>
        %all_reduce_ffs3A_139 = tpu.all_reduce %eq3A_137 {dim = 0 : i64, kind = #tpu.reduction_kind<find_first_set>} : vector<16xi1> -> vector<16xi32>
        %gt3A_140 = arith.constant 0 : i32
        %gt3A_141 = vector.broadcast %gt3A_140 : i32 to vector<16xi32>
        %gt3A_142 = arith.cmpi sgt, %all_reduce_population_count3A_138, %gt3A_141 : vector<16xi32>
        %add3A_143 = arith.constant 0 : i32
        %add3A_144 = vector.broadcast %add3A_143 : i32 to vector<16xi32>
        %add3A_145 = arith.addi %add3A_144, %all_reduce_ffs3A_139 : vector<16xi32>
        %select_n3A_146 = arith.select %gt3A_142, %add3A_145, %select_n3A_135 : vector<16xi1>, vector<16xi32>
        %eq3A_147 = arith.constant 0 : i32
        %eq3A_148 = vector.broadcast %eq3A_147 : i32 to vector<16xi32>
        %eq3A_149 = arith.cmpi eq, %iota3A, %eq3A_148 : vector<16xi32>
        %jit3A_150 = arith.constant 0 : i32
        %broadcast_in_dim3A_151 = vector.broadcast %jit3A_150 : i32 to vector<16xi32>
        %select_n3A_152 = arith.select %eq3A_149, %select_n3A_146, %broadcast_in_dim3A_151 : vector<16xi1>, vector<16xi32>
        %reduce_max3A_153 = arith.constant true
        %reduce_max3A_154 = vector.broadcast %reduce_max3A_153 : i1 to vector<16xi1>
        %reduce_max3A_155 = arith.constant -2147483648 : i32
        %reduce_max3A_156 = vector.broadcast %reduce_max3A_155 : i32 to vector<16xi32>
        %reduce_max3A_157 = arith.xori %select_n3A_152, %reduce_max3A_156 : vector<16xi32>
        %reduce_max3A_158 = tpu.scan <max>, %reduce_max3A_157 masked %reduce_max3A_154 : vector<16xi32>, vector<16xi1> -> vector<16xi32>
        %reduce_max3A_159 = arith.xori %reduce_max3A_158, %reduce_max3A_156 : vector<16xi32>
        %reduce_max3A_160 = vector.extract %reduce_max3A_159[15] : i32 from vector<16xi32>
        %mul3A_161 = arith.constant 16 : i32
        %mul3A_162 = arith.muli %reduce_max3A_160, %mul3A_161 : i32
        %get3A_163 = arith.index_cast %mul3A_162 : i32 to index
        %get3A_164 = tpu.vector_load %arg12[%get3A_163] {strides = array<i32>} : memref<1280xf32, #tpu.memory_space<vmem>>, vector<16xf32>,
        %mul3A_165 = arith.constant 16 : i32
        %mul3A_166 = arith.muli %reduce_max3A_160, %mul3A_165 : i32
        %eq3A_167 = vector.broadcast %reduce_max3A_90 : f32 to vector<16xf32>
        %eq3A_168 = arith.cmpf oeq, %get3A_164, %eq3A_167 : vector<16xf32>
        %all_reduce_ffs3A_169 = tpu.all_reduce %eq3A_168 {dim = 0 : i64, kind = #tpu.reduction_kind<find_first_set>} : vector<16xi1> -> vector<16xi32>
        %add3A_170 = vector.broadcast %mul3A_166 : i32 to vector<16xi32>
        %add3A_171 = arith.addi %add3A_170, %all_reduce_ffs3A_169 : vector<16xi32>
        %eq3A_172 = arith.constant 0 : i32
        %eq3A_173 = vector.broadcast %eq3A_172 : i32 to vector<16xi32>
        %eq3A_174 = arith.cmpi eq, %iota3A, %eq3A_173 : vector<16xi32>
        %jit3A_175 = arith.constant 0 : i32
        %broadcast_in_dim3A_176 = vector.broadcast %jit3A_175 : i32 to vector<16xi32>
        %select_n3A_177 = arith.select %eq3A_174, %add3A_171, %broadcast_in_dim3A_176 : vector<16xi1>, vector<16xi32>
        %reduce_max3A_178 = arith.constant true
        %reduce_max3A_179 = vector.broadcast %reduce_max3A_178 : i1 to vector<16xi1>
        %reduce_max3A_180 = arith.constant -2147483648 : i32
        %reduce_max3A_181 = vector.broadcast %reduce_max3A_180 : i32 to vector<16xi32>
        %reduce_max3A_182 = arith.xori %select_n3A_177, %reduce_max3A_181 : vector<16xi32>
        %reduce_max3A_183 = tpu.scan <max>, %reduce_max3A_182 masked %reduce_max3A_179 : vector<16xi32>, vector<16xi1> -> vector<16xi32>
        %reduce_max3A_184 = arith.xori %reduce_max3A_183, %reduce_max3A_181 : vector<16xi32>
        %reduce_max3A_185 = vector.extract %reduce_max3A_184[15] : i32 from vector<16xi32>
        %mul3A_186 = arith.constant 16 : i32
        %mul3A_187 = arith.muli %reduce_max3A_185, %mul3A_186 : i32
        %get3A_188 = arith.index_cast %mul3A_187 : i32 to index
        %get3A_189 = tpu.vector_load %arg7[%get3A_188] {strides = array<i32>} : memref<20480xf32, #tpu.memory_space<vmem>>, vector<16xf32>,
        %eq3A_190 = vector.broadcast %reduce_max3A_90 : f32 to vector<16xf32>
        %eq3A_191 = arith.cmpf oeq, %get3A_189, %eq3A_190 : vector<16xf32>
        %all_reduce_ffs3A_192 = tpu.all_reduce %eq3A_191 {dim = 0 : i64, kind = #tpu.reduction_kind<find_first_set>} : vector<16xi1> -> vector<16xi32>
        %mul3A_193 = arith.constant 16 : i32
        %mul3A_194 = arith.muli %reduce_max3A_185, %mul3A_193 : i32
        %add3A_195 = vector.broadcast %mul3A_194 : i32 to vector<16xi32>
        %add3A_196 = arith.addi %add3A_195, %all_reduce_ffs3A_192 : vector<16xi32>
        %eq3A_197 = arith.cmpi eq, %iota3A, %all_reduce_ffs3A_192 : vector<16xi32>
        %jit3A_198 = arith.constant 0.000000e+00 : f32
        %broadcast_in_dim3A_199 = vector.broadcast %jit3A_198 : f32 to vector<16xf32>
        %select_n3A_200 = arith.select %eq3A_197, %broadcast_in_dim3A_199, %get3A_189 : vector<16xi1>, vector<16xf32>
        %mul3A_201 = arith.constant 16 : i32
        %mul3A_202 = arith.muli %reduce_max3A_185, %mul3A_201 : i32
        %swap3A = arith.index_cast %mul3A_202 : i32 to index
        %swap3A_203 = tpu.vector_load %arg7[%swap3A] {strides = array<i32>} : memref<20480xf32, #tpu.memory_space<vmem>>, vector<16xf32>,
        tpu.vector_store %arg7[%swap3A], %select_n3A_200 {strides = array<i32>} : memref<20480xf32, #tpu.memory_space<vmem>>, vector<16xf32>,
        %reduce_max3A_204 = arith.constant true
        %reduce_max3A_205 = vector.broadcast %reduce_max3A_204 : i1 to vector<16xi1>
        %reduce_max3A_206 = tpu.scan <max>, %select_n3A_200 masked %reduce_max3A_205 : vector<16xf32>, vector<16xi1> -> vector<16xf32>
        %reduce_max3A_207 = vector.extract %reduce_max3A_206[15] : f32 from vector<16xf32>
        %mul3A_208 = arith.constant 16 : i32
        %mul3A_209 = arith.muli %reduce_max3A_160, %mul3A_208 : i32
        %sub3A_210 = arith.subi %reduce_max3A_185, %mul3A_209 : i32
        %eq3A_211 = vector.broadcast %sub3A_210 : i32 to vector<16xi32>
        %eq3A_212 = arith.cmpi eq, %iota3A, %eq3A_211 : vector<16xi32>
        %broadcast_in_dim3A_213 = vector.broadcast %reduce_max3A_207 : f32 to vector<16xf32>
        %select_n3A_214 = arith.select %eq3A_212, %broadcast_in_dim3A_213, %get3A_164 : vector<16xi1>, vector<16xf32>
        %mul3A_215 = arith.constant 16 : i32
        %mul3A_216 = arith.muli %reduce_max3A_160, %mul3A_215 : i32
        %swap3A_217 = arith.index_cast %mul3A_216 : i32 to index
        %swap3A_218 = tpu.vector_load %arg12[%swap3A_217] {strides = array<i32>} : memref<1280xf32, #tpu.memory_space<vmem>>, vector<16xf32>,
        tpu.vector_store %arg12[%swap3A_217], %select_n3A_214 {strides = array<i32>} : memref<1280xf32, #tpu.memory_space<vmem>>, vector<16xf32>,
        %reduce_max3A_219 = arith.constant true
        %reduce_max3A_220 = vector.broadcast %reduce_max3A_219 : i1 to vector<16xi1>
        %reduce_max3A_221 = tpu.scan <max>, %select_n3A_214 masked %reduce_max3A_220 : vector<16xf32>, vector<16xi1> -> vector<16xf32>
        %reduce_max3A_222 = vector.extract %reduce_max3A_221[15] : f32 from vector<16xf32>
        %jit3A_223 = arith.constant 16 : i32
        %div3A_224 = arith.divsi %reduce_max3A_160, %jit3A_223 : i32
        %sign3A_225 = arith.constant 0 : i32
        %sign3A_226 = arith.cmpi sgt, %reduce_max3A_160, %sign3A_225 : i32
        %sign3A_227 = arith.extui %sign3A_226 : i1 to i32
        %sign3A_228 = arith.constant 0 : i32
        %sign3A_229 = arith.cmpi slt, %reduce_max3A_160, %sign3A_228 : i32
        %sign3A_230 = arith.extui %sign3A_229 : i1 to i32
        %sign3A_231 = arith.subi %sign3A_227, %sign3A_230 : i32
        %sign3A_232 = arith.constant 0 : i32
        %sign3A_233 = arith.cmpi sgt, %jit3A_223, %sign3A_232 : i32
        %sign3A_234 = arith.extui %sign3A_233 : i1 to i32
        %sign3A_235 = arith.constant 0 : i32
        %sign3A_236 = arith.cmpi slt, %jit3A_223, %sign3A_235 : i32
        %sign3A_237 = arith.extui %sign3A_236 : i1 to i32
        %sign3A_238 = arith.subi %sign3A_234, %sign3A_237 : i32
        %ne3A_239 = arith.cmpi ne, %sign3A_231, %sign3A_238 : i32
        %rem3A_240 = arith.remsi %reduce_max3A_160, %jit3A_223 : i32
        %ne3A_241 = arith.constant 0 : i32
        %ne3A_242 = arith.cmpi ne, %rem3A_240, %ne3A_241 : i32
        %and3A_243 = arith.andi %ne3A_239, %ne3A_242 : i1
        %sub3A_244 = arith.constant 1 : i32
        %sub3A_245 = arith.subi %div3A_224, %sub3A_244 : i32
        %select_n3A_246 = arith.select %and3A_243, %sub3A_245, %div3A_224 : i32
        %mul3A_247 = arith.constant 16 : i32
        %mul3A_248 = arith.muli %select_n3A_246, %mul3A_247 : i32
        %get3A_249 = arith.index_cast %mul3A_248 : i32 to index
        %get3A_250 = tpu.vector_load %arg13[%get3A_249] {strides = array<i32>} : memref<80xf32, #tpu.memory_space<vmem>>, vector<16xf32>,
        %mul3A_251 = arith.constant 16 : i32
        %mul3A_252 = arith.muli %select_n3A_246, %mul3A_251 : i32
        %sub3A_253 = arith.subi %reduce_max3A_160, %mul3A_252 : i32
        %eq3A_254 = vector.broadcast %sub3A_253 : i32 to vector<16xi32>
        %eq3A_255 = arith.cmpi eq, %iota3A, %eq3A_254 : vector<16xi32>
        %broadcast_in_dim3A_256 = vector.broadcast %reduce_max3A_222 : f32 to vector<16xf32>
        %select_n3A_257 = arith.select %eq3A_255, %broadcast_in_dim3A_256, %get3A_250 : vector<16xi1>, vector<16xf32>
        %mul3A_258 = arith.constant 16 : i32
        %mul3A_259 = arith.muli %select_n3A_246, %mul3A_258 : i32
        %swap3A_260 = arith.index_cast %mul3A_259 : i32 to index
        %swap3A_261 = tpu.vector_load %arg13[%swap3A_260] {strides = array<i32>} : memref<80xf32, #tpu.memory_space<vmem>>, vector<16xf32>,
        tpu.vector_store %arg13[%swap3A_260], %select_n3A_257 {strides = array<i32>} : memref<80xf32, #tpu.memory_space<vmem>>, vector<16xf32>,
        %gather3A = tpu.vector_load_idx %arg8[%add3A_196] : memref<20480xf32, #tpu.memory_space<vmem>>[vector<16xi32>], vector<16xf32>,
        %gather3A_262 = tpu.vector_load_idx %arg9[%add3A_196] : memref<20480xf32, #tpu.memory_space<vmem>>[vector<16xi32>], vector<16xf32>,
        %gather3A_263 = tpu.vector_load_idx %arg10[%add3A_196] : memref<20480xf32, #tpu.memory_space<vmem>>[vector<16xi32>], vector<16xf32>,
        %gather3A_264 = tpu.vector_load_idx %arg11[%add3A_196] : memref<20480xf32, #tpu.memory_space<vmem>>[vector<16xi32>], vector<16xf32>,
        %sub3A_265 = arith.subf %gather3A_263, %gather3A : vector<16xf32>
        %max3A_266 = arith.maximumf %sub3A_265, %broadcast_in_dim3A_1 : vector<16xf32>
        %sub3A_267 = arith.subf %gather3A_264, %gather3A_262 : vector<16xf32>
        %max3A_268 = arith.maximumf %sub3A_267, %broadcast_in_dim3A_1 : vector<16xf32>
        %mul3A_269 = arith.mulf %max3A_266, %max3A_268 : vector<16xf32>
        %lt3A_270 = arith.constant 0 : i32
        %lt3A_271 = vector.broadcast %lt3A_270 : i32 to vector<16xi32>
        %lt3A_272 = arith.cmpi slt, %iota3A, %lt3A_271 : vector<16xi32>
        %get3A_273 = arith.constant 0 : index
        %get3A_274 = tpu.vector_load %arg14[%get3A_273] {strides = array<i32>} : memref<224xf32, #tpu.memory_space<vmem>>, vector<16xf32>,
        %get3A_275 = arith.constant 0 : index
        %get3A_276 = tpu.vector_load %arg15[%get3A_275] {strides = array<i32>} : memref<224xf32, #tpu.memory_space<vmem>>, vector<16xf32>,
        %get3A_277 = arith.constant 0 : index
        %get3A_278 = tpu.vector_load %arg16[%get3A_277] {strides = array<i32>} : memref<224xf32, #tpu.memory_space<vmem>>, vector<16xf32>,
        %get3A_279 = arith.constant 0 : index
        %get3A_280 = tpu.vector_load %arg17[%get3A_279] {strides = array<i32>} : memref<224xf32, #tpu.memory_space<vmem>>, vector<16xf32>,
        %get3A_281 = arith.constant 0 : index
        %get3A_282 = tpu.vector_load %arg18[%get3A_281] {strides = array<i32>} : memref<224xf32, #tpu.memory_space<vmem>>, vector<16xf32>,
        %min3A = arith.minimumf %gather3A_263, %get3A_278 : vector<16xf32>
        %max3A_283 = arith.maximumf %gather3A, %get3A_274 : vector<16xf32>
        %sub3A_284 = arith.subf %min3A, %max3A_283 : vector<16xf32>
        %max3A_285 = arith.maximumf %sub3A_284, %broadcast_in_dim3A_1 : vector<16xf32>
        %min3A_286 = arith.minimumf %gather3A_264, %get3A_280 : vector<16xf32>
        %max3A_287 = arith.maximumf %gather3A_262, %get3A_276 : vector<16xf32>
        %sub3A_288 = arith.subf %min3A_286, %max3A_287 : vector<16xf32>
        %max3A_289 = arith.maximumf %sub3A_288, %broadcast_in_dim3A_1 : vector<16xf32>
        %mul3A_290 = arith.mulf %max3A_285, %max3A_289 : vector<16xf32>
        %add3A_291 = arith.addf %mul3A_269, %get3A_282 : vector<16xf32>
        %sub3A_292 = arith.subf %add3A_291, %mul3A_290 : vector<16xf32>
        %max3A_293 = arith.maximumf %sub3A_292, %broadcast_in_dim3A_3 : vector<16xf32>
        %mul3A_294 = arith.mulf %get3A_6, %max3A_293 : vector<16xf32>
        %gt3A_295 = arith.cmpf ogt, %mul3A_290, %mul3A_294 : vector<16xf32>
        %or3A = arith.ori %lt3A_272, %gt3A_295 : vector<16xi1>
        %get3A_296 = arith.constant 16 : index
        %get3A_297 = tpu.vector_load %arg14[%get3A_296] {strides = array<i32>} : memref<224xf32, #tpu.memory_space<vmem>>, vector<16xf32>,
        %get3A_298 = arith.constant 16 : index
        %get3A_299 = tpu.vector_load %arg15[%get3A_298] {strides = array<i32>} : memref<224xf32, #tpu.memory_space<vmem>>, vector<16xf32>,
        %get3A_300 = arith.constant 16 : index
        %get3A_301 = tpu.vector_load %arg16[%get3A_300] {strides = array<i32>} : memref<224xf32, #tpu.memory_space<vmem>>, vector<16xf32>,
        %get3A_302 = arith.constant 16 : index
        %get3A_303 = tpu.vector_load %arg17[%get3A_302] {strides = array<i32>} : memref<224xf32, #tpu.memory_space<vmem>>, vector<16xf32>,
        %get3A_304 = arith.constant 16 : index
        %get3A_305 = tpu.vector_load %arg18[%get3A_304] {strides = array<i32>} : memref<224xf32, #tpu.memory_space<vmem>>, vector<16xf32>,
        %min3A_306 = arith.minimumf %gather3A_263, %get3A_301 : vector<16xf32>
        %max3A_307 = arith.maximumf %gather3A, %get3A_297 : vector<16xf32>
        %sub3A_308 = arith.subf %min3A_306, %max3A_307 : vector<16xf32>
        %max3A_309 = arith.maximumf %sub3A_308, %broadcast_in_dim3A_1 : vector<16xf32>
        %min3A_310 = arith.minimumf %gather3A_264, %get3A_303 : vector<16xf32>
        %max3A_311 = arith.maximumf %gather3A_262, %get3A_299 : vector<16xf32>
        %sub3A_312 = arith.subf %min3A_310, %max3A_311 : vector<16xf32>
        %max3A_313 = arith.maximumf %sub3A_312, %broadcast_in_dim3A_1 : vector<16xf32>
        %mul3A_314 = arith.mulf %max3A_309, %max3A_313 : vector<16xf32>
        %add3A_315 = arith.addf %mul3A_269, %get3A_305 : vector<16xf32>
        %sub3A_316 = arith.subf %add3A_315, %mul3A_314 : vector<16xf32>
        %max3A_317 = arith.maximumf %sub3A_316, %broadcast_in_dim3A_3 : vector<16xf32>
        %mul3A_318 = arith.mulf %get3A_6, %max3A_317 : vector<16xf32>
        %gt3A_319 = arith.cmpf ogt, %mul3A_314, %mul3A_318 : vector<16xf32>
        %or3A_320 = arith.ori %or3A, %gt3A_319 : vector<16xi1>
        %get3A_321 = arith.constant 32 : index
        %get3A_322 = tpu.vector_load %arg14[%get3A_321] {strides = array<i32>} : memref<224xf32, #tpu.memory_space<vmem>>, vector<16xf32>,
        %get3A_323 = arith.constant 32 : index
        %get3A_324 = tpu.vector_load %arg15[%get3A_323] {strides = array<i32>} : memref<224xf32, #tpu.memory_space<vmem>>, vector<16xf32>,
        %get3A_325 = arith.constant 32 : index
        %get3A_326 = tpu.vector_load %arg16[%get3A_325] {strides = array<i32>} : memref<224xf32, #tpu.memory_space<vmem>>, vector<16xf32>,
        %get3A_327 = arith.constant 32 : index
        %get3A_328 = tpu.vector_load %arg17[%get3A_327] {strides = array<i32>} : memref<224xf32, #tpu.memory_space<vmem>>, vector<16xf32>,
        %get3A_329 = arith.constant 32 : index
        %get3A_330 = tpu.vector_load %arg18[%get3A_329] {strides = array<i32>} : memref<224xf32, #tpu.memory_space<vmem>>, vector<16xf32>,
        %min3A_331 = arith.minimumf %gather3A_263, %get3A_326 : vector<16xf32>
        %max3A_332 = arith.maximumf %gather3A, %get3A_322 : vector<16xf32>
        %sub3A_333 = arith.subf %min3A_331, %max3A_332 : vector<16xf32>
        %max3A_334 = arith.maximumf %sub3A_333, %broadcast_in_dim3A_1 : vector<16xf32>
        %min3A_335 = arith.minimumf %gather3A_264, %get3A_328 : vector<16xf32>
        %max3A_336 = arith.maximumf %gather3A_262, %get3A_324 : vector<16xf32>
        %sub3A_337 = arith.subf %min3A_335, %max3A_336 : vector<16xf32>
        %max3A_338 = arith.maximumf %sub3A_337, %broadcast_in_dim3A_1 : vector<16xf32>
        %mul3A_339 = arith.mulf %max3A_334, %max3A_338 : vector<16xf32>
        %add3A_340 = arith.addf %mul3A_269, %get3A_330 : vector<16xf32>
        %sub3A_341 = arith.subf %add3A_340, %mul3A_339 : vector<16xf32>
        %max3A_342 = arith.maximumf %sub3A_341, %broadcast_in_dim3A_3 : vector<16xf32>
        %mul3A_343 = arith.mulf %get3A_6, %max3A_342 : vector<16xf32>
        %gt3A_344 = arith.cmpf ogt, %mul3A_339, %mul3A_343 : vector<16xf32>
        %or3A_345 = arith.ori %or3A_320, %gt3A_344 : vector<16xi1>
        %get3A_346 = arith.constant 48 : index
        %get3A_347 = tpu.vector_load %arg14[%get3A_346] {strides = array<i32>} : memref<224xf32, #tpu.memory_space<vmem>>, vector<16xf32>,
        %get3A_348 = arith.constant 48 : index
        %get3A_349 = tpu.vector_load %arg15[%get3A_348] {strides = array<i32>} : memref<224xf32, #tpu.memory_space<vmem>>, vector<16xf32>,
        %get3A_350 = arith.constant 48 : index
        %get3A_351 = tpu.vector_load %arg16[%get3A_350] {strides = array<i32>} : memref<224xf32, #tpu.memory_space<vmem>>, vector<16xf32>,
        %get3A_352 = arith.constant 48 : index
        %get3A_353 = tpu.vector_load %arg17[%get3A_352] {strides = array<i32>} : memref<224xf32, #tpu.memory_space<vmem>>, vector<16xf32>,
        %get3A_354 = arith.constant 48 : index
        %get3A_355 = tpu.vector_load %arg18[%get3A_354] {strides = array<i32>} : memref<224xf32, #tpu.memory_space<vmem>>, vector<16xf32>,
        %min3A_356 = arith.minimumf %gather3A_263, %get3A_351 : vector<16xf32>
        %max3A_357 = arith.maximumf %gather3A, %get3A_347 : vector<16xf32>
        %sub3A_358 = arith.subf %min3A_356, %max3A_357 : vector<16xf32>
        %max3A_359 = arith.maximumf %sub3A_358, %broadcast_in_dim3A_1 : vector<16xf32>
        %min3A_360 = arith.minimumf %gather3A_264, %get3A_353 : vector<16xf32>
        %max3A_361 = arith.maximumf %gather3A_262, %get3A_349 : vector<16xf32>
        %sub3A_362 = arith.subf %min3A_360, %max3A_361 : vector<16xf32>
        %max3A_363 = arith.maximumf %sub3A_362, %broadcast_in_dim3A_1 : vector<16xf32>
        %mul3A_364 = arith.mulf %max3A_359, %max3A_363 : vector<16xf32>
        %add3A_365 = arith.addf %mul3A_269, %get3A_355 : vector<16xf32>
        %sub3A_366 = arith.subf %add3A_365, %mul3A_364 : vector<16xf32>
        %max3A_367 = arith.maximumf %sub3A_366, %broadcast_in_dim3A_3 : vector<16xf32>
        %mul3A_368 = arith.mulf %get3A_6, %max3A_367 : vector<16xf32>
        %gt3A_369 = arith.cmpf ogt, %mul3A_364, %mul3A_368 : vector<16xf32>
        %or3A_370 = arith.ori %or3A_345, %gt3A_369 : vector<16xi1>
        %get3A_371 = arith.constant 64 : index
        %get3A_372 = tpu.vector_load %arg14[%get3A_371] {strides = array<i32>} : memref<224xf32, #tpu.memory_space<vmem>>, vector<16xf32>,
        %get3A_373 = arith.constant 64 : index
        %get3A_374 = tpu.vector_load %arg15[%get3A_373] {strides = array<i32>} : memref<224xf32, #tpu.memory_space<vmem>>, vector<16xf32>,
        %get3A_375 = arith.constant 64 : index
        %get3A_376 = tpu.vector_load %arg16[%get3A_375] {strides = array<i32>} : memref<224xf32, #tpu.memory_space<vmem>>, vector<16xf32>,
        %get3A_377 = arith.constant 64 : index
        %get3A_378 = tpu.vector_load %arg17[%get3A_377] {strides = array<i32>} : memref<224xf32, #tpu.memory_space<vmem>>, vector<16xf32>,
        %get3A_379 = arith.constant 64 : index
        %get3A_380 = tpu.vector_load %arg18[%get3A_379] {strides = array<i32>} : memref<224xf32, #tpu.memory_space<vmem>>, vector<16xf32>,
        %min3A_381 = arith.minimumf %gather3A_263, %get3A_376 : vector<16xf32>
        %max3A_382 = arith.maximumf %gather3A, %get3A_372 : vector<16xf32>
        %sub3A_383 = arith.subf %min3A_381, %max3A_382 : vector<16xf32>
        %max3A_384 = arith.maximumf %sub3A_383, %broadcast_in_dim3A_1 : vector<16xf32>
        %min3A_385 = arith.minimumf %gather3A_264, %get3A_378 : vector<16xf32>
        %max3A_386 = arith.maximumf %gather3A_262, %get3A_374 : vector<16xf32>
        %sub3A_387 = arith.subf %min3A_385, %max3A_386 : vector<16xf32>
        %max3A_388 = arith.maximumf %sub3A_387, %broadcast_in_dim3A_1 : vector<16xf32>
        %mul3A_389 = arith.mulf %max3A_384, %max3A_388 : vector<16xf32>
        %add3A_390 = arith.addf %mul3A_269, %get3A_380 : vector<16xf32>
        %sub3A_391 = arith.subf %add3A_390, %mul3A_389 : vector<16xf32>
        %max3A_392 = arith.maximumf %sub3A_391, %broadcast_in_dim3A_3 : vector<16xf32>
        %mul3A_393 = arith.mulf %get3A_6, %max3A_392 : vector<16xf32>
        %gt3A_394 = arith.cmpf ogt, %mul3A_389, %mul3A_393 : vector<16xf32>
        %or3A_395 = arith.ori %or3A_370, %gt3A_394 : vector<16xi1>
        %get3A_396 = arith.constant 80 : index
        %get3A_397 = tpu.vector_load %arg14[%get3A_396] {strides = array<i32>} : memref<224xf32, #tpu.memory_space<vmem>>, vector<16xf32>,
        %get3A_398 = arith.constant 80 : index
        %get3A_399 = tpu.vector_load %arg15[%get3A_398] {strides = array<i32>} : memref<224xf32, #tpu.memory_space<vmem>>, vector<16xf32>,
        %get3A_400 = arith.constant 80 : index
        %get3A_401 = tpu.vector_load %arg16[%get3A_400] {strides = array<i32>} : memref<224xf32, #tpu.memory_space<vmem>>, vector<16xf32>,
        %get3A_402 = arith.constant 80 : index
        %get3A_403 = tpu.vector_load %arg17[%get3A_402] {strides = array<i32>} : memref<224xf32, #tpu.memory_space<vmem>>, vector<16xf32>,
        %get3A_404 = arith.constant 80 : index
        %get3A_405 = tpu.vector_load %arg18[%get3A_404] {strides = array<i32>} : memref<224xf32, #tpu.memory_space<vmem>>, vector<16xf32>,
        %min3A_406 = arith.minimumf %gather3A_263, %get3A_401 : vector<16xf32>
        %max3A_407 = arith.maximumf %gather3A, %get3A_397 : vector<16xf32>
        %sub3A_408 = arith.subf %min3A_406, %max3A_407 : vector<16xf32>
        %max3A_409 = arith.maximumf %sub3A_408, %broadcast_in_dim3A_1 : vector<16xf32>
        %min3A_410 = arith.minimumf %gather3A_264, %get3A_403 : vector<16xf32>
        %max3A_411 = arith.maximumf %gather3A_262, %get3A_399 : vector<16xf32>
        %sub3A_412 = arith.subf %min3A_410, %max3A_411 : vector<16xf32>
        %max3A_413 = arith.maximumf %sub3A_412, %broadcast_in_dim3A_1 : vector<16xf32>
        %mul3A_414 = arith.mulf %max3A_409, %max3A_413 : vector<16xf32>
        %add3A_415 = arith.addf %mul3A_269, %get3A_405 : vector<16xf32>
        %sub3A_416 = arith.subf %add3A_415, %mul3A_414 : vector<16xf32>
        %max3A_417 = arith.maximumf %sub3A_416, %broadcast_in_dim3A_3 : vector<16xf32>
        %mul3A_418 = arith.mulf %get3A_6, %max3A_417 : vector<16xf32>
        %gt3A_419 = arith.cmpf ogt, %mul3A_414, %mul3A_418 : vector<16xf32>
        %or3A_420 = arith.ori %or3A_395, %gt3A_419 : vector<16xi1>
        %get3A_421 = arith.constant 96 : index
        %get3A_422 = tpu.vector_load %arg14[%get3A_421] {strides = array<i32>} : memref<224xf32, #tpu.memory_space<vmem>>, vector<16xf32>,
        %get3A_423 = arith.constant 96 : index
        %get3A_424 = tpu.vector_load %arg15[%get3A_423] {strides = array<i32>} : memref<224xf32, #tpu.memory_space<vmem>>, vector<16xf32>,
        %get3A_425 = arith.constant 96 : index
        %get3A_426 = tpu.vector_load %arg16[%get3A_425] {strides = array<i32>} : memref<224xf32, #tpu.memory_space<vmem>>, vector<16xf32>,
        %get3A_427 = arith.constant 96 : index
        %get3A_428 = tpu.vector_load %arg17[%get3A_427] {strides = array<i32>} : memref<224xf32, #tpu.memory_space<vmem>>, vector<16xf32>,
        %get3A_429 = arith.constant 96 : index
        %get3A_430 = tpu.vector_load %arg18[%get3A_429] {strides = array<i32>} : memref<224xf32, #tpu.memory_space<vmem>>, vector<16xf32>,
        %min3A_431 = arith.minimumf %gather3A_263, %get3A_426 : vector<16xf32>
        %max3A_432 = arith.maximumf %gather3A, %get3A_422 : vector<16xf32>
        %sub3A_433 = arith.subf %min3A_431, %max3A_432 : vector<16xf32>
        %max3A_434 = arith.maximumf %sub3A_433, %broadcast_in_dim3A_1 : vector<16xf32>
        %min3A_435 = arith.minimumf %gather3A_264, %get3A_428 : vector<16xf32>
        %max3A_436 = arith.maximumf %gather3A_262, %get3A_424 : vector<16xf32>
        %sub3A_437 = arith.subf %min3A_435, %max3A_436 : vector<16xf32>
        %max3A_438 = arith.maximumf %sub3A_437, %broadcast_in_dim3A_1 : vector<16xf32>
        %mul3A_439 = arith.mulf %max3A_434, %max3A_438 : vector<16xf32>
        %add3A_440 = arith.addf %mul3A_269, %get3A_430 : vector<16xf32>
        %sub3A_441 = arith.subf %add3A_440, %mul3A_439 : vector<16xf32>
        %max3A_442 = arith.maximumf %sub3A_441, %broadcast_in_dim3A_3 : vector<16xf32>
        %mul3A_443 = arith.mulf %get3A_6, %max3A_442 : vector<16xf32>
        %gt3A_444 = arith.cmpf ogt, %mul3A_439, %mul3A_443 : vector<16xf32>
        %or3A_445 = arith.ori %or3A_420, %gt3A_444 : vector<16xi1>
        %get3A_446 = arith.constant 112 : index
        %get3A_447 = tpu.vector_load %arg14[%get3A_446] {strides = array<i32>} : memref<224xf32, #tpu.memory_space<vmem>>, vector<16xf32>,
        %get3A_448 = arith.constant 112 : index
        %get3A_449 = tpu.vector_load %arg15[%get3A_448] {strides = array<i32>} : memref<224xf32, #tpu.memory_space<vmem>>, vector<16xf32>,
        %get3A_450 = arith.constant 112 : index
        %get3A_451 = tpu.vector_load %arg16[%get3A_450] {strides = array<i32>} : memref<224xf32, #tpu.memory_space<vmem>>, vector<16xf32>,
        %get3A_452 = arith.constant 112 : index
        %get3A_453 = tpu.vector_load %arg17[%get3A_452] {strides = array<i32>} : memref<224xf32, #tpu.memory_space<vmem>>, vector<16xf32>,
        %get3A_454 = arith.constant 112 : index
        %get3A_455 = tpu.vector_load %arg18[%get3A_454] {strides = array<i32>} : memref<224xf32, #tpu.memory_space<vmem>>, vector<16xf32>,
        %min3A_456 = arith.minimumf %gather3A_263, %get3A_451 : vector<16xf32>
        %max3A_457 = arith.maximumf %gather3A, %get3A_447 : vector<16xf32>
        %sub3A_458 = arith.subf %min3A_456, %max3A_457 : vector<16xf32>
        %max3A_459 = arith.maximumf %sub3A_458, %broadcast_in_dim3A_1 : vector<16xf32>
        %min3A_460 = arith.minimumf %gather3A_264, %get3A_453 : vector<16xf32>
        %max3A_461 = arith.maximumf %gather3A_262, %get3A_449 : vector<16xf32>
        %sub3A_462 = arith.subf %min3A_460, %max3A_461 : vector<16xf32>
        %max3A_463 = arith.maximumf %sub3A_462, %broadcast_in_dim3A_1 : vector<16xf32>
        %mul3A_464 = arith.mulf %max3A_459, %max3A_463 : vector<16xf32>
        %add3A_465 = arith.addf %mul3A_269, %get3A_455 : vector<16xf32>
        %sub3A_466 = arith.subf %add3A_465, %mul3A_464 : vector<16xf32>
        %max3A_467 = arith.maximumf %sub3A_466, %broadcast_in_dim3A_3 : vector<16xf32>
        %mul3A_468 = arith.mulf %get3A_6, %max3A_467 : vector<16xf32>
        %gt3A_469 = arith.cmpf ogt, %mul3A_464, %mul3A_468 : vector<16xf32>
        %or3A_470 = arith.ori %or3A_445, %gt3A_469 : vector<16xi1>
        %get3A_471 = arith.constant 128 : index
        %get3A_472 = tpu.vector_load %arg14[%get3A_471] {strides = array<i32>} : memref<224xf32, #tpu.memory_space<vmem>>, vector<16xf32>,
        %get3A_473 = arith.constant 128 : index
        %get3A_474 = tpu.vector_load %arg15[%get3A_473] {strides = array<i32>} : memref<224xf32, #tpu.memory_space<vmem>>, vector<16xf32>,
        %get3A_475 = arith.constant 128 : index
        %get3A_476 = tpu.vector_load %arg16[%get3A_475] {strides = array<i32>} : memref<224xf32, #tpu.memory_space<vmem>>, vector<16xf32>,
        %get3A_477 = arith.constant 128 : index
        %get3A_478 = tpu.vector_load %arg17[%get3A_477] {strides = array<i32>} : memref<224xf32, #tpu.memory_space<vmem>>, vector<16xf32>,
        %get3A_479 = arith.constant 128 : index
        %get3A_480 = tpu.vector_load %arg18[%get3A_479] {strides = array<i32>} : memref<224xf32, #tpu.memory_space<vmem>>, vector<16xf32>,
        %min3A_481 = arith.minimumf %gather3A_263, %get3A_476 : vector<16xf32>
        %max3A_482 = arith.maximumf %gather3A, %get3A_472 : vector<16xf32>
        %sub3A_483 = arith.subf %min3A_481, %max3A_482 : vector<16xf32>
        %max3A_484 = arith.maximumf %sub3A_483, %broadcast_in_dim3A_1 : vector<16xf32>
        %min3A_485 = arith.minimumf %gather3A_264, %get3A_478 : vector<16xf32>
        %max3A_486 = arith.maximumf %gather3A_262, %get3A_474 : vector<16xf32>
        %sub3A_487 = arith.subf %min3A_485, %max3A_486 : vector<16xf32>
        %max3A_488 = arith.maximumf %sub3A_487, %broadcast_in_dim3A_1 : vector<16xf32>
        %mul3A_489 = arith.mulf %max3A_484, %max3A_488 : vector<16xf32>
        %add3A_490 = arith.addf %mul3A_269, %get3A_480 : vector<16xf32>
        %sub3A_491 = arith.subf %add3A_490, %mul3A_489 : vector<16xf32>
        %max3A_492 = arith.maximumf %sub3A_491, %broadcast_in_dim3A_3 : vector<16xf32>
        %mul3A_493 = arith.mulf %get3A_6, %max3A_492 : vector<16xf32>
        %gt3A_494 = arith.cmpf ogt, %mul3A_489, %mul3A_493 : vector<16xf32>
        %or3A_495 = arith.ori %or3A_470, %gt3A_494 : vector<16xi1>
        %get3A_496 = arith.constant 144 : index
        %get3A_497 = tpu.vector_load %arg14[%get3A_496] {strides = array<i32>} : memref<224xf32, #tpu.memory_space<vmem>>, vector<16xf32>,
        %get3A_498 = arith.constant 144 : index
        %get3A_499 = tpu.vector_load %arg15[%get3A_498] {strides = array<i32>} : memref<224xf32, #tpu.memory_space<vmem>>, vector<16xf32>,
        %get3A_500 = arith.constant 144 : index
        %get3A_501 = tpu.vector_load %arg16[%get3A_500] {strides = array<i32>} : memref<224xf32, #tpu.memory_space<vmem>>, vector<16xf32>,
        %get3A_502 = arith.constant 144 : index
        %get3A_503 = tpu.vector_load %arg17[%get3A_502] {strides = array<i32>} : memref<224xf32, #tpu.memory_space<vmem>>, vector<16xf32>,
        %get3A_504 = arith.constant 144 : index
        %get3A_505 = tpu.vector_load %arg18[%get3A_504] {strides = array<i32>} : memref<224xf32, #tpu.memory_space<vmem>>, vector<16xf32>,
        %min3A_506 = arith.minimumf %gather3A_263, %get3A_501 : vector<16xf32>
        %max3A_507 = arith.maximumf %gather3A, %get3A_497 : vector<16xf32>
        %sub3A_508 = arith.subf %min3A_506, %max3A_507 : vector<16xf32>
        %max3A_509 = arith.maximumf %sub3A_508, %broadcast_in_dim3A_1 : vector<16xf32>
        %min3A_510 = arith.minimumf %gather3A_264, %get3A_503 : vector<16xf32>
        %max3A_511 = arith.maximumf %gather3A_262, %get3A_499 : vector<16xf32>
        %sub3A_512 = arith.subf %min3A_510, %max3A_511 : vector<16xf32>
        %max3A_513 = arith.maximumf %sub3A_512, %broadcast_in_dim3A_1 : vector<16xf32>
        %mul3A_514 = arith.mulf %max3A_509, %max3A_513 : vector<16xf32>
        %add3A_515 = arith.addf %mul3A_269, %get3A_505 : vector<16xf32>
        %sub3A_516 = arith.subf %add3A_515, %mul3A_514 : vector<16xf32>
        %max3A_517 = arith.maximumf %sub3A_516, %broadcast_in_dim3A_3 : vector<16xf32>
        %mul3A_518 = arith.mulf %get3A_6, %max3A_517 : vector<16xf32>
        %gt3A_519 = arith.cmpf ogt, %mul3A_514, %mul3A_518 : vector<16xf32>
        %or3A_520 = arith.ori %or3A_495, %gt3A_519 : vector<16xi1>
        %get3A_521 = arith.constant 160 : index
        %get3A_522 = tpu.vector_load %arg14[%get3A_521] {strides = array<i32>} : memref<224xf32, #tpu.memory_space<vmem>>, vector<16xf32>,
        %get3A_523 = arith.constant 160 : index
        %get3A_524 = tpu.vector_load %arg15[%get3A_523] {strides = array<i32>} : memref<224xf32, #tpu.memory_space<vmem>>, vector<16xf32>,
        %get3A_525 = arith.constant 160 : index
        %get3A_526 = tpu.vector_load %arg16[%get3A_525] {strides = array<i32>} : memref<224xf32, #tpu.memory_space<vmem>>, vector<16xf32>,
        %get3A_527 = arith.constant 160 : index
        %get3A_528 = tpu.vector_load %arg17[%get3A_527] {strides = array<i32>} : memref<224xf32, #tpu.memory_space<vmem>>, vector<16xf32>,
        %get3A_529 = arith.constant 160 : index
        %get3A_530 = tpu.vector_load %arg18[%get3A_529] {strides = array<i32>} : memref<224xf32, #tpu.memory_space<vmem>>, vector<16xf32>,
        %min3A_531 = arith.minimumf %gather3A_263, %get3A_526 : vector<16xf32>
        %max3A_532 = arith.maximumf %gather3A, %get3A_522 : vector<16xf32>
        %sub3A_533 = arith.subf %min3A_531, %max3A_532 : vector<16xf32>
        %max3A_534 = arith.maximumf %sub3A_533, %broadcast_in_dim3A_1 : vector<16xf32>
        %min3A_535 = arith.minimumf %gather3A_264, %get3A_528 : vector<16xf32>
        %max3A_536 = arith.maximumf %gather3A_262, %get3A_524 : vector<16xf32>
        %sub3A_537 = arith.subf %min3A_535, %max3A_536 : vector<16xf32>
        %max3A_538 = arith.maximumf %sub3A_537, %broadcast_in_dim3A_1 : vector<16xf32>
        %mul3A_539 = arith.mulf %max3A_534, %max3A_538 : vector<16xf32>
        %add3A_540 = arith.addf %mul3A_269, %get3A_530 : vector<16xf32>
        %sub3A_541 = arith.subf %add3A_540, %mul3A_539 : vector<16xf32>
        %max3A_542 = arith.maximumf %sub3A_541, %broadcast_in_dim3A_3 : vector<16xf32>
        %mul3A_543 = arith.mulf %get3A_6, %max3A_542 : vector<16xf32>
        %gt3A_544 = arith.cmpf ogt, %mul3A_539, %mul3A_543 : vector<16xf32>
        %or3A_545 = arith.ori %or3A_520, %gt3A_544 : vector<16xi1>
        %get3A_546 = arith.constant 176 : index
        %get3A_547 = tpu.vector_load %arg14[%get3A_546] {strides = array<i32>} : memref<224xf32, #tpu.memory_space<vmem>>, vector<16xf32>,
        %get3A_548 = arith.constant 176 : index
        %get3A_549 = tpu.vector_load %arg15[%get3A_548] {strides = array<i32>} : memref<224xf32, #tpu.memory_space<vmem>>, vector<16xf32>,
        %get3A_550 = arith.constant 176 : index
        %get3A_551 = tpu.vector_load %arg16[%get3A_550] {strides = array<i32>} : memref<224xf32, #tpu.memory_space<vmem>>, vector<16xf32>,
        %get3A_552 = arith.constant 176 : index
        %get3A_553 = tpu.vector_load %arg17[%get3A_552] {strides = array<i32>} : memref<224xf32, #tpu.memory_space<vmem>>, vector<16xf32>,
        %get3A_554 = arith.constant 176 : index
        %get3A_555 = tpu.vector_load %arg18[%get3A_554] {strides = array<i32>} : memref<224xf32, #tpu.memory_space<vmem>>, vector<16xf32>,
        %min3A_556 = arith.minimumf %gather3A_263, %get3A_551 : vector<16xf32>
        %max3A_557 = arith.maximumf %gather3A, %get3A_547 : vector<16xf32>
        %sub3A_558 = arith.subf %min3A_556, %max3A_557 : vector<16xf32>
        %max3A_559 = arith.maximumf %sub3A_558, %broadcast_in_dim3A_1 : vector<16xf32>
        %min3A_560 = arith.minimumf %gather3A_264, %get3A_553 : vector<16xf32>
        %max3A_561 = arith.maximumf %gather3A_262, %get3A_549 : vector<16xf32>
        %sub3A_562 = arith.subf %min3A_560, %max3A_561 : vector<16xf32>
        %max3A_563 = arith.maximumf %sub3A_562, %broadcast_in_dim3A_1 : vector<16xf32>
        %mul3A_564 = arith.mulf %max3A_559, %max3A_563 : vector<16xf32>
        %add3A_565 = arith.addf %mul3A_269, %get3A_555 : vector<16xf32>
        %sub3A_566 = arith.subf %add3A_565, %mul3A_564 : vector<16xf32>
        %max3A_567 = arith.maximumf %sub3A_566, %broadcast_in_dim3A_3 : vector<16xf32>
        %mul3A_568 = arith.mulf %get3A_6, %max3A_567 : vector<16xf32>
        %gt3A_569 = arith.cmpf ogt, %mul3A_564, %mul3A_568 : vector<16xf32>
        %or3A_570 = arith.ori %or3A_545, %gt3A_569 : vector<16xi1>
        %get3A_571 = arith.constant 192 : index
        %get3A_572 = tpu.vector_load %arg14[%get3A_571] {strides = array<i32>} : memref<224xf32, #tpu.memory_space<vmem>>, vector<16xf32>,
        %get3A_573 = arith.constant 192 : index
        %get3A_574 = tpu.vector_load %arg15[%get3A_573] {strides = array<i32>} : memref<224xf32, #tpu.memory_space<vmem>>, vector<16xf32>,
        %get3A_575 = arith.constant 192 : index
        %get3A_576 = tpu.vector_load %arg16[%get3A_575] {strides = array<i32>} : memref<224xf32, #tpu.memory_space<vmem>>, vector<16xf32>,
        %get3A_577 = arith.constant 192 : index
        %get3A_578 = tpu.vector_load %arg17[%get3A_577] {strides = array<i32>} : memref<224xf32, #tpu.memory_space<vmem>>, vector<16xf32>,
        %get3A_579 = arith.constant 192 : index
        %get3A_580 = tpu.vector_load %arg18[%get3A_579] {strides = array<i32>} : memref<224xf32, #tpu.memory_space<vmem>>, vector<16xf32>,
        %min3A_581 = arith.minimumf %gather3A_263, %get3A_576 : vector<16xf32>
        %max3A_582 = arith.maximumf %gather3A, %get3A_572 : vector<16xf32>
        %sub3A_583 = arith.subf %min3A_581, %max3A_582 : vector<16xf32>
        %max3A_584 = arith.maximumf %sub3A_583, %broadcast_in_dim3A_1 : vector<16xf32>
        %min3A_585 = arith.minimumf %gather3A_264, %get3A_578 : vector<16xf32>
        %max3A_586 = arith.maximumf %gather3A_262, %get3A_574 : vector<16xf32>
        %sub3A_587 = arith.subf %min3A_585, %max3A_586 : vector<16xf32>
        %max3A_588 = arith.maximumf %sub3A_587, %broadcast_in_dim3A_1 : vector<16xf32>
        %mul3A_589 = arith.mulf %max3A_584, %max3A_588 : vector<16xf32>
        %add3A_590 = arith.addf %mul3A_269, %get3A_580 : vector<16xf32>
        %sub3A_591 = arith.subf %add3A_590, %mul3A_589 : vector<16xf32>
        %max3A_592 = arith.maximumf %sub3A_591, %broadcast_in_dim3A_3 : vector<16xf32>
        %mul3A_593 = arith.mulf %get3A_6, %max3A_592 : vector<16xf32>
        %gt3A_594 = arith.cmpf ogt, %mul3A_589, %mul3A_593 : vector<16xf32>
        %or3A_595 = arith.ori %or3A_570, %gt3A_594 : vector<16xi1>
        %get3A_596 = arith.constant 208 : index
        %get3A_597 = tpu.vector_load %arg14[%get3A_596] {strides = array<i32>} : memref<224xf32, #tpu.memory_space<vmem>>, vector<16xf32>,
        %get3A_598 = arith.constant 208 : index
        %get3A_599 = tpu.vector_load %arg15[%get3A_598] {strides = array<i32>} : memref<224xf32, #tpu.memory_space<vmem>>, vector<16xf32>,
        %get3A_600 = arith.constant 208 : index
        %get3A_601 = tpu.vector_load %arg16[%get3A_600] {strides = array<i32>} : memref<224xf32, #tpu.memory_space<vmem>>, vector<16xf32>,
        %get3A_602 = arith.constant 208 : index
        %get3A_603 = tpu.vector_load %arg17[%get3A_602] {strides = array<i32>} : memref<224xf32, #tpu.memory_space<vmem>>, vector<16xf32>,
        %get3A_604 = arith.constant 208 : index
        %get3A_605 = tpu.vector_load %arg18[%get3A_604] {strides = array<i32>} : memref<224xf32, #tpu.memory_space<vmem>>, vector<16xf32>,
        %min3A_606 = arith.minimumf %gather3A_263, %get3A_601 : vector<16xf32>
        %max3A_607 = arith.maximumf %gather3A, %get3A_597 : vector<16xf32>
        %sub3A_608 = arith.subf %min3A_606, %max3A_607 : vector<16xf32>
        %max3A_609 = arith.maximumf %sub3A_608, %broadcast_in_dim3A_1 : vector<16xf32>
        %min3A_610 = arith.minimumf %gather3A_264, %get3A_603 : vector<16xf32>
        %max3A_611 = arith.maximumf %gather3A_262, %get3A_599 : vector<16xf32>
        %sub3A_612 = arith.subf %min3A_610, %max3A_611 : vector<16xf32>
        %max3A_613 = arith.maximumf %sub3A_612, %broadcast_in_dim3A_1 : vector<16xf32>
        %mul3A_614 = arith.mulf %max3A_609, %max3A_613 : vector<16xf32>
        %add3A_615 = arith.addf %mul3A_269, %get3A_605 : vector<16xf32>
        %sub3A_616 = arith.subf %add3A_615, %mul3A_614 : vector<16xf32>
        %max3A_617 = arith.maximumf %sub3A_616, %broadcast_in_dim3A_3 : vector<16xf32>
        %mul3A_618 = arith.mulf %get3A_6, %max3A_617 : vector<16xf32>
        %gt3A_619 = arith.cmpf ogt, %mul3A_614, %mul3A_618 : vector<16xf32>
        %or3A_620 = arith.ori %or3A_595, %gt3A_619 : vector<16xi1>
        %all_reduce_population_count3A_621 = tpu.all_reduce %or3A_620 {dim = 0 : i64, kind = #tpu.reduction_kind<sum>} : vector<16xi1> -> vector<16xi32>
        %reduce_max3A_622 = arith.constant true
        %reduce_max3A_623 = vector.broadcast %reduce_max3A_622 : i1 to vector<16xi1>
        %reduce_max3A_624 = arith.constant -2147483648 : i32
        %reduce_max3A_625 = vector.broadcast %reduce_max3A_624 : i32 to vector<16xi32>
        %reduce_max3A_626 = arith.xori %all_reduce_population_count3A_621, %reduce_max3A_625 : vector<16xi32>
        %reduce_max3A_627 = tpu.scan <max>, %reduce_max3A_626 masked %reduce_max3A_623 : vector<16xi32>, vector<16xi1> -> vector<16xi32>
        %reduce_max3A_628 = arith.xori %reduce_max3A_627, %reduce_max3A_625 : vector<16xi32>
        %reduce_max3A_629 = vector.extract %reduce_max3A_628[15] : i32 from vector<16xi32>
        %gt3A_630 = arith.constant 0 : i32
        %gt3A_631 = arith.cmpi sgt, %reduce_max3A_629, %gt3A_630 : i32
        %not3A = arith.constant true
        %not3A_632 = arith.xori %gt3A_631, %not3A : i1
        %and3A_633 = arith.andi %gt3A_91, %not3A_632 : i1
        %convert_element_type3A_634 = arith.extui %and3A_633 : i1 to i32
        %cond3A_635 = arith.constant 0 : i32
        %cond3A_636 = arith.cmpi ne, %convert_element_type3A_634, %cond3A_635 : i32
        scf.if %cond3A_636 {
          %jit3A_643 = arith.constant 16 : i32
          %div3A_644 = arith.divsi %while3A_73, %jit3A_643 : i32
          %sign3A_645 = arith.constant 0 : i32
          %sign3A_646 = arith.cmpi sgt, %while3A_73, %sign3A_645 : i32
          %sign3A_647 = arith.extui %sign3A_646 : i1 to i32
          %sign3A_648 = arith.constant 0 : i32
          %sign3A_649 = arith.cmpi slt, %while3A_73, %sign3A_648 : i32
          %sign3A_650 = arith.extui %sign3A_649 : i1 to i32
          %sign3A_651 = arith.subi %sign3A_647, %sign3A_650 : i32
          %sign3A_652 = arith.constant 0 : i32
          %sign3A_653 = arith.cmpi sgt, %jit3A_643, %sign3A_652 : i32
          %sign3A_654 = arith.extui %sign3A_653 : i1 to i32
          %sign3A_655 = arith.constant 0 : i32
          %sign3A_656 = arith.cmpi slt, %jit3A_643, %sign3A_655 : i32
          %sign3A_657 = arith.extui %sign3A_656 : i1 to i32
          %sign3A_658 = arith.subi %sign3A_654, %sign3A_657 : i32
          %ne3A_659 = arith.cmpi ne, %sign3A_651, %sign3A_658 : i32
          %rem3A_660 = arith.remsi %while3A_73, %jit3A_643 : i32
          %ne3A_661 = arith.constant 0 : i32
          %ne3A_662 = arith.cmpi ne, %rem3A_660, %ne3A_661 : i32
          %and3A_663 = arith.andi %ne3A_659, %ne3A_662 : i1
          %sub3A_664 = arith.constant 1 : i32
          %sub3A_665 = arith.subi %div3A_644, %sub3A_664 : i32
          %select_n3A_666 = arith.select %and3A_663, %sub3A_665, %div3A_644 : i32
          %mul3A_667 = arith.constant 16 : i32
          %mul3A_668 = arith.muli %select_n3A_666, %mul3A_667 : i32
          %sub3A_669 = arith.subi %while3A_73, %mul3A_668 : i32
          %get3A_670 = arith.index_cast %mul3A_668 : i32 to index
          %get3A_671 = tpu.vector_load %arg14[%get3A_670] {strides = array<i32>} : memref<224xf32, #tpu.memory_space<vmem>>, vector<16xf32>,
          %eq3A_672 = vector.broadcast %sub3A_669 : i32 to vector<16xi32>
          %eq3A_673 = arith.cmpi eq, %iota3A, %eq3A_672 : vector<16xi32>
          %select_n3A_674 = arith.select %eq3A_673, %gather3A, %get3A_671 : vector<16xi1>, vector<16xf32>
          %swap3A_675 = arith.index_cast %mul3A_668 : i32 to index
          %swap3A_676 = tpu.vector_load %arg14[%swap3A_675] {strides = array<i32>} : memref<224xf32, #tpu.memory_space<vmem>>, vector<16xf32>,
          tpu.vector_store %arg14[%swap3A_675], %select_n3A_674 {strides = array<i32>} : memref<224xf32, #tpu.memory_space<vmem>>, vector<16xf32>,
          %get3A_677 = arith.index_cast %mul3A_668 : i32 to index
          %get3A_678 = tpu.vector_load %arg15[%get3A_677] {strides = array<i32>} : memref<224xf32, #tpu.memory_space<vmem>>, vector<16xf32>,
          %eq3A_679 = vector.broadcast %sub3A_669 : i32 to vector<16xi32>
          %eq3A_680 = arith.cmpi eq, %iota3A, %eq3A_679 : vector<16xi32>
          %select_n3A_681 = arith.select %eq3A_680, %gather3A_262, %get3A_678 : vector<16xi1>, vector<16xf32>
          %swap3A_682 = arith.index_cast %mul3A_668 : i32 to index
          %swap3A_683 = tpu.vector_load %arg15[%swap3A_682] {strides = array<i32>} : memref<224xf32, #tpu.memory_space<vmem>>, vector<16xf32>,
          tpu.vector_store %arg15[%swap3A_682], %select_n3A_681 {strides = array<i32>} : memref<224xf32, #tpu.memory_space<vmem>>, vector<16xf32>,
          %get3A_684 = arith.index_cast %mul3A_668 : i32 to index
          %get3A_685 = tpu.vector_load %arg16[%get3A_684] {strides = array<i32>} : memref<224xf32, #tpu.memory_space<vmem>>, vector<16xf32>,
          %eq3A_686 = vector.broadcast %sub3A_669 : i32 to vector<16xi32>
          %eq3A_687 = arith.cmpi eq, %iota3A, %eq3A_686 : vector<16xi32>
          %select_n3A_688 = arith.select %eq3A_687, %gather3A_263, %get3A_685 : vector<16xi1>, vector<16xf32>
          %swap3A_689 = arith.index_cast %mul3A_668 : i32 to index
          %swap3A_690 = tpu.vector_load %arg16[%swap3A_689] {strides = array<i32>} : memref<224xf32, #tpu.memory_space<vmem>>, vector<16xf32>,
          tpu.vector_store %arg16[%swap3A_689], %select_n3A_688 {strides = array<i32>} : memref<224xf32, #tpu.memory_space<vmem>>, vector<16xf32>,
          %get3A_691 = arith.index_cast %mul3A_668 : i32 to index
          %get3A_692 = tpu.vector_load %arg17[%get3A_691] {strides = array<i32>} : memref<224xf32, #tpu.memory_space<vmem>>, vector<16xf32>,
          %eq3A_693 = vector.broadcast %sub3A_669 : i32 to vector<16xi32>
          %eq3A_694 = arith.cmpi eq, %iota3A, %eq3A_693 : vector<16xi32>
          %select_n3A_695 = arith.select %eq3A_694, %gather3A_264, %get3A_692 : vector<16xi1>, vector<16xf32>
          %swap3A_696 = arith.index_cast %mul3A_668 : i32 to index
          %swap3A_697 = tpu.vector_load %arg17[%swap3A_696] {strides = array<i32>} : memref<224xf32, #tpu.memory_space<vmem>>, vector<16xf32>,
          tpu.vector_store %arg17[%swap3A_696], %select_n3A_695 {strides = array<i32>} : memref<224xf32, #tpu.memory_space<vmem>>, vector<16xf32>,
          %get3A_698 = arith.index_cast %mul3A_668 : i32 to index
          %get3A_699 = tpu.vector_load %arg18[%get3A_698] {strides = array<i32>} : memref<224xf32, #tpu.memory_space<vmem>>, vector<16xf32>,
          %eq3A_700 = vector.broadcast %sub3A_669 : i32 to vector<16xi32>
          %eq3A_701 = arith.cmpi eq, %iota3A, %eq3A_700 : vector<16xi32>
          %select_n3A_702 = arith.select %eq3A_701, %mul3A_269, %get3A_699 : vector<16xi1>, vector<16xf32>
          %swap3A_703 = arith.index_cast %mul3A_668 : i32 to index
          %swap3A_704 = tpu.vector_load %arg18[%swap3A_703] {strides = array<i32>} : memref<224xf32, #tpu.memory_space<vmem>>, vector<16xf32>,
          tpu.vector_store %arg18[%swap3A_703], %select_n3A_702 {strides = array<i32>} : memref<224xf32, #tpu.memory_space<vmem>>, vector<16xf32>,
          %add3A_705 = arith.addf %gather3A, %gather3A_263 : vector<16xf32>
          %mul3A_706 = arith.constant 5.000000e-01 : f32
          %mul3A_707 = vector.broadcast %mul3A_706 : f32 to vector<16xf32>
          %mul3A_708 = arith.mulf %add3A_705, %mul3A_707 : vector<16xf32>
          %add3A_709 = arith.addf %gather3A_262, %gather3A_264 : vector<16xf32>
          %mul3A_710 = arith.constant 5.000000e-01 : f32
          %mul3A_711 = vector.broadcast %mul3A_710 : f32 to vector<16xf32>
          %mul3A_712 = arith.mulf %add3A_709, %mul3A_711 : vector<16xf32>
          %sub3A_713 = arith.subf %gather3A_263, %gather3A : vector<16xf32>
          %sub3A_714 = arith.subf %gather3A_264, %gather3A_262 : vector<16xf32>
          %eq3A_715 = arith.constant 0 : i32
          %eq3A_716 = vector.broadcast %eq3A_715 : i32 to vector<16xi32>
          %eq3A_717 = arith.cmpi eq, %iota3A, %eq3A_716 : vector<16xi32>
          %eq3A_718 = arith.constant 1 : i32
          %eq3A_719 = vector.broadcast %eq3A_718 : i32 to vector<16xi32>
          %eq3A_720 = arith.cmpi eq, %iota3A, %eq3A_719 : vector<16xi32>
          %eq3A_721 = arith.constant 2 : i32
          %eq3A_722 = vector.broadcast %eq3A_721 : i32 to vector<16xi32>
          %eq3A_723 = arith.cmpi eq, %iota3A, %eq3A_722 : vector<16xi32>
          %eq3A_724 = arith.constant 3 : i32
          %eq3A_725 = vector.broadcast %eq3A_724 : i32 to vector<16xi32>
          %eq3A_726 = arith.cmpi eq, %iota3A, %eq3A_725 : vector<16xi32>
          %eq3A_727 = arith.constant 4 : i32
          %eq3A_728 = vector.broadcast %eq3A_727 : i32 to vector<16xi32>
          %eq3A_729 = arith.cmpi eq, %iota3A, %eq3A_728 : vector<16xi32>
          %select_n3A_730 = arith.select %eq3A_729, %sub3A_714, %broadcast_in_dim3A_1 : vector<16xi1>, vector<16xf32>
          %select_n3A_731 = arith.select %eq3A_726, %sub3A_713, %select_n3A_730 : vector<16xi1>, vector<16xf32>
          %select_n3A_732 = arith.select %eq3A_723, %mul3A_712, %select_n3A_731 : vector<16xi1>, vector<16xf32>
          %select_n3A_733 = arith.select %eq3A_720, %mul3A_708, %select_n3A_732 : vector<16xi1>, vector<16xf32>
          %broadcast_in_dim3A_734 = vector.broadcast %reduce_max3A_90 : f32 to vector<16xf32>
          %select_n3A_735 = arith.select %eq3A_717, %broadcast_in_dim3A_734, %select_n3A_733 : vector<16xi1>, vector<16xf32>
          %mul3A_736 = arith.constant 8 : i32
          %mul3A_737 = arith.muli %while3A_73, %mul3A_736 : i32
          %swap3A_738 = arith.index_cast %mul3A_737 : i32 to index
          %swap3A_739 = tpu.vector_load %arg19[%swap3A_738] {strides = array<i32>} : memref<1616xf32, #tpu.memory_space<vmem>>, vector<16xf32>,
          tpu.vector_store %arg19[%swap3A_738], %select_n3A_735 {strides = array<i32>} : memref<1616xf32, #tpu.memory_space<vmem>>, vector<16xf32>,
        } else {
        }
        %jit3A_637 = arith.constant 1 : i32
        %jit3A_638 = arith.constant 0 : i32
        %select_n3A_639 = arith.select %and3A_633, %jit3A_637, %jit3A_638 : i32
        %add3A_640 = arith.addi %while3A_73, %select_n3A_639 : i32
        %not3A_641 = arith.constant true
        %not3A_642 = arith.xori %gt3A_91, %not3A_641 : i1
        scf.yield %add3A_640, %not3A_642 : i32, i1
      }
      "tpu.region"() ({
        %run_scoped3A_73 = tpu.sem_alloc : memref<!tpu.dma_semaphore, #tpu.memory_space<semaphore_mem>>
        %dma_start3A = arith.constant 0 : i32
        %dma_start3A_74 = tpu.memref_slice %arg5[%add3A_8, %dma_start3A] : memref<80x1616xf32, #tpu.memory_space<hbm>> -> memref<1x1616xf32, #tpu.memory_space<hbm>>
        %dma_start3A_75 = tpu.memref_squeeze %dma_start3A_74 : memref<1x1616xf32, #tpu.memory_space<hbm>> -> memref<1616xf32, #tpu.memory_space<hbm>>
        %dma_start3A_76 = arith.constant 0 : i32
        %dma_start3A_77 = tpu.memref_slice %arg5[%add3A_8, %dma_start3A_76] : memref<80x1616xf32, #tpu.memory_space<hbm>> -> memref<1x1616xf32, #tpu.memory_space<hbm>>
        %dma_start3A_78 = tpu.memref_squeeze %dma_start3A_77 : memref<1x1616xf32, #tpu.memory_space<hbm>> -> memref<1616xf32, #tpu.memory_space<hbm>>
        tpu.enqueue_dma source(%arg19 : memref<1616xf32, #tpu.memory_space<vmem>>) target(%dma_start3A_78 : memref<1616xf32, #tpu.memory_space<hbm>>) target_semaphore(%run_scoped3A_73 : memref<!tpu.dma_semaphore, #tpu.memory_space<semaphore_mem>>)
        %dma_wait3A = arith.constant 0 : i32
        %dma_wait3A_79 = tpu.memref_slice %arg5[%add3A_8, %dma_wait3A] : memref<80x1616xf32, #tpu.memory_space<hbm>> -> memref<1x1616xf32, #tpu.memory_space<hbm>>
        %dma_wait3A_80 = tpu.memref_squeeze %dma_wait3A_79 : memref<1x1616xf32, #tpu.memory_space<hbm>> -> memref<1616xf32, #tpu.memory_space<hbm>>
        %dma_wait3A_81 = arith.constant 0 : i32
        %dma_wait3A_82 = tpu.memref_slice %arg5[%add3A_8, %dma_wait3A_81] : memref<80x1616xf32, #tpu.memory_space<hbm>> -> memref<1x1616xf32, #tpu.memory_space<hbm>>
        %dma_wait3A_83 = tpu.memref_squeeze %dma_wait3A_82 : memref<1x1616xf32, #tpu.memory_space<hbm>> -> memref<1616xf32, #tpu.memory_space<hbm>>
        tpu.wait_dma2 semaphore(%run_scoped3A_73 : memref<!tpu.dma_semaphore, #tpu.memory_space<semaphore_mem>>) src(%arg19 : memref<1616xf32, #tpu.memory_space<vmem>>) dst(%dma_wait3A_83 : memref<1616xf32, #tpu.memory_space<hbm>>)
        tpu.yield
      }) : () -> ()
    } else {
    }
    %add3A_11 = arith.constant 32 : i32
    %add3A_12 = arith.addi %add3A_11, %add3A : i32
    %lt3A_13 = arith.constant 80 : i32
    %lt3A_14 = arith.cmpi slt, %add3A_12, %lt3A_13 : i32
    %convert_element_type3A_15 = arith.extui %lt3A_14 : i1 to i32
    %cond3A_16 = arith.constant 0 : i32
    %cond3A_17 = arith.cmpi ne, %convert_element_type3A_15, %cond3A_16 : i32
    scf.if %cond3A_17 {
      %jit3A = arith.constant 20 : i32
      %div3A = arith.divsi %add3A_12, %jit3A : i32
      %sign3A = arith.constant 0 : i32
      %sign3A_25 = arith.cmpi sgt, %add3A_12, %sign3A : i32
      %sign3A_26 = arith.extui %sign3A_25 : i1 to i32
      %sign3A_27 = arith.constant 0 : i32
      %sign3A_28 = arith.cmpi slt, %add3A_12, %sign3A_27 : i32
      %sign3A_29 = arith.extui %sign3A_28 : i1 to i32
      %sign3A_30 = arith.subi %sign3A_26, %sign3A_29 : i32
      %sign3A_31 = arith.constant 0 : i32
      %sign3A_32 = arith.cmpi sgt, %jit3A, %sign3A_31 : i32
      %sign3A_33 = arith.extui %sign3A_32 : i1 to i32
      %sign3A_34 = arith.constant 0 : i32
      %sign3A_35 = arith.cmpi slt, %jit3A, %sign3A_34 : i32
      %sign3A_36 = arith.extui %sign3A_35 : i1 to i32
      %sign3A_37 = arith.subi %sign3A_33, %sign3A_36 : i32
      %ne3A = arith.cmpi ne, %sign3A_30, %sign3A_37 : i32
      %rem3A = arith.remsi %add3A_12, %jit3A : i32
      %ne3A_38 = arith.constant 0 : i32
      %ne3A_39 = arith.cmpi ne, %rem3A, %ne3A_38 : i32
      %and3A = arith.andi %ne3A, %ne3A_39 : i1
      %sub3A = arith.constant 1 : i32
      %sub3A_40 = arith.subi %div3A, %sub3A : i32
      %select_n3A = arith.select %and3A, %sub3A_40, %div3A : i32
      "tpu.region"() ({
        %run_scoped3A_73 = tpu.sem_alloc : memref<!tpu.dma_semaphore, #tpu.memory_space<semaphore_mem>>
        %dma_start3A = arith.constant 0 : i32
        %dma_start3A_74 = tpu.memref_slice %arg3[%add3A_12, %dma_start3A] : memref<80x20480xf32, #tpu.memory_space<hbm>> -> memref<1x20480xf32, #tpu.memory_space<hbm>>
        %dma_start3A_75 = tpu.memref_squeeze %dma_start3A_74 : memref<1x20480xf32, #tpu.memory_space<hbm>> -> memref<20480xf32, #tpu.memory_space<hbm>>
        %dma_start3A_76 = arith.constant 0 : i32
        %dma_start3A_77 = tpu.memref_slice %arg3[%add3A_12, %dma_start3A_76] : memref<80x20480xf32, #tpu.memory_space<hbm>> -> memref<1x20480xf32, #tpu.memory_space<hbm>>
        %dma_start3A_78 = tpu.memref_squeeze %dma_start3A_77 : memref<1x20480xf32, #tpu.memory_space<hbm>> -> memref<20480xf32, #tpu.memory_space<hbm>>
        tpu.enqueue_dma source(%dma_start3A_78 : memref<20480xf32, #tpu.memory_space<hbm>>) target(%arg7 : memref<20480xf32, #tpu.memory_space<vmem>>) target_semaphore(%run_scoped3A_73 : memref<!tpu.dma_semaphore, #tpu.memory_space<semaphore_mem>>)
        %dma_wait3A = arith.constant 0 : i32
        %dma_wait3A_79 = tpu.memref_slice %arg3[%add3A_12, %dma_wait3A] : memref<80x20480xf32, #tpu.memory_space<hbm>> -> memref<1x20480xf32, #tpu.memory_space<hbm>>
        %dma_wait3A_80 = tpu.memref_squeeze %dma_wait3A_79 : memref<1x20480xf32, #tpu.memory_space<hbm>> -> memref<20480xf32, #tpu.memory_space<hbm>>
        %dma_wait3A_81 = arith.constant 0 : i32
        %dma_wait3A_82 = tpu.memref_slice %arg3[%add3A_12, %dma_wait3A_81] : memref<80x20480xf32, #tpu.memory_space<hbm>> -> memref<1x20480xf32, #tpu.memory_space<hbm>>
        %dma_wait3A_83 = tpu.memref_squeeze %dma_wait3A_82 : memref<1x20480xf32, #tpu.memory_space<hbm>> -> memref<20480xf32, #tpu.memory_space<hbm>>
        tpu.wait_dma2 semaphore(%run_scoped3A_73 : memref<!tpu.dma_semaphore, #tpu.memory_space<semaphore_mem>>) src(%dma_wait3A_83 : memref<20480xf32, #tpu.memory_space<hbm>>) dst(%arg7 : memref<20480xf32, #tpu.memory_space<vmem>>)
        tpu.yield
      }) : () -> ()
      %run_scoped3A = arith.constant 0 : i32
      "tpu.region"() ({
        %run_scoped3A_73 = tpu.sem_alloc : memref<!tpu.dma_semaphore, #tpu.memory_space<semaphore_mem>>
        %dma_start3A = arith.constant 0 : i32
        %dma_start3A_74 = tpu.memref_slice %arg4[%select_n3A, %run_scoped3A, %dma_start3A] : memref<4x4x20480xf32, #tpu.memory_space<hbm>> -> memref<1x1x20480xf32, #tpu.memory_space<hbm>>
        %dma_start3A_75 = tpu.memref_squeeze %dma_start3A_74 : memref<1x1x20480xf32, #tpu.memory_space<hbm>> -> memref<20480xf32, #tpu.memory_space<hbm>>
        %dma_start3A_76 = arith.constant 0 : i32
        %dma_start3A_77 = tpu.memref_slice %arg4[%select_n3A, %run_scoped3A, %dma_start3A_76] : memref<4x4x20480xf32, #tpu.memory_space<hbm>> -> memref<1x1x20480xf32, #tpu.memory_space<hbm>>
        %dma_start3A_78 = tpu.memref_squeeze %dma_start3A_77 : memref<1x1x20480xf32, #tpu.memory_space<hbm>> -> memref<20480xf32, #tpu.memory_space<hbm>>
        tpu.enqueue_dma source(%dma_start3A_78 : memref<20480xf32, #tpu.memory_space<hbm>>) target(%arg8 : memref<20480xf32, #tpu.memory_space<vmem>>) target_semaphore(%run_scoped3A_73 : memref<!tpu.dma_semaphore, #tpu.memory_space<semaphore_mem>>)
        %dma_wait3A = arith.constant 0 : i32
        %dma_wait3A_79 = tpu.memref_slice %arg4[%select_n3A, %run_scoped3A, %dma_wait3A] : memref<4x4x20480xf32, #tpu.memory_space<hbm>> -> memref<1x1x20480xf32, #tpu.memory_space<hbm>>
        %dma_wait3A_80 = tpu.memref_squeeze %dma_wait3A_79 : memref<1x1x20480xf32, #tpu.memory_space<hbm>> -> memref<20480xf32, #tpu.memory_space<hbm>>
        %dma_wait3A_81 = arith.constant 0 : i32
        %dma_wait3A_82 = tpu.memref_slice %arg4[%select_n3A, %run_scoped3A, %dma_wait3A_81] : memref<4x4x20480xf32, #tpu.memory_space<hbm>> -> memref<1x1x20480xf32, #tpu.memory_space<hbm>>
        %dma_wait3A_83 = tpu.memref_squeeze %dma_wait3A_82 : memref<1x1x20480xf32, #tpu.memory_space<hbm>> -> memref<20480xf32, #tpu.memory_space<hbm>>
        tpu.wait_dma2 semaphore(%run_scoped3A_73 : memref<!tpu.dma_semaphore, #tpu.memory_space<semaphore_mem>>) src(%dma_wait3A_83 : memref<20480xf32, #tpu.memory_space<hbm>>) dst(%arg8 : memref<20480xf32, #tpu.memory_space<vmem>>)
        tpu.yield
      }) : () -> ()
      %run_scoped3A_41 = arith.constant 1 : i32
      "tpu.region"() ({
        %run_scoped3A_73 = tpu.sem_alloc : memref<!tpu.dma_semaphore, #tpu.memory_space<semaphore_mem>>
        %dma_start3A = arith.constant 0 : i32
        %dma_start3A_74 = tpu.memref_slice %arg4[%select_n3A, %run_scoped3A_41, %dma_start3A] : memref<4x4x20480xf32, #tpu.memory_space<hbm>> -> memref<1x1x20480xf32, #tpu.memory_space<hbm>>
        %dma_start3A_75 = tpu.memref_squeeze %dma_start3A_74 : memref<1x1x20480xf32, #tpu.memory_space<hbm>> -> memref<20480xf32, #tpu.memory_space<hbm>>
        %dma_start3A_76 = arith.constant 0 : i32
        %dma_start3A_77 = tpu.memref_slice %arg4[%select_n3A, %run_scoped3A_41, %dma_start3A_76] : memref<4x4x20480xf32, #tpu.memory_space<hbm>> -> memref<1x1x20480xf32, #tpu.memory_space<hbm>>
        %dma_start3A_78 = tpu.memref_squeeze %dma_start3A_77 : memref<1x1x20480xf32, #tpu.memory_space<hbm>> -> memref<20480xf32, #tpu.memory_space<hbm>>
        tpu.enqueue_dma source(%dma_start3A_78 : memref<20480xf32, #tpu.memory_space<hbm>>) target(%arg9 : memref<20480xf32, #tpu.memory_space<vmem>>) target_semaphore(%run_scoped3A_73 : memref<!tpu.dma_semaphore, #tpu.memory_space<semaphore_mem>>)
        %dma_wait3A = arith.constant 0 : i32
        %dma_wait3A_79 = tpu.memref_slice %arg4[%select_n3A, %run_scoped3A_41, %dma_wait3A] : memref<4x4x20480xf32, #tpu.memory_space<hbm>> -> memref<1x1x20480xf32, #tpu.memory_space<hbm>>
        %dma_wait3A_80 = tpu.memref_squeeze %dma_wait3A_79 : memref<1x1x20480xf32, #tpu.memory_space<hbm>> -> memref<20480xf32, #tpu.memory_space<hbm>>
        %dma_wait3A_81 = arith.constant 0 : i32
        %dma_wait3A_82 = tpu.memref_slice %arg4[%select_n3A, %run_scoped3A_41, %dma_wait3A_81] : memref<4x4x20480xf32, #tpu.memory_space<hbm>> -> memref<1x1x20480xf32, #tpu.memory_space<hbm>>
        %dma_wait3A_83 = tpu.memref_squeeze %dma_wait3A_82 : memref<1x1x20480xf32, #tpu.memory_space<hbm>> -> memref<20480xf32, #tpu.memory_space<hbm>>
        tpu.wait_dma2 semaphore(%run_scoped3A_73 : memref<!tpu.dma_semaphore, #tpu.memory_space<semaphore_mem>>) src(%dma_wait3A_83 : memref<20480xf32, #tpu.memory_space<hbm>>) dst(%arg9 : memref<20480xf32, #tpu.memory_space<vmem>>)
        tpu.yield
      }) : () -> ()
      %run_scoped3A_42 = arith.constant 2 : i32
      "tpu.region"() ({
        %run_scoped3A_73 = tpu.sem_alloc : memref<!tpu.dma_semaphore, #tpu.memory_space<semaphore_mem>>
        %dma_start3A = arith.constant 0 : i32
        %dma_start3A_74 = tpu.memref_slice %arg4[%select_n3A, %run_scoped3A_42, %dma_start3A] : memref<4x4x20480xf32, #tpu.memory_space<hbm>> -> memref<1x1x20480xf32, #tpu.memory_space<hbm>>
        %dma_start3A_75 = tpu.memref_squeeze %dma_start3A_74 : memref<1x1x20480xf32, #tpu.memory_space<hbm>> -> memref<20480xf32, #tpu.memory_space<hbm>>
        %dma_start3A_76 = arith.constant 0 : i32
        %dma_start3A_77 = tpu.memref_slice %arg4[%select_n3A, %run_scoped3A_42, %dma_start3A_76] : memref<4x4x20480xf32, #tpu.memory_space<hbm>> -> memref<1x1x20480xf32, #tpu.memory_space<hbm>>
        %dma_start3A_78 = tpu.memref_squeeze %dma_start3A_77 : memref<1x1x20480xf32, #tpu.memory_space<hbm>> -> memref<20480xf32, #tpu.memory_space<hbm>>
        tpu.enqueue_dma source(%dma_start3A_78 : memref<20480xf32, #tpu.memory_space<hbm>>) target(%arg10 : memref<20480xf32, #tpu.memory_space<vmem>>) target_semaphore(%run_scoped3A_73 : memref<!tpu.dma_semaphore, #tpu.memory_space<semaphore_mem>>)
        %dma_wait3A = arith.constant 0 : i32
        %dma_wait3A_79 = tpu.memref_slice %arg4[%select_n3A, %run_scoped3A_42, %dma_wait3A] : memref<4x4x20480xf32, #tpu.memory_space<hbm>> -> memref<1x1x20480xf32, #tpu.memory_space<hbm>>
        %dma_wait3A_80 = tpu.memref_squeeze %dma_wait3A_79 : memref<1x1x20480xf32, #tpu.memory_space<hbm>> -> memref<20480xf32, #tpu.memory_space<hbm>>
        %dma_wait3A_81 = arith.constant 0 : i32
        %dma_wait3A_82 = tpu.memref_slice %arg4[%select_n3A, %run_scoped3A_42, %dma_wait3A_81] : memref<4x4x20480xf32, #tpu.memory_space<hbm>> -> memref<1x1x20480xf32, #tpu.memory_space<hbm>>
        %dma_wait3A_83 = tpu.memref_squeeze %dma_wait3A_82 : memref<1x1x20480xf32, #tpu.memory_space<hbm>> -> memref<20480xf32, #tpu.memory_space<hbm>>
        tpu.wait_dma2 semaphore(%run_scoped3A_73 : memref<!tpu.dma_semaphore, #tpu.memory_space<semaphore_mem>>) src(%dma_wait3A_83 : memref<20480xf32, #tpu.memory_space<hbm>>) dst(%arg10 : memref<20480xf32, #tpu.memory_space<vmem>>)
        tpu.yield
      }) : () -> ()
      %run_scoped3A_43 = arith.constant 3 : i32
      "tpu.region"() ({
        %run_scoped3A_73 = tpu.sem_alloc : memref<!tpu.dma_semaphore, #tpu.memory_space<semaphore_mem>>
        %dma_start3A = arith.constant 0 : i32
        %dma_start3A_74 = tpu.memref_slice %arg4[%select_n3A, %run_scoped3A_43, %dma_start3A] : memref<4x4x20480xf32, #tpu.memory_space<hbm>> -> memref<1x1x20480xf32, #tpu.memory_space<hbm>>
        %dma_start3A_75 = tpu.memref_squeeze %dma_start3A_74 : memref<1x1x20480xf32, #tpu.memory_space<hbm>> -> memref<20480xf32, #tpu.memory_space<hbm>>
        %dma_start3A_76 = arith.constant 0 : i32
        %dma_start3A_77 = tpu.memref_slice %arg4[%select_n3A, %run_scoped3A_43, %dma_start3A_76] : memref<4x4x20480xf32, #tpu.memory_space<hbm>> -> memref<1x1x20480xf32, #tpu.memory_space<hbm>>
        %dma_start3A_78 = tpu.memref_squeeze %dma_start3A_77 : memref<1x1x20480xf32, #tpu.memory_space<hbm>> -> memref<20480xf32, #tpu.memory_space<hbm>>
        tpu.enqueue_dma source(%dma_start3A_78 : memref<20480xf32, #tpu.memory_space<hbm>>) target(%arg11 : memref<20480xf32, #tpu.memory_space<vmem>>) target_semaphore(%run_scoped3A_73 : memref<!tpu.dma_semaphore, #tpu.memory_space<semaphore_mem>>)
        %dma_wait3A = arith.constant 0 : i32
        %dma_wait3A_79 = tpu.memref_slice %arg4[%select_n3A, %run_scoped3A_43, %dma_wait3A] : memref<4x4x20480xf32, #tpu.memory_space<hbm>> -> memref<1x1x20480xf32, #tpu.memory_space<hbm>>
        %dma_wait3A_80 = tpu.memref_squeeze %dma_wait3A_79 : memref<1x1x20480xf32, #tpu.memory_space<hbm>> -> memref<20480xf32, #tpu.memory_space<hbm>>
        %dma_wait3A_81 = arith.constant 0 : i32
        %dma_wait3A_82 = tpu.memref_slice %arg4[%select_n3A, %run_scoped3A_43, %dma_wait3A_81] : memref<4x4x20480xf32, #tpu.memory_space<hbm>> -> memref<1x1x20480xf32, #tpu.memory_space<hbm>>
        %dma_wait3A_83 = tpu.memref_squeeze %dma_wait3A_82 : memref<1x1x20480xf32, #tpu.memory_space<hbm>> -> memref<20480xf32, #tpu.memory_space<hbm>>
        tpu.wait_dma2 semaphore(%run_scoped3A_73 : memref<!tpu.dma_semaphore, #tpu.memory_space<semaphore_mem>>) src(%dma_wait3A_83 : memref<20480xf32, #tpu.memory_space<hbm>>) dst(%arg11 : memref<20480xf32, #tpu.memory_space<vmem>>)
        tpu.yield
      }) : () -> ()
      %scan3A = arith.constant 0 : i32
      %scan3A_44 = arith.constant 0 : i32
      %scan3A_45 = arith.constant 14 : i32
      %scan3A_46 = arith.addi %scan3A_44, %scan3A_45 : i32
      %scan3A_47 = arith.constant 1 : i32
      %scan3A_48 = scf.for %scan3A_73 = %scan3A_44 to %scan3A_46 step %scan3A_47 iter_args(%scan3A_74 = %scan3A) -> (i32)  : i32 {
        %mul3A_75 = arith.constant 16 : i32
        %mul3A_76 = arith.muli %scan3A_73, %mul3A_75 : i32
        %swap3A = arith.index_cast %mul3A_76 : i32 to index
        %swap3A_77 = tpu.vector_load %arg14[%swap3A] {strides = array<i32>} : memref<224xf32, #tpu.memory_space<vmem>>, vector<16xf32>,
        tpu.vector_store %arg14[%swap3A], %broadcast_in_dim3A_1 {strides = array<i32>} : memref<224xf32, #tpu.memory_space<vmem>>, vector<16xf32>,
        %mul3A_78 = arith.constant 16 : i32
        %mul3A_79 = arith.muli %scan3A_73, %mul3A_78 : i32
        %swap3A_80 = arith.index_cast %mul3A_79 : i32 to index
        %swap3A_81 = tpu.vector_load %arg15[%swap3A_80] {strides = array<i32>} : memref<224xf32, #tpu.memory_space<vmem>>, vector<16xf32>,
        tpu.vector_store %arg15[%swap3A_80], %broadcast_in_dim3A_1 {strides = array<i32>} : memref<224xf32, #tpu.memory_space<vmem>>, vector<16xf32>,
        %mul3A_82 = arith.constant 16 : i32
        %mul3A_83 = arith.muli %scan3A_73, %mul3A_82 : i32
        %swap3A_84 = arith.index_cast %mul3A_83 : i32 to index
        %swap3A_85 = tpu.vector_load %arg16[%swap3A_84] {strides = array<i32>} : memref<224xf32, #tpu.memory_space<vmem>>, vector<16xf32>,
        tpu.vector_store %arg16[%swap3A_84], %broadcast_in_dim3A_1 {strides = array<i32>} : memref<224xf32, #tpu.memory_space<vmem>>, vector<16xf32>,
        %mul3A_86 = arith.constant 16 : i32
        %mul3A_87 = arith.muli %scan3A_73, %mul3A_86 : i32
        %swap3A_88 = arith.index_cast %mul3A_87 : i32 to index
        %swap3A_89 = tpu.vector_load %arg17[%swap3A_88] {strides = array<i32>} : memref<224xf32, #tpu.memory_space<vmem>>, vector<16xf32>,
        tpu.vector_store %arg17[%swap3A_88], %broadcast_in_dim3A_1 {strides = array<i32>} : memref<224xf32, #tpu.memory_space<vmem>>, vector<16xf32>,
        %mul3A_90 = arith.constant 16 : i32
        %mul3A_91 = arith.muli %scan3A_73, %mul3A_90 : i32
        %swap3A_92 = arith.index_cast %mul3A_91 : i32 to index
        %swap3A_93 = tpu.vector_load %arg18[%swap3A_92] {strides = array<i32>} : memref<224xf32, #tpu.memory_space<vmem>>, vector<16xf32>,
        tpu.vector_store %arg18[%swap3A_92], %broadcast_in_dim3A_1 {strides = array<i32>} : memref<224xf32, #tpu.memory_space<vmem>>, vector<16xf32>,
        %scan3A_94 = arith.constant 0 : i32
        scf.yield %scan3A_94 : i32
      }
      %scan3A_49 = arith.constant 14 : i32
      %scan3A_50 = arith.constant 0 : i32
      %scan3A_51 = arith.constant 0 : i32
      %scan3A_52 = arith.constant 101 : i32
      %scan3A_53 = arith.addi %scan3A_51, %scan3A_52 : i32
      %scan3A_54 = arith.constant 1 : i32
      %scan3A_55 = scf.for %scan3A_73 = %scan3A_51 to %scan3A_53 step %scan3A_54 iter_args(%scan3A_74 = %scan3A_50) -> (i32)  : i32 {
        %mul3A_75 = arith.constant 16 : i32
        %mul3A_76 = arith.muli %scan3A_73, %mul3A_75 : i32
        %swap3A = arith.index_cast %mul3A_76 : i32 to index
        %swap3A_77 = tpu.vector_load %arg19[%swap3A] {strides = array<i32>} : memref<1616xf32, #tpu.memory_space<vmem>>, vector<16xf32>,
        tpu.vector_store %arg19[%swap3A], %broadcast_in_dim3A_1 {strides = array<i32>} : memref<1616xf32, #tpu.memory_space<vmem>>, vector<16xf32>,
        %scan3A_78 = arith.constant 0 : i32
        scf.yield %scan3A_78 : i32
      }
      %scan3A_56 = arith.constant 101 : i32
      %scan3A_57 = arith.constant 0 : i32
      %scan3A_58 = arith.constant 0 : i32
      %scan3A_59 = arith.constant 1280 : i32
      %scan3A_60 = arith.addi %scan3A_58, %scan3A_59 : i32
      %scan3A_61 = arith.constant 1 : i32
      %scan3A_62 = scf.for %scan3A_73 = %scan3A_58 to %scan3A_60 step %scan3A_61 iter_args(%scan3A_74 = %scan3A_57) -> (i32)  : i32 {
        %mul3A_75 = arith.constant 16 : i32
        %mul3A_76 = arith.muli %scan3A_73, %mul3A_75 : i32
        %get3A_77 = arith.index_cast %mul3A_76 : i32 to index
        %get3A_78 = tpu.vector_load %arg7[%get3A_77] {strides = array<i32>} : memref<20480xf32, #tpu.memory_space<vmem>>, vector<16xf32>,
        %broadcast_in_dim3A_79 = arith.constant true
        %broadcast_in_dim3A_80 = vector.broadcast %broadcast_in_dim3A_79 : i1 to vector<16xi1>
        %masked_cummax3A = tpu.scan <max>, %get3A_78 masked %broadcast_in_dim3A_80 : vector<16xf32>, vector<16xi1> -> vector<16xf32>
        %broadcast_in_dim3A_81 = vector.broadcast %scan3A_73 : i32 to vector<16xi32>
        tpu.vector_store_idx %arg12[%broadcast_in_dim3A_81], %masked_cummax3A masked %eq3A_5 : memref<1280xf32, #tpu.memory_space<vmem>>[vector<16xi32>], vector<16xf32>, vector<16xi1>
        %scan3A_82 = arith.constant 0 : i32
        scf.yield %scan3A_82 : i32
      }
      %scan3A_63 = arith.constant 1280 : i32
      %scan3A_64 = arith.constant 0 : i32
      %scan3A_65 = arith.constant 0 : i32
      %scan3A_66 = arith.constant 80 : i32
      %scan3A_67 = arith.addi %scan3A_65, %scan3A_66 : i32
      %scan3A_68 = arith.constant 1 : i32
      %scan3A_69 = scf.for %scan3A_73 = %scan3A_65 to %scan3A_67 step %scan3A_68 iter_args(%scan3A_74 = %scan3A_64) -> (i32)  : i32 {
        %mul3A_75 = arith.constant 16 : i32
        %mul3A_76 = arith.muli %scan3A_73, %mul3A_75 : i32
        %get3A_77 = arith.index_cast %mul3A_76 : i32 to index
        %get3A_78 = tpu.vector_load %arg12[%get3A_77] {strides = array<i32>} : memref<1280xf32, #tpu.memory_space<vmem>>, vector<16xf32>,
        %broadcast_in_dim3A_79 = arith.constant true
        %broadcast_in_dim3A_80 = vector.broadcast %broadcast_in_dim3A_79 : i1 to vector<16xi1>
        %masked_cummax3A = tpu.scan <max>, %get3A_78 masked %broadcast_in_dim3A_80 : vector<16xf32>, vector<16xi1> -> vector<16xf32>
        %broadcast_in_dim3A_81 = vector.broadcast %scan3A_73 : i32 to vector<16xi32>
        tpu.vector_store_idx %arg13[%broadcast_in_dim3A_81], %masked_cummax3A masked %eq3A_5 : memref<80xf32, #tpu.memory_space<vmem>>[vector<16xi32>], vector<16xf32>, vector<16xi1>
        %scan3A_82 = arith.constant 0 : i32
        scf.yield %scan3A_82 : i32
      }
      %scan3A_70 = arith.constant 80 : i32
      %while3A = arith.constant 0 : i32
      %while3A_71 = arith.constant false
      %while3A_72:2 = scf.while (%while3A_73 = %while3A, %while3A_74 = %while3A_71) : (i32, i1) -> (i32, i1) {
        %lt3A_75 = arith.constant 200 : i32
        %lt3A_76 = arith.cmpi slt, %while3A_73, %lt3A_75 : i32
        %not3A = arith.constant true
        %not3A_77 = arith.xori %while3A_74, %not3A : i1
        %and3A_78 = arith.andi %lt3A_76, %not3A_77 : i1
        scf.condition(%and3A_78) %while3A_73, %while3A_74 : i32, i1
      } do {
      ^bb0(%while3A_73: i32, %while3A_74: i1):
        %get3A_75 = arith.constant 0 : index
        %get3A_76 = tpu.vector_load %arg13[%get3A_75] {strides = array<i32>} : memref<80xf32, #tpu.memory_space<vmem>>, vector<16xf32>,
        %get3A_77 = arith.constant 16 : index
        %get3A_78 = tpu.vector_load %arg13[%get3A_77] {strides = array<i32>} : memref<80xf32, #tpu.memory_space<vmem>>, vector<16xf32>,
        %get3A_79 = arith.constant 32 : index
        %get3A_80 = tpu.vector_load %arg13[%get3A_79] {strides = array<i32>} : memref<80xf32, #tpu.memory_space<vmem>>, vector<16xf32>,
        %get3A_81 = arith.constant 48 : index
        %get3A_82 = tpu.vector_load %arg13[%get3A_81] {strides = array<i32>} : memref<80xf32, #tpu.memory_space<vmem>>, vector<16xf32>,
        %get3A_83 = arith.constant 64 : index
        %get3A_84 = tpu.vector_load %arg13[%get3A_83] {strides = array<i32>} : memref<80xf32, #tpu.memory_space<vmem>>, vector<16xf32>,
        %max3A = arith.maximumf %get3A_76, %get3A_78 : vector<16xf32>
        %max3A_85 = arith.maximumf %get3A_80, %get3A_82 : vector<16xf32>
        %max3A_86 = arith.maximumf %max3A, %max3A_85 : vector<16xf32>
        %max3A_87 = arith.maximumf %max3A_86, %get3A_84 : vector<16xf32>
        %reduce_max3A = arith.constant true
        %reduce_max3A_88 = vector.broadcast %reduce_max3A : i1 to vector<16xi1>
        %reduce_max3A_89 = tpu.scan <max>, %max3A_87 masked %reduce_max3A_88 : vector<16xf32>, vector<16xi1> -> vector<16xf32>
        %reduce_max3A_90 = vector.extract %reduce_max3A_89[15] : f32 from vector<16xf32>
        %gt3A = arith.constant 0.000000e+00 : f32
        %gt3A_91 = arith.cmpf ogt, %reduce_max3A_90, %gt3A : f32
        %broadcast_in_dim3A_92 = arith.constant 1073741824 : i32
        %broadcast_in_dim3A_93 = vector.broadcast %broadcast_in_dim3A_92 : i32 to vector<16xi32>
        %eq3A_94 = vector.broadcast %reduce_max3A_90 : f32 to vector<16xf32>
        %eq3A_95 = arith.cmpf oeq, %get3A_84, %eq3A_94 : vector<16xf32>
        %all_reduce_population_count3A = tpu.all_reduce %eq3A_95 {dim = 0 : i64, kind = #tpu.reduction_kind<sum>} : vector<16xi1> -> vector<16xi32>
        %all_reduce_ffs3A = tpu.all_reduce %eq3A_95 {dim = 0 : i64, kind = #tpu.reduction_kind<find_first_set>} : vector<16xi1> -> vector<16xi32>
        %gt3A_96 = arith.constant 0 : i32
        %gt3A_97 = vector.broadcast %gt3A_96 : i32 to vector<16xi32>
        %gt3A_98 = arith.cmpi sgt, %all_reduce_population_count3A, %gt3A_97 : vector<16xi32>
        %add3A_99 = arith.constant 64 : i32
        %add3A_100 = vector.broadcast %add3A_99 : i32 to vector<16xi32>
        %add3A_101 = arith.addi %add3A_100, %all_reduce_ffs3A : vector<16xi32>
        %select_n3A_102 = arith.select %gt3A_98, %add3A_101, %broadcast_in_dim3A_93 : vector<16xi1>, vector<16xi32>
        %eq3A_103 = vector.broadcast %reduce_max3A_90 : f32 to vector<16xf32>
        %eq3A_104 = arith.cmpf oeq, %get3A_82, %eq3A_103 : vector<16xf32>
        %all_reduce_population_count3A_105 = tpu.all_reduce %eq3A_104 {dim = 0 : i64, kind = #tpu.reduction_kind<sum>} : vector<16xi1> -> vector<16xi32>
        %all_reduce_ffs3A_106 = tpu.all_reduce %eq3A_104 {dim = 0 : i64, kind = #tpu.reduction_kind<find_first_set>} : vector<16xi1> -> vector<16xi32>
        %gt3A_107 = arith.constant 0 : i32
        %gt3A_108 = vector.broadcast %gt3A_107 : i32 to vector<16xi32>
        %gt3A_109 = arith.cmpi sgt, %all_reduce_population_count3A_105, %gt3A_108 : vector<16xi32>
        %add3A_110 = arith.constant 48 : i32
        %add3A_111 = vector.broadcast %add3A_110 : i32 to vector<16xi32>
        %add3A_112 = arith.addi %add3A_111, %all_reduce_ffs3A_106 : vector<16xi32>
        %select_n3A_113 = arith.select %gt3A_109, %add3A_112, %select_n3A_102 : vector<16xi1>, vector<16xi32>
        %eq3A_114 = vector.broadcast %reduce_max3A_90 : f32 to vector<16xf32>
        %eq3A_115 = arith.cmpf oeq, %get3A_80, %eq3A_114 : vector<16xf32>
        %all_reduce_population_count3A_116 = tpu.all_reduce %eq3A_115 {dim = 0 : i64, kind = #tpu.reduction_kind<sum>} : vector<16xi1> -> vector<16xi32>
        %all_reduce_ffs3A_117 = tpu.all_reduce %eq3A_115 {dim = 0 : i64, kind = #tpu.reduction_kind<find_first_set>} : vector<16xi1> -> vector<16xi32>
        %gt3A_118 = arith.constant 0 : i32
        %gt3A_119 = vector.broadcast %gt3A_118 : i32 to vector<16xi32>
        %gt3A_120 = arith.cmpi sgt, %all_reduce_population_count3A_116, %gt3A_119 : vector<16xi32>
        %add3A_121 = arith.constant 32 : i32
        %add3A_122 = vector.broadcast %add3A_121 : i32 to vector<16xi32>
        %add3A_123 = arith.addi %add3A_122, %all_reduce_ffs3A_117 : vector<16xi32>
        %select_n3A_124 = arith.select %gt3A_120, %add3A_123, %select_n3A_113 : vector<16xi1>, vector<16xi32>
        %eq3A_125 = vector.broadcast %reduce_max3A_90 : f32 to vector<16xf32>
        %eq3A_126 = arith.cmpf oeq, %get3A_78, %eq3A_125 : vector<16xf32>
        %all_reduce_population_count3A_127 = tpu.all_reduce %eq3A_126 {dim = 0 : i64, kind = #tpu.reduction_kind<sum>} : vector<16xi1> -> vector<16xi32>
        %all_reduce_ffs3A_128 = tpu.all_reduce %eq3A_126 {dim = 0 : i64, kind = #tpu.reduction_kind<find_first_set>} : vector<16xi1> -> vector<16xi32>
        %gt3A_129 = arith.constant 0 : i32
        %gt3A_130 = vector.broadcast %gt3A_129 : i32 to vector<16xi32>
        %gt3A_131 = arith.cmpi sgt, %all_reduce_population_count3A_127, %gt3A_130 : vector<16xi32>
        %add3A_132 = arith.constant 16 : i32
        %add3A_133 = vector.broadcast %add3A_132 : i32 to vector<16xi32>
        %add3A_134 = arith.addi %add3A_133, %all_reduce_ffs3A_128 : vector<16xi32>
        %select_n3A_135 = arith.select %gt3A_131, %add3A_134, %select_n3A_124 : vector<16xi1>, vector<16xi32>
        %eq3A_136 = vector.broadcast %reduce_max3A_90 : f32 to vector<16xf32>
        %eq3A_137 = arith.cmpf oeq, %get3A_76, %eq3A_136 : vector<16xf32>
        %all_reduce_population_count3A_138 = tpu.all_reduce %eq3A_137 {dim = 0 : i64, kind = #tpu.reduction_kind<sum>} : vector<16xi1> -> vector<16xi32>
        %all_reduce_ffs3A_139 = tpu.all_reduce %eq3A_137 {dim = 0 : i64, kind = #tpu.reduction_kind<find_first_set>} : vector<16xi1> -> vector<16xi32>
        %gt3A_140 = arith.constant 0 : i32
        %gt3A_141 = vector.broadcast %gt3A_140 : i32 to vector<16xi32>
        %gt3A_142 = arith.cmpi sgt, %all_reduce_population_count3A_138, %gt3A_141 : vector<16xi32>
        %add3A_143 = arith.constant 0 : i32
        %add3A_144 = vector.broadcast %add3A_143 : i32 to vector<16xi32>
        %add3A_145 = arith.addi %add3A_144, %all_reduce_ffs3A_139 : vector<16xi32>
        %select_n3A_146 = arith.select %gt3A_142, %add3A_145, %select_n3A_135 : vector<16xi1>, vector<16xi32>
        %eq3A_147 = arith.constant 0 : i32
        %eq3A_148 = vector.broadcast %eq3A_147 : i32 to vector<16xi32>
        %eq3A_149 = arith.cmpi eq, %iota3A, %eq3A_148 : vector<16xi32>
        %jit3A_150 = arith.constant 0 : i32
        %broadcast_in_dim3A_151 = vector.broadcast %jit3A_150 : i32 to vector<16xi32>
        %select_n3A_152 = arith.select %eq3A_149, %select_n3A_146, %broadcast_in_dim3A_151 : vector<16xi1>, vector<16xi32>
        %reduce_max3A_153 = arith.constant true
        %reduce_max3A_154 = vector.broadcast %reduce_max3A_153 : i1 to vector<16xi1>
        %reduce_max3A_155 = arith.constant -2147483648 : i32
        %reduce_max3A_156 = vector.broadcast %reduce_max3A_155 : i32 to vector<16xi32>
        %reduce_max3A_157 = arith.xori %select_n3A_152, %reduce_max3A_156 : vector<16xi32>
        %reduce_max3A_158 = tpu.scan <max>, %reduce_max3A_157 masked %reduce_max3A_154 : vector<16xi32>, vector<16xi1> -> vector<16xi32>
        %reduce_max3A_159 = arith.xori %reduce_max3A_158, %reduce_max3A_156 : vector<16xi32>
        %reduce_max3A_160 = vector.extract %reduce_max3A_159[15] : i32 from vector<16xi32>
        %mul3A_161 = arith.constant 16 : i32
        %mul3A_162 = arith.muli %reduce_max3A_160, %mul3A_161 : i32
        %get3A_163 = arith.index_cast %mul3A_162 : i32 to index
        %get3A_164 = tpu.vector_load %arg12[%get3A_163] {strides = array<i32>} : memref<1280xf32, #tpu.memory_space<vmem>>, vector<16xf32>,
        %mul3A_165 = arith.constant 16 : i32
        %mul3A_166 = arith.muli %reduce_max3A_160, %mul3A_165 : i32
        %eq3A_167 = vector.broadcast %reduce_max3A_90 : f32 to vector<16xf32>
        %eq3A_168 = arith.cmpf oeq, %get3A_164, %eq3A_167 : vector<16xf32>
        %all_reduce_ffs3A_169 = tpu.all_reduce %eq3A_168 {dim = 0 : i64, kind = #tpu.reduction_kind<find_first_set>} : vector<16xi1> -> vector<16xi32>
        %add3A_170 = vector.broadcast %mul3A_166 : i32 to vector<16xi32>
        %add3A_171 = arith.addi %add3A_170, %all_reduce_ffs3A_169 : vector<16xi32>
        %eq3A_172 = arith.constant 0 : i32
        %eq3A_173 = vector.broadcast %eq3A_172 : i32 to vector<16xi32>
        %eq3A_174 = arith.cmpi eq, %iota3A, %eq3A_173 : vector<16xi32>
        %jit3A_175 = arith.constant 0 : i32
        %broadcast_in_dim3A_176 = vector.broadcast %jit3A_175 : i32 to vector<16xi32>
        %select_n3A_177 = arith.select %eq3A_174, %add3A_171, %broadcast_in_dim3A_176 : vector<16xi1>, vector<16xi32>
        %reduce_max3A_178 = arith.constant true
        %reduce_max3A_179 = vector.broadcast %reduce_max3A_178 : i1 to vector<16xi1>
        %reduce_max3A_180 = arith.constant -2147483648 : i32
        %reduce_max3A_181 = vector.broadcast %reduce_max3A_180 : i32 to vector<16xi32>
        %reduce_max3A_182 = arith.xori %select_n3A_177, %reduce_max3A_181 : vector<16xi32>
        %reduce_max3A_183 = tpu.scan <max>, %reduce_max3A_182 masked %reduce_max3A_179 : vector<16xi32>, vector<16xi1> -> vector<16xi32>
        %reduce_max3A_184 = arith.xori %reduce_max3A_183, %reduce_max3A_181 : vector<16xi32>
        %reduce_max3A_185 = vector.extract %reduce_max3A_184[15] : i32 from vector<16xi32>
        %mul3A_186 = arith.constant 16 : i32
        %mul3A_187 = arith.muli %reduce_max3A_185, %mul3A_186 : i32
        %get3A_188 = arith.index_cast %mul3A_187 : i32 to index
        %get3A_189 = tpu.vector_load %arg7[%get3A_188] {strides = array<i32>} : memref<20480xf32, #tpu.memory_space<vmem>>, vector<16xf32>,
        %eq3A_190 = vector.broadcast %reduce_max3A_90 : f32 to vector<16xf32>
        %eq3A_191 = arith.cmpf oeq, %get3A_189, %eq3A_190 : vector<16xf32>
        %all_reduce_ffs3A_192 = tpu.all_reduce %eq3A_191 {dim = 0 : i64, kind = #tpu.reduction_kind<find_first_set>} : vector<16xi1> -> vector<16xi32>
        %mul3A_193 = arith.constant 16 : i32
        %mul3A_194 = arith.muli %reduce_max3A_185, %mul3A_193 : i32
        %add3A_195 = vector.broadcast %mul3A_194 : i32 to vector<16xi32>
        %add3A_196 = arith.addi %add3A_195, %all_reduce_ffs3A_192 : vector<16xi32>
        %eq3A_197 = arith.cmpi eq, %iota3A, %all_reduce_ffs3A_192 : vector<16xi32>
        %jit3A_198 = arith.constant 0.000000e+00 : f32
        %broadcast_in_dim3A_199 = vector.broadcast %jit3A_198 : f32 to vector<16xf32>
        %select_n3A_200 = arith.select %eq3A_197, %broadcast_in_dim3A_199, %get3A_189 : vector<16xi1>, vector<16xf32>
        %mul3A_201 = arith.constant 16 : i32
        %mul3A_202 = arith.muli %reduce_max3A_185, %mul3A_201 : i32
        %swap3A = arith.index_cast %mul3A_202 : i32 to index
        %swap3A_203 = tpu.vector_load %arg7[%swap3A] {strides = array<i32>} : memref<20480xf32, #tpu.memory_space<vmem>>, vector<16xf32>,
        tpu.vector_store %arg7[%swap3A], %select_n3A_200 {strides = array<i32>} : memref<20480xf32, #tpu.memory_space<vmem>>, vector<16xf32>,
        %reduce_max3A_204 = arith.constant true
        %reduce_max3A_205 = vector.broadcast %reduce_max3A_204 : i1 to vector<16xi1>
        %reduce_max3A_206 = tpu.scan <max>, %select_n3A_200 masked %reduce_max3A_205 : vector<16xf32>, vector<16xi1> -> vector<16xf32>
        %reduce_max3A_207 = vector.extract %reduce_max3A_206[15] : f32 from vector<16xf32>
        %mul3A_208 = arith.constant 16 : i32
        %mul3A_209 = arith.muli %reduce_max3A_160, %mul3A_208 : i32
        %sub3A_210 = arith.subi %reduce_max3A_185, %mul3A_209 : i32
        %eq3A_211 = vector.broadcast %sub3A_210 : i32 to vector<16xi32>
        %eq3A_212 = arith.cmpi eq, %iota3A, %eq3A_211 : vector<16xi32>
        %broadcast_in_dim3A_213 = vector.broadcast %reduce_max3A_207 : f32 to vector<16xf32>
        %select_n3A_214 = arith.select %eq3A_212, %broadcast_in_dim3A_213, %get3A_164 : vector<16xi1>, vector<16xf32>
        %mul3A_215 = arith.constant 16 : i32
        %mul3A_216 = arith.muli %reduce_max3A_160, %mul3A_215 : i32
        %swap3A_217 = arith.index_cast %mul3A_216 : i32 to index
        %swap3A_218 = tpu.vector_load %arg12[%swap3A_217] {strides = array<i32>} : memref<1280xf32, #tpu.memory_space<vmem>>, vector<16xf32>,
        tpu.vector_store %arg12[%swap3A_217], %select_n3A_214 {strides = array<i32>} : memref<1280xf32, #tpu.memory_space<vmem>>, vector<16xf32>,
        %reduce_max3A_219 = arith.constant true
        %reduce_max3A_220 = vector.broadcast %reduce_max3A_219 : i1 to vector<16xi1>
        %reduce_max3A_221 = tpu.scan <max>, %select_n3A_214 masked %reduce_max3A_220 : vector<16xf32>, vector<16xi1> -> vector<16xf32>
        %reduce_max3A_222 = vector.extract %reduce_max3A_221[15] : f32 from vector<16xf32>
        %jit3A_223 = arith.constant 16 : i32
        %div3A_224 = arith.divsi %reduce_max3A_160, %jit3A_223 : i32
        %sign3A_225 = arith.constant 0 : i32
        %sign3A_226 = arith.cmpi sgt, %reduce_max3A_160, %sign3A_225 : i32
        %sign3A_227 = arith.extui %sign3A_226 : i1 to i32
        %sign3A_228 = arith.constant 0 : i32
        %sign3A_229 = arith.cmpi slt, %reduce_max3A_160, %sign3A_228 : i32
        %sign3A_230 = arith.extui %sign3A_229 : i1 to i32
        %sign3A_231 = arith.subi %sign3A_227, %sign3A_230 : i32
        %sign3A_232 = arith.constant 0 : i32
        %sign3A_233 = arith.cmpi sgt, %jit3A_223, %sign3A_232 : i32
        %sign3A_234 = arith.extui %sign3A_233 : i1 to i32
        %sign3A_235 = arith.constant 0 : i32
        %sign3A_236 = arith.cmpi slt, %jit3A_223, %sign3A_235 : i32
        %sign3A_237 = arith.extui %sign3A_236 : i1 to i32
        %sign3A_238 = arith.subi %sign3A_234, %sign3A_237 : i32
        %ne3A_239 = arith.cmpi ne, %sign3A_231, %sign3A_238 : i32
        %rem3A_240 = arith.remsi %reduce_max3A_160, %jit3A_223 : i32
        %ne3A_241 = arith.constant 0 : i32
        %ne3A_242 = arith.cmpi ne, %rem3A_240, %ne3A_241 : i32
        %and3A_243 = arith.andi %ne3A_239, %ne3A_242 : i1
        %sub3A_244 = arith.constant 1 : i32
        %sub3A_245 = arith.subi %div3A_224, %sub3A_244 : i32
        %select_n3A_246 = arith.select %and3A_243, %sub3A_245, %div3A_224 : i32
        %mul3A_247 = arith.constant 16 : i32
        %mul3A_248 = arith.muli %select_n3A_246, %mul3A_247 : i32
        %get3A_249 = arith.index_cast %mul3A_248 : i32 to index
        %get3A_250 = tpu.vector_load %arg13[%get3A_249] {strides = array<i32>} : memref<80xf32, #tpu.memory_space<vmem>>, vector<16xf32>,
        %mul3A_251 = arith.constant 16 : i32
        %mul3A_252 = arith.muli %select_n3A_246, %mul3A_251 : i32
        %sub3A_253 = arith.subi %reduce_max3A_160, %mul3A_252 : i32
        %eq3A_254 = vector.broadcast %sub3A_253 : i32 to vector<16xi32>
        %eq3A_255 = arith.cmpi eq, %iota3A, %eq3A_254 : vector<16xi32>
        %broadcast_in_dim3A_256 = vector.broadcast %reduce_max3A_222 : f32 to vector<16xf32>
        %select_n3A_257 = arith.select %eq3A_255, %broadcast_in_dim3A_256, %get3A_250 : vector<16xi1>, vector<16xf32>
        %mul3A_258 = arith.constant 16 : i32
        %mul3A_259 = arith.muli %select_n3A_246, %mul3A_258 : i32
        %swap3A_260 = arith.index_cast %mul3A_259 : i32 to index
        %swap3A_261 = tpu.vector_load %arg13[%swap3A_260] {strides = array<i32>} : memref<80xf32, #tpu.memory_space<vmem>>, vector<16xf32>,
        tpu.vector_store %arg13[%swap3A_260], %select_n3A_257 {strides = array<i32>} : memref<80xf32, #tpu.memory_space<vmem>>, vector<16xf32>,
        %gather3A = tpu.vector_load_idx %arg8[%add3A_196] : memref<20480xf32, #tpu.memory_space<vmem>>[vector<16xi32>], vector<16xf32>,
        %gather3A_262 = tpu.vector_load_idx %arg9[%add3A_196] : memref<20480xf32, #tpu.memory_space<vmem>>[vector<16xi32>], vector<16xf32>,
        %gather3A_263 = tpu.vector_load_idx %arg10[%add3A_196] : memref<20480xf32, #tpu.memory_space<vmem>>[vector<16xi32>], vector<16xf32>,
        %gather3A_264 = tpu.vector_load_idx %arg11[%add3A_196] : memref<20480xf32, #tpu.memory_space<vmem>>[vector<16xi32>], vector<16xf32>,
        %sub3A_265 = arith.subf %gather3A_263, %gather3A : vector<16xf32>
        %max3A_266 = arith.maximumf %sub3A_265, %broadcast_in_dim3A_1 : vector<16xf32>
        %sub3A_267 = arith.subf %gather3A_264, %gather3A_262 : vector<16xf32>
        %max3A_268 = arith.maximumf %sub3A_267, %broadcast_in_dim3A_1 : vector<16xf32>
        %mul3A_269 = arith.mulf %max3A_266, %max3A_268 : vector<16xf32>
        %lt3A_270 = arith.constant 0 : i32
        %lt3A_271 = vector.broadcast %lt3A_270 : i32 to vector<16xi32>
        %lt3A_272 = arith.cmpi slt, %iota3A, %lt3A_271 : vector<16xi32>
        %get3A_273 = arith.constant 0 : index
        %get3A_274 = tpu.vector_load %arg14[%get3A_273] {strides = array<i32>} : memref<224xf32, #tpu.memory_space<vmem>>, vector<16xf32>,
        %get3A_275 = arith.constant 0 : index
        %get3A_276 = tpu.vector_load %arg15[%get3A_275] {strides = array<i32>} : memref<224xf32, #tpu.memory_space<vmem>>, vector<16xf32>,
        %get3A_277 = arith.constant 0 : index
        %get3A_278 = tpu.vector_load %arg16[%get3A_277] {strides = array<i32>} : memref<224xf32, #tpu.memory_space<vmem>>, vector<16xf32>,
        %get3A_279 = arith.constant 0 : index
        %get3A_280 = tpu.vector_load %arg17[%get3A_279] {strides = array<i32>} : memref<224xf32, #tpu.memory_space<vmem>>, vector<16xf32>,
        %get3A_281 = arith.constant 0 : index
        %get3A_282 = tpu.vector_load %arg18[%get3A_281] {strides = array<i32>} : memref<224xf32, #tpu.memory_space<vmem>>, vector<16xf32>,
        %min3A = arith.minimumf %gather3A_263, %get3A_278 : vector<16xf32>
        %max3A_283 = arith.maximumf %gather3A, %get3A_274 : vector<16xf32>
        %sub3A_284 = arith.subf %min3A, %max3A_283 : vector<16xf32>
        %max3A_285 = arith.maximumf %sub3A_284, %broadcast_in_dim3A_1 : vector<16xf32>
        %min3A_286 = arith.minimumf %gather3A_264, %get3A_280 : vector<16xf32>
        %max3A_287 = arith.maximumf %gather3A_262, %get3A_276 : vector<16xf32>
        %sub3A_288 = arith.subf %min3A_286, %max3A_287 : vector<16xf32>
        %max3A_289 = arith.maximumf %sub3A_288, %broadcast_in_dim3A_1 : vector<16xf32>
        %mul3A_290 = arith.mulf %max3A_285, %max3A_289 : vector<16xf32>
        %add3A_291 = arith.addf %mul3A_269, %get3A_282 : vector<16xf32>
        %sub3A_292 = arith.subf %add3A_291, %mul3A_290 : vector<16xf32>
        %max3A_293 = arith.maximumf %sub3A_292, %broadcast_in_dim3A_3 : vector<16xf32>
        %mul3A_294 = arith.mulf %get3A_6, %max3A_293 : vector<16xf32>
        %gt3A_295 = arith.cmpf ogt, %mul3A_290, %mul3A_294 : vector<16xf32>
        %or3A = arith.ori %lt3A_272, %gt3A_295 : vector<16xi1>
        %get3A_296 = arith.constant 16 : index
        %get3A_297 = tpu.vector_load %arg14[%get3A_296] {strides = array<i32>} : memref<224xf32, #tpu.memory_space<vmem>>, vector<16xf32>,
        %get3A_298 = arith.constant 16 : index
        %get3A_299 = tpu.vector_load %arg15[%get3A_298] {strides = array<i32>} : memref<224xf32, #tpu.memory_space<vmem>>, vector<16xf32>,
        %get3A_300 = arith.constant 16 : index
        %get3A_301 = tpu.vector_load %arg16[%get3A_300] {strides = array<i32>} : memref<224xf32, #tpu.memory_space<vmem>>, vector<16xf32>,
        %get3A_302 = arith.constant 16 : index
        %get3A_303 = tpu.vector_load %arg17[%get3A_302] {strides = array<i32>} : memref<224xf32, #tpu.memory_space<vmem>>, vector<16xf32>,
        %get3A_304 = arith.constant 16 : index
        %get3A_305 = tpu.vector_load %arg18[%get3A_304] {strides = array<i32>} : memref<224xf32, #tpu.memory_space<vmem>>, vector<16xf32>,
        %min3A_306 = arith.minimumf %gather3A_263, %get3A_301 : vector<16xf32>
        %max3A_307 = arith.maximumf %gather3A, %get3A_297 : vector<16xf32>
        %sub3A_308 = arith.subf %min3A_306, %max3A_307 : vector<16xf32>
        %max3A_309 = arith.maximumf %sub3A_308, %broadcast_in_dim3A_1 : vector<16xf32>
        %min3A_310 = arith.minimumf %gather3A_264, %get3A_303 : vector<16xf32>
        %max3A_311 = arith.maximumf %gather3A_262, %get3A_299 : vector<16xf32>
        %sub3A_312 = arith.subf %min3A_310, %max3A_311 : vector<16xf32>
        %max3A_313 = arith.maximumf %sub3A_312, %broadcast_in_dim3A_1 : vector<16xf32>
        %mul3A_314 = arith.mulf %max3A_309, %max3A_313 : vector<16xf32>
        %add3A_315 = arith.addf %mul3A_269, %get3A_305 : vector<16xf32>
        %sub3A_316 = arith.subf %add3A_315, %mul3A_314 : vector<16xf32>
        %max3A_317 = arith.maximumf %sub3A_316, %broadcast_in_dim3A_3 : vector<16xf32>
        %mul3A_318 = arith.mulf %get3A_6, %max3A_317 : vector<16xf32>
        %gt3A_319 = arith.cmpf ogt, %mul3A_314, %mul3A_318 : vector<16xf32>
        %or3A_320 = arith.ori %or3A, %gt3A_319 : vector<16xi1>
        %get3A_321 = arith.constant 32 : index
        %get3A_322 = tpu.vector_load %arg14[%get3A_321] {strides = array<i32>} : memref<224xf32, #tpu.memory_space<vmem>>, vector<16xf32>,
        %get3A_323 = arith.constant 32 : index
        %get3A_324 = tpu.vector_load %arg15[%get3A_323] {strides = array<i32>} : memref<224xf32, #tpu.memory_space<vmem>>, vector<16xf32>,
        %get3A_325 = arith.constant 32 : index
        %get3A_326 = tpu.vector_load %arg16[%get3A_325] {strides = array<i32>} : memref<224xf32, #tpu.memory_space<vmem>>, vector<16xf32>,
        %get3A_327 = arith.constant 32 : index
        %get3A_328 = tpu.vector_load %arg17[%get3A_327] {strides = array<i32>} : memref<224xf32, #tpu.memory_space<vmem>>, vector<16xf32>,
        %get3A_329 = arith.constant 32 : index
        %get3A_330 = tpu.vector_load %arg18[%get3A_329] {strides = array<i32>} : memref<224xf32, #tpu.memory_space<vmem>>, vector<16xf32>,
        %min3A_331 = arith.minimumf %gather3A_263, %get3A_326 : vector<16xf32>
        %max3A_332 = arith.maximumf %gather3A, %get3A_322 : vector<16xf32>
        %sub3A_333 = arith.subf %min3A_331, %max3A_332 : vector<16xf32>
        %max3A_334 = arith.maximumf %sub3A_333, %broadcast_in_dim3A_1 : vector<16xf32>
        %min3A_335 = arith.minimumf %gather3A_264, %get3A_328 : vector<16xf32>
        %max3A_336 = arith.maximumf %gather3A_262, %get3A_324 : vector<16xf32>
        %sub3A_337 = arith.subf %min3A_335, %max3A_336 : vector<16xf32>
        %max3A_338 = arith.maximumf %sub3A_337, %broadcast_in_dim3A_1 : vector<16xf32>
        %mul3A_339 = arith.mulf %max3A_334, %max3A_338 : vector<16xf32>
        %add3A_340 = arith.addf %mul3A_269, %get3A_330 : vector<16xf32>
        %sub3A_341 = arith.subf %add3A_340, %mul3A_339 : vector<16xf32>
        %max3A_342 = arith.maximumf %sub3A_341, %broadcast_in_dim3A_3 : vector<16xf32>
        %mul3A_343 = arith.mulf %get3A_6, %max3A_342 : vector<16xf32>
        %gt3A_344 = arith.cmpf ogt, %mul3A_339, %mul3A_343 : vector<16xf32>
        %or3A_345 = arith.ori %or3A_320, %gt3A_344 : vector<16xi1>
        %get3A_346 = arith.constant 48 : index
        %get3A_347 = tpu.vector_load %arg14[%get3A_346] {strides = array<i32>} : memref<224xf32, #tpu.memory_space<vmem>>, vector<16xf32>,
        %get3A_348 = arith.constant 48 : index
        %get3A_349 = tpu.vector_load %arg15[%get3A_348] {strides = array<i32>} : memref<224xf32, #tpu.memory_space<vmem>>, vector<16xf32>,
        %get3A_350 = arith.constant 48 : index
        %get3A_351 = tpu.vector_load %arg16[%get3A_350] {strides = array<i32>} : memref<224xf32, #tpu.memory_space<vmem>>, vector<16xf32>,
        %get3A_352 = arith.constant 48 : index
        %get3A_353 = tpu.vector_load %arg17[%get3A_352] {strides = array<i32>} : memref<224xf32, #tpu.memory_space<vmem>>, vector<16xf32>,
        %get3A_354 = arith.constant 48 : index
        %get3A_355 = tpu.vector_load %arg18[%get3A_354] {strides = array<i32>} : memref<224xf32, #tpu.memory_space<vmem>>, vector<16xf32>,
        %min3A_356 = arith.minimumf %gather3A_263, %get3A_351 : vector<16xf32>
        %max3A_357 = arith.maximumf %gather3A, %get3A_347 : vector<16xf32>
        %sub3A_358 = arith.subf %min3A_356, %max3A_357 : vector<16xf32>
        %max3A_359 = arith.maximumf %sub3A_358, %broadcast_in_dim3A_1 : vector<16xf32>
        %min3A_360 = arith.minimumf %gather3A_264, %get3A_353 : vector<16xf32>
        %max3A_361 = arith.maximumf %gather3A_262, %get3A_349 : vector<16xf32>
        %sub3A_362 = arith.subf %min3A_360, %max3A_361 : vector<16xf32>
        %max3A_363 = arith.maximumf %sub3A_362, %broadcast_in_dim3A_1 : vector<16xf32>
        %mul3A_364 = arith.mulf %max3A_359, %max3A_363 : vector<16xf32>
        %add3A_365 = arith.addf %mul3A_269, %get3A_355 : vector<16xf32>
        %sub3A_366 = arith.subf %add3A_365, %mul3A_364 : vector<16xf32>
        %max3A_367 = arith.maximumf %sub3A_366, %broadcast_in_dim3A_3 : vector<16xf32>
        %mul3A_368 = arith.mulf %get3A_6, %max3A_367 : vector<16xf32>
        %gt3A_369 = arith.cmpf ogt, %mul3A_364, %mul3A_368 : vector<16xf32>
        %or3A_370 = arith.ori %or3A_345, %gt3A_369 : vector<16xi1>
        %get3A_371 = arith.constant 64 : index
        %get3A_372 = tpu.vector_load %arg14[%get3A_371] {strides = array<i32>} : memref<224xf32, #tpu.memory_space<vmem>>, vector<16xf32>,
        %get3A_373 = arith.constant 64 : index
        %get3A_374 = tpu.vector_load %arg15[%get3A_373] {strides = array<i32>} : memref<224xf32, #tpu.memory_space<vmem>>, vector<16xf32>,
        %get3A_375 = arith.constant 64 : index
        %get3A_376 = tpu.vector_load %arg16[%get3A_375] {strides = array<i32>} : memref<224xf32, #tpu.memory_space<vmem>>, vector<16xf32>,
        %get3A_377 = arith.constant 64 : index
        %get3A_378 = tpu.vector_load %arg17[%get3A_377] {strides = array<i32>} : memref<224xf32, #tpu.memory_space<vmem>>, vector<16xf32>,
        %get3A_379 = arith.constant 64 : index
        %get3A_380 = tpu.vector_load %arg18[%get3A_379] {strides = array<i32>} : memref<224xf32, #tpu.memory_space<vmem>>, vector<16xf32>,
        %min3A_381 = arith.minimumf %gather3A_263, %get3A_376 : vector<16xf32>
        %max3A_382 = arith.maximumf %gather3A, %get3A_372 : vector<16xf32>
        %sub3A_383 = arith.subf %min3A_381, %max3A_382 : vector<16xf32>
        %max3A_384 = arith.maximumf %sub3A_383, %broadcast_in_dim3A_1 : vector<16xf32>
        %min3A_385 = arith.minimumf %gather3A_264, %get3A_378 : vector<16xf32>
        %max3A_386 = arith.maximumf %gather3A_262, %get3A_374 : vector<16xf32>
        %sub3A_387 = arith.subf %min3A_385, %max3A_386 : vector<16xf32>
        %max3A_388 = arith.maximumf %sub3A_387, %broadcast_in_dim3A_1 : vector<16xf32>
        %mul3A_389 = arith.mulf %max3A_384, %max3A_388 : vector<16xf32>
        %add3A_390 = arith.addf %mul3A_269, %get3A_380 : vector<16xf32>
        %sub3A_391 = arith.subf %add3A_390, %mul3A_389 : vector<16xf32>
        %max3A_392 = arith.maximumf %sub3A_391, %broadcast_in_dim3A_3 : vector<16xf32>
        %mul3A_393 = arith.mulf %get3A_6, %max3A_392 : vector<16xf32>
        %gt3A_394 = arith.cmpf ogt, %mul3A_389, %mul3A_393 : vector<16xf32>
        %or3A_395 = arith.ori %or3A_370, %gt3A_394 : vector<16xi1>
        %get3A_396 = arith.constant 80 : index
        %get3A_397 = tpu.vector_load %arg14[%get3A_396] {strides = array<i32>} : memref<224xf32, #tpu.memory_space<vmem>>, vector<16xf32>,
        %get3A_398 = arith.constant 80 : index
        %get3A_399 = tpu.vector_load %arg15[%get3A_398] {strides = array<i32>} : memref<224xf32, #tpu.memory_space<vmem>>, vector<16xf32>,
        %get3A_400 = arith.constant 80 : index
        %get3A_401 = tpu.vector_load %arg16[%get3A_400] {strides = array<i32>} : memref<224xf32, #tpu.memory_space<vmem>>, vector<16xf32>,
        %get3A_402 = arith.constant 80 : index
        %get3A_403 = tpu.vector_load %arg17[%get3A_402] {strides = array<i32>} : memref<224xf32, #tpu.memory_space<vmem>>, vector<16xf32>,
        %get3A_404 = arith.constant 80 : index
        %get3A_405 = tpu.vector_load %arg18[%get3A_404] {strides = array<i32>} : memref<224xf32, #tpu.memory_space<vmem>>, vector<16xf32>,
        %min3A_406 = arith.minimumf %gather3A_263, %get3A_401 : vector<16xf32>
        %max3A_407 = arith.maximumf %gather3A, %get3A_397 : vector<16xf32>
        %sub3A_408 = arith.subf %min3A_406, %max3A_407 : vector<16xf32>
        %max3A_409 = arith.maximumf %sub3A_408, %broadcast_in_dim3A_1 : vector<16xf32>
        %min3A_410 = arith.minimumf %gather3A_264, %get3A_403 : vector<16xf32>
        %max3A_411 = arith.maximumf %gather3A_262, %get3A_399 : vector<16xf32>
        %sub3A_412 = arith.subf %min3A_410, %max3A_411 : vector<16xf32>
        %max3A_413 = arith.maximumf %sub3A_412, %broadcast_in_dim3A_1 : vector<16xf32>
        %mul3A_414 = arith.mulf %max3A_409, %max3A_413 : vector<16xf32>
        %add3A_415 = arith.addf %mul3A_269, %get3A_405 : vector<16xf32>
        %sub3A_416 = arith.subf %add3A_415, %mul3A_414 : vector<16xf32>
        %max3A_417 = arith.maximumf %sub3A_416, %broadcast_in_dim3A_3 : vector<16xf32>
        %mul3A_418 = arith.mulf %get3A_6, %max3A_417 : vector<16xf32>
        %gt3A_419 = arith.cmpf ogt, %mul3A_414, %mul3A_418 : vector<16xf32>
        %or3A_420 = arith.ori %or3A_395, %gt3A_419 : vector<16xi1>
        %get3A_421 = arith.constant 96 : index
        %get3A_422 = tpu.vector_load %arg14[%get3A_421] {strides = array<i32>} : memref<224xf32, #tpu.memory_space<vmem>>, vector<16xf32>,
        %get3A_423 = arith.constant 96 : index
        %get3A_424 = tpu.vector_load %arg15[%get3A_423] {strides = array<i32>} : memref<224xf32, #tpu.memory_space<vmem>>, vector<16xf32>,
        %get3A_425 = arith.constant 96 : index
        %get3A_426 = tpu.vector_load %arg16[%get3A_425] {strides = array<i32>} : memref<224xf32, #tpu.memory_space<vmem>>, vector<16xf32>,
        %get3A_427 = arith.constant 96 : index
        %get3A_428 = tpu.vector_load %arg17[%get3A_427] {strides = array<i32>} : memref<224xf32, #tpu.memory_space<vmem>>, vector<16xf32>,
        %get3A_429 = arith.constant 96 : index
        %get3A_430 = tpu.vector_load %arg18[%get3A_429] {strides = array<i32>} : memref<224xf32, #tpu.memory_space<vmem>>, vector<16xf32>,
        %min3A_431 = arith.minimumf %gather3A_263, %get3A_426 : vector<16xf32>
        %max3A_432 = arith.maximumf %gather3A, %get3A_422 : vector<16xf32>
        %sub3A_433 = arith.subf %min3A_431, %max3A_432 : vector<16xf32>
        %max3A_434 = arith.maximumf %sub3A_433, %broadcast_in_dim3A_1 : vector<16xf32>
        %min3A_435 = arith.minimumf %gather3A_264, %get3A_428 : vector<16xf32>
        %max3A_436 = arith.maximumf %gather3A_262, %get3A_424 : vector<16xf32>
        %sub3A_437 = arith.subf %min3A_435, %max3A_436 : vector<16xf32>
        %max3A_438 = arith.maximumf %sub3A_437, %broadcast_in_dim3A_1 : vector<16xf32>
        %mul3A_439 = arith.mulf %max3A_434, %max3A_438 : vector<16xf32>
        %add3A_440 = arith.addf %mul3A_269, %get3A_430 : vector<16xf32>
        %sub3A_441 = arith.subf %add3A_440, %mul3A_439 : vector<16xf32>
        %max3A_442 = arith.maximumf %sub3A_441, %broadcast_in_dim3A_3 : vector<16xf32>
        %mul3A_443 = arith.mulf %get3A_6, %max3A_442 : vector<16xf32>
        %gt3A_444 = arith.cmpf ogt, %mul3A_439, %mul3A_443 : vector<16xf32>
        %or3A_445 = arith.ori %or3A_420, %gt3A_444 : vector<16xi1>
        %get3A_446 = arith.constant 112 : index
        %get3A_447 = tpu.vector_load %arg14[%get3A_446] {strides = array<i32>} : memref<224xf32, #tpu.memory_space<vmem>>, vector<16xf32>,
        %get3A_448 = arith.constant 112 : index
        %get3A_449 = tpu.vector_load %arg15[%get3A_448] {strides = array<i32>} : memref<224xf32, #tpu.memory_space<vmem>>, vector<16xf32>,
        %get3A_450 = arith.constant 112 : index
        %get3A_451 = tpu.vector_load %arg16[%get3A_450] {strides = array<i32>} : memref<224xf32, #tpu.memory_space<vmem>>, vector<16xf32>,
        %get3A_452 = arith.constant 112 : index
        %get3A_453 = tpu.vector_load %arg17[%get3A_452] {strides = array<i32>} : memref<224xf32, #tpu.memory_space<vmem>>, vector<16xf32>,
        %get3A_454 = arith.constant 112 : index
        %get3A_455 = tpu.vector_load %arg18[%get3A_454] {strides = array<i32>} : memref<224xf32, #tpu.memory_space<vmem>>, vector<16xf32>,
        %min3A_456 = arith.minimumf %gather3A_263, %get3A_451 : vector<16xf32>
        %max3A_457 = arith.maximumf %gather3A, %get3A_447 : vector<16xf32>
        %sub3A_458 = arith.subf %min3A_456, %max3A_457 : vector<16xf32>
        %max3A_459 = arith.maximumf %sub3A_458, %broadcast_in_dim3A_1 : vector<16xf32>
        %min3A_460 = arith.minimumf %gather3A_264, %get3A_453 : vector<16xf32>
        %max3A_461 = arith.maximumf %gather3A_262, %get3A_449 : vector<16xf32>
        %sub3A_462 = arith.subf %min3A_460, %max3A_461 : vector<16xf32>
        %max3A_463 = arith.maximumf %sub3A_462, %broadcast_in_dim3A_1 : vector<16xf32>
        %mul3A_464 = arith.mulf %max3A_459, %max3A_463 : vector<16xf32>
        %add3A_465 = arith.addf %mul3A_269, %get3A_455 : vector<16xf32>
        %sub3A_466 = arith.subf %add3A_465, %mul3A_464 : vector<16xf32>
        %max3A_467 = arith.maximumf %sub3A_466, %broadcast_in_dim3A_3 : vector<16xf32>
        %mul3A_468 = arith.mulf %get3A_6, %max3A_467 : vector<16xf32>
        %gt3A_469 = arith.cmpf ogt, %mul3A_464, %mul3A_468 : vector<16xf32>
        %or3A_470 = arith.ori %or3A_445, %gt3A_469 : vector<16xi1>
        %get3A_471 = arith.constant 128 : index
        %get3A_472 = tpu.vector_load %arg14[%get3A_471] {strides = array<i32>} : memref<224xf32, #tpu.memory_space<vmem>>, vector<16xf32>,
        %get3A_473 = arith.constant 128 : index
        %get3A_474 = tpu.vector_load %arg15[%get3A_473] {strides = array<i32>} : memref<224xf32, #tpu.memory_space<vmem>>, vector<16xf32>,
        %get3A_475 = arith.constant 128 : index
        %get3A_476 = tpu.vector_load %arg16[%get3A_475] {strides = array<i32>} : memref<224xf32, #tpu.memory_space<vmem>>, vector<16xf32>,
        %get3A_477 = arith.constant 128 : index
        %get3A_478 = tpu.vector_load %arg17[%get3A_477] {strides = array<i32>} : memref<224xf32, #tpu.memory_space<vmem>>, vector<16xf32>,
        %get3A_479 = arith.constant 128 : index
        %get3A_480 = tpu.vector_load %arg18[%get3A_479] {strides = array<i32>} : memref<224xf32, #tpu.memory_space<vmem>>, vector<16xf32>,
        %min3A_481 = arith.minimumf %gather3A_263, %get3A_476 : vector<16xf32>
        %max3A_482 = arith.maximumf %gather3A, %get3A_472 : vector<16xf32>
        %sub3A_483 = arith.subf %min3A_481, %max3A_482 : vector<16xf32>
        %max3A_484 = arith.maximumf %sub3A_483, %broadcast_in_dim3A_1 : vector<16xf32>
        %min3A_485 = arith.minimumf %gather3A_264, %get3A_478 : vector<16xf32>
        %max3A_486 = arith.maximumf %gather3A_262, %get3A_474 : vector<16xf32>
        %sub3A_487 = arith.subf %min3A_485, %max3A_486 : vector<16xf32>
        %max3A_488 = arith.maximumf %sub3A_487, %broadcast_in_dim3A_1 : vector<16xf32>
        %mul3A_489 = arith.mulf %max3A_484, %max3A_488 : vector<16xf32>
        %add3A_490 = arith.addf %mul3A_269, %get3A_480 : vector<16xf32>
        %sub3A_491 = arith.subf %add3A_490, %mul3A_489 : vector<16xf32>
        %max3A_492 = arith.maximumf %sub3A_491, %broadcast_in_dim3A_3 : vector<16xf32>
        %mul3A_493 = arith.mulf %get3A_6, %max3A_492 : vector<16xf32>
        %gt3A_494 = arith.cmpf ogt, %mul3A_489, %mul3A_493 : vector<16xf32>
        %or3A_495 = arith.ori %or3A_470, %gt3A_494 : vector<16xi1>
        %get3A_496 = arith.constant 144 : index
        %get3A_497 = tpu.vector_load %arg14[%get3A_496] {strides = array<i32>} : memref<224xf32, #tpu.memory_space<vmem>>, vector<16xf32>,
        %get3A_498 = arith.constant 144 : index
        %get3A_499 = tpu.vector_load %arg15[%get3A_498] {strides = array<i32>} : memref<224xf32, #tpu.memory_space<vmem>>, vector<16xf32>,
        %get3A_500 = arith.constant 144 : index
        %get3A_501 = tpu.vector_load %arg16[%get3A_500] {strides = array<i32>} : memref<224xf32, #tpu.memory_space<vmem>>, vector<16xf32>,
        %get3A_502 = arith.constant 144 : index
        %get3A_503 = tpu.vector_load %arg17[%get3A_502] {strides = array<i32>} : memref<224xf32, #tpu.memory_space<vmem>>, vector<16xf32>,
        %get3A_504 = arith.constant 144 : index
        %get3A_505 = tpu.vector_load %arg18[%get3A_504] {strides = array<i32>} : memref<224xf32, #tpu.memory_space<vmem>>, vector<16xf32>,
        %min3A_506 = arith.minimumf %gather3A_263, %get3A_501 : vector<16xf32>
        %max3A_507 = arith.maximumf %gather3A, %get3A_497 : vector<16xf32>
        %sub3A_508 = arith.subf %min3A_506, %max3A_507 : vector<16xf32>
        %max3A_509 = arith.maximumf %sub3A_508, %broadcast_in_dim3A_1 : vector<16xf32>
        %min3A_510 = arith.minimumf %gather3A_264, %get3A_503 : vector<16xf32>
        %max3A_511 = arith.maximumf %gather3A_262, %get3A_499 : vector<16xf32>
        %sub3A_512 = arith.subf %min3A_510, %max3A_511 : vector<16xf32>
        %max3A_513 = arith.maximumf %sub3A_512, %broadcast_in_dim3A_1 : vector<16xf32>
        %mul3A_514 = arith.mulf %max3A_509, %max3A_513 : vector<16xf32>
        %add3A_515 = arith.addf %mul3A_269, %get3A_505 : vector<16xf32>
        %sub3A_516 = arith.subf %add3A_515, %mul3A_514 : vector<16xf32>
        %max3A_517 = arith.maximumf %sub3A_516, %broadcast_in_dim3A_3 : vector<16xf32>
        %mul3A_518 = arith.mulf %get3A_6, %max3A_517 : vector<16xf32>
        %gt3A_519 = arith.cmpf ogt, %mul3A_514, %mul3A_518 : vector<16xf32>
        %or3A_520 = arith.ori %or3A_495, %gt3A_519 : vector<16xi1>
        %get3A_521 = arith.constant 160 : index
        %get3A_522 = tpu.vector_load %arg14[%get3A_521] {strides = array<i32>} : memref<224xf32, #tpu.memory_space<vmem>>, vector<16xf32>,
        %get3A_523 = arith.constant 160 : index
        %get3A_524 = tpu.vector_load %arg15[%get3A_523] {strides = array<i32>} : memref<224xf32, #tpu.memory_space<vmem>>, vector<16xf32>,
        %get3A_525 = arith.constant 160 : index
        %get3A_526 = tpu.vector_load %arg16[%get3A_525] {strides = array<i32>} : memref<224xf32, #tpu.memory_space<vmem>>, vector<16xf32>,
        %get3A_527 = arith.constant 160 : index
        %get3A_528 = tpu.vector_load %arg17[%get3A_527] {strides = array<i32>} : memref<224xf32, #tpu.memory_space<vmem>>, vector<16xf32>,
        %get3A_529 = arith.constant 160 : index
        %get3A_530 = tpu.vector_load %arg18[%get3A_529] {strides = array<i32>} : memref<224xf32, #tpu.memory_space<vmem>>, vector<16xf32>,
        %min3A_531 = arith.minimumf %gather3A_263, %get3A_526 : vector<16xf32>
        %max3A_532 = arith.maximumf %gather3A, %get3A_522 : vector<16xf32>
        %sub3A_533 = arith.subf %min3A_531, %max3A_532 : vector<16xf32>
        %max3A_534 = arith.maximumf %sub3A_533, %broadcast_in_dim3A_1 : vector<16xf32>
        %min3A_535 = arith.minimumf %gather3A_264, %get3A_528 : vector<16xf32>
        %max3A_536 = arith.maximumf %gather3A_262, %get3A_524 : vector<16xf32>
        %sub3A_537 = arith.subf %min3A_535, %max3A_536 : vector<16xf32>
        %max3A_538 = arith.maximumf %sub3A_537, %broadcast_in_dim3A_1 : vector<16xf32>
        %mul3A_539 = arith.mulf %max3A_534, %max3A_538 : vector<16xf32>
        %add3A_540 = arith.addf %mul3A_269, %get3A_530 : vector<16xf32>
        %sub3A_541 = arith.subf %add3A_540, %mul3A_539 : vector<16xf32>
        %max3A_542 = arith.maximumf %sub3A_541, %broadcast_in_dim3A_3 : vector<16xf32>
        %mul3A_543 = arith.mulf %get3A_6, %max3A_542 : vector<16xf32>
        %gt3A_544 = arith.cmpf ogt, %mul3A_539, %mul3A_543 : vector<16xf32>
        %or3A_545 = arith.ori %or3A_520, %gt3A_544 : vector<16xi1>
        %get3A_546 = arith.constant 176 : index
        %get3A_547 = tpu.vector_load %arg14[%get3A_546] {strides = array<i32>} : memref<224xf32, #tpu.memory_space<vmem>>, vector<16xf32>,
        %get3A_548 = arith.constant 176 : index
        %get3A_549 = tpu.vector_load %arg15[%get3A_548] {strides = array<i32>} : memref<224xf32, #tpu.memory_space<vmem>>, vector<16xf32>,
        %get3A_550 = arith.constant 176 : index
        %get3A_551 = tpu.vector_load %arg16[%get3A_550] {strides = array<i32>} : memref<224xf32, #tpu.memory_space<vmem>>, vector<16xf32>,
        %get3A_552 = arith.constant 176 : index
        %get3A_553 = tpu.vector_load %arg17[%get3A_552] {strides = array<i32>} : memref<224xf32, #tpu.memory_space<vmem>>, vector<16xf32>,
        %get3A_554 = arith.constant 176 : index
        %get3A_555 = tpu.vector_load %arg18[%get3A_554] {strides = array<i32>} : memref<224xf32, #tpu.memory_space<vmem>>, vector<16xf32>,
        %min3A_556 = arith.minimumf %gather3A_263, %get3A_551 : vector<16xf32>
        %max3A_557 = arith.maximumf %gather3A, %get3A_547 : vector<16xf32>
        %sub3A_558 = arith.subf %min3A_556, %max3A_557 : vector<16xf32>
        %max3A_559 = arith.maximumf %sub3A_558, %broadcast_in_dim3A_1 : vector<16xf32>
        %min3A_560 = arith.minimumf %gather3A_264, %get3A_553 : vector<16xf32>
        %max3A_561 = arith.maximumf %gather3A_262, %get3A_549 : vector<16xf32>
        %sub3A_562 = arith.subf %min3A_560, %max3A_561 : vector<16xf32>
        %max3A_563 = arith.maximumf %sub3A_562, %broadcast_in_dim3A_1 : vector<16xf32>
        %mul3A_564 = arith.mulf %max3A_559, %max3A_563 : vector<16xf32>
        %add3A_565 = arith.addf %mul3A_269, %get3A_555 : vector<16xf32>
        %sub3A_566 = arith.subf %add3A_565, %mul3A_564 : vector<16xf32>
        %max3A_567 = arith.maximumf %sub3A_566, %broadcast_in_dim3A_3 : vector<16xf32>
        %mul3A_568 = arith.mulf %get3A_6, %max3A_567 : vector<16xf32>
        %gt3A_569 = arith.cmpf ogt, %mul3A_564, %mul3A_568 : vector<16xf32>
        %or3A_570 = arith.ori %or3A_545, %gt3A_569 : vector<16xi1>
        %get3A_571 = arith.constant 192 : index
        %get3A_572 = tpu.vector_load %arg14[%get3A_571] {strides = array<i32>} : memref<224xf32, #tpu.memory_space<vmem>>, vector<16xf32>,
        %get3A_573 = arith.constant 192 : index
        %get3A_574 = tpu.vector_load %arg15[%get3A_573] {strides = array<i32>} : memref<224xf32, #tpu.memory_space<vmem>>, vector<16xf32>,
        %get3A_575 = arith.constant 192 : index
        %get3A_576 = tpu.vector_load %arg16[%get3A_575] {strides = array<i32>} : memref<224xf32, #tpu.memory_space<vmem>>, vector<16xf32>,
        %get3A_577 = arith.constant 192 : index
        %get3A_578 = tpu.vector_load %arg17[%get3A_577] {strides = array<i32>} : memref<224xf32, #tpu.memory_space<vmem>>, vector<16xf32>,
        %get3A_579 = arith.constant 192 : index
        %get3A_580 = tpu.vector_load %arg18[%get3A_579] {strides = array<i32>} : memref<224xf32, #tpu.memory_space<vmem>>, vector<16xf32>,
        %min3A_581 = arith.minimumf %gather3A_263, %get3A_576 : vector<16xf32>
        %max3A_582 = arith.maximumf %gather3A, %get3A_572 : vector<16xf32>
        %sub3A_583 = arith.subf %min3A_581, %max3A_582 : vector<16xf32>
        %max3A_584 = arith.maximumf %sub3A_583, %broadcast_in_dim3A_1 : vector<16xf32>
        %min3A_585 = arith.minimumf %gather3A_264, %get3A_578 : vector<16xf32>
        %max3A_586 = arith.maximumf %gather3A_262, %get3A_574 : vector<16xf32>
        %sub3A_587 = arith.subf %min3A_585, %max3A_586 : vector<16xf32>
        %max3A_588 = arith.maximumf %sub3A_587, %broadcast_in_dim3A_1 : vector<16xf32>
        %mul3A_589 = arith.mulf %max3A_584, %max3A_588 : vector<16xf32>
        %add3A_590 = arith.addf %mul3A_269, %get3A_580 : vector<16xf32>
        %sub3A_591 = arith.subf %add3A_590, %mul3A_589 : vector<16xf32>
        %max3A_592 = arith.maximumf %sub3A_591, %broadcast_in_dim3A_3 : vector<16xf32>
        %mul3A_593 = arith.mulf %get3A_6, %max3A_592 : vector<16xf32>
        %gt3A_594 = arith.cmpf ogt, %mul3A_589, %mul3A_593 : vector<16xf32>
        %or3A_595 = arith.ori %or3A_570, %gt3A_594 : vector<16xi1>
        %get3A_596 = arith.constant 208 : index
        %get3A_597 = tpu.vector_load %arg14[%get3A_596] {strides = array<i32>} : memref<224xf32, #tpu.memory_space<vmem>>, vector<16xf32>,
        %get3A_598 = arith.constant 208 : index
        %get3A_599 = tpu.vector_load %arg15[%get3A_598] {strides = array<i32>} : memref<224xf32, #tpu.memory_space<vmem>>, vector<16xf32>,
        %get3A_600 = arith.constant 208 : index
        %get3A_601 = tpu.vector_load %arg16[%get3A_600] {strides = array<i32>} : memref<224xf32, #tpu.memory_space<vmem>>, vector<16xf32>,
        %get3A_602 = arith.constant 208 : index
        %get3A_603 = tpu.vector_load %arg17[%get3A_602] {strides = array<i32>} : memref<224xf32, #tpu.memory_space<vmem>>, vector<16xf32>,
        %get3A_604 = arith.constant 208 : index
        %get3A_605 = tpu.vector_load %arg18[%get3A_604] {strides = array<i32>} : memref<224xf32, #tpu.memory_space<vmem>>, vector<16xf32>,
        %min3A_606 = arith.minimumf %gather3A_263, %get3A_601 : vector<16xf32>
        %max3A_607 = arith.maximumf %gather3A, %get3A_597 : vector<16xf32>
        %sub3A_608 = arith.subf %min3A_606, %max3A_607 : vector<16xf32>
        %max3A_609 = arith.maximumf %sub3A_608, %broadcast_in_dim3A_1 : vector<16xf32>
        %min3A_610 = arith.minimumf %gather3A_264, %get3A_603 : vector<16xf32>
        %max3A_611 = arith.maximumf %gather3A_262, %get3A_599 : vector<16xf32>
        %sub3A_612 = arith.subf %min3A_610, %max3A_611 : vector<16xf32>
        %max3A_613 = arith.maximumf %sub3A_612, %broadcast_in_dim3A_1 : vector<16xf32>
        %mul3A_614 = arith.mulf %max3A_609, %max3A_613 : vector<16xf32>
        %add3A_615 = arith.addf %mul3A_269, %get3A_605 : vector<16xf32>
        %sub3A_616 = arith.subf %add3A_615, %mul3A_614 : vector<16xf32>
        %max3A_617 = arith.maximumf %sub3A_616, %broadcast_in_dim3A_3 : vector<16xf32>
        %mul3A_618 = arith.mulf %get3A_6, %max3A_617 : vector<16xf32>
        %gt3A_619 = arith.cmpf ogt, %mul3A_614, %mul3A_618 : vector<16xf32>
        %or3A_620 = arith.ori %or3A_595, %gt3A_619 : vector<16xi1>
        %all_reduce_population_count3A_621 = tpu.all_reduce %or3A_620 {dim = 0 : i64, kind = #tpu.reduction_kind<sum>} : vector<16xi1> -> vector<16xi32>
        %reduce_max3A_622 = arith.constant true
        %reduce_max3A_623 = vector.broadcast %reduce_max3A_622 : i1 to vector<16xi1>
        %reduce_max3A_624 = arith.constant -2147483648 : i32
        %reduce_max3A_625 = vector.broadcast %reduce_max3A_624 : i32 to vector<16xi32>
        %reduce_max3A_626 = arith.xori %all_reduce_population_count3A_621, %reduce_max3A_625 : vector<16xi32>
        %reduce_max3A_627 = tpu.scan <max>, %reduce_max3A_626 masked %reduce_max3A_623 : vector<16xi32>, vector<16xi1> -> vector<16xi32>
        %reduce_max3A_628 = arith.xori %reduce_max3A_627, %reduce_max3A_625 : vector<16xi32>
        %reduce_max3A_629 = vector.extract %reduce_max3A_628[15] : i32 from vector<16xi32>
        %gt3A_630 = arith.constant 0 : i32
        %gt3A_631 = arith.cmpi sgt, %reduce_max3A_629, %gt3A_630 : i32
        %not3A = arith.constant true
        %not3A_632 = arith.xori %gt3A_631, %not3A : i1
        %and3A_633 = arith.andi %gt3A_91, %not3A_632 : i1
        %convert_element_type3A_634 = arith.extui %and3A_633 : i1 to i32
        %cond3A_635 = arith.constant 0 : i32
        %cond3A_636 = arith.cmpi ne, %convert_element_type3A_634, %cond3A_635 : i32
        scf.if %cond3A_636 {
          %jit3A_643 = arith.constant 16 : i32
          %div3A_644 = arith.divsi %while3A_73, %jit3A_643 : i32
          %sign3A_645 = arith.constant 0 : i32
          %sign3A_646 = arith.cmpi sgt, %while3A_73, %sign3A_645 : i32
          %sign3A_647 = arith.extui %sign3A_646 : i1 to i32
          %sign3A_648 = arith.constant 0 : i32
          %sign3A_649 = arith.cmpi slt, %while3A_73, %sign3A_648 : i32
          %sign3A_650 = arith.extui %sign3A_649 : i1 to i32
          %sign3A_651 = arith.subi %sign3A_647, %sign3A_650 : i32
          %sign3A_652 = arith.constant 0 : i32
          %sign3A_653 = arith.cmpi sgt, %jit3A_643, %sign3A_652 : i32
          %sign3A_654 = arith.extui %sign3A_653 : i1 to i32
          %sign3A_655 = arith.constant 0 : i32
          %sign3A_656 = arith.cmpi slt, %jit3A_643, %sign3A_655 : i32
          %sign3A_657 = arith.extui %sign3A_656 : i1 to i32
          %sign3A_658 = arith.subi %sign3A_654, %sign3A_657 : i32
          %ne3A_659 = arith.cmpi ne, %sign3A_651, %sign3A_658 : i32
          %rem3A_660 = arith.remsi %while3A_73, %jit3A_643 : i32
          %ne3A_661 = arith.constant 0 : i32
          %ne3A_662 = arith.cmpi ne, %rem3A_660, %ne3A_661 : i32
          %and3A_663 = arith.andi %ne3A_659, %ne3A_662 : i1
          %sub3A_664 = arith.constant 1 : i32
          %sub3A_665 = arith.subi %div3A_644, %sub3A_664 : i32
          %select_n3A_666 = arith.select %and3A_663, %sub3A_665, %div3A_644 : i32
          %mul3A_667 = arith.constant 16 : i32
          %mul3A_668 = arith.muli %select_n3A_666, %mul3A_667 : i32
          %sub3A_669 = arith.subi %while3A_73, %mul3A_668 : i32
          %get3A_670 = arith.index_cast %mul3A_668 : i32 to index
          %get3A_671 = tpu.vector_load %arg14[%get3A_670] {strides = array<i32>} : memref<224xf32, #tpu.memory_space<vmem>>, vector<16xf32>,
          %eq3A_672 = vector.broadcast %sub3A_669 : i32 to vector<16xi32>
          %eq3A_673 = arith.cmpi eq, %iota3A, %eq3A_672 : vector<16xi32>
          %select_n3A_674 = arith.select %eq3A_673, %gather3A, %get3A_671 : vector<16xi1>, vector<16xf32>
          %swap3A_675 = arith.index_cast %mul3A_668 : i32 to index
          %swap3A_676 = tpu.vector_load %arg14[%swap3A_675] {strides = array<i32>} : memref<224xf32, #tpu.memory_space<vmem>>, vector<16xf32>,
          tpu.vector_store %arg14[%swap3A_675], %select_n3A_674 {strides = array<i32>} : memref<224xf32, #tpu.memory_space<vmem>>, vector<16xf32>,
          %get3A_677 = arith.index_cast %mul3A_668 : i32 to index
          %get3A_678 = tpu.vector_load %arg15[%get3A_677] {strides = array<i32>} : memref<224xf32, #tpu.memory_space<vmem>>, vector<16xf32>,
          %eq3A_679 = vector.broadcast %sub3A_669 : i32 to vector<16xi32>
          %eq3A_680 = arith.cmpi eq, %iota3A, %eq3A_679 : vector<16xi32>
          %select_n3A_681 = arith.select %eq3A_680, %gather3A_262, %get3A_678 : vector<16xi1>, vector<16xf32>
          %swap3A_682 = arith.index_cast %mul3A_668 : i32 to index
          %swap3A_683 = tpu.vector_load %arg15[%swap3A_682] {strides = array<i32>} : memref<224xf32, #tpu.memory_space<vmem>>, vector<16xf32>,
          tpu.vector_store %arg15[%swap3A_682], %select_n3A_681 {strides = array<i32>} : memref<224xf32, #tpu.memory_space<vmem>>, vector<16xf32>,
          %get3A_684 = arith.index_cast %mul3A_668 : i32 to index
          %get3A_685 = tpu.vector_load %arg16[%get3A_684] {strides = array<i32>} : memref<224xf32, #tpu.memory_space<vmem>>, vector<16xf32>,
          %eq3A_686 = vector.broadcast %sub3A_669 : i32 to vector<16xi32>
          %eq3A_687 = arith.cmpi eq, %iota3A, %eq3A_686 : vector<16xi32>
          %select_n3A_688 = arith.select %eq3A_687, %gather3A_263, %get3A_685 : vector<16xi1>, vector<16xf32>
          %swap3A_689 = arith.index_cast %mul3A_668 : i32 to index
          %swap3A_690 = tpu.vector_load %arg16[%swap3A_689] {strides = array<i32>} : memref<224xf32, #tpu.memory_space<vmem>>, vector<16xf32>,
          tpu.vector_store %arg16[%swap3A_689], %select_n3A_688 {strides = array<i32>} : memref<224xf32, #tpu.memory_space<vmem>>, vector<16xf32>,
          %get3A_691 = arith.index_cast %mul3A_668 : i32 to index
          %get3A_692 = tpu.vector_load %arg17[%get3A_691] {strides = array<i32>} : memref<224xf32, #tpu.memory_space<vmem>>, vector<16xf32>,
          %eq3A_693 = vector.broadcast %sub3A_669 : i32 to vector<16xi32>
          %eq3A_694 = arith.cmpi eq, %iota3A, %eq3A_693 : vector<16xi32>
          %select_n3A_695 = arith.select %eq3A_694, %gather3A_264, %get3A_692 : vector<16xi1>, vector<16xf32>
          %swap3A_696 = arith.index_cast %mul3A_668 : i32 to index
          %swap3A_697 = tpu.vector_load %arg17[%swap3A_696] {strides = array<i32>} : memref<224xf32, #tpu.memory_space<vmem>>, vector<16xf32>,
          tpu.vector_store %arg17[%swap3A_696], %select_n3A_695 {strides = array<i32>} : memref<224xf32, #tpu.memory_space<vmem>>, vector<16xf32>,
          %get3A_698 = arith.index_cast %mul3A_668 : i32 to index
          %get3A_699 = tpu.vector_load %arg18[%get3A_698] {strides = array<i32>} : memref<224xf32, #tpu.memory_space<vmem>>, vector<16xf32>,
          %eq3A_700 = vector.broadcast %sub3A_669 : i32 to vector<16xi32>
          %eq3A_701 = arith.cmpi eq, %iota3A, %eq3A_700 : vector<16xi32>
          %select_n3A_702 = arith.select %eq3A_701, %mul3A_269, %get3A_699 : vector<16xi1>, vector<16xf32>
          %swap3A_703 = arith.index_cast %mul3A_668 : i32 to index
          %swap3A_704 = tpu.vector_load %arg18[%swap3A_703] {strides = array<i32>} : memref<224xf32, #tpu.memory_space<vmem>>, vector<16xf32>,
          tpu.vector_store %arg18[%swap3A_703], %select_n3A_702 {strides = array<i32>} : memref<224xf32, #tpu.memory_space<vmem>>, vector<16xf32>,
          %add3A_705 = arith.addf %gather3A, %gather3A_263 : vector<16xf32>
          %mul3A_706 = arith.constant 5.000000e-01 : f32
          %mul3A_707 = vector.broadcast %mul3A_706 : f32 to vector<16xf32>
          %mul3A_708 = arith.mulf %add3A_705, %mul3A_707 : vector<16xf32>
          %add3A_709 = arith.addf %gather3A_262, %gather3A_264 : vector<16xf32>
          %mul3A_710 = arith.constant 5.000000e-01 : f32
          %mul3A_711 = vector.broadcast %mul3A_710 : f32 to vector<16xf32>
          %mul3A_712 = arith.mulf %add3A_709, %mul3A_711 : vector<16xf32>
          %sub3A_713 = arith.subf %gather3A_263, %gather3A : vector<16xf32>
          %sub3A_714 = arith.subf %gather3A_264, %gather3A_262 : vector<16xf32>
          %eq3A_715 = arith.constant 0 : i32
          %eq3A_716 = vector.broadcast %eq3A_715 : i32 to vector<16xi32>
          %eq3A_717 = arith.cmpi eq, %iota3A, %eq3A_716 : vector<16xi32>
          %eq3A_718 = arith.constant 1 : i32
          %eq3A_719 = vector.broadcast %eq3A_718 : i32 to vector<16xi32>
          %eq3A_720 = arith.cmpi eq, %iota3A, %eq3A_719 : vector<16xi32>
          %eq3A_721 = arith.constant 2 : i32
          %eq3A_722 = vector.broadcast %eq3A_721 : i32 to vector<16xi32>
          %eq3A_723 = arith.cmpi eq, %iota3A, %eq3A_722 : vector<16xi32>
          %eq3A_724 = arith.constant 3 : i32
          %eq3A_725 = vector.broadcast %eq3A_724 : i32 to vector<16xi32>
          %eq3A_726 = arith.cmpi eq, %iota3A, %eq3A_725 : vector<16xi32>
          %eq3A_727 = arith.constant 4 : i32
          %eq3A_728 = vector.broadcast %eq3A_727 : i32 to vector<16xi32>
          %eq3A_729 = arith.cmpi eq, %iota3A, %eq3A_728 : vector<16xi32>
          %select_n3A_730 = arith.select %eq3A_729, %sub3A_714, %broadcast_in_dim3A_1 : vector<16xi1>, vector<16xf32>
          %select_n3A_731 = arith.select %eq3A_726, %sub3A_713, %select_n3A_730 : vector<16xi1>, vector<16xf32>
          %select_n3A_732 = arith.select %eq3A_723, %mul3A_712, %select_n3A_731 : vector<16xi1>, vector<16xf32>
          %select_n3A_733 = arith.select %eq3A_720, %mul3A_708, %select_n3A_732 : vector<16xi1>, vector<16xf32>
          %broadcast_in_dim3A_734 = vector.broadcast %reduce_max3A_90 : f32 to vector<16xf32>
          %select_n3A_735 = arith.select %eq3A_717, %broadcast_in_dim3A_734, %select_n3A_733 : vector<16xi1>, vector<16xf32>
          %mul3A_736 = arith.constant 8 : i32
          %mul3A_737 = arith.muli %while3A_73, %mul3A_736 : i32
          %swap3A_738 = arith.index_cast %mul3A_737 : i32 to index
          %swap3A_739 = tpu.vector_load %arg19[%swap3A_738] {strides = array<i32>} : memref<1616xf32, #tpu.memory_space<vmem>>, vector<16xf32>,
          tpu.vector_store %arg19[%swap3A_738], %select_n3A_735 {strides = array<i32>} : memref<1616xf32, #tpu.memory_space<vmem>>, vector<16xf32>,
        } else {
        }
        %jit3A_637 = arith.constant 1 : i32
        %jit3A_638 = arith.constant 0 : i32
        %select_n3A_639 = arith.select %and3A_633, %jit3A_637, %jit3A_638 : i32
        %add3A_640 = arith.addi %while3A_73, %select_n3A_639 : i32
        %not3A_641 = arith.constant true
        %not3A_642 = arith.xori %gt3A_91, %not3A_641 : i1
        scf.yield %add3A_640, %not3A_642 : i32, i1
      }
      "tpu.region"() ({
        %run_scoped3A_73 = tpu.sem_alloc : memref<!tpu.dma_semaphore, #tpu.memory_space<semaphore_mem>>
        %dma_start3A = arith.constant 0 : i32
        %dma_start3A_74 = tpu.memref_slice %arg5[%add3A_12, %dma_start3A] : memref<80x1616xf32, #tpu.memory_space<hbm>> -> memref<1x1616xf32, #tpu.memory_space<hbm>>
        %dma_start3A_75 = tpu.memref_squeeze %dma_start3A_74 : memref<1x1616xf32, #tpu.memory_space<hbm>> -> memref<1616xf32, #tpu.memory_space<hbm>>
        %dma_start3A_76 = arith.constant 0 : i32
        %dma_start3A_77 = tpu.memref_slice %arg5[%add3A_12, %dma_start3A_76] : memref<80x1616xf32, #tpu.memory_space<hbm>> -> memref<1x1616xf32, #tpu.memory_space<hbm>>
        %dma_start3A_78 = tpu.memref_squeeze %dma_start3A_77 : memref<1x1616xf32, #tpu.memory_space<hbm>> -> memref<1616xf32, #tpu.memory_space<hbm>>
        tpu.enqueue_dma source(%arg19 : memref<1616xf32, #tpu.memory_space<vmem>>) target(%dma_start3A_78 : memref<1616xf32, #tpu.memory_space<hbm>>) target_semaphore(%run_scoped3A_73 : memref<!tpu.dma_semaphore, #tpu.memory_space<semaphore_mem>>)
        %dma_wait3A = arith.constant 0 : i32
        %dma_wait3A_79 = tpu.memref_slice %arg5[%add3A_12, %dma_wait3A] : memref<80x1616xf32, #tpu.memory_space<hbm>> -> memref<1x1616xf32, #tpu.memory_space<hbm>>
        %dma_wait3A_80 = tpu.memref_squeeze %dma_wait3A_79 : memref<1x1616xf32, #tpu.memory_space<hbm>> -> memref<1616xf32, #tpu.memory_space<hbm>>
        %dma_wait3A_81 = arith.constant 0 : i32
        %dma_wait3A_82 = tpu.memref_slice %arg5[%add3A_12, %dma_wait3A_81] : memref<80x1616xf32, #tpu.memory_space<hbm>> -> memref<1x1616xf32, #tpu.memory_space<hbm>>
        %dma_wait3A_83 = tpu.memref_squeeze %dma_wait3A_82 : memref<1x1616xf32, #tpu.memory_space<hbm>> -> memref<1616xf32, #tpu.memory_space<hbm>>
        tpu.wait_dma2 semaphore(%run_scoped3A_73 : memref<!tpu.dma_semaphore, #tpu.memory_space<semaphore_mem>>) src(%arg19 : memref<1616xf32, #tpu.memory_space<vmem>>) dst(%dma_wait3A_83 : memref<1616xf32, #tpu.memory_space<hbm>>)
        tpu.yield
      }) : () -> ()
    } else {
    }
    %add3A_18 = arith.constant 64 : i32
    %add3A_19 = arith.addi %add3A_18, %add3A : i32
    %lt3A_20 = arith.constant 80 : i32
    %lt3A_21 = arith.cmpi slt, %add3A_19, %lt3A_20 : i32
    %convert_element_type3A_22 = arith.extui %lt3A_21 : i1 to i32
    %cond3A_23 = arith.constant 0 : i32
    %cond3A_24 = arith.cmpi ne, %convert_element_type3A_22, %cond3A_23 : i32
    scf.if %cond3A_24 {
      %jit3A = arith.constant 20 : i32
      %div3A = arith.divsi %add3A_19, %jit3A : i32
      %sign3A = arith.constant 0 : i32
      %sign3A_25 = arith.cmpi sgt, %add3A_19, %sign3A : i32
      %sign3A_26 = arith.extui %sign3A_25 : i1 to i32
      %sign3A_27 = arith.constant 0 : i32
      %sign3A_28 = arith.cmpi slt, %add3A_19, %sign3A_27 : i32
      %sign3A_29 = arith.extui %sign3A_28 : i1 to i32
      %sign3A_30 = arith.subi %sign3A_26, %sign3A_29 : i32
      %sign3A_31 = arith.constant 0 : i32
      %sign3A_32 = arith.cmpi sgt, %jit3A, %sign3A_31 : i32
      %sign3A_33 = arith.extui %sign3A_32 : i1 to i32
      %sign3A_34 = arith.constant 0 : i32
      %sign3A_35 = arith.cmpi slt, %jit3A, %sign3A_34 : i32
      %sign3A_36 = arith.extui %sign3A_35 : i1 to i32
      %sign3A_37 = arith.subi %sign3A_33, %sign3A_36 : i32
      %ne3A = arith.cmpi ne, %sign3A_30, %sign3A_37 : i32
      %rem3A = arith.remsi %add3A_19, %jit3A : i32
      %ne3A_38 = arith.constant 0 : i32
      %ne3A_39 = arith.cmpi ne, %rem3A, %ne3A_38 : i32
      %and3A = arith.andi %ne3A, %ne3A_39 : i1
      %sub3A = arith.constant 1 : i32
      %sub3A_40 = arith.subi %div3A, %sub3A : i32
      %select_n3A = arith.select %and3A, %sub3A_40, %div3A : i32
      "tpu.region"() ({
        %run_scoped3A_73 = tpu.sem_alloc : memref<!tpu.dma_semaphore, #tpu.memory_space<semaphore_mem>>
        %dma_start3A = arith.constant 0 : i32
        %dma_start3A_74 = tpu.memref_slice %arg3[%add3A_19, %dma_start3A] : memref<80x20480xf32, #tpu.memory_space<hbm>> -> memref<1x20480xf32, #tpu.memory_space<hbm>>
        %dma_start3A_75 = tpu.memref_squeeze %dma_start3A_74 : memref<1x20480xf32, #tpu.memory_space<hbm>> -> memref<20480xf32, #tpu.memory_space<hbm>>
        %dma_start3A_76 = arith.constant 0 : i32
        %dma_start3A_77 = tpu.memref_slice %arg3[%add3A_19, %dma_start3A_76] : memref<80x20480xf32, #tpu.memory_space<hbm>> -> memref<1x20480xf32, #tpu.memory_space<hbm>>
        %dma_start3A_78 = tpu.memref_squeeze %dma_start3A_77 : memref<1x20480xf32, #tpu.memory_space<hbm>> -> memref<20480xf32, #tpu.memory_space<hbm>>
        tpu.enqueue_dma source(%dma_start3A_78 : memref<20480xf32, #tpu.memory_space<hbm>>) target(%arg7 : memref<20480xf32, #tpu.memory_space<vmem>>) target_semaphore(%run_scoped3A_73 : memref<!tpu.dma_semaphore, #tpu.memory_space<semaphore_mem>>)
        %dma_wait3A = arith.constant 0 : i32
        %dma_wait3A_79 = tpu.memref_slice %arg3[%add3A_19, %dma_wait3A] : memref<80x20480xf32, #tpu.memory_space<hbm>> -> memref<1x20480xf32, #tpu.memory_space<hbm>>
        %dma_wait3A_80 = tpu.memref_squeeze %dma_wait3A_79 : memref<1x20480xf32, #tpu.memory_space<hbm>> -> memref<20480xf32, #tpu.memory_space<hbm>>
        %dma_wait3A_81 = arith.constant 0 : i32
        %dma_wait3A_82 = tpu.memref_slice %arg3[%add3A_19, %dma_wait3A_81] : memref<80x20480xf32, #tpu.memory_space<hbm>> -> memref<1x20480xf32, #tpu.memory_space<hbm>>
        %dma_wait3A_83 = tpu.memref_squeeze %dma_wait3A_82 : memref<1x20480xf32, #tpu.memory_space<hbm>> -> memref<20480xf32, #tpu.memory_space<hbm>>
        tpu.wait_dma2 semaphore(%run_scoped3A_73 : memref<!tpu.dma_semaphore, #tpu.memory_space<semaphore_mem>>) src(%dma_wait3A_83 : memref<20480xf32, #tpu.memory_space<hbm>>) dst(%arg7 : memref<20480xf32, #tpu.memory_space<vmem>>)
        tpu.yield
      }) : () -> ()
      %run_scoped3A = arith.constant 0 : i32
      "tpu.region"() ({
        %run_scoped3A_73 = tpu.sem_alloc : memref<!tpu.dma_semaphore, #tpu.memory_space<semaphore_mem>>
        %dma_start3A = arith.constant 0 : i32
        %dma_start3A_74 = tpu.memref_slice %arg4[%select_n3A, %run_scoped3A, %dma_start3A] : memref<4x4x20480xf32, #tpu.memory_space<hbm>> -> memref<1x1x20480xf32, #tpu.memory_space<hbm>>
        %dma_start3A_75 = tpu.memref_squeeze %dma_start3A_74 : memref<1x1x20480xf32, #tpu.memory_space<hbm>> -> memref<20480xf32, #tpu.memory_space<hbm>>
        %dma_start3A_76 = arith.constant 0 : i32
        %dma_start3A_77 = tpu.memref_slice %arg4[%select_n3A, %run_scoped3A, %dma_start3A_76] : memref<4x4x20480xf32, #tpu.memory_space<hbm>> -> memref<1x1x20480xf32, #tpu.memory_space<hbm>>
        %dma_start3A_78 = tpu.memref_squeeze %dma_start3A_77 : memref<1x1x20480xf32, #tpu.memory_space<hbm>> -> memref<20480xf32, #tpu.memory_space<hbm>>
        tpu.enqueue_dma source(%dma_start3A_78 : memref<20480xf32, #tpu.memory_space<hbm>>) target(%arg8 : memref<20480xf32, #tpu.memory_space<vmem>>) target_semaphore(%run_scoped3A_73 : memref<!tpu.dma_semaphore, #tpu.memory_space<semaphore_mem>>)
        %dma_wait3A = arith.constant 0 : i32
        %dma_wait3A_79 = tpu.memref_slice %arg4[%select_n3A, %run_scoped3A, %dma_wait3A] : memref<4x4x20480xf32, #tpu.memory_space<hbm>> -> memref<1x1x20480xf32, #tpu.memory_space<hbm>>
        %dma_wait3A_80 = tpu.memref_squeeze %dma_wait3A_79 : memref<1x1x20480xf32, #tpu.memory_space<hbm>> -> memref<20480xf32, #tpu.memory_space<hbm>>
        %dma_wait3A_81 = arith.constant 0 : i32
        %dma_wait3A_82 = tpu.memref_slice %arg4[%select_n3A, %run_scoped3A, %dma_wait3A_81] : memref<4x4x20480xf32, #tpu.memory_space<hbm>> -> memref<1x1x20480xf32, #tpu.memory_space<hbm>>
        %dma_wait3A_83 = tpu.memref_squeeze %dma_wait3A_82 : memref<1x1x20480xf32, #tpu.memory_space<hbm>> -> memref<20480xf32, #tpu.memory_space<hbm>>
        tpu.wait_dma2 semaphore(%run_scoped3A_73 : memref<!tpu.dma_semaphore, #tpu.memory_space<semaphore_mem>>) src(%dma_wait3A_83 : memref<20480xf32, #tpu.memory_space<hbm>>) dst(%arg8 : memref<20480xf32, #tpu.memory_space<vmem>>)
        tpu.yield
      }) : () -> ()
      %run_scoped3A_41 = arith.constant 1 : i32
      "tpu.region"() ({
        %run_scoped3A_73 = tpu.sem_alloc : memref<!tpu.dma_semaphore, #tpu.memory_space<semaphore_mem>>
        %dma_start3A = arith.constant 0 : i32
        %dma_start3A_74 = tpu.memref_slice %arg4[%select_n3A, %run_scoped3A_41, %dma_start3A] : memref<4x4x20480xf32, #tpu.memory_space<hbm>> -> memref<1x1x20480xf32, #tpu.memory_space<hbm>>
        %dma_start3A_75 = tpu.memref_squeeze %dma_start3A_74 : memref<1x1x20480xf32, #tpu.memory_space<hbm>> -> memref<20480xf32, #tpu.memory_space<hbm>>
        %dma_start3A_76 = arith.constant 0 : i32
        %dma_start3A_77 = tpu.memref_slice %arg4[%select_n3A, %run_scoped3A_41, %dma_start3A_76] : memref<4x4x20480xf32, #tpu.memory_space<hbm>> -> memref<1x1x20480xf32, #tpu.memory_space<hbm>>
        %dma_start3A_78 = tpu.memref_squeeze %dma_start3A_77 : memref<1x1x20480xf32, #tpu.memory_space<hbm>> -> memref<20480xf32, #tpu.memory_space<hbm>>
        tpu.enqueue_dma source(%dma_start3A_78 : memref<20480xf32, #tpu.memory_space<hbm>>) target(%arg9 : memref<20480xf32, #tpu.memory_space<vmem>>) target_semaphore(%run_scoped3A_73 : memref<!tpu.dma_semaphore, #tpu.memory_space<semaphore_mem>>)
        %dma_wait3A = arith.constant 0 : i32
        %dma_wait3A_79 = tpu.memref_slice %arg4[%select_n3A, %run_scoped3A_41, %dma_wait3A] : memref<4x4x20480xf32, #tpu.memory_space<hbm>> -> memref<1x1x20480xf32, #tpu.memory_space<hbm>>
        %dma_wait3A_80 = tpu.memref_squeeze %dma_wait3A_79 : memref<1x1x20480xf32, #tpu.memory_space<hbm>> -> memref<20480xf32, #tpu.memory_space<hbm>>
        %dma_wait3A_81 = arith.constant 0 : i32
        %dma_wait3A_82 = tpu.memref_slice %arg4[%select_n3A, %run_scoped3A_41, %dma_wait3A_81] : memref<4x4x20480xf32, #tpu.memory_space<hbm>> -> memref<1x1x20480xf32, #tpu.memory_space<hbm>>
        %dma_wait3A_83 = tpu.memref_squeeze %dma_wait3A_82 : memref<1x1x20480xf32, #tpu.memory_space<hbm>> -> memref<20480xf32, #tpu.memory_space<hbm>>
        tpu.wait_dma2 semaphore(%run_scoped3A_73 : memref<!tpu.dma_semaphore, #tpu.memory_space<semaphore_mem>>) src(%dma_wait3A_83 : memref<20480xf32, #tpu.memory_space<hbm>>) dst(%arg9 : memref<20480xf32, #tpu.memory_space<vmem>>)
        tpu.yield
      }) : () -> ()
      %run_scoped3A_42 = arith.constant 2 : i32
      "tpu.region"() ({
        %run_scoped3A_73 = tpu.sem_alloc : memref<!tpu.dma_semaphore, #tpu.memory_space<semaphore_mem>>
        %dma_start3A = arith.constant 0 : i32
        %dma_start3A_74 = tpu.memref_slice %arg4[%select_n3A, %run_scoped3A_42, %dma_start3A] : memref<4x4x20480xf32, #tpu.memory_space<hbm>> -> memref<1x1x20480xf32, #tpu.memory_space<hbm>>
        %dma_start3A_75 = tpu.memref_squeeze %dma_start3A_74 : memref<1x1x20480xf32, #tpu.memory_space<hbm>> -> memref<20480xf32, #tpu.memory_space<hbm>>
        %dma_start3A_76 = arith.constant 0 : i32
        %dma_start3A_77 = tpu.memref_slice %arg4[%select_n3A, %run_scoped3A_42, %dma_start3A_76] : memref<4x4x20480xf32, #tpu.memory_space<hbm>> -> memref<1x1x20480xf32, #tpu.memory_space<hbm>>
        %dma_start3A_78 = tpu.memref_squeeze %dma_start3A_77 : memref<1x1x20480xf32, #tpu.memory_space<hbm>> -> memref<20480xf32, #tpu.memory_space<hbm>>
        tpu.enqueue_dma source(%dma_start3A_78 : memref<20480xf32, #tpu.memory_space<hbm>>) target(%arg10 : memref<20480xf32, #tpu.memory_space<vmem>>) target_semaphore(%run_scoped3A_73 : memref<!tpu.dma_semaphore, #tpu.memory_space<semaphore_mem>>)
        %dma_wait3A = arith.constant 0 : i32
        %dma_wait3A_79 = tpu.memref_slice %arg4[%select_n3A, %run_scoped3A_42, %dma_wait3A] : memref<4x4x20480xf32, #tpu.memory_space<hbm>> -> memref<1x1x20480xf32, #tpu.memory_space<hbm>>
        %dma_wait3A_80 = tpu.memref_squeeze %dma_wait3A_79 : memref<1x1x20480xf32, #tpu.memory_space<hbm>> -> memref<20480xf32, #tpu.memory_space<hbm>>
        %dma_wait3A_81 = arith.constant 0 : i32
        %dma_wait3A_82 = tpu.memref_slice %arg4[%select_n3A, %run_scoped3A_42, %dma_wait3A_81] : memref<4x4x20480xf32, #tpu.memory_space<hbm>> -> memref<1x1x20480xf32, #tpu.memory_space<hbm>>
        %dma_wait3A_83 = tpu.memref_squeeze %dma_wait3A_82 : memref<1x1x20480xf32, #tpu.memory_space<hbm>> -> memref<20480xf32, #tpu.memory_space<hbm>>
        tpu.wait_dma2 semaphore(%run_scoped3A_73 : memref<!tpu.dma_semaphore, #tpu.memory_space<semaphore_mem>>) src(%dma_wait3A_83 : memref<20480xf32, #tpu.memory_space<hbm>>) dst(%arg10 : memref<20480xf32, #tpu.memory_space<vmem>>)
        tpu.yield
      }) : () -> ()
      %run_scoped3A_43 = arith.constant 3 : i32
      "tpu.region"() ({
        %run_scoped3A_73 = tpu.sem_alloc : memref<!tpu.dma_semaphore, #tpu.memory_space<semaphore_mem>>
        %dma_start3A = arith.constant 0 : i32
        %dma_start3A_74 = tpu.memref_slice %arg4[%select_n3A, %run_scoped3A_43, %dma_start3A] : memref<4x4x20480xf32, #tpu.memory_space<hbm>> -> memref<1x1x20480xf32, #tpu.memory_space<hbm>>
        %dma_start3A_75 = tpu.memref_squeeze %dma_start3A_74 : memref<1x1x20480xf32, #tpu.memory_space<hbm>> -> memref<20480xf32, #tpu.memory_space<hbm>>
        %dma_start3A_76 = arith.constant 0 : i32
        %dma_start3A_77 = tpu.memref_slice %arg4[%select_n3A, %run_scoped3A_43, %dma_start3A_76] : memref<4x4x20480xf32, #tpu.memory_space<hbm>> -> memref<1x1x20480xf32, #tpu.memory_space<hbm>>
        %dma_start3A_78 = tpu.memref_squeeze %dma_start3A_77 : memref<1x1x20480xf32, #tpu.memory_space<hbm>> -> memref<20480xf32, #tpu.memory_space<hbm>>
        tpu.enqueue_dma source(%dma_start3A_78 : memref<20480xf32, #tpu.memory_space<hbm>>) target(%arg11 : memref<20480xf32, #tpu.memory_space<vmem>>) target_semaphore(%run_scoped3A_73 : memref<!tpu.dma_semaphore, #tpu.memory_space<semaphore_mem>>)
        %dma_wait3A = arith.constant 0 : i32
        %dma_wait3A_79 = tpu.memref_slice %arg4[%select_n3A, %run_scoped3A_43, %dma_wait3A] : memref<4x4x20480xf32, #tpu.memory_space<hbm>> -> memref<1x1x20480xf32, #tpu.memory_space<hbm>>
        %dma_wait3A_80 = tpu.memref_squeeze %dma_wait3A_79 : memref<1x1x20480xf32, #tpu.memory_space<hbm>> -> memref<20480xf32, #tpu.memory_space<hbm>>
        %dma_wait3A_81 = arith.constant 0 : i32
        %dma_wait3A_82 = tpu.memref_slice %arg4[%select_n3A, %run_scoped3A_43, %dma_wait3A_81] : memref<4x4x20480xf32, #tpu.memory_space<hbm>> -> memref<1x1x20480xf32, #tpu.memory_space<hbm>>
        %dma_wait3A_83 = tpu.memref_squeeze %dma_wait3A_82 : memref<1x1x20480xf32, #tpu.memory_space<hbm>> -> memref<20480xf32, #tpu.memory_space<hbm>>
        tpu.wait_dma2 semaphore(%run_scoped3A_73 : memref<!tpu.dma_semaphore, #tpu.memory_space<semaphore_mem>>) src(%dma_wait3A_83 : memref<20480xf32, #tpu.memory_space<hbm>>) dst(%arg11 : memref<20480xf32, #tpu.memory_space<vmem>>)
        tpu.yield
      }) : () -> ()
      %scan3A = arith.constant 0 : i32
      %scan3A_44 = arith.constant 0 : i32
      %scan3A_45 = arith.constant 14 : i32
      %scan3A_46 = arith.addi %scan3A_44, %scan3A_45 : i32
      %scan3A_47 = arith.constant 1 : i32
      %scan3A_48 = scf.for %scan3A_73 = %scan3A_44 to %scan3A_46 step %scan3A_47 iter_args(%scan3A_74 = %scan3A) -> (i32)  : i32 {
        %mul3A_75 = arith.constant 16 : i32
        %mul3A_76 = arith.muli %scan3A_73, %mul3A_75 : i32
        %swap3A = arith.index_cast %mul3A_76 : i32 to index
        %swap3A_77 = tpu.vector_load %arg14[%swap3A] {strides = array<i32>} : memref<224xf32, #tpu.memory_space<vmem>>, vector<16xf32>,
        tpu.vector_store %arg14[%swap3A], %broadcast_in_dim3A_1 {strides = array<i32>} : memref<224xf32, #tpu.memory_space<vmem>>, vector<16xf32>,
        %mul3A_78 = arith.constant 16 : i32
        %mul3A_79 = arith.muli %scan3A_73, %mul3A_78 : i32
        %swap3A_80 = arith.index_cast %mul3A_79 : i32 to index
        %swap3A_81 = tpu.vector_load %arg15[%swap3A_80] {strides = array<i32>} : memref<224xf32, #tpu.memory_space<vmem>>, vector<16xf32>,
        tpu.vector_store %arg15[%swap3A_80], %broadcast_in_dim3A_1 {strides = array<i32>} : memref<224xf32, #tpu.memory_space<vmem>>, vector<16xf32>,
        %mul3A_82 = arith.constant 16 : i32
        %mul3A_83 = arith.muli %scan3A_73, %mul3A_82 : i32
        %swap3A_84 = arith.index_cast %mul3A_83 : i32 to index
        %swap3A_85 = tpu.vector_load %arg16[%swap3A_84] {strides = array<i32>} : memref<224xf32, #tpu.memory_space<vmem>>, vector<16xf32>,
        tpu.vector_store %arg16[%swap3A_84], %broadcast_in_dim3A_1 {strides = array<i32>} : memref<224xf32, #tpu.memory_space<vmem>>, vector<16xf32>,
        %mul3A_86 = arith.constant 16 : i32
        %mul3A_87 = arith.muli %scan3A_73, %mul3A_86 : i32
        %swap3A_88 = arith.index_cast %mul3A_87 : i32 to index
        %swap3A_89 = tpu.vector_load %arg17[%swap3A_88] {strides = array<i32>} : memref<224xf32, #tpu.memory_space<vmem>>, vector<16xf32>,
        tpu.vector_store %arg17[%swap3A_88], %broadcast_in_dim3A_1 {strides = array<i32>} : memref<224xf32, #tpu.memory_space<vmem>>, vector<16xf32>,
        %mul3A_90 = arith.constant 16 : i32
        %mul3A_91 = arith.muli %scan3A_73, %mul3A_90 : i32
        %swap3A_92 = arith.index_cast %mul3A_91 : i32 to index
        %swap3A_93 = tpu.vector_load %arg18[%swap3A_92] {strides = array<i32>} : memref<224xf32, #tpu.memory_space<vmem>>, vector<16xf32>,
        tpu.vector_store %arg18[%swap3A_92], %broadcast_in_dim3A_1 {strides = array<i32>} : memref<224xf32, #tpu.memory_space<vmem>>, vector<16xf32>,
        %scan3A_94 = arith.constant 0 : i32
        scf.yield %scan3A_94 : i32
      }
      %scan3A_49 = arith.constant 14 : i32
      %scan3A_50 = arith.constant 0 : i32
      %scan3A_51 = arith.constant 0 : i32
      %scan3A_52 = arith.constant 101 : i32
      %scan3A_53 = arith.addi %scan3A_51, %scan3A_52 : i32
      %scan3A_54 = arith.constant 1 : i32
      %scan3A_55 = scf.for %scan3A_73 = %scan3A_51 to %scan3A_53 step %scan3A_54 iter_args(%scan3A_74 = %scan3A_50) -> (i32)  : i32 {
        %mul3A_75 = arith.constant 16 : i32
        %mul3A_76 = arith.muli %scan3A_73, %mul3A_75 : i32
        %swap3A = arith.index_cast %mul3A_76 : i32 to index
        %swap3A_77 = tpu.vector_load %arg19[%swap3A] {strides = array<i32>} : memref<1616xf32, #tpu.memory_space<vmem>>, vector<16xf32>,
        tpu.vector_store %arg19[%swap3A], %broadcast_in_dim3A_1 {strides = array<i32>} : memref<1616xf32, #tpu.memory_space<vmem>>, vector<16xf32>,
        %scan3A_78 = arith.constant 0 : i32
        scf.yield %scan3A_78 : i32
      }
      %scan3A_56 = arith.constant 101 : i32
      %scan3A_57 = arith.constant 0 : i32
      %scan3A_58 = arith.constant 0 : i32
      %scan3A_59 = arith.constant 1280 : i32
      %scan3A_60 = arith.addi %scan3A_58, %scan3A_59 : i32
      %scan3A_61 = arith.constant 1 : i32
      %scan3A_62 = scf.for %scan3A_73 = %scan3A_58 to %scan3A_60 step %scan3A_61 iter_args(%scan3A_74 = %scan3A_57) -> (i32)  : i32 {
        %mul3A_75 = arith.constant 16 : i32
        %mul3A_76 = arith.muli %scan3A_73, %mul3A_75 : i32
        %get3A_77 = arith.index_cast %mul3A_76 : i32 to index
        %get3A_78 = tpu.vector_load %arg7[%get3A_77] {strides = array<i32>} : memref<20480xf32, #tpu.memory_space<vmem>>, vector<16xf32>,
        %broadcast_in_dim3A_79 = arith.constant true
        %broadcast_in_dim3A_80 = vector.broadcast %broadcast_in_dim3A_79 : i1 to vector<16xi1>
        %masked_cummax3A = tpu.scan <max>, %get3A_78 masked %broadcast_in_dim3A_80 : vector<16xf32>, vector<16xi1> -> vector<16xf32>
        %broadcast_in_dim3A_81 = vector.broadcast %scan3A_73 : i32 to vector<16xi32>
        tpu.vector_store_idx %arg12[%broadcast_in_dim3A_81], %masked_cummax3A masked %eq3A_5 : memref<1280xf32, #tpu.memory_space<vmem>>[vector<16xi32>], vector<16xf32>, vector<16xi1>
        %scan3A_82 = arith.constant 0 : i32
        scf.yield %scan3A_82 : i32
      }
      %scan3A_63 = arith.constant 1280 : i32
      %scan3A_64 = arith.constant 0 : i32
      %scan3A_65 = arith.constant 0 : i32
      %scan3A_66 = arith.constant 80 : i32
      %scan3A_67 = arith.addi %scan3A_65, %scan3A_66 : i32
      %scan3A_68 = arith.constant 1 : i32
      %scan3A_69 = scf.for %scan3A_73 = %scan3A_65 to %scan3A_67 step %scan3A_68 iter_args(%scan3A_74 = %scan3A_64) -> (i32)  : i32 {
        %mul3A_75 = arith.constant 16 : i32
        %mul3A_76 = arith.muli %scan3A_73, %mul3A_75 : i32
        %get3A_77 = arith.index_cast %mul3A_76 : i32 to index
        %get3A_78 = tpu.vector_load %arg12[%get3A_77] {strides = array<i32>} : memref<1280xf32, #tpu.memory_space<vmem>>, vector<16xf32>,
        %broadcast_in_dim3A_79 = arith.constant true
        %broadcast_in_dim3A_80 = vector.broadcast %broadcast_in_dim3A_79 : i1 to vector<16xi1>
        %masked_cummax3A = tpu.scan <max>, %get3A_78 masked %broadcast_in_dim3A_80 : vector<16xf32>, vector<16xi1> -> vector<16xf32>
        %broadcast_in_dim3A_81 = vector.broadcast %scan3A_73 : i32 to vector<16xi32>
        tpu.vector_store_idx %arg13[%broadcast_in_dim3A_81], %masked_cummax3A masked %eq3A_5 : memref<80xf32, #tpu.memory_space<vmem>>[vector<16xi32>], vector<16xf32>, vector<16xi1>
        %scan3A_82 = arith.constant 0 : i32
        scf.yield %scan3A_82 : i32
      }
      %scan3A_70 = arith.constant 80 : i32
      %while3A = arith.constant 0 : i32
      %while3A_71 = arith.constant false
      %while3A_72:2 = scf.while (%while3A_73 = %while3A, %while3A_74 = %while3A_71) : (i32, i1) -> (i32, i1) {
        %lt3A_75 = arith.constant 200 : i32
        %lt3A_76 = arith.cmpi slt, %while3A_73, %lt3A_75 : i32
        %not3A = arith.constant true
        %not3A_77 = arith.xori %while3A_74, %not3A : i1
        %and3A_78 = arith.andi %lt3A_76, %not3A_77 : i1
        scf.condition(%and3A_78) %while3A_73, %while3A_74 : i32, i1
      } do {
      ^bb0(%while3A_73: i32, %while3A_74: i1):
        %get3A_75 = arith.constant 0 : index
        %get3A_76 = tpu.vector_load %arg13[%get3A_75] {strides = array<i32>} : memref<80xf32, #tpu.memory_space<vmem>>, vector<16xf32>,
        %get3A_77 = arith.constant 16 : index
        %get3A_78 = tpu.vector_load %arg13[%get3A_77] {strides = array<i32>} : memref<80xf32, #tpu.memory_space<vmem>>, vector<16xf32>,
        %get3A_79 = arith.constant 32 : index
        %get3A_80 = tpu.vector_load %arg13[%get3A_79] {strides = array<i32>} : memref<80xf32, #tpu.memory_space<vmem>>, vector<16xf32>,
        %get3A_81 = arith.constant 48 : index
        %get3A_82 = tpu.vector_load %arg13[%get3A_81] {strides = array<i32>} : memref<80xf32, #tpu.memory_space<vmem>>, vector<16xf32>,
        %get3A_83 = arith.constant 64 : index
        %get3A_84 = tpu.vector_load %arg13[%get3A_83] {strides = array<i32>} : memref<80xf32, #tpu.memory_space<vmem>>, vector<16xf32>,
        %max3A = arith.maximumf %get3A_76, %get3A_78 : vector<16xf32>
        %max3A_85 = arith.maximumf %get3A_80, %get3A_82 : vector<16xf32>
        %max3A_86 = arith.maximumf %max3A, %max3A_85 : vector<16xf32>
        %max3A_87 = arith.maximumf %max3A_86, %get3A_84 : vector<16xf32>
        %reduce_max3A = arith.constant true
        %reduce_max3A_88 = vector.broadcast %reduce_max3A : i1 to vector<16xi1>
        %reduce_max3A_89 = tpu.scan <max>, %max3A_87 masked %reduce_max3A_88 : vector<16xf32>, vector<16xi1> -> vector<16xf32>
        %reduce_max3A_90 = vector.extract %reduce_max3A_89[15] : f32 from vector<16xf32>
        %gt3A = arith.constant 0.000000e+00 : f32
        %gt3A_91 = arith.cmpf ogt, %reduce_max3A_90, %gt3A : f32
        %broadcast_in_dim3A_92 = arith.constant 1073741824 : i32
        %broadcast_in_dim3A_93 = vector.broadcast %broadcast_in_dim3A_92 : i32 to vector<16xi32>
        %eq3A_94 = vector.broadcast %reduce_max3A_90 : f32 to vector<16xf32>
        %eq3A_95 = arith.cmpf oeq, %get3A_84, %eq3A_94 : vector<16xf32>
        %all_reduce_population_count3A = tpu.all_reduce %eq3A_95 {dim = 0 : i64, kind = #tpu.reduction_kind<sum>} : vector<16xi1> -> vector<16xi32>
        %all_reduce_ffs3A = tpu.all_reduce %eq3A_95 {dim = 0 : i64, kind = #tpu.reduction_kind<find_first_set>} : vector<16xi1> -> vector<16xi32>
        %gt3A_96 = arith.constant 0 : i32
        %gt3A_97 = vector.broadcast %gt3A_96 : i32 to vector<16xi32>
        %gt3A_98 = arith.cmpi sgt, %all_reduce_population_count3A, %gt3A_97 : vector<16xi32>
        %add3A_99 = arith.constant 64 : i32
        %add3A_100 = vector.broadcast %add3A_99 : i32 to vector<16xi32>
        %add3A_101 = arith.addi %add3A_100, %all_reduce_ffs3A : vector<16xi32>
        %select_n3A_102 = arith.select %gt3A_98, %add3A_101, %broadcast_in_dim3A_93 : vector<16xi1>, vector<16xi32>
        %eq3A_103 = vector.broadcast %reduce_max3A_90 : f32 to vector<16xf32>
        %eq3A_104 = arith.cmpf oeq, %get3A_82, %eq3A_103 : vector<16xf32>
        %all_reduce_population_count3A_105 = tpu.all_reduce %eq3A_104 {dim = 0 : i64, kind = #tpu.reduction_kind<sum>} : vector<16xi1> -> vector<16xi32>
        %all_reduce_ffs3A_106 = tpu.all_reduce %eq3A_104 {dim = 0 : i64, kind = #tpu.reduction_kind<find_first_set>} : vector<16xi1> -> vector<16xi32>
        %gt3A_107 = arith.constant 0 : i32
        %gt3A_108 = vector.broadcast %gt3A_107 : i32 to vector<16xi32>
        %gt3A_109 = arith.cmpi sgt, %all_reduce_population_count3A_105, %gt3A_108 : vector<16xi32>
        %add3A_110 = arith.constant 48 : i32
        %add3A_111 = vector.broadcast %add3A_110 : i32 to vector<16xi32>
        %add3A_112 = arith.addi %add3A_111, %all_reduce_ffs3A_106 : vector<16xi32>
        %select_n3A_113 = arith.select %gt3A_109, %add3A_112, %select_n3A_102 : vector<16xi1>, vector<16xi32>
        %eq3A_114 = vector.broadcast %reduce_max3A_90 : f32 to vector<16xf32>
        %eq3A_115 = arith.cmpf oeq, %get3A_80, %eq3A_114 : vector<16xf32>
        %all_reduce_population_count3A_116 = tpu.all_reduce %eq3A_115 {dim = 0 : i64, kind = #tpu.reduction_kind<sum>} : vector<16xi1> -> vector<16xi32>
        %all_reduce_ffs3A_117 = tpu.all_reduce %eq3A_115 {dim = 0 : i64, kind = #tpu.reduction_kind<find_first_set>} : vector<16xi1> -> vector<16xi32>
        %gt3A_118 = arith.constant 0 : i32
        %gt3A_119 = vector.broadcast %gt3A_118 : i32 to vector<16xi32>
        %gt3A_120 = arith.cmpi sgt, %all_reduce_population_count3A_116, %gt3A_119 : vector<16xi32>
        %add3A_121 = arith.constant 32 : i32
        %add3A_122 = vector.broadcast %add3A_121 : i32 to vector<16xi32>
        %add3A_123 = arith.addi %add3A_122, %all_reduce_ffs3A_117 : vector<16xi32>
        %select_n3A_124 = arith.select %gt3A_120, %add3A_123, %select_n3A_113 : vector<16xi1>, vector<16xi32>
        %eq3A_125 = vector.broadcast %reduce_max3A_90 : f32 to vector<16xf32>
        %eq3A_126 = arith.cmpf oeq, %get3A_78, %eq3A_125 : vector<16xf32>
        %all_reduce_population_count3A_127 = tpu.all_reduce %eq3A_126 {dim = 0 : i64, kind = #tpu.reduction_kind<sum>} : vector<16xi1> -> vector<16xi32>
        %all_reduce_ffs3A_128 = tpu.all_reduce %eq3A_126 {dim = 0 : i64, kind = #tpu.reduction_kind<find_first_set>} : vector<16xi1> -> vector<16xi32>
        %gt3A_129 = arith.constant 0 : i32
        %gt3A_130 = vector.broadcast %gt3A_129 : i32 to vector<16xi32>
        %gt3A_131 = arith.cmpi sgt, %all_reduce_population_count3A_127, %gt3A_130 : vector<16xi32>
        %add3A_132 = arith.constant 16 : i32
        %add3A_133 = vector.broadcast %add3A_132 : i32 to vector<16xi32>
        %add3A_134 = arith.addi %add3A_133, %all_reduce_ffs3A_128 : vector<16xi32>
        %select_n3A_135 = arith.select %gt3A_131, %add3A_134, %select_n3A_124 : vector<16xi1>, vector<16xi32>
        %eq3A_136 = vector.broadcast %reduce_max3A_90 : f32 to vector<16xf32>
        %eq3A_137 = arith.cmpf oeq, %get3A_76, %eq3A_136 : vector<16xf32>
        %all_reduce_population_count3A_138 = tpu.all_reduce %eq3A_137 {dim = 0 : i64, kind = #tpu.reduction_kind<sum>} : vector<16xi1> -> vector<16xi32>
        %all_reduce_ffs3A_139 = tpu.all_reduce %eq3A_137 {dim = 0 : i64, kind = #tpu.reduction_kind<find_first_set>} : vector<16xi1> -> vector<16xi32>
        %gt3A_140 = arith.constant 0 : i32
        %gt3A_141 = vector.broadcast %gt3A_140 : i32 to vector<16xi32>
        %gt3A_142 = arith.cmpi sgt, %all_reduce_population_count3A_138, %gt3A_141 : vector<16xi32>
        %add3A_143 = arith.constant 0 : i32
        %add3A_144 = vector.broadcast %add3A_143 : i32 to vector<16xi32>
        %add3A_145 = arith.addi %add3A_144, %all_reduce_ffs3A_139 : vector<16xi32>
        %select_n3A_146 = arith.select %gt3A_142, %add3A_145, %select_n3A_135 : vector<16xi1>, vector<16xi32>
        %eq3A_147 = arith.constant 0 : i32
        %eq3A_148 = vector.broadcast %eq3A_147 : i32 to vector<16xi32>
        %eq3A_149 = arith.cmpi eq, %iota3A, %eq3A_148 : vector<16xi32>
        %jit3A_150 = arith.constant 0 : i32
        %broadcast_in_dim3A_151 = vector.broadcast %jit3A_150 : i32 to vector<16xi32>
        %select_n3A_152 = arith.select %eq3A_149, %select_n3A_146, %broadcast_in_dim3A_151 : vector<16xi1>, vector<16xi32>
        %reduce_max3A_153 = arith.constant true
        %reduce_max3A_154 = vector.broadcast %reduce_max3A_153 : i1 to vector<16xi1>
        %reduce_max3A_155 = arith.constant -2147483648 : i32
        %reduce_max3A_156 = vector.broadcast %reduce_max3A_155 : i32 to vector<16xi32>
        %reduce_max3A_157 = arith.xori %select_n3A_152, %reduce_max3A_156 : vector<16xi32>
        %reduce_max3A_158 = tpu.scan <max>, %reduce_max3A_157 masked %reduce_max3A_154 : vector<16xi32>, vector<16xi1> -> vector<16xi32>
        %reduce_max3A_159 = arith.xori %reduce_max3A_158, %reduce_max3A_156 : vector<16xi32>
        %reduce_max3A_160 = vector.extract %reduce_max3A_159[15] : i32 from vector<16xi32>
        %mul3A_161 = arith.constant 16 : i32
        %mul3A_162 = arith.muli %reduce_max3A_160, %mul3A_161 : i32
        %get3A_163 = arith.index_cast %mul3A_162 : i32 to index
        %get3A_164 = tpu.vector_load %arg12[%get3A_163] {strides = array<i32>} : memref<1280xf32, #tpu.memory_space<vmem>>, vector<16xf32>,
        %mul3A_165 = arith.constant 16 : i32
        %mul3A_166 = arith.muli %reduce_max3A_160, %mul3A_165 : i32
        %eq3A_167 = vector.broadcast %reduce_max3A_90 : f32 to vector<16xf32>
        %eq3A_168 = arith.cmpf oeq, %get3A_164, %eq3A_167 : vector<16xf32>
        %all_reduce_ffs3A_169 = tpu.all_reduce %eq3A_168 {dim = 0 : i64, kind = #tpu.reduction_kind<find_first_set>} : vector<16xi1> -> vector<16xi32>
        %add3A_170 = vector.broadcast %mul3A_166 : i32 to vector<16xi32>
        %add3A_171 = arith.addi %add3A_170, %all_reduce_ffs3A_169 : vector<16xi32>
        %eq3A_172 = arith.constant 0 : i32
        %eq3A_173 = vector.broadcast %eq3A_172 : i32 to vector<16xi32>
        %eq3A_174 = arith.cmpi eq, %iota3A, %eq3A_173 : vector<16xi32>
        %jit3A_175 = arith.constant 0 : i32
        %broadcast_in_dim3A_176 = vector.broadcast %jit3A_175 : i32 to vector<16xi32>
        %select_n3A_177 = arith.select %eq3A_174, %add3A_171, %broadcast_in_dim3A_176 : vector<16xi1>, vector<16xi32>
        %reduce_max3A_178 = arith.constant true
        %reduce_max3A_179 = vector.broadcast %reduce_max3A_178 : i1 to vector<16xi1>
        %reduce_max3A_180 = arith.constant -2147483648 : i32
        %reduce_max3A_181 = vector.broadcast %reduce_max3A_180 : i32 to vector<16xi32>
        %reduce_max3A_182 = arith.xori %select_n3A_177, %reduce_max3A_181 : vector<16xi32>
        %reduce_max3A_183 = tpu.scan <max>, %reduce_max3A_182 masked %reduce_max3A_179 : vector<16xi32>, vector<16xi1> -> vector<16xi32>
        %reduce_max3A_184 = arith.xori %reduce_max3A_183, %reduce_max3A_181 : vector<16xi32>
        %reduce_max3A_185 = vector.extract %reduce_max3A_184[15] : i32 from vector<16xi32>
        %mul3A_186 = arith.constant 16 : i32
        %mul3A_187 = arith.muli %reduce_max3A_185, %mul3A_186 : i32
        %get3A_188 = arith.index_cast %mul3A_187 : i32 to index
        %get3A_189 = tpu.vector_load %arg7[%get3A_188] {strides = array<i32>} : memref<20480xf32, #tpu.memory_space<vmem>>, vector<16xf32>,
        %eq3A_190 = vector.broadcast %reduce_max3A_90 : f32 to vector<16xf32>
        %eq3A_191 = arith.cmpf oeq, %get3A_189, %eq3A_190 : vector<16xf32>
        %all_reduce_ffs3A_192 = tpu.all_reduce %eq3A_191 {dim = 0 : i64, kind = #tpu.reduction_kind<find_first_set>} : vector<16xi1> -> vector<16xi32>
        %mul3A_193 = arith.constant 16 : i32
        %mul3A_194 = arith.muli %reduce_max3A_185, %mul3A_193 : i32
        %add3A_195 = vector.broadcast %mul3A_194 : i32 to vector<16xi32>
        %add3A_196 = arith.addi %add3A_195, %all_reduce_ffs3A_192 : vector<16xi32>
        %eq3A_197 = arith.cmpi eq, %iota3A, %all_reduce_ffs3A_192 : vector<16xi32>
        %jit3A_198 = arith.constant 0.000000e+00 : f32
        %broadcast_in_dim3A_199 = vector.broadcast %jit3A_198 : f32 to vector<16xf32>
        %select_n3A_200 = arith.select %eq3A_197, %broadcast_in_dim3A_199, %get3A_189 : vector<16xi1>, vector<16xf32>
        %mul3A_201 = arith.constant 16 : i32
        %mul3A_202 = arith.muli %reduce_max3A_185, %mul3A_201 : i32
        %swap3A = arith.index_cast %mul3A_202 : i32 to index
        %swap3A_203 = tpu.vector_load %arg7[%swap3A] {strides = array<i32>} : memref<20480xf32, #tpu.memory_space<vmem>>, vector<16xf32>,
        tpu.vector_store %arg7[%swap3A], %select_n3A_200 {strides = array<i32>} : memref<20480xf32, #tpu.memory_space<vmem>>, vector<16xf32>,
        %reduce_max3A_204 = arith.constant true
        %reduce_max3A_205 = vector.broadcast %reduce_max3A_204 : i1 to vector<16xi1>
        %reduce_max3A_206 = tpu.scan <max>, %select_n3A_200 masked %reduce_max3A_205 : vector<16xf32>, vector<16xi1> -> vector<16xf32>
        %reduce_max3A_207 = vector.extract %reduce_max3A_206[15] : f32 from vector<16xf32>
        %mul3A_208 = arith.constant 16 : i32
        %mul3A_209 = arith.muli %reduce_max3A_160, %mul3A_208 : i32
        %sub3A_210 = arith.subi %reduce_max3A_185, %mul3A_209 : i32
        %eq3A_211 = vector.broadcast %sub3A_210 : i32 to vector<16xi32>
        %eq3A_212 = arith.cmpi eq, %iota3A, %eq3A_211 : vector<16xi32>
        %broadcast_in_dim3A_213 = vector.broadcast %reduce_max3A_207 : f32 to vector<16xf32>
        %select_n3A_214 = arith.select %eq3A_212, %broadcast_in_dim3A_213, %get3A_164 : vector<16xi1>, vector<16xf32>
        %mul3A_215 = arith.constant 16 : i32
        %mul3A_216 = arith.muli %reduce_max3A_160, %mul3A_215 : i32
        %swap3A_217 = arith.index_cast %mul3A_216 : i32 to index
        %swap3A_218 = tpu.vector_load %arg12[%swap3A_217] {strides = array<i32>} : memref<1280xf32, #tpu.memory_space<vmem>>, vector<16xf32>,
        tpu.vector_store %arg12[%swap3A_217], %select_n3A_214 {strides = array<i32>} : memref<1280xf32, #tpu.memory_space<vmem>>, vector<16xf32>,
        %reduce_max3A_219 = arith.constant true
        %reduce_max3A_220 = vector.broadcast %reduce_max3A_219 : i1 to vector<16xi1>
        %reduce_max3A_221 = tpu.scan <max>, %select_n3A_214 masked %reduce_max3A_220 : vector<16xf32>, vector<16xi1> -> vector<16xf32>
        %reduce_max3A_222 = vector.extract %reduce_max3A_221[15] : f32 from vector<16xf32>
        %jit3A_223 = arith.constant 16 : i32
        %div3A_224 = arith.divsi %reduce_max3A_160, %jit3A_223 : i32
        %sign3A_225 = arith.constant 0 : i32
        %sign3A_226 = arith.cmpi sgt, %reduce_max3A_160, %sign3A_225 : i32
        %sign3A_227 = arith.extui %sign3A_226 : i1 to i32
        %sign3A_228 = arith.constant 0 : i32
        %sign3A_229 = arith.cmpi slt, %reduce_max3A_160, %sign3A_228 : i32
        %sign3A_230 = arith.extui %sign3A_229 : i1 to i32
        %sign3A_231 = arith.subi %sign3A_227, %sign3A_230 : i32
        %sign3A_232 = arith.constant 0 : i32
        %sign3A_233 = arith.cmpi sgt, %jit3A_223, %sign3A_232 : i32
        %sign3A_234 = arith.extui %sign3A_233 : i1 to i32
        %sign3A_235 = arith.constant 0 : i32
        %sign3A_236 = arith.cmpi slt, %jit3A_223, %sign3A_235 : i32
        %sign3A_237 = arith.extui %sign3A_236 : i1 to i32
        %sign3A_238 = arith.subi %sign3A_234, %sign3A_237 : i32
        %ne3A_239 = arith.cmpi ne, %sign3A_231, %sign3A_238 : i32
        %rem3A_240 = arith.remsi %reduce_max3A_160, %jit3A_223 : i32
        %ne3A_241 = arith.constant 0 : i32
        %ne3A_242 = arith.cmpi ne, %rem3A_240, %ne3A_241 : i32
        %and3A_243 = arith.andi %ne3A_239, %ne3A_242 : i1
        %sub3A_244 = arith.constant 1 : i32
        %sub3A_245 = arith.subi %div3A_224, %sub3A_244 : i32
        %select_n3A_246 = arith.select %and3A_243, %sub3A_245, %div3A_224 : i32
        %mul3A_247 = arith.constant 16 : i32
        %mul3A_248 = arith.muli %select_n3A_246, %mul3A_247 : i32
        %get3A_249 = arith.index_cast %mul3A_248 : i32 to index
        %get3A_250 = tpu.vector_load %arg13[%get3A_249] {strides = array<i32>} : memref<80xf32, #tpu.memory_space<vmem>>, vector<16xf32>,
        %mul3A_251 = arith.constant 16 : i32
        %mul3A_252 = arith.muli %select_n3A_246, %mul3A_251 : i32
        %sub3A_253 = arith.subi %reduce_max3A_160, %mul3A_252 : i32
        %eq3A_254 = vector.broadcast %sub3A_253 : i32 to vector<16xi32>
        %eq3A_255 = arith.cmpi eq, %iota3A, %eq3A_254 : vector<16xi32>
        %broadcast_in_dim3A_256 = vector.broadcast %reduce_max3A_222 : f32 to vector<16xf32>
        %select_n3A_257 = arith.select %eq3A_255, %broadcast_in_dim3A_256, %get3A_250 : vector<16xi1>, vector<16xf32>
        %mul3A_258 = arith.constant 16 : i32
        %mul3A_259 = arith.muli %select_n3A_246, %mul3A_258 : i32
        %swap3A_260 = arith.index_cast %mul3A_259 : i32 to index
        %swap3A_261 = tpu.vector_load %arg13[%swap3A_260] {strides = array<i32>} : memref<80xf32, #tpu.memory_space<vmem>>, vector<16xf32>,
        tpu.vector_store %arg13[%swap3A_260], %select_n3A_257 {strides = array<i32>} : memref<80xf32, #tpu.memory_space<vmem>>, vector<16xf32>,
        %gather3A = tpu.vector_load_idx %arg8[%add3A_196] : memref<20480xf32, #tpu.memory_space<vmem>>[vector<16xi32>], vector<16xf32>,
        %gather3A_262 = tpu.vector_load_idx %arg9[%add3A_196] : memref<20480xf32, #tpu.memory_space<vmem>>[vector<16xi32>], vector<16xf32>,
        %gather3A_263 = tpu.vector_load_idx %arg10[%add3A_196] : memref<20480xf32, #tpu.memory_space<vmem>>[vector<16xi32>], vector<16xf32>,
        %gather3A_264 = tpu.vector_load_idx %arg11[%add3A_196] : memref<20480xf32, #tpu.memory_space<vmem>>[vector<16xi32>], vector<16xf32>,
        %sub3A_265 = arith.subf %gather3A_263, %gather3A : vector<16xf32>
        %max3A_266 = arith.maximumf %sub3A_265, %broadcast_in_dim3A_1 : vector<16xf32>
        %sub3A_267 = arith.subf %gather3A_264, %gather3A_262 : vector<16xf32>
        %max3A_268 = arith.maximumf %sub3A_267, %broadcast_in_dim3A_1 : vector<16xf32>
        %mul3A_269 = arith.mulf %max3A_266, %max3A_268 : vector<16xf32>
        %lt3A_270 = arith.constant 0 : i32
        %lt3A_271 = vector.broadcast %lt3A_270 : i32 to vector<16xi32>
        %lt3A_272 = arith.cmpi slt, %iota3A, %lt3A_271 : vector<16xi32>
        %get3A_273 = arith.constant 0 : index
        %get3A_274 = tpu.vector_load %arg14[%get3A_273] {strides = array<i32>} : memref<224xf32, #tpu.memory_space<vmem>>, vector<16xf32>,
        %get3A_275 = arith.constant 0 : index
        %get3A_276 = tpu.vector_load %arg15[%get3A_275] {strides = array<i32>} : memref<224xf32, #tpu.memory_space<vmem>>, vector<16xf32>,
        %get3A_277 = arith.constant 0 : index
        %get3A_278 = tpu.vector_load %arg16[%get3A_277] {strides = array<i32>} : memref<224xf32, #tpu.memory_space<vmem>>, vector<16xf32>,
        %get3A_279 = arith.constant 0 : index
        %get3A_280 = tpu.vector_load %arg17[%get3A_279] {strides = array<i32>} : memref<224xf32, #tpu.memory_space<vmem>>, vector<16xf32>,
        %get3A_281 = arith.constant 0 : index
        %get3A_282 = tpu.vector_load %arg18[%get3A_281] {strides = array<i32>} : memref<224xf32, #tpu.memory_space<vmem>>, vector<16xf32>,
        %min3A = arith.minimumf %gather3A_263, %get3A_278 : vector<16xf32>
        %max3A_283 = arith.maximumf %gather3A, %get3A_274 : vector<16xf32>
        %sub3A_284 = arith.subf %min3A, %max3A_283 : vector<16xf32>
        %max3A_285 = arith.maximumf %sub3A_284, %broadcast_in_dim3A_1 : vector<16xf32>
        %min3A_286 = arith.minimumf %gather3A_264, %get3A_280 : vector<16xf32>
        %max3A_287 = arith.maximumf %gather3A_262, %get3A_276 : vector<16xf32>
        %sub3A_288 = arith.subf %min3A_286, %max3A_287 : vector<16xf32>
        %max3A_289 = arith.maximumf %sub3A_288, %broadcast_in_dim3A_1 : vector<16xf32>
        %mul3A_290 = arith.mulf %max3A_285, %max3A_289 : vector<16xf32>
        %add3A_291 = arith.addf %mul3A_269, %get3A_282 : vector<16xf32>
        %sub3A_292 = arith.subf %add3A_291, %mul3A_290 : vector<16xf32>
        %max3A_293 = arith.maximumf %sub3A_292, %broadcast_in_dim3A_3 : vector<16xf32>
        %mul3A_294 = arith.mulf %get3A_6, %max3A_293 : vector<16xf32>
        %gt3A_295 = arith.cmpf ogt, %mul3A_290, %mul3A_294 : vector<16xf32>
        %or3A = arith.ori %lt3A_272, %gt3A_295 : vector<16xi1>
        %get3A_296 = arith.constant 16 : index
        %get3A_297 = tpu.vector_load %arg14[%get3A_296] {strides = array<i32>} : memref<224xf32, #tpu.memory_space<vmem>>, vector<16xf32>,
        %get3A_298 = arith.constant 16 : index
        %get3A_299 = tpu.vector_load %arg15[%get3A_298] {strides = array<i32>} : memref<224xf32, #tpu.memory_space<vmem>>, vector<16xf32>,
        %get3A_300 = arith.constant 16 : index
        %get3A_301 = tpu.vector_load %arg16[%get3A_300] {strides = array<i32>} : memref<224xf32, #tpu.memory_space<vmem>>, vector<16xf32>,
        %get3A_302 = arith.constant 16 : index
        %get3A_303 = tpu.vector_load %arg17[%get3A_302] {strides = array<i32>} : memref<224xf32, #tpu.memory_space<vmem>>, vector<16xf32>,
        %get3A_304 = arith.constant 16 : index
        %get3A_305 = tpu.vector_load %arg18[%get3A_304] {strides = array<i32>} : memref<224xf32, #tpu.memory_space<vmem>>, vector<16xf32>,
        %min3A_306 = arith.minimumf %gather3A_263, %get3A_301 : vector<16xf32>
        %max3A_307 = arith.maximumf %gather3A, %get3A_297 : vector<16xf32>
        %sub3A_308 = arith.subf %min3A_306, %max3A_307 : vector<16xf32>
        %max3A_309 = arith.maximumf %sub3A_308, %broadcast_in_dim3A_1 : vector<16xf32>
        %min3A_310 = arith.minimumf %gather3A_264, %get3A_303 : vector<16xf32>
        %max3A_311 = arith.maximumf %gather3A_262, %get3A_299 : vector<16xf32>
        %sub3A_312 = arith.subf %min3A_310, %max3A_311 : vector<16xf32>
        %max3A_313 = arith.maximumf %sub3A_312, %broadcast_in_dim3A_1 : vector<16xf32>
        %mul3A_314 = arith.mulf %max3A_309, %max3A_313 : vector<16xf32>
        %add3A_315 = arith.addf %mul3A_269, %get3A_305 : vector<16xf32>
        %sub3A_316 = arith.subf %add3A_315, %mul3A_314 : vector<16xf32>
        %max3A_317 = arith.maximumf %sub3A_316, %broadcast_in_dim3A_3 : vector<16xf32>
        %mul3A_318 = arith.mulf %get3A_6, %max3A_317 : vector<16xf32>
        %gt3A_319 = arith.cmpf ogt, %mul3A_314, %mul3A_318 : vector<16xf32>
        %or3A_320 = arith.ori %or3A, %gt3A_319 : vector<16xi1>
        %get3A_321 = arith.constant 32 : index
        %get3A_322 = tpu.vector_load %arg14[%get3A_321] {strides = array<i32>} : memref<224xf32, #tpu.memory_space<vmem>>, vector<16xf32>,
        %get3A_323 = arith.constant 32 : index
        %get3A_324 = tpu.vector_load %arg15[%get3A_323] {strides = array<i32>} : memref<224xf32, #tpu.memory_space<vmem>>, vector<16xf32>,
        %get3A_325 = arith.constant 32 : index
        %get3A_326 = tpu.vector_load %arg16[%get3A_325] {strides = array<i32>} : memref<224xf32, #tpu.memory_space<vmem>>, vector<16xf32>,
        %get3A_327 = arith.constant 32 : index
        %get3A_328 = tpu.vector_load %arg17[%get3A_327] {strides = array<i32>} : memref<224xf32, #tpu.memory_space<vmem>>, vector<16xf32>,
        %get3A_329 = arith.constant 32 : index
        %get3A_330 = tpu.vector_load %arg18[%get3A_329] {strides = array<i32>} : memref<224xf32, #tpu.memory_space<vmem>>, vector<16xf32>,
        %min3A_331 = arith.minimumf %gather3A_263, %get3A_326 : vector<16xf32>
        %max3A_332 = arith.maximumf %gather3A, %get3A_322 : vector<16xf32>
        %sub3A_333 = arith.subf %min3A_331, %max3A_332 : vector<16xf32>
        %max3A_334 = arith.maximumf %sub3A_333, %broadcast_in_dim3A_1 : vector<16xf32>
        %min3A_335 = arith.minimumf %gather3A_264, %get3A_328 : vector<16xf32>
        %max3A_336 = arith.maximumf %gather3A_262, %get3A_324 : vector<16xf32>
        %sub3A_337 = arith.subf %min3A_335, %max3A_336 : vector<16xf32>
        %max3A_338 = arith.maximumf %sub3A_337, %broadcast_in_dim3A_1 : vector<16xf32>
        %mul3A_339 = arith.mulf %max3A_334, %max3A_338 : vector<16xf32>
        %add3A_340 = arith.addf %mul3A_269, %get3A_330 : vector<16xf32>
        %sub3A_341 = arith.subf %add3A_340, %mul3A_339 : vector<16xf32>
        %max3A_342 = arith.maximumf %sub3A_341, %broadcast_in_dim3A_3 : vector<16xf32>
        %mul3A_343 = arith.mulf %get3A_6, %max3A_342 : vector<16xf32>
        %gt3A_344 = arith.cmpf ogt, %mul3A_339, %mul3A_343 : vector<16xf32>
        %or3A_345 = arith.ori %or3A_320, %gt3A_344 : vector<16xi1>
        %get3A_346 = arith.constant 48 : index
        %get3A_347 = tpu.vector_load %arg14[%get3A_346] {strides = array<i32>} : memref<224xf32, #tpu.memory_space<vmem>>, vector<16xf32>,
        %get3A_348 = arith.constant 48 : index
        %get3A_349 = tpu.vector_load %arg15[%get3A_348] {strides = array<i32>} : memref<224xf32, #tpu.memory_space<vmem>>, vector<16xf32>,
        %get3A_350 = arith.constant 48 : index
        %get3A_351 = tpu.vector_load %arg16[%get3A_350] {strides = array<i32>} : memref<224xf32, #tpu.memory_space<vmem>>, vector<16xf32>,
        %get3A_352 = arith.constant 48 : index
        %get3A_353 = tpu.vector_load %arg17[%get3A_352] {strides = array<i32>} : memref<224xf32, #tpu.memory_space<vmem>>, vector<16xf32>,
        %get3A_354 = arith.constant 48 : index
        %get3A_355 = tpu.vector_load %arg18[%get3A_354] {strides = array<i32>} : memref<224xf32, #tpu.memory_space<vmem>>, vector<16xf32>,
        %min3A_356 = arith.minimumf %gather3A_263, %get3A_351 : vector<16xf32>
        %max3A_357 = arith.maximumf %gather3A, %get3A_347 : vector<16xf32>
        %sub3A_358 = arith.subf %min3A_356, %max3A_357 : vector<16xf32>
        %max3A_359 = arith.maximumf %sub3A_358, %broadcast_in_dim3A_1 : vector<16xf32>
        %min3A_360 = arith.minimumf %gather3A_264, %get3A_353 : vector<16xf32>
        %max3A_361 = arith.maximumf %gather3A_262, %get3A_349 : vector<16xf32>
        %sub3A_362 = arith.subf %min3A_360, %max3A_361 : vector<16xf32>
        %max3A_363 = arith.maximumf %sub3A_362, %broadcast_in_dim3A_1 : vector<16xf32>
        %mul3A_364 = arith.mulf %max3A_359, %max3A_363 : vector<16xf32>
        %add3A_365 = arith.addf %mul3A_269, %get3A_355 : vector<16xf32>
        %sub3A_366 = arith.subf %add3A_365, %mul3A_364 : vector<16xf32>
        %max3A_367 = arith.maximumf %sub3A_366, %broadcast_in_dim3A_3 : vector<16xf32>
        %mul3A_368 = arith.mulf %get3A_6, %max3A_367 : vector<16xf32>
        %gt3A_369 = arith.cmpf ogt, %mul3A_364, %mul3A_368 : vector<16xf32>
        %or3A_370 = arith.ori %or3A_345, %gt3A_369 : vector<16xi1>
        %get3A_371 = arith.constant 64 : index
        %get3A_372 = tpu.vector_load %arg14[%get3A_371] {strides = array<i32>} : memref<224xf32, #tpu.memory_space<vmem>>, vector<16xf32>,
        %get3A_373 = arith.constant 64 : index
        %get3A_374 = tpu.vector_load %arg15[%get3A_373] {strides = array<i32>} : memref<224xf32, #tpu.memory_space<vmem>>, vector<16xf32>,
        %get3A_375 = arith.constant 64 : index
        %get3A_376 = tpu.vector_load %arg16[%get3A_375] {strides = array<i32>} : memref<224xf32, #tpu.memory_space<vmem>>, vector<16xf32>,
        %get3A_377 = arith.constant 64 : index
        %get3A_378 = tpu.vector_load %arg17[%get3A_377] {strides = array<i32>} : memref<224xf32, #tpu.memory_space<vmem>>, vector<16xf32>,
        %get3A_379 = arith.constant 64 : index
        %get3A_380 = tpu.vector_load %arg18[%get3A_379] {strides = array<i32>} : memref<224xf32, #tpu.memory_space<vmem>>, vector<16xf32>,
        %min3A_381 = arith.minimumf %gather3A_263, %get3A_376 : vector<16xf32>
        %max3A_382 = arith.maximumf %gather3A, %get3A_372 : vector<16xf32>
        %sub3A_383 = arith.subf %min3A_381, %max3A_382 : vector<16xf32>
        %max3A_384 = arith.maximumf %sub3A_383, %broadcast_in_dim3A_1 : vector<16xf32>
        %min3A_385 = arith.minimumf %gather3A_264, %get3A_378 : vector<16xf32>
        %max3A_386 = arith.maximumf %gather3A_262, %get3A_374 : vector<16xf32>
        %sub3A_387 = arith.subf %min3A_385, %max3A_386 : vector<16xf32>
        %max3A_388 = arith.maximumf %sub3A_387, %broadcast_in_dim3A_1 : vector<16xf32>
        %mul3A_389 = arith.mulf %max3A_384, %max3A_388 : vector<16xf32>
        %add3A_390 = arith.addf %mul3A_269, %get3A_380 : vector<16xf32>
        %sub3A_391 = arith.subf %add3A_390, %mul3A_389 : vector<16xf32>
        %max3A_392 = arith.maximumf %sub3A_391, %broadcast_in_dim3A_3 : vector<16xf32>
        %mul3A_393 = arith.mulf %get3A_6, %max3A_392 : vector<16xf32>
        %gt3A_394 = arith.cmpf ogt, %mul3A_389, %mul3A_393 : vector<16xf32>
        %or3A_395 = arith.ori %or3A_370, %gt3A_394 : vector<16xi1>
        %get3A_396 = arith.constant 80 : index
        %get3A_397 = tpu.vector_load %arg14[%get3A_396] {strides = array<i32>} : memref<224xf32, #tpu.memory_space<vmem>>, vector<16xf32>,
        %get3A_398 = arith.constant 80 : index
        %get3A_399 = tpu.vector_load %arg15[%get3A_398] {strides = array<i32>} : memref<224xf32, #tpu.memory_space<vmem>>, vector<16xf32>,
        %get3A_400 = arith.constant 80 : index
        %get3A_401 = tpu.vector_load %arg16[%get3A_400] {strides = array<i32>} : memref<224xf32, #tpu.memory_space<vmem>>, vector<16xf32>,
        %get3A_402 = arith.constant 80 : index
        %get3A_403 = tpu.vector_load %arg17[%get3A_402] {strides = array<i32>} : memref<224xf32, #tpu.memory_space<vmem>>, vector<16xf32>,
        %get3A_404 = arith.constant 80 : index
        %get3A_405 = tpu.vector_load %arg18[%get3A_404] {strides = array<i32>} : memref<224xf32, #tpu.memory_space<vmem>>, vector<16xf32>,
        %min3A_406 = arith.minimumf %gather3A_263, %get3A_401 : vector<16xf32>
        %max3A_407 = arith.maximumf %gather3A, %get3A_397 : vector<16xf32>
        %sub3A_408 = arith.subf %min3A_406, %max3A_407 : vector<16xf32>
        %max3A_409 = arith.maximumf %sub3A_408, %broadcast_in_dim3A_1 : vector<16xf32>
        %min3A_410 = arith.minimumf %gather3A_264, %get3A_403 : vector<16xf32>
        %max3A_411 = arith.maximumf %gather3A_262, %get3A_399 : vector<16xf32>
        %sub3A_412 = arith.subf %min3A_410, %max3A_411 : vector<16xf32>
        %max3A_413 = arith.maximumf %sub3A_412, %broadcast_in_dim3A_1 : vector<16xf32>
        %mul3A_414 = arith.mulf %max3A_409, %max3A_413 : vector<16xf32>
        %add3A_415 = arith.addf %mul3A_269, %get3A_405 : vector<16xf32>
        %sub3A_416 = arith.subf %add3A_415, %mul3A_414 : vector<16xf32>
        %max3A_417 = arith.maximumf %sub3A_416, %broadcast_in_dim3A_3 : vector<16xf32>
        %mul3A_418 = arith.mulf %get3A_6, %max3A_417 : vector<16xf32>
        %gt3A_419 = arith.cmpf ogt, %mul3A_414, %mul3A_418 : vector<16xf32>
        %or3A_420 = arith.ori %or3A_395, %gt3A_419 : vector<16xi1>
        %get3A_421 = arith.constant 96 : index
        %get3A_422 = tpu.vector_load %arg14[%get3A_421] {strides = array<i32>} : memref<224xf32, #tpu.memory_space<vmem>>, vector<16xf32>,
        %get3A_423 = arith.constant 96 : index
        %get3A_424 = tpu.vector_load %arg15[%get3A_423] {strides = array<i32>} : memref<224xf32, #tpu.memory_space<vmem>>, vector<16xf32>,
        %get3A_425 = arith.constant 96 : index
        %get3A_426 = tpu.vector_load %arg16[%get3A_425] {strides = array<i32>} : memref<224xf32, #tpu.memory_space<vmem>>, vector<16xf32>,
        %get3A_427 = arith.constant 96 : index
        %get3A_428 = tpu.vector_load %arg17[%get3A_427] {strides = array<i32>} : memref<224xf32, #tpu.memory_space<vmem>>, vector<16xf32>,
        %get3A_429 = arith.constant 96 : index
        %get3A_430 = tpu.vector_load %arg18[%get3A_429] {strides = array<i32>} : memref<224xf32, #tpu.memory_space<vmem>>, vector<16xf32>,
        %min3A_431 = arith.minimumf %gather3A_263, %get3A_426 : vector<16xf32>
        %max3A_432 = arith.maximumf %gather3A, %get3A_422 : vector<16xf32>
        %sub3A_433 = arith.subf %min3A_431, %max3A_432 : vector<16xf32>
        %max3A_434 = arith.maximumf %sub3A_433, %broadcast_in_dim3A_1 : vector<16xf32>
        %min3A_435 = arith.minimumf %gather3A_264, %get3A_428 : vector<16xf32>
        %max3A_436 = arith.maximumf %gather3A_262, %get3A_424 : vector<16xf32>
        %sub3A_437 = arith.subf %min3A_435, %max3A_436 : vector<16xf32>
        %max3A_438 = arith.maximumf %sub3A_437, %broadcast_in_dim3A_1 : vector<16xf32>
        %mul3A_439 = arith.mulf %max3A_434, %max3A_438 : vector<16xf32>
        %add3A_440 = arith.addf %mul3A_269, %get3A_430 : vector<16xf32>
        %sub3A_441 = arith.subf %add3A_440, %mul3A_439 : vector<16xf32>
        %max3A_442 = arith.maximumf %sub3A_441, %broadcast_in_dim3A_3 : vector<16xf32>
        %mul3A_443 = arith.mulf %get3A_6, %max3A_442 : vector<16xf32>
        %gt3A_444 = arith.cmpf ogt, %mul3A_439, %mul3A_443 : vector<16xf32>
        %or3A_445 = arith.ori %or3A_420, %gt3A_444 : vector<16xi1>
        %get3A_446 = arith.constant 112 : index
        %get3A_447 = tpu.vector_load %arg14[%get3A_446] {strides = array<i32>} : memref<224xf32, #tpu.memory_space<vmem>>, vector<16xf32>,
        %get3A_448 = arith.constant 112 : index
        %get3A_449 = tpu.vector_load %arg15[%get3A_448] {strides = array<i32>} : memref<224xf32, #tpu.memory_space<vmem>>, vector<16xf32>,
        %get3A_450 = arith.constant 112 : index
        %get3A_451 = tpu.vector_load %arg16[%get3A_450] {strides = array<i32>} : memref<224xf32, #tpu.memory_space<vmem>>, vector<16xf32>,
        %get3A_452 = arith.constant 112 : index
        %get3A_453 = tpu.vector_load %arg17[%get3A_452] {strides = array<i32>} : memref<224xf32, #tpu.memory_space<vmem>>, vector<16xf32>,
        %get3A_454 = arith.constant 112 : index
        %get3A_455 = tpu.vector_load %arg18[%get3A_454] {strides = array<i32>} : memref<224xf32, #tpu.memory_space<vmem>>, vector<16xf32>,
        %min3A_456 = arith.minimumf %gather3A_263, %get3A_451 : vector<16xf32>
        %max3A_457 = arith.maximumf %gather3A, %get3A_447 : vector<16xf32>
        %sub3A_458 = arith.subf %min3A_456, %max3A_457 : vector<16xf32>
        %max3A_459 = arith.maximumf %sub3A_458, %broadcast_in_dim3A_1 : vector<16xf32>
        %min3A_460 = arith.minimumf %gather3A_264, %get3A_453 : vector<16xf32>
        %max3A_461 = arith.maximumf %gather3A_262, %get3A_449 : vector<16xf32>
        %sub3A_462 = arith.subf %min3A_460, %max3A_461 : vector<16xf32>
        %max3A_463 = arith.maximumf %sub3A_462, %broadcast_in_dim3A_1 : vector<16xf32>
        %mul3A_464 = arith.mulf %max3A_459, %max3A_463 : vector<16xf32>
        %add3A_465 = arith.addf %mul3A_269, %get3A_455 : vector<16xf32>
        %sub3A_466 = arith.subf %add3A_465, %mul3A_464 : vector<16xf32>
        %max3A_467 = arith.maximumf %sub3A_466, %broadcast_in_dim3A_3 : vector<16xf32>
        %mul3A_468 = arith.mulf %get3A_6, %max3A_467 : vector<16xf32>
        %gt3A_469 = arith.cmpf ogt, %mul3A_464, %mul3A_468 : vector<16xf32>
        %or3A_470 = arith.ori %or3A_445, %gt3A_469 : vector<16xi1>
        %get3A_471 = arith.constant 128 : index
        %get3A_472 = tpu.vector_load %arg14[%get3A_471] {strides = array<i32>} : memref<224xf32, #tpu.memory_space<vmem>>, vector<16xf32>,
        %get3A_473 = arith.constant 128 : index
        %get3A_474 = tpu.vector_load %arg15[%get3A_473] {strides = array<i32>} : memref<224xf32, #tpu.memory_space<vmem>>, vector<16xf32>,
        %get3A_475 = arith.constant 128 : index
        %get3A_476 = tpu.vector_load %arg16[%get3A_475] {strides = array<i32>} : memref<224xf32, #tpu.memory_space<vmem>>, vector<16xf32>,
        %get3A_477 = arith.constant 128 : index
        %get3A_478 = tpu.vector_load %arg17[%get3A_477] {strides = array<i32>} : memref<224xf32, #tpu.memory_space<vmem>>, vector<16xf32>,
        %get3A_479 = arith.constant 128 : index
        %get3A_480 = tpu.vector_load %arg18[%get3A_479] {strides = array<i32>} : memref<224xf32, #tpu.memory_space<vmem>>, vector<16xf32>,
        %min3A_481 = arith.minimumf %gather3A_263, %get3A_476 : vector<16xf32>
        %max3A_482 = arith.maximumf %gather3A, %get3A_472 : vector<16xf32>
        %sub3A_483 = arith.subf %min3A_481, %max3A_482 : vector<16xf32>
        %max3A_484 = arith.maximumf %sub3A_483, %broadcast_in_dim3A_1 : vector<16xf32>
        %min3A_485 = arith.minimumf %gather3A_264, %get3A_478 : vector<16xf32>
        %max3A_486 = arith.maximumf %gather3A_262, %get3A_474 : vector<16xf32>
        %sub3A_487 = arith.subf %min3A_485, %max3A_486 : vector<16xf32>
        %max3A_488 = arith.maximumf %sub3A_487, %broadcast_in_dim3A_1 : vector<16xf32>
        %mul3A_489 = arith.mulf %max3A_484, %max3A_488 : vector<16xf32>
        %add3A_490 = arith.addf %mul3A_269, %get3A_480 : vector<16xf32>
        %sub3A_491 = arith.subf %add3A_490, %mul3A_489 : vector<16xf32>
        %max3A_492 = arith.maximumf %sub3A_491, %broadcast_in_dim3A_3 : vector<16xf32>
        %mul3A_493 = arith.mulf %get3A_6, %max3A_492 : vector<16xf32>
        %gt3A_494 = arith.cmpf ogt, %mul3A_489, %mul3A_493 : vector<16xf32>
        %or3A_495 = arith.ori %or3A_470, %gt3A_494 : vector<16xi1>
        %get3A_496 = arith.constant 144 : index
        %get3A_497 = tpu.vector_load %arg14[%get3A_496] {strides = array<i32>} : memref<224xf32, #tpu.memory_space<vmem>>, vector<16xf32>,
        %get3A_498 = arith.constant 144 : index
        %get3A_499 = tpu.vector_load %arg15[%get3A_498] {strides = array<i32>} : memref<224xf32, #tpu.memory_space<vmem>>, vector<16xf32>,
        %get3A_500 = arith.constant 144 : index
        %get3A_501 = tpu.vector_load %arg16[%get3A_500] {strides = array<i32>} : memref<224xf32, #tpu.memory_space<vmem>>, vector<16xf32>,
        %get3A_502 = arith.constant 144 : index
        %get3A_503 = tpu.vector_load %arg17[%get3A_502] {strides = array<i32>} : memref<224xf32, #tpu.memory_space<vmem>>, vector<16xf32>,
        %get3A_504 = arith.constant 144 : index
        %get3A_505 = tpu.vector_load %arg18[%get3A_504] {strides = array<i32>} : memref<224xf32, #tpu.memory_space<vmem>>, vector<16xf32>,
        %min3A_506 = arith.minimumf %gather3A_263, %get3A_501 : vector<16xf32>
        %max3A_507 = arith.maximumf %gather3A, %get3A_497 : vector<16xf32>
        %sub3A_508 = arith.subf %min3A_506, %max3A_507 : vector<16xf32>
        %max3A_509 = arith.maximumf %sub3A_508, %broadcast_in_dim3A_1 : vector<16xf32>
        %min3A_510 = arith.minimumf %gather3A_264, %get3A_503 : vector<16xf32>
        %max3A_511 = arith.maximumf %gather3A_262, %get3A_499 : vector<16xf32>
        %sub3A_512 = arith.subf %min3A_510, %max3A_511 : vector<16xf32>
        %max3A_513 = arith.maximumf %sub3A_512, %broadcast_in_dim3A_1 : vector<16xf32>
        %mul3A_514 = arith.mulf %max3A_509, %max3A_513 : vector<16xf32>
        %add3A_515 = arith.addf %mul3A_269, %get3A_505 : vector<16xf32>
        %sub3A_516 = arith.subf %add3A_515, %mul3A_514 : vector<16xf32>
        %max3A_517 = arith.maximumf %sub3A_516, %broadcast_in_dim3A_3 : vector<16xf32>
        %mul3A_518 = arith.mulf %get3A_6, %max3A_517 : vector<16xf32>
        %gt3A_519 = arith.cmpf ogt, %mul3A_514, %mul3A_518 : vector<16xf32>
        %or3A_520 = arith.ori %or3A_495, %gt3A_519 : vector<16xi1>
        %get3A_521 = arith.constant 160 : index
        %get3A_522 = tpu.vector_load %arg14[%get3A_521] {strides = array<i32>} : memref<224xf32, #tpu.memory_space<vmem>>, vector<16xf32>,
        %get3A_523 = arith.constant 160 : index
        %get3A_524 = tpu.vector_load %arg15[%get3A_523] {strides = array<i32>} : memref<224xf32, #tpu.memory_space<vmem>>, vector<16xf32>,
        %get3A_525 = arith.constant 160 : index
        %get3A_526 = tpu.vector_load %arg16[%get3A_525] {strides = array<i32>} : memref<224xf32, #tpu.memory_space<vmem>>, vector<16xf32>,
        %get3A_527 = arith.constant 160 : index
        %get3A_528 = tpu.vector_load %arg17[%get3A_527] {strides = array<i32>} : memref<224xf32, #tpu.memory_space<vmem>>, vector<16xf32>,
        %get3A_529 = arith.constant 160 : index
        %get3A_530 = tpu.vector_load %arg18[%get3A_529] {strides = array<i32>} : memref<224xf32, #tpu.memory_space<vmem>>, vector<16xf32>,
        %min3A_531 = arith.minimumf %gather3A_263, %get3A_526 : vector<16xf32>
        %max3A_532 = arith.maximumf %gather3A, %get3A_522 : vector<16xf32>
        %sub3A_533 = arith.subf %min3A_531, %max3A_532 : vector<16xf32>
        %max3A_534 = arith.maximumf %sub3A_533, %broadcast_in_dim3A_1 : vector<16xf32>
        %min3A_535 = arith.minimumf %gather3A_264, %get3A_528 : vector<16xf32>
        %max3A_536 = arith.maximumf %gather3A_262, %get3A_524 : vector<16xf32>
        %sub3A_537 = arith.subf %min3A_535, %max3A_536 : vector<16xf32>
        %max3A_538 = arith.maximumf %sub3A_537, %broadcast_in_dim3A_1 : vector<16xf32>
        %mul3A_539 = arith.mulf %max3A_534, %max3A_538 : vector<16xf32>
        %add3A_540 = arith.addf %mul3A_269, %get3A_530 : vector<16xf32>
        %sub3A_541 = arith.subf %add3A_540, %mul3A_539 : vector<16xf32>
        %max3A_542 = arith.maximumf %sub3A_541, %broadcast_in_dim3A_3 : vector<16xf32>
        %mul3A_543 = arith.mulf %get3A_6, %max3A_542 : vector<16xf32>
        %gt3A_544 = arith.cmpf ogt, %mul3A_539, %mul3A_543 : vector<16xf32>
        %or3A_545 = arith.ori %or3A_520, %gt3A_544 : vector<16xi1>
        %get3A_546 = arith.constant 176 : index
        %get3A_547 = tpu.vector_load %arg14[%get3A_546] {strides = array<i32>} : memref<224xf32, #tpu.memory_space<vmem>>, vector<16xf32>,
        %get3A_548 = arith.constant 176 : index
        %get3A_549 = tpu.vector_load %arg15[%get3A_548] {strides = array<i32>} : memref<224xf32, #tpu.memory_space<vmem>>, vector<16xf32>,
        %get3A_550 = arith.constant 176 : index
        %get3A_551 = tpu.vector_load %arg16[%get3A_550] {strides = array<i32>} : memref<224xf32, #tpu.memory_space<vmem>>, vector<16xf32>,
        %get3A_552 = arith.constant 176 : index
        %get3A_553 = tpu.vector_load %arg17[%get3A_552] {strides = array<i32>} : memref<224xf32, #tpu.memory_space<vmem>>, vector<16xf32>,
        %get3A_554 = arith.constant 176 : index
        %get3A_555 = tpu.vector_load %arg18[%get3A_554] {strides = array<i32>} : memref<224xf32, #tpu.memory_space<vmem>>, vector<16xf32>,
        %min3A_556 = arith.minimumf %gather3A_263, %get3A_551 : vector<16xf32>
        %max3A_557 = arith.maximumf %gather3A, %get3A_547 : vector<16xf32>
        %sub3A_558 = arith.subf %min3A_556, %max3A_557 : vector<16xf32>
        %max3A_559 = arith.maximumf %sub3A_558, %broadcast_in_dim3A_1 : vector<16xf32>
        %min3A_560 = arith.minimumf %gather3A_264, %get3A_553 : vector<16xf32>
        %max3A_561 = arith.maximumf %gather3A_262, %get3A_549 : vector<16xf32>
        %sub3A_562 = arith.subf %min3A_560, %max3A_561 : vector<16xf32>
        %max3A_563 = arith.maximumf %sub3A_562, %broadcast_in_dim3A_1 : vector<16xf32>
        %mul3A_564 = arith.mulf %max3A_559, %max3A_563 : vector<16xf32>
        %add3A_565 = arith.addf %mul3A_269, %get3A_555 : vector<16xf32>
        %sub3A_566 = arith.subf %add3A_565, %mul3A_564 : vector<16xf32>
        %max3A_567 = arith.maximumf %sub3A_566, %broadcast_in_dim3A_3 : vector<16xf32>
        %mul3A_568 = arith.mulf %get3A_6, %max3A_567 : vector<16xf32>
        %gt3A_569 = arith.cmpf ogt, %mul3A_564, %mul3A_568 : vector<16xf32>
        %or3A_570 = arith.ori %or3A_545, %gt3A_569 : vector<16xi1>
        %get3A_571 = arith.constant 192 : index
        %get3A_572 = tpu.vector_load %arg14[%get3A_571] {strides = array<i32>} : memref<224xf32, #tpu.memory_space<vmem>>, vector<16xf32>,
        %get3A_573 = arith.constant 192 : index
        %get3A_574 = tpu.vector_load %arg15[%get3A_573] {strides = array<i32>} : memref<224xf32, #tpu.memory_space<vmem>>, vector<16xf32>,
        %get3A_575 = arith.constant 192 : index
        %get3A_576 = tpu.vector_load %arg16[%get3A_575] {strides = array<i32>} : memref<224xf32, #tpu.memory_space<vmem>>, vector<16xf32>,
        %get3A_577 = arith.constant 192 : index
        %get3A_578 = tpu.vector_load %arg17[%get3A_577] {strides = array<i32>} : memref<224xf32, #tpu.memory_space<vmem>>, vector<16xf32>,
        %get3A_579 = arith.constant 192 : index
        %get3A_580 = tpu.vector_load %arg18[%get3A_579] {strides = array<i32>} : memref<224xf32, #tpu.memory_space<vmem>>, vector<16xf32>,
        %min3A_581 = arith.minimumf %gather3A_263, %get3A_576 : vector<16xf32>
        %max3A_582 = arith.maximumf %gather3A, %get3A_572 : vector<16xf32>
        %sub3A_583 = arith.subf %min3A_581, %max3A_582 : vector<16xf32>
        %max3A_584 = arith.maximumf %sub3A_583, %broadcast_in_dim3A_1 : vector<16xf32>
        %min3A_585 = arith.minimumf %gather3A_264, %get3A_578 : vector<16xf32>
        %max3A_586 = arith.maximumf %gather3A_262, %get3A_574 : vector<16xf32>
        %sub3A_587 = arith.subf %min3A_585, %max3A_586 : vector<16xf32>
        %max3A_588 = arith.maximumf %sub3A_587, %broadcast_in_dim3A_1 : vector<16xf32>
        %mul3A_589 = arith.mulf %max3A_584, %max3A_588 : vector<16xf32>
        %add3A_590 = arith.addf %mul3A_269, %get3A_580 : vector<16xf32>
        %sub3A_591 = arith.subf %add3A_590, %mul3A_589 : vector<16xf32>
        %max3A_592 = arith.maximumf %sub3A_591, %broadcast_in_dim3A_3 : vector<16xf32>
        %mul3A_593 = arith.mulf %get3A_6, %max3A_592 : vector<16xf32>
        %gt3A_594 = arith.cmpf ogt, %mul3A_589, %mul3A_593 : vector<16xf32>
        %or3A_595 = arith.ori %or3A_570, %gt3A_594 : vector<16xi1>
        %get3A_596 = arith.constant 208 : index
        %get3A_597 = tpu.vector_load %arg14[%get3A_596] {strides = array<i32>} : memref<224xf32, #tpu.memory_space<vmem>>, vector<16xf32>,
        %get3A_598 = arith.constant 208 : index
        %get3A_599 = tpu.vector_load %arg15[%get3A_598] {strides = array<i32>} : memref<224xf32, #tpu.memory_space<vmem>>, vector<16xf32>,
        %get3A_600 = arith.constant 208 : index
        %get3A_601 = tpu.vector_load %arg16[%get3A_600] {strides = array<i32>} : memref<224xf32, #tpu.memory_space<vmem>>, vector<16xf32>,
        %get3A_602 = arith.constant 208 : index
        %get3A_603 = tpu.vector_load %arg17[%get3A_602] {strides = array<i32>} : memref<224xf32, #tpu.memory_space<vmem>>, vector<16xf32>,
        %get3A_604 = arith.constant 208 : index
        %get3A_605 = tpu.vector_load %arg18[%get3A_604] {strides = array<i32>} : memref<224xf32, #tpu.memory_space<vmem>>, vector<16xf32>,
        %min3A_606 = arith.minimumf %gather3A_263, %get3A_601 : vector<16xf32>
        %max3A_607 = arith.maximumf %gather3A, %get3A_597 : vector<16xf32>
        %sub3A_608 = arith.subf %min3A_606, %max3A_607 : vector<16xf32>
        %max3A_609 = arith.maximumf %sub3A_608, %broadcast_in_dim3A_1 : vector<16xf32>
        %min3A_610 = arith.minimumf %gather3A_264, %get3A_603 : vector<16xf32>
        %max3A_611 = arith.maximumf %gather3A_262, %get3A_599 : vector<16xf32>
        %sub3A_612 = arith.subf %min3A_610, %max3A_611 : vector<16xf32>
        %max3A_613 = arith.maximumf %sub3A_612, %broadcast_in_dim3A_1 : vector<16xf32>
        %mul3A_614 = arith.mulf %max3A_609, %max3A_613 : vector<16xf32>
        %add3A_615 = arith.addf %mul3A_269, %get3A_605 : vector<16xf32>
        %sub3A_616 = arith.subf %add3A_615, %mul3A_614 : vector<16xf32>
        %max3A_617 = arith.maximumf %sub3A_616, %broadcast_in_dim3A_3 : vector<16xf32>
        %mul3A_618 = arith.mulf %get3A_6, %max3A_617 : vector<16xf32>
        %gt3A_619 = arith.cmpf ogt, %mul3A_614, %mul3A_618 : vector<16xf32>
        %or3A_620 = arith.ori %or3A_595, %gt3A_619 : vector<16xi1>
        %all_reduce_population_count3A_621 = tpu.all_reduce %or3A_620 {dim = 0 : i64, kind = #tpu.reduction_kind<sum>} : vector<16xi1> -> vector<16xi32>
        %reduce_max3A_622 = arith.constant true
        %reduce_max3A_623 = vector.broadcast %reduce_max3A_622 : i1 to vector<16xi1>
        %reduce_max3A_624 = arith.constant -2147483648 : i32
        %reduce_max3A_625 = vector.broadcast %reduce_max3A_624 : i32 to vector<16xi32>
        %reduce_max3A_626 = arith.xori %all_reduce_population_count3A_621, %reduce_max3A_625 : vector<16xi32>
        %reduce_max3A_627 = tpu.scan <max>, %reduce_max3A_626 masked %reduce_max3A_623 : vector<16xi32>, vector<16xi1> -> vector<16xi32>
        %reduce_max3A_628 = arith.xori %reduce_max3A_627, %reduce_max3A_625 : vector<16xi32>
        %reduce_max3A_629 = vector.extract %reduce_max3A_628[15] : i32 from vector<16xi32>
        %gt3A_630 = arith.constant 0 : i32
        %gt3A_631 = arith.cmpi sgt, %reduce_max3A_629, %gt3A_630 : i32
        %not3A = arith.constant true
        %not3A_632 = arith.xori %gt3A_631, %not3A : i1
        %and3A_633 = arith.andi %gt3A_91, %not3A_632 : i1
        %convert_element_type3A_634 = arith.extui %and3A_633 : i1 to i32
        %cond3A_635 = arith.constant 0 : i32
        %cond3A_636 = arith.cmpi ne, %convert_element_type3A_634, %cond3A_635 : i32
        scf.if %cond3A_636 {
          %jit3A_643 = arith.constant 16 : i32
          %div3A_644 = arith.divsi %while3A_73, %jit3A_643 : i32
          %sign3A_645 = arith.constant 0 : i32
          %sign3A_646 = arith.cmpi sgt, %while3A_73, %sign3A_645 : i32
          %sign3A_647 = arith.extui %sign3A_646 : i1 to i32
          %sign3A_648 = arith.constant 0 : i32
          %sign3A_649 = arith.cmpi slt, %while3A_73, %sign3A_648 : i32
          %sign3A_650 = arith.extui %sign3A_649 : i1 to i32
          %sign3A_651 = arith.subi %sign3A_647, %sign3A_650 : i32
          %sign3A_652 = arith.constant 0 : i32
          %sign3A_653 = arith.cmpi sgt, %jit3A_643, %sign3A_652 : i32
          %sign3A_654 = arith.extui %sign3A_653 : i1 to i32
          %sign3A_655 = arith.constant 0 : i32
          %sign3A_656 = arith.cmpi slt, %jit3A_643, %sign3A_655 : i32
          %sign3A_657 = arith.extui %sign3A_656 : i1 to i32
          %sign3A_658 = arith.subi %sign3A_654, %sign3A_657 : i32
          %ne3A_659 = arith.cmpi ne, %sign3A_651, %sign3A_658 : i32
          %rem3A_660 = arith.remsi %while3A_73, %jit3A_643 : i32
          %ne3A_661 = arith.constant 0 : i32
          %ne3A_662 = arith.cmpi ne, %rem3A_660, %ne3A_661 : i32
          %and3A_663 = arith.andi %ne3A_659, %ne3A_662 : i1
          %sub3A_664 = arith.constant 1 : i32
          %sub3A_665 = arith.subi %div3A_644, %sub3A_664 : i32
          %select_n3A_666 = arith.select %and3A_663, %sub3A_665, %div3A_644 : i32
          %mul3A_667 = arith.constant 16 : i32
          %mul3A_668 = arith.muli %select_n3A_666, %mul3A_667 : i32
          %sub3A_669 = arith.subi %while3A_73, %mul3A_668 : i32
          %get3A_670 = arith.index_cast %mul3A_668 : i32 to index
          %get3A_671 = tpu.vector_load %arg14[%get3A_670] {strides = array<i32>} : memref<224xf32, #tpu.memory_space<vmem>>, vector<16xf32>,
          %eq3A_672 = vector.broadcast %sub3A_669 : i32 to vector<16xi32>
          %eq3A_673 = arith.cmpi eq, %iota3A, %eq3A_672 : vector<16xi32>
          %select_n3A_674 = arith.select %eq3A_673, %gather3A, %get3A_671 : vector<16xi1>, vector<16xf32>
          %swap3A_675 = arith.index_cast %mul3A_668 : i32 to index
          %swap3A_676 = tpu.vector_load %arg14[%swap3A_675] {strides = array<i32>} : memref<224xf32, #tpu.memory_space<vmem>>, vector<16xf32>,
          tpu.vector_store %arg14[%swap3A_675], %select_n3A_674 {strides = array<i32>} : memref<224xf32, #tpu.memory_space<vmem>>, vector<16xf32>,
          %get3A_677 = arith.index_cast %mul3A_668 : i32 to index
          %get3A_678 = tpu.vector_load %arg15[%get3A_677] {strides = array<i32>} : memref<224xf32, #tpu.memory_space<vmem>>, vector<16xf32>,
          %eq3A_679 = vector.broadcast %sub3A_669 : i32 to vector<16xi32>
          %eq3A_680 = arith.cmpi eq, %iota3A, %eq3A_679 : vector<16xi32>
          %select_n3A_681 = arith.select %eq3A_680, %gather3A_262, %get3A_678 : vector<16xi1>, vector<16xf32>
          %swap3A_682 = arith.index_cast %mul3A_668 : i32 to index
          %swap3A_683 = tpu.vector_load %arg15[%swap3A_682] {strides = array<i32>} : memref<224xf32, #tpu.memory_space<vmem>>, vector<16xf32>,
          tpu.vector_store %arg15[%swap3A_682], %select_n3A_681 {strides = array<i32>} : memref<224xf32, #tpu.memory_space<vmem>>, vector<16xf32>,
          %get3A_684 = arith.index_cast %mul3A_668 : i32 to index
          %get3A_685 = tpu.vector_load %arg16[%get3A_684] {strides = array<i32>} : memref<224xf32, #tpu.memory_space<vmem>>, vector<16xf32>,
          %eq3A_686 = vector.broadcast %sub3A_669 : i32 to vector<16xi32>
          %eq3A_687 = arith.cmpi eq, %iota3A, %eq3A_686 : vector<16xi32>
          %select_n3A_688 = arith.select %eq3A_687, %gather3A_263, %get3A_685 : vector<16xi1>, vector<16xf32>
          %swap3A_689 = arith.index_cast %mul3A_668 : i32 to index
          %swap3A_690 = tpu.vector_load %arg16[%swap3A_689] {strides = array<i32>} : memref<224xf32, #tpu.memory_space<vmem>>, vector<16xf32>,
          tpu.vector_store %arg16[%swap3A_689], %select_n3A_688 {strides = array<i32>} : memref<224xf32, #tpu.memory_space<vmem>>, vector<16xf32>,
          %get3A_691 = arith.index_cast %mul3A_668 : i32 to index
          %get3A_692 = tpu.vector_load %arg17[%get3A_691] {strides = array<i32>} : memref<224xf32, #tpu.memory_space<vmem>>, vector<16xf32>,
          %eq3A_693 = vector.broadcast %sub3A_669 : i32 to vector<16xi32>
          %eq3A_694 = arith.cmpi eq, %iota3A, %eq3A_693 : vector<16xi32>
          %select_n3A_695 = arith.select %eq3A_694, %gather3A_264, %get3A_692 : vector<16xi1>, vector<16xf32>
          %swap3A_696 = arith.index_cast %mul3A_668 : i32 to index
          %swap3A_697 = tpu.vector_load %arg17[%swap3A_696] {strides = array<i32>} : memref<224xf32, #tpu.memory_space<vmem>>, vector<16xf32>,
          tpu.vector_store %arg17[%swap3A_696], %select_n3A_695 {strides = array<i32>} : memref<224xf32, #tpu.memory_space<vmem>>, vector<16xf32>,
          %get3A_698 = arith.index_cast %mul3A_668 : i32 to index
          %get3A_699 = tpu.vector_load %arg18[%get3A_698] {strides = array<i32>} : memref<224xf32, #tpu.memory_space<vmem>>, vector<16xf32>,
          %eq3A_700 = vector.broadcast %sub3A_669 : i32 to vector<16xi32>
          %eq3A_701 = arith.cmpi eq, %iota3A, %eq3A_700 : vector<16xi32>
          %select_n3A_702 = arith.select %eq3A_701, %mul3A_269, %get3A_699 : vector<16xi1>, vector<16xf32>
          %swap3A_703 = arith.index_cast %mul3A_668 : i32 to index
          %swap3A_704 = tpu.vector_load %arg18[%swap3A_703] {strides = array<i32>} : memref<224xf32, #tpu.memory_space<vmem>>, vector<16xf32>,
          tpu.vector_store %arg18[%swap3A_703], %select_n3A_702 {strides = array<i32>} : memref<224xf32, #tpu.memory_space<vmem>>, vector<16xf32>,
          %add3A_705 = arith.addf %gather3A, %gather3A_263 : vector<16xf32>
          %mul3A_706 = arith.constant 5.000000e-01 : f32
          %mul3A_707 = vector.broadcast %mul3A_706 : f32 to vector<16xf32>
          %mul3A_708 = arith.mulf %add3A_705, %mul3A_707 : vector<16xf32>
          %add3A_709 = arith.addf %gather3A_262, %gather3A_264 : vector<16xf32>
          %mul3A_710 = arith.constant 5.000000e-01 : f32
          %mul3A_711 = vector.broadcast %mul3A_710 : f32 to vector<16xf32>
          %mul3A_712 = arith.mulf %add3A_709, %mul3A_711 : vector<16xf32>
          %sub3A_713 = arith.subf %gather3A_263, %gather3A : vector<16xf32>
          %sub3A_714 = arith.subf %gather3A_264, %gather3A_262 : vector<16xf32>
          %eq3A_715 = arith.constant 0 : i32
          %eq3A_716 = vector.broadcast %eq3A_715 : i32 to vector<16xi32>
          %eq3A_717 = arith.cmpi eq, %iota3A, %eq3A_716 : vector<16xi32>
          %eq3A_718 = arith.constant 1 : i32
          %eq3A_719 = vector.broadcast %eq3A_718 : i32 to vector<16xi32>
          %eq3A_720 = arith.cmpi eq, %iota3A, %eq3A_719 : vector<16xi32>
          %eq3A_721 = arith.constant 2 : i32
          %eq3A_722 = vector.broadcast %eq3A_721 : i32 to vector<16xi32>
          %eq3A_723 = arith.cmpi eq, %iota3A, %eq3A_722 : vector<16xi32>
          %eq3A_724 = arith.constant 3 : i32
          %eq3A_725 = vector.broadcast %eq3A_724 : i32 to vector<16xi32>
          %eq3A_726 = arith.cmpi eq, %iota3A, %eq3A_725 : vector<16xi32>
          %eq3A_727 = arith.constant 4 : i32
          %eq3A_728 = vector.broadcast %eq3A_727 : i32 to vector<16xi32>
          %eq3A_729 = arith.cmpi eq, %iota3A, %eq3A_728 : vector<16xi32>
          %select_n3A_730 = arith.select %eq3A_729, %sub3A_714, %broadcast_in_dim3A_1 : vector<16xi1>, vector<16xf32>
          %select_n3A_731 = arith.select %eq3A_726, %sub3A_713, %select_n3A_730 : vector<16xi1>, vector<16xf32>
          %select_n3A_732 = arith.select %eq3A_723, %mul3A_712, %select_n3A_731 : vector<16xi1>, vector<16xf32>
          %select_n3A_733 = arith.select %eq3A_720, %mul3A_708, %select_n3A_732 : vector<16xi1>, vector<16xf32>
          %broadcast_in_dim3A_734 = vector.broadcast %reduce_max3A_90 : f32 to vector<16xf32>
          %select_n3A_735 = arith.select %eq3A_717, %broadcast_in_dim3A_734, %select_n3A_733 : vector<16xi1>, vector<16xf32>
          %mul3A_736 = arith.constant 8 : i32
          %mul3A_737 = arith.muli %while3A_73, %mul3A_736 : i32
          %swap3A_738 = arith.index_cast %mul3A_737 : i32 to index
          %swap3A_739 = tpu.vector_load %arg19[%swap3A_738] {strides = array<i32>} : memref<1616xf32, #tpu.memory_space<vmem>>, vector<16xf32>,
          tpu.vector_store %arg19[%swap3A_738], %select_n3A_735 {strides = array<i32>} : memref<1616xf32, #tpu.memory_space<vmem>>, vector<16xf32>,
        } else {
        }
        %jit3A_637 = arith.constant 1 : i32
        %jit3A_638 = arith.constant 0 : i32
        %select_n3A_639 = arith.select %and3A_633, %jit3A_637, %jit3A_638 : i32
        %add3A_640 = arith.addi %while3A_73, %select_n3A_639 : i32
        %not3A_641 = arith.constant true
        %not3A_642 = arith.xori %gt3A_91, %not3A_641 : i1
        scf.yield %add3A_640, %not3A_642 : i32, i1
      }
      "tpu.region"() ({
        %run_scoped3A_73 = tpu.sem_alloc : memref<!tpu.dma_semaphore, #tpu.memory_space<semaphore_mem>>
        %dma_start3A = arith.constant 0 : i32
        %dma_start3A_74 = tpu.memref_slice %arg5[%add3A_19, %dma_start3A] : memref<80x1616xf32, #tpu.memory_space<hbm>> -> memref<1x1616xf32, #tpu.memory_space<hbm>>
        %dma_start3A_75 = tpu.memref_squeeze %dma_start3A_74 : memref<1x1616xf32, #tpu.memory_space<hbm>> -> memref<1616xf32, #tpu.memory_space<hbm>>
        %dma_start3A_76 = arith.constant 0 : i32
        %dma_start3A_77 = tpu.memref_slice %arg5[%add3A_19, %dma_start3A_76] : memref<80x1616xf32, #tpu.memory_space<hbm>> -> memref<1x1616xf32, #tpu.memory_space<hbm>>
        %dma_start3A_78 = tpu.memref_squeeze %dma_start3A_77 : memref<1x1616xf32, #tpu.memory_space<hbm>> -> memref<1616xf32, #tpu.memory_space<hbm>>
        tpu.enqueue_dma source(%arg19 : memref<1616xf32, #tpu.memory_space<vmem>>) target(%dma_start3A_78 : memref<1616xf32, #tpu.memory_space<hbm>>) target_semaphore(%run_scoped3A_73 : memref<!tpu.dma_semaphore, #tpu.memory_space<semaphore_mem>>)
        %dma_wait3A = arith.constant 0 : i32
        %dma_wait3A_79 = tpu.memref_slice %arg5[%add3A_19, %dma_wait3A] : memref<80x1616xf32, #tpu.memory_space<hbm>> -> memref<1x1616xf32, #tpu.memory_space<hbm>>
        %dma_wait3A_80 = tpu.memref_squeeze %dma_wait3A_79 : memref<1x1616xf32, #tpu.memory_space<hbm>> -> memref<1616xf32, #tpu.memory_space<hbm>>
        %dma_wait3A_81 = arith.constant 0 : i32
        %dma_wait3A_82 = tpu.memref_slice %arg5[%add3A_19, %dma_wait3A_81] : memref<80x1616xf32, #tpu.memory_space<hbm>> -> memref<1x1616xf32, #tpu.memory_space<hbm>>
        %dma_wait3A_83 = tpu.memref_squeeze %dma_wait3A_82 : memref<1x1616xf32, #tpu.memory_space<hbm>> -> memref<1616xf32, #tpu.memory_space<hbm>>
        tpu.wait_dma2 semaphore(%run_scoped3A_73 : memref<!tpu.dma_semaphore, #tpu.memory_space<semaphore_mem>>) src(%arg19 : memref<1616xf32, #tpu.memory_space<vmem>>) dst(%dma_wait3A_83 : memref<1616xf32, #tpu.memory_space<hbm>>)
        tpu.yield
      }) : () -> ()
    } else {
    }
    return
  }
}

module attributes {stable_mosaic.version = 14 : i64} {
  func.func @_prep_kernel(%arg0: i32, %arg1: memref<1xf32, #tpu.memory_space<smem>>, %arg2: memref<1x21x20480xf32, #tpu.memory_space<vmem>>, %arg3: memref<1x4x20480xf32, #tpu.memory_space<vmem>>, %arg4: memref<4x20480xf32, #tpu.memory_space<vmem>>, %arg5: memref<1x20x20480xf32, #tpu.memory_space<vmem>>, %arg6: memref<1x4x20480xf32, #tpu.memory_space<vmem>>) attributes {dimension_semantics = [#tpu.dimension_semantics<arbitrary>], iteration_bounds = array<i64: 4>, scalar_prefetch = 0 : i64, scratch_operands = 0 : i64, tpu.core_type = #tpu.core_type<tc>, window_params = [{transform_indices = @transform_0, window_bounds = array<i64: 1>}, {transform_indices = @transform_1, window_bounds = array<i64: 1, 21, 20480>}, {transform_indices = @transform_2, window_bounds = array<i64: 1, 4, 20480>}, {pipeline_mode = #tpu.pipeline_mode<synchronous>, transform_indices = @transform_3, window_bounds = array<i64: 4, 20480>}, {transform_indices = @transform_4, window_bounds = array<i64: 1, 20, 20480>}, {transform_indices = @transform_5, window_bounds = array<i64: 1, 4, 20480>}]} {
    %get3A = arith.constant 0 : index
    %get3A_0 = memref.load %arg1[%get3A] : memref<1xf32, #tpu.memory_space<smem>>
    %get3A_1 = arith.constant 0 : index
    %get3A_2 = arith.constant 0 : index
    %get3A_3 = arith.constant 0 : index
    %get3A_4 = vector.load %arg2[%get3A_1, %get3A_2, %get3A_3] : memref<1x21x20480xf32, #tpu.memory_space<vmem>>, vector<1x21x20480xf32>
    %get3A_5 = vector.shape_cast %get3A_4 : vector<1x21x20480xf32> to vector<21x20480xf32>
    %reduce_max3A = arith.constant dense<0xFF800000> : vector<20480xf32>
    %reduce_max3A_6 = vector.multi_reduction <maximumf>, %get3A_5, %reduce_max3A [0] : vector<21x20480xf32> to vector<20480xf32>
    %broadcast_in_dim3A = vector.shape_cast %reduce_max3A_6 : vector<20480xf32> to vector<1x20480xf32>
    %sub3A = vector.broadcast %broadcast_in_dim3A : vector<1x20480xf32> to vector<21x20480xf32>
    %sub3A_7 = arith.subf %get3A_5, %sub3A : vector<21x20480xf32>
    %exp3A = math.exp %sub3A_7 : vector<21x20480xf32>
    %reduce_sum3A = arith.constant dense<0.000000e+00> : vector<20480xf32>
    %reduce_sum3A_8 = vector.multi_reduction <add>, %exp3A, %reduce_sum3A [0] : vector<21x20480xf32> to vector<20480xf32>
    %broadcast_in_dim3A_9 = vector.shape_cast %reduce_sum3A_8 : vector<20480xf32> to vector<1x20480xf32>
    %div3A = vector.broadcast %broadcast_in_dim3A_9 : vector<1x20480xf32> to vector<21x20480xf32>
    %div3A_10 = arith.divf %exp3A, %div3A : vector<21x20480xf32>
    %slice3A = vector.extract_strided_slice %div3A_10 {offsets = [1, 0], sizes = [20, 20480], strides = [1, 1]} : vector<21x20480xf32> to vector<20x20480xf32>
    %iota3A = tpu.iota {dimensions = array<i32: 1>} : vector<20x20480xi32>
    %ge3A = vector.broadcast %get3A_0 : f32 to vector<20x20480xf32>
    %ge3A_11 = arith.cmpf oge, %slice3A, %ge3A : vector<20x20480xf32>
    %lt3A = arith.constant 20000 : i32
    %lt3A_12 = vector.broadcast %lt3A : i32 to vector<20x20480xi32>
    %lt3A_13 = arith.cmpi slt, %iota3A, %lt3A_12 : vector<20x20480xi32>
    %and3A = arith.andi %ge3A_11, %lt3A_13 : vector<20x20480xi1>
    %jit3A = arith.constant 0.000000e+00 : f32
    %broadcast_in_dim3A_14 = vector.broadcast %jit3A : f32 to vector<20x20480xf32>
    %select_n3A = arith.select %and3A, %slice3A, %broadcast_in_dim3A_14 : vector<20x20480xi1>, vector<20x20480xf32>
    %swap3A = arith.constant 0 : index
    %swap3A_15 = arith.constant 0 : index
    %swap3A_16 = arith.constant 0 : index
    %swap3A_17 = vector.load %arg5[%swap3A, %swap3A_15, %swap3A_16] : memref<1x20x20480xf32, #tpu.memory_space<vmem>>, vector<1x20x20480xf32>
    %swap3A_18 = vector.shape_cast %swap3A_17 : vector<1x20x20480xf32> to vector<20x20480xf32>
    %swap3A_19 = vector.shape_cast %select_n3A : vector<20x20480xf32> to vector<1x20x20480xf32>
    tpu.vector_store %arg5[%swap3A, %swap3A_15, %swap3A_16], %swap3A_19 {strides = array<i32>} : memref<1x20x20480xf32, #tpu.memory_space<vmem>>, vector<1x20x20480xf32>,
    %get3A_20 = arith.constant 0 : index
    %get3A_21 = arith.constant 0 : index
    %get3A_22 = arith.constant 0 : index
    %get3A_23 = vector.load %arg3[%get3A_20, %get3A_21, %get3A_22] : memref<1x4x20480xf32, #tpu.memory_space<vmem>>, vector<1x4x20480xf32>
    %get3A_24 = vector.shape_cast %get3A_23 : vector<1x4x20480xf32> to vector<4x20480xf32>
    %slice3A_25 = vector.extract_strided_slice %get3A_24 {offsets = [0, 0], sizes = [1, 20480], strides = [1, 1]} : vector<4x20480xf32> to vector<1x20480xf32>
    %slice3A_26 = vector.extract_strided_slice %get3A_24 {offsets = [1, 0], sizes = [1, 20480], strides = [1, 1]} : vector<4x20480xf32> to vector<1x20480xf32>
    %slice3A_27 = vector.extract_strided_slice %get3A_24 {offsets = [2, 0], sizes = [1, 20480], strides = [1, 1]} : vector<4x20480xf32> to vector<1x20480xf32>
    %slice3A_28 = vector.extract_strided_slice %get3A_24 {offsets = [3, 0], sizes = [1, 20480], strides = [1, 1]} : vector<4x20480xf32> to vector<1x20480xf32>
    %get3A_29 = arith.constant 0 : index
    %get3A_30 = arith.constant 0 : index
    %get3A_31 = vector.load %arg4[%get3A_29, %get3A_30] : memref<4x20480xf32, #tpu.memory_space<vmem>>, vector<1x20480xf32>
    %get3A_32 = arith.constant 1 : index
    %get3A_33 = arith.constant 0 : index
    %get3A_34 = vector.load %arg4[%get3A_32, %get3A_33] : memref<4x20480xf32, #tpu.memory_space<vmem>>, vector<1x20480xf32>
    %get3A_35 = arith.constant 2 : index
    %get3A_36 = arith.constant 0 : index
    %get3A_37 = vector.load %arg4[%get3A_35, %get3A_36] : memref<4x20480xf32, #tpu.memory_space<vmem>>, vector<1x20480xf32>
    %get3A_38 = arith.constant 3 : index
    %get3A_39 = arith.constant 0 : index
    %get3A_40 = vector.load %arg4[%get3A_38, %get3A_39] : memref<4x20480xf32, #tpu.memory_space<vmem>>, vector<1x20480xf32>
    %mul3A = arith.constant 1.000000e-01 : f32
    %mul3A_41 = vector.broadcast %mul3A : f32 to vector<1x20480xf32>
    %mul3A_42 = arith.mulf %slice3A_25, %mul3A_41 : vector<1x20480xf32>
    %mul3A_43 = arith.mulf %mul3A_42, %get3A_37 : vector<1x20480xf32>
    %add3A = arith.addf %get3A_31, %mul3A_43 : vector<1x20480xf32>
    %mul3A_44 = arith.constant 1.000000e-01 : f32
    %mul3A_45 = vector.broadcast %mul3A_44 : f32 to vector<1x20480xf32>
    %mul3A_46 = arith.mulf %slice3A_26, %mul3A_45 : vector<1x20480xf32>
    %mul3A_47 = arith.mulf %mul3A_46, %get3A_40 : vector<1x20480xf32>
    %add3A_48 = arith.addf %get3A_34, %mul3A_47 : vector<1x20480xf32>
    %mul3A_49 = arith.constant 2.000000e-01 : f32
    %mul3A_50 = vector.broadcast %mul3A_49 : f32 to vector<1x20480xf32>
    %mul3A_51 = arith.mulf %slice3A_27, %mul3A_50 : vector<1x20480xf32>
    %exp3A_52 = math.exp %mul3A_51 : vector<1x20480xf32>
    %mul3A_53 = arith.mulf %get3A_37, %exp3A_52 : vector<1x20480xf32>
    %mul3A_54 = arith.constant 2.000000e-01 : f32
    %mul3A_55 = vector.broadcast %mul3A_54 : f32 to vector<1x20480xf32>
    %mul3A_56 = arith.mulf %slice3A_28, %mul3A_55 : vector<1x20480xf32>
    %exp3A_57 = math.exp %mul3A_56 : vector<1x20480xf32>
    %mul3A_58 = arith.mulf %get3A_40, %exp3A_57 : vector<1x20480xf32>
    %mul3A_59 = arith.constant 5.000000e-01 : f32
    %mul3A_60 = vector.broadcast %mul3A_59 : f32 to vector<1x20480xf32>
    %mul3A_61 = arith.mulf %mul3A_53, %mul3A_60 : vector<1x20480xf32>
    %sub3A_62 = arith.subf %add3A, %mul3A_61 : vector<1x20480xf32>
    %swap3A_63 = arith.constant 0 : index
    %swap3A_64 = arith.constant 0 : index
    %swap3A_65 = arith.constant 0 : index
    %swap3A_66 = vector.load %arg6[%swap3A_63, %swap3A_64, %swap3A_65] : memref<1x4x20480xf32, #tpu.memory_space<vmem>>, vector<1x1x20480xf32>
    %swap3A_67 = vector.shape_cast %swap3A_66 : vector<1x1x20480xf32> to vector<1x20480xf32>
    %swap3A_68 = vector.shape_cast %sub3A_62 : vector<1x20480xf32> to vector<1x1x20480xf32>
    tpu.vector_store %arg6[%swap3A_63, %swap3A_64, %swap3A_65], %swap3A_68 {strides = array<i32>} : memref<1x4x20480xf32, #tpu.memory_space<vmem>>, vector<1x1x20480xf32>,
    %mul3A_69 = arith.constant 5.000000e-01 : f32
    %mul3A_70 = vector.broadcast %mul3A_69 : f32 to vector<1x20480xf32>
    %mul3A_71 = arith.mulf %mul3A_58, %mul3A_70 : vector<1x20480xf32>
    %sub3A_72 = arith.subf %add3A_48, %mul3A_71 : vector<1x20480xf32>
    %swap3A_73 = arith.constant 0 : index
    %swap3A_74 = arith.constant 1 : index
    %swap3A_75 = arith.constant 0 : index
    %swap3A_76 = vector.load %arg6[%swap3A_73, %swap3A_74, %swap3A_75] : memref<1x4x20480xf32, #tpu.memory_space<vmem>>, vector<1x1x20480xf32>
    %swap3A_77 = vector.shape_cast %swap3A_76 : vector<1x1x20480xf32> to vector<1x20480xf32>
    %swap3A_78 = vector.shape_cast %sub3A_72 : vector<1x20480xf32> to vector<1x1x20480xf32>
    tpu.vector_store %arg6[%swap3A_73, %swap3A_74, %swap3A_75], %swap3A_78 {strides = array<i32>} : memref<1x4x20480xf32, #tpu.memory_space<vmem>>, vector<1x1x20480xf32>,
    %mul3A_79 = arith.constant 5.000000e-01 : f32
    %mul3A_80 = vector.broadcast %mul3A_79 : f32 to vector<1x20480xf32>
    %mul3A_81 = arith.mulf %mul3A_53, %mul3A_80 : vector<1x20480xf32>
    %add3A_82 = arith.addf %add3A, %mul3A_81 : vector<1x20480xf32>
    %swap3A_83 = arith.constant 0 : index
    %swap3A_84 = arith.constant 2 : index
    %swap3A_85 = arith.constant 0 : index
    %swap3A_86 = vector.load %arg6[%swap3A_83, %swap3A_84, %swap3A_85] : memref<1x4x20480xf32, #tpu.memory_space<vmem>>, vector<1x1x20480xf32>
    %swap3A_87 = vector.shape_cast %swap3A_86 : vector<1x1x20480xf32> to vector<1x20480xf32>
    %swap3A_88 = vector.shape_cast %add3A_82 : vector<1x20480xf32> to vector<1x1x20480xf32>
    tpu.vector_store %arg6[%swap3A_83, %swap3A_84, %swap3A_85], %swap3A_88 {strides = array<i32>} : memref<1x4x20480xf32, #tpu.memory_space<vmem>>, vector<1x1x20480xf32>,
    %mul3A_89 = arith.constant 5.000000e-01 : f32
    %mul3A_90 = vector.broadcast %mul3A_89 : f32 to vector<1x20480xf32>
    %mul3A_91 = arith.mulf %mul3A_58, %mul3A_90 : vector<1x20480xf32>
    %add3A_92 = arith.addf %add3A_48, %mul3A_91 : vector<1x20480xf32>
    %swap3A_93 = arith.constant 0 : index
    %swap3A_94 = arith.constant 3 : index
    %swap3A_95 = arith.constant 0 : index
    %swap3A_96 = vector.load %arg6[%swap3A_93, %swap3A_94, %swap3A_95] : memref<1x4x20480xf32, #tpu.memory_space<vmem>>, vector<1x1x20480xf32>
    %swap3A_97 = vector.shape_cast %swap3A_96 : vector<1x1x20480xf32> to vector<1x20480xf32>
    %swap3A_98 = vector.shape_cast %add3A_92 : vector<1x20480xf32> to vector<1x1x20480xf32>
    tpu.vector_store %arg6[%swap3A_93, %swap3A_94, %swap3A_95], %swap3A_98 {strides = array<i32>} : memref<1x4x20480xf32, #tpu.memory_space<vmem>>, vector<1x1x20480xf32>,
    return
  }
  func.func @transform_0(%arg0: i32) -> i32 {
    %c0_i32 = arith.constant 0 : i32
    %c0_i32_0 = arith.constant 0 : i32
    return %c0_i32 : i32
  }
  func.func @transform_1(%arg0: i32) -> (i32, i32, i32) {
    %c0_i32 = arith.constant 0 : i32
    %c0_i32_0 = arith.constant 0 : i32
    %c0_i32_1 = arith.constant 0 : i32
    return %arg0, %c0_i32, %c0_i32_0 : i32, i32, i32
  }
  func.func @transform_2(%arg0: i32) -> (i32, i32, i32) {
    %c0_i32 = arith.constant 0 : i32
    %c0_i32_0 = arith.constant 0 : i32
    %c0_i32_1 = arith.constant 0 : i32
    return %arg0, %c0_i32, %c0_i32_0 : i32, i32, i32
  }
  func.func @transform_3(%arg0: i32) -> (i32, i32) {
    %c0_i32 = arith.constant 0 : i32
    %c0_i32_0 = arith.constant 0 : i32
    %c0_i32_1 = arith.constant 0 : i32
    return %c0_i32, %c0_i32_0 : i32, i32
  }
  func.func @transform_4(%arg0: i32) -> (i32, i32, i32) {
    %c0_i32 = arith.constant 0 : i32
    %c0_i32_0 = arith.constant 0 : i32
    %c0_i32_1 = arith.constant 0 : i32
    return %arg0, %c0_i32, %c0_i32_0 : i32, i32, i32
  }
  func.func @transform_5(%arg0: i32) -> (i32, i32, i32) {
    %c0_i32 = arith.constant 0 : i32
    %c0_i32_0 = arith.constant 0 : i32
    %c0_i32_1 = arith.constant 0 : i32
    return %arg0, %c0_i32, %c0_i32_0 : i32, i32, i32
  }
}

</mosaic_0001>

<sc_bundles>
// kernel: kernel.4.cloned.1.call-start
scs
__scs_entry_jumppad:
0x0: {  	(pc) =	sbr.rel $0x88, $3  }
0x1: {  	(tag) =	ssettag $0x0;
	lr =	simm.s32 $0x1  }
0x2: {  	[smem:$0x3F9C] =	sst lr;
	_ =	strace $0xD0000000  }
0x3: {  	_ = 	snop  }
0x4: {  	_ = 	snop  }
0x5: {  	_ = 	snop  }
0x6: {  	_ = 	snop  }
0x7: {  	_ = 	snop  }
__scs_overlays_trampoline_lowered:
0x8: {  	[smem:$0x3FAB] =	sst s0  }
0x9: {  	[smem:$0x3FAC] =	sst s1  }
0xa: {  	[smem:$0x3FAD] =	sst s2  }
0xb: {  	[smem:$0x3FAE] =	sst s3  }
0xc: {  	[smem:$0x3FAF] =	sst s4  }
0xd: {  	[smem:$0x3FB0] =	sst s5  }
0xe: {  	[smem:$0x3FB1] =	sst s6  }
0xf: {  	[smem:$0x3FB2] =	sst s7  }
0x10: {  	[smem:$0x3FB3] =	sst s8  }
0x11: {  	[smem:$0x3FB4] =	sst s9;
	s0 =	simm.s32 @!p0 $0x0  }
0x12: {  	s1 =	sld [smem:$0x3F9A];
	s0 =	simm.s32 @p0 $0x1  }
0x13: {  	[smem:$0x3FB5] =	sst s0;
	s0 =	simm.s32 @!p1 $0x0  }
0x14: {  	s2 =	sld [smem:$0x3F99];
	s0 =	simm.s32 @p1 $0x1  }
0x15: {  	[smem:$0x3FB6] =	sst s0;
	s0 =	simm.s32 @!p2 $0x0  }
0x16: {  	s3 =	sld [smem:$0x3FDB];
	s0 =	simm.s32 @p2 $0x1  }
0x17: {  	s4 =	simm.s32 $0x1BF5;
	[smem:$0x3FB8] =	sst s0  }
0x18: {  	s0 =	sld [smem:$0x3F9B];
	_ =	swait.ge [sflag:s4], $0x0  }
0x19: {  	s7 =	sld [smem:$0x3F9C]  }
0x1a: {  	s8 =	sadd.s32 $0xFFFFE003, lr  }
0x1b: {  	s9 =	sadd.s32 $0xFFFFFEF7, lr;
	s5 =	simm.s32 $0xFFFFFFFF;
	p2 =	slt.u32 s8, $0xFFFFF086  }
0x1c: {  	p1 =	slt.u32 s9, $0xF7A;
	s5 =	simm.s32 @!p2 $0x0  }
0x1d: {  	s5 =	simm.s32 @p1 $0x1;
	p0 =	seq.s32 s7, s2  }
0x1e: {  	s7 =	smul.u32 @!p0 $0xF7A, s2;
	p2 =	seq.s32 @!p0 s5, $0x0  }
0x1f: {  	s9 =	smul.u32 $0xF7A, s1;
	s8 =	simm.s32 @!p0 $0x1BF5;
	p2 =	por !p2, p0  }
0x20: {  	[sflag:s8] =	ssyncset.s32 @!p0 $0xFFFFF086;
	s6 =	sadd.s32 @!p0 s3, s7;
	s7 =	simm.s32 @!p0 $0x108  }
0x21: {  	s3 =	sadd.s32 s3, s9;
	s6 =	sadd.s32 @!p0 $0x88, s6;
	s7 =	simm.s32 @p2 $0x1082  }
0x22: {  	[simem:s7], [sflag:s8] =	dma.local @!p0 [hbm:s6], $0xF7A  }
0x23: {  	s9 =	sor.u32 $0xD0000000, s2;
	s6 =	simm.s32 $0x108;
	_ =	swait.ge @!p0 [sflag:s8], $0x0  }
0x24: {  	s3 =	sadd.s32 $0x88, s3;
	s6 =	simm.s32 @!p1 $0x1082;
	[sflag:s4] =	ssyncset.s32 $0xFFFFF086  }
0x25: {  	[simem:s6], [sflag:s4] =	dma.local [hbm:s3], $0xF7A  }
0x26: {  	[smem:$0x3F9C] =	sst s1;
	(tag) =	ssettag s2;
	_ =	strace s9  }
0x27: {  	s1 =	sld [smem:$0x3FAC]  }
0x28: {  	s2 =	sld [smem:$0x3FAD]  }
0x29: {  	s4 =	sld [smem:$0x3FAF]  }
0x2a: {  	p0 =	seq.s32 s5, $0x0;
	s5 =	sld [smem:$0x3FB0]  }
0x2b: {  	s6 =	sld [smem:$0x3FB1]  }
0x2c: {  	s7 =	sld [smem:$0x3FB2]  }
0x2d: {  	s3 =	simm.s32 $0x108;
	s8 =	sld [smem:$0x3FB3]  }
0x2e: {  	s3 =	simm.s32 @!p0 $0x1082;
	s9 =	sld [smem:$0x3FB4]  }
0x2f: {  	lr =	sadd.s32 s0, s3;
	s0 =	sld [smem:$0x3FAB]  }
0x30: {  	s3 =	sld [smem:$0x3FAE]  }
0x31: {  	[smem:$0x3FB7] =	sst s10  }
0x32: {  	s10 =	sld [smem:$0x3FB5];
	_ =	sdelay $0x3  }
0x33: {  	p0 =	seq.s32 s10, $0x1;
	s10 =	sld [smem:$0x3FB7];
	_ =	sdelay $0x3  }
0x34: {  	[smem:$0x3FB7] =	sst s10  }
0x35: {  	s10 =	sld [smem:$0x3FB6];
	_ =	sdelay $0x3  }
0x36: {  	p1 =	seq.s32 s10, $0x1;
	s10 =	sld [smem:$0x3FB7];
	_ =	sdelay $0x3  }
0x37: {  	[smem:$0x3FB7] =	sst s10  }
0x38: {  	s10 =	sld [smem:$0x3FB8]  }
0x39: {  	_ = 	snop;
	(pc) =	sbr.ind lr, $3  }
0x3a: {  	_ = 	snop  }
0x3b: {  	_ = 	snop  }
0x3c: {  	p2 =	seq.s32 s10, $0x1;
	s10 =	sld [smem:$0x3FB7]  }
0x3d: {  	_ =	shalt  }
0x3e: {  	_ =	shalt  }
0x3f: {  	_ =	shalt  }
0x40: {  	_ =	shalt  }
0x41: {  	_ =	shalt  }
0x42: {  	_ =	shalt  }
0x43: {  	_ =	shalt  }
0x44: {  	_ =	shalt  }
0x45: {  	_ =	shalt  }
0x46: {  	_ =	shalt  }
0x47: {  	_ =	shalt  }
0x48: {  	_ =	shalt  }
0x49: {  	_ =	shalt  }
0x4a: {  	_ =	shalt  }
0x4b: {  	_ =	shalt  }
0x4c: {  	_ =	shalt  }
0x4d: {  	_ =	shalt  }
0x4e: {  	_ =	shalt  }
0x4f: {  	_ =	shalt  }
0x50: {  	_ =	shalt  }
0x51: {  	_ =	shalt  }
0x52: {  	_ =	shalt  }
0x53: {  	_ =	shalt  }
0x54: {  	_ =	shalt  }
0x55: {  	_ =	shalt  }
0x56: {  	_ =	shalt  }
0x57: {  	_ =	shalt  }
0x58: {  	_ =	shalt  }
0x59: {  	_ =	shalt  }
0x5a: {  	_ =	shalt  }
0x5b: {  	_ =	shalt  }
0x5c: {  	_ =	shalt  }
0x5d: {  	_ =	shalt  }
0x5e: {  	_ =	shalt  }
0x5f: {  	_ =	shalt  }
0x60: {  	_ =	shalt  }
0x61: {  	_ =	shalt  }
0x62: {  	_ =	shalt  }
0x63: {  	_ =	shalt  }
0x64: {  	_ =	shalt  }
0x65: {  	_ =	shalt  }
0x66: {  	_ =	shalt  }
0x67: {  	_ =	shalt  }
0x68: {  	_ =	shalt  }
0x69: {  	_ =	shalt  }
0x6a: {  	_ =	shalt  }
0x6b: {  	_ =	shalt  }
0x6c: {  	_ =	shalt  }
0x6d: {  	_ =	shalt  }
0x6e: {  	_ =	shalt  }
0x6f: {  	_ =	shalt  }
0x70: {  	_ =	shalt  }
0x71: {  	_ =	shalt  }
0x72: {  	_ =	shalt  }
0x73: {  	_ =	shalt  }
0x74: {  	_ =	shalt  }
0x75: {  	_ =	shalt  }
0x76: {  	_ =	shalt  }
0x77: {  	_ =	shalt  }
0x78: {  	_ =	shalt  }
0x79: {  	_ =	shalt  }
0x7a: {  	_ =	shalt  }
0x7b: {  	_ =	shalt  }
0x7c: {  	_ =	shalt  }
0x7d: {  	_ =	shalt  }
0x7e: {  	_ =	shalt  }
0x7f: {  	_ =	shalt  }
0x80: {  	_ =	shalt  }
0x81: {  	_ =	shalt  }
0x82: {  	_ =	shalt  }
0x83: {  	_ =	shalt  }
0x84: {  	_ =	shalt  }
0x85: {  	_ =	shalt  }
0x86: {  	_ =	shalt  }
0x87: {  	_ =	shalt  }
.Lfunc_end0:
.L_simem_size_0:
called_computation_lowered:
.L_overlay_start_0:
0x88: {  	s2 =	sld [smem:$0x3FD9]  }
0x89: {  	s3 =	sld [smem:$0x3FFE];
	_ =	sdelay $0x1  }
0x8a: {  	s1 =	srdreg.scid  }
0x8b: {  	s0 =	sand.u32 $0x1, s1  }
0x8c: {  	s17 =	sshll.u32 s0, $0xA;
	s2 =	sadd.s32 s3, s2  }
0x8d: {  	s2 =	sadd.s32 s2, s17  }
0x8e: {  	[smem:$0x3FC3] =	sst s2  }
0x8f: {  	_ = 	snop  }
0x90: {  	s2 =	sld [smem:$0x3FD0];
	(tm) =	ssettm $0x1  }
0x91: {  	s18 =	sld [smem:$0x3FFB];
	_ =	sdelay $0x3  }
0x92: {  	_ =	strace s18  }
0x93: {  	s3 =	sld [smem:$0x3FFC];
	_ =	sdelay $0x3  }
0x94: {  	_ =	strace s3  }
0x95: {  	s3 =	sld [smem:$0x3FFD];
	_ =	sdelay $0x3  }
0x96: {  	_ =	strace s3  }
0x97: {  	_ =	strace $0x8FFFFFFF  }
0x98: {  	s19 =	sld [smem:$0x3FDB];
	_ =	sdelay $0x1  }
0x99: {  	s4 =	simm.s32 $_scs_section_size  }
0x9a: {  	s5 =	simm.s32 $_size__tile_overlayer_lowered;
	s6 =	simm.s32 $_tile_overlayer_lowered  }
0x9b: {  	s22 =	simm.s32 $0x1BFF;
	s21 =	sshll.u32 s6, $0x1;
	s3 =	sadd.s32 s4, s19  }
0x9c: {  	s7 =	simm.s32 $0x0;
	s20 =	sshll.u32 s5, $0x1;
	s5 =	sadd.s32 s21, s3  }
0x9d: {  	[timem:s7], [sflag:s22] =	dma.local [hbm:s5], s20  }
0x9e: {  	_ =	swait.ge [sflag:s22], s20  }
0x9f: {  	s4 =	ssub.s32 $0x0, s20;
	[sflag:s22] =	ssyncset.done $0x0  }
0xa0: {  	[sflag:s22] =	ssyncadd.s32 s4;
	_ =	sdelay $0x1  }
0xa1: {  	s23 =	simm.s32 $0x1B8B  }
0xa2: {  	_ =	swait.ge [sflag:s23], $0x1  }
0xa3: {  	[sflag:s23] =	ssyncset.done $0x0  }
0xa4: {  	s25 =	simm.s32 $0x1B8E;
	s24 =	sld [smem:$0x3FFE];
	[sflag:s23] =	ssyncadd.s32 $0xFFFFFFFF  }
0xa5: {  	s26 =	simm.s32 $execute0_lowered;
	[smem:$0x3FD2] =	sst s25  }
0xa6: {  	s5 =	sshll.u32 s26, $0x1;
	_ =	strace $0x80000046;
	[dreg:$0x1] =	wrdreg $0xFFFFFFFF  }
0xa7: {  	s28 =	simm.s32 $_size_execute0_lowered;
	s3 =	sadd.s32 s3, s5;
	[dreg:$0x0] =	wrdreg $0x0  }
0xa8: {  	s5 =	sshll.u32 s28, $0x1;
	[dreg:$0x2] =	wrdreg s3  }
0xa9: {  	[dreg:$0x3] =	wrdreg s5  }
0xaa: {  	[dreg:$0x4] =	wrdreg $0xC0  }
0xab: {  	_ =	task [dreg:s7], $0x5FFFF  }
0xac: {  	[dreg:$0x1] =	wrdreg $0xFFFFFFFF  }
0xad: {  	[dreg:$0x0] =	wrdreg $0x60  }
0xae: {  	[dreg:$0x2] =	wrdreg s2  }
0xaf: {  	[dreg:$0x3] =	wrdreg s24  }
0xb0: {  	[dreg:$0x4] =	wrdreg $0x9  }
0xb1: {  	_ =	task.clear_ibuf [dreg:s7], $0x5FFFF;
	_ =	strace $0x90000046  }
0xb2: {  	s29 =	simm.s32 $0x9;
	_ =	strace $0x80000048  }
0xb3: {  	_ =	swait.ge [sflag:s29], $0x1  }
0xb4: {  	[sflag:s29] =	ssyncadd.s32 $0xFFFFFFFF  }
0xb5: {  	_ =	strace $0x90000048  }
0xb6: {  	_ =	sfence  }
0xb7: {  	s30 =	sld [smem:$0x0];
	_ =	sdelay $0x2  }
0xb8: {  	s31 =	sshll.u32 s1, $0xD;
	s1 =	sshrl.u32 s1, $0x2  }
0xb9: {  	s3 =	sand.u32 $0x4000, s31;
	s1 =	sadd.s32 s1, s30  }
0xba: {  	s0 =	sor.u32 s3, s0;
	s1 =	sshll.u32 s1, $0x11  }
0xbb: {  	s0 =	sor.u32 s1, s0  }
0xbc: {  	s0 =	sadd.s32 $0x8F2B, s0  }
0xbd: {  	[sflag:s0] =	ssyncadd.remote.s32 $0x1  }
0xbe: {  	_ =	sfence.sel $0xFFFF  }
0xbf: {  	[dreg:$0x0] =	wrdreg $0xFFFFFFFF;
	(pc) =	sbr.abs _section_cstart, $3  }
0xc0: {  	[dreg:$0x1] =	wrdreg $0xFFFFFFFF  }
0xc1: {  	_ =	task.clear_ibuf [dreg:s7], $0x2FFFF;
	_ =	strace $0x9FFFFFFF  }
0xc2: {  	(tm) =	ssettm $0x7FFFFFFF  }
0xc3: {  	_ =	shalt  }
tec
execute0_lowered:
.L_overlay_start_1:
0x0: {  	(tag) =	ssettag $0x1  }
0x1: {  	s0 =	rddreg [dreg:$0x1];
	s1 =	simm.s32 $0x0  }
0x2: {  	s2 =	srdreg.scid;
	s21 =	stileid.u32;
	s8 =	simm.s32 $0x2800  }
0x3: {  	s28 =	simm.s32 $0x5080;
	s29 =	simm.s32 $0xA080;
	s30 =	simm.s32 $0xF080  }
0x4: {  	s31 =	simm.s32 $0x14080;
	[smem:$0x7FF] =	sst s1;
	s1 =	sadd.s32 $0xAC00, s0  }
0x5: {  	s3 =	sadd.s32 $0xC00, s0;
	s2 =	sand.u32 $0x1, s2;
	s4 =	sshll.u32 s21, $0x1  }
0x6: {  	s10 =	sshrl.u32 s21, $0x2;
	s16 =	sadd.s32 $0x3CC00, s0;
	p0 =	sgt.u32 s21, $0x9  }
0x7: {  	s12 =	sadd.s32 $0xC10, s0;
	s13 =	sadd.s32 $0xC20, s0;
	s14 =	sadd.s32 $0xC30, s0  }
0x8: {  	_ =	strace $0x80000047;
	s5 =	ssub.s32 $0x2, s2;
	s7 =	smul.u32 $0x28000, s10  }
0x9: {  	s2 =	sor.u32 s2, s4;
	s8 =	simm.s32 @!p0 $0x0;
	s9 =	smul.u32 $0x3400, s10  }
0xa: {  	s20 =	sor.u32 $0x8, s10;
	p0 =	sgt.u32 s21, $0x7;
	s22 =	sshrl.u32 s5, $0x1  }
0xb: {  	s6 =	sshll.u32 s2, $0x7;
	s2 =	sor.u32 $0x20, s2;
	s24 =	smul.u32 $0x28000, s20  }
0xc: {  	s26 =	smul.u32 $0x3400, s20;
	s17 =	ssub.s32 s5, s22;
	s18 =	sand.u32 $0x380, s6  }
0xd: {  	s5 =	sadd.s32 s3, s8;
	s6 =	sadd.s32 s8, s12;
	s11 =	sshrl.u32 s2, $0x3  }
0xe: {  	s2 =	smul.u32 $0xD, s2;
	s22 =	sadd.s32 $0x8400, s0;
	s23 =	sor.u32 s7, s18  }
0xf: {  	s7 =	sadd.s32 s8, s13;
	s9 =	sor.u32 s9, s18;
	s15 =	smul.u32 $0x28000, s11  }
0x10: {  	s8 =	sadd.s32 s8, s14;
	s19 =	smul.u32 $0x3400, s11;
	[dreg:$0x4] =	wrdreg s22  }
0x11: {  	s22 =	smax.u32 s17, $0x1;
	s4 =	sshrl.u32 s23, $0x3;
	s9 =	sshrl.u32 s9, $0x3  }
0x12: {  	s2 =	sshrl.u32 s2, $0x8;
	s23 =	sor.u32 s26, s18;
	s15 =	sor.u32 s18, s15  }
0x13: {  	s4 =	sadd.s32 s1, s4;
	s2 =	smul.u32 $0x2800, s2;
	s15 =	sshrl.u32 s15, $0x3  }
0x14: {  	s9 =	sadd.s32 s16, s9;
	s25 =	sor.u32 s18, s19;
	s10 =	sadd.s32 s1, s15  }
0x15: {  	s11 =	sadd.s32 s3, s2;
	s12 =	sadd.s32 s2, s12;
	s13 =	sadd.s32 s2, s13  }
0x16: {  	s15 =	sshrl.u32 s25, $0x3;
	s3 =	sor.u32 s24, s18;
	s24 =	sadd.s32 $0x8410, s0  }
0x17: {  	s14 =	sadd.s32 s2, s14;
	s25 =	sadd.s32 $0x8420, s0;
	[dreg:$0x5] =	wrdreg s24  }
0x18: {  	s0 =	sadd.s32 $0x8430, s0;
	s15 =	sadd.s32 s16, s15;
	[dreg:$0x6] =	wrdreg s25  }
.Ltmp0:
0x19: {  	s20 =	sshrl.u32 s3, $0x3;
	[dreg:$0x7] =	wrdreg s0;
	(pc) =	sbr.rel .LBB2_1-.Ltmp0, $4  }
0x1a: {  	s24 =	simm.s32 $0x400;
	s25 =	simm.s32 $0x80;
	s1 =	sadd.s32 s1, s20  }
0x1b: {  	s0 =	simm.s32 $0x19580;
	[dreg:$0x3] =	wrdreg s1;
	s1 =	sshrl.u32 s23, $0x3  }
0x1c: {  	v0 =	vimm.f32 $0.0e+00;
	s3 =	simm.s32 $0x19B00;
	s23 =	simm.s32 $0x1;
	s26 =	sadd.s32 s16, s1  }
0x1d: {  	vm0 =	vcmask $0x3F3C;
	vm1 =	vmmov $0x1;
	v1 =	vlaneseq.u32;
	s1 =	simm.s32 $0x0;
	[dreg:$0x8] =	wrdreg s26;
	s26 =	simm.s32 $0x200  }
.LBB2_32:
0x1e: {  	s2 =	rddreg [dreg:$0x8]  }
0x1f: {  	[hbm4b:s2+s25] =	stream.strided.scatter [tilespmem:s3], [sflag:$0x1], $0x680, s24, s25, $0x38;
	[tilespmem:$0x1A180] =	vst v63  }
0x20: {  	_ =	swait.ge [sflag:s23], $0x680  }
0x21: {  	[sflag:s23] =	ssyncset.done $0x0  }
0x22: {  	[sflag:s23] =	ssyncadd.s32 $0xFFFFF980  }
.LBB2_33:
0x23: {  	s1 =	sadd.s32 $0x1, s1  }
0x24: {  	p1 =	sne.s32 s1, s22  }
.Ltmp1:
0x25: {  	_ = 	snop;
	(pc) =	sbr.rel @!p1 .LBB2_34-.Ltmp1, $1  }
0x26: {  	_ =	sdelay $0x3  }
.LBB2_1:
0x27: {  	s2 =	rddreg [dreg:$0x0];
	s16 =	simm.s32 $0x0  }
0x28: {  	[tilespmem:s16], [sflag:$0x1] =	stream.linear.gather [hbm4b:s2+s16], $0x80, $0x38;
	[tilespmem:$0x1A180] =	vst v63  }
0x29: {  	_ =	swait.ge [sflag:s23], $0x80  }
0x2a: {  	[sflag:s23] =	ssyncset.done $0x0  }
0x2b: {  	[sflag:s23] =	ssyncadd.s32 $0xFFFFFF80  }
0x2c: {  	v2 =	vld [tilespmem:$0x0];
	[tilespmem:s25], [sflag:$0x1] =	stream.strided.gather [hbm4b:s4+s25], $0x5000, s24, s25, $0x38  }
0x2d: {  	_ =	swait.ge [sflag:s23], $0x5000  }
0x2e: {  	[sflag:s23] =	ssyncset.done $0x0  }
0x2f: {  	[sflag:s23] =	ssyncadd.s32 $0xFFFFB000  }
0x30: {  	[tilespmem:s28], [sflag:$0x1] =	stream.strided.gather [hbm4b:s5+s25], $0x5000, s26, s25, $0x38;
	[tilespmem:$0x1A180] =	vst v63  }
0x31: {  	_ =	swait.ge [sflag:s23], $0x5000  }
0x32: {  	[sflag:s23] =	ssyncset.done $0x0  }
0x33: {  	[sflag:s23] =	ssyncadd.s32 $0xFFFFB000  }
0x34: {  	[tilespmem:s29], [sflag:$0x1] =	stream.strided.gather [hbm4b:s6+s25], $0x5000, s26, s25, $0x38;
	[tilespmem:$0x1A180] =	vst v63  }
0x35: {  	_ =	swait.ge [sflag:s23], $0x5000  }
0x36: {  	[sflag:s23] =	ssyncset.done $0x0  }
0x37: {  	[sflag:s23] =	ssyncadd.s32 $0xFFFFB000  }
0x38: {  	[tilespmem:s30], [sflag:$0x1] =	stream.strided.gather [hbm4b:s7+s25], $0x5000, s26, s25, $0x38;
	[tilespmem:$0x1A180] =	vst v63  }
0x39: {  	_ =	swait.ge [sflag:s23], $0x5000  }
0x3a: {  	[sflag:s23] =	ssyncset.done $0x0  }
0x3b: {  	[sflag:s23] =	ssyncadd.s32 $0xFFFFB000  }
0x3c: {  	[tilespmem:s31], [sflag:$0x1] =	stream.strided.gather [hbm4b:s8+s25], $0x5000, s26, s25, $0x38;
	[tilespmem:$0x1A180] =	vst v63  }
0x3d: {  	_ =	swait.ge [sflag:s23], $0x5000  }
0x3e: {  	[sflag:s23] =	ssyncset.done $0x0  }
0x3f: {  	s2 =	simm.s32 $0x40;
	s16 =	simm.s32 $0x0;
	[sflag:s23] =	ssyncadd.s32 $0xFFFFB000  }
.LBB2_2:
0x40: {  	p1 =	sne.s32 s2, $0x340;
	[tilespmem:s16+$0x19A00] =	vst v0;
	s17 =	smov.u32 s2;
	s2 =	sadd.s32 $0x40, s2  }
.Ltmp2:
0x41: {  	[tilespmem:s16+$0x19900] =	vst v0;
	(pc) =	sbr.rel @p1 .LBB2_2-.Ltmp2, $4  }
0x42: {  	[tilespmem:s16+$0x19800] =	vst v0  }
0x43: {  	[tilespmem:s16+$0x19600] =	vst v0  }
0x44: {  	[tilespmem:s16+$0x19700] =	vst v0  }
0x45: {  	s16 =	sshra.s32 s17, $0x2  }
0x46: {  	[tilespmem:s16+$0x19A00] =	vst v0  }
0x47: {  	[tilespmem:s16+$0x19900] =	vst v0  }
0x48: {  	[tilespmem:s16+$0x19800] =	vst v0  }
0x49: {  	[tilespmem:s16+$0x19600] =	vst v0  }
0x4a: {  	s2 =	simm.s32 $0x0;
	[tilespmem:s16+$0x19700] =	vst v0;
	s16 =	simm.s32 $0x0  }
.LBB2_4:
0x4b: {  	p1 =	sne.s32 s16, $0x1900  }
.Ltmp3:
0x4c: {  	_ = 	snop;
	(pc) =	sbr.rel @p1 .LBB2_4-.Ltmp3, $3  }
0x4d: {  	_ =	sdelay $0x1  }
0x4e: {  	s17 =	sshra.s32 s16, $0x2  }
0x4f: {  	s16 =	sadd.s32 $0x40, s16;
	[tilespmem:s17+$0x19B00] =	vst v0  }
0x50: {  	s17 =	simm.s32 $0x80  }
0x51: {  	s18 =	simm.s32 $0x1;
	v3 =	vld [tilespmem:s17+$0x0]  }
.LBB2_6:
0x52: {  	p1 =	sne.s32 s18, $0x4FF;
	_ =	sdelay $0x3  }
0x53: {  	(xrf0) =	vmax.scan.msk.f32 $0xffff, v3;
	_ =	sdelay $0x1  }
0x54: {  	v3 =	vmov s2;
	s2 =	smov.u32 s18;
	_ =	sdelay $0x1  }
.Ltmp4:
0x55: {  	(pc) =	sbr.rel @p1 .LBB2_6-.Ltmp4, $4  }
0x56: {  	_ = 	snop  }
0x57: {  	s16 =	simm.s32 $0x19080;
	v4, _, _ =	vpop (xrf0)  }
0x58: {  	s17 =	sadd.s32 $0x10, s17;
	[tilespmem:v3+s16+$0x0] =	vst.idx.msk vm0, v4  }
0x59: {  	s18 =	sadd.s32 $0x1, s18;
	v3 =	vld [tilespmem:s17+$0x0]  }
0x5a: {  	_ =	sdelay $0x3  }
0x5b: {  	(xrf0) =	vmax.scan.msk.f32 $0xffff, v3;
	_ =	sdelay $0x1  }
0x5c: {  	v3 =	vmov s2;
	_ =	sdelay $0x3  }
0x5d: {  	v4, _, _ =	vpop (xrf0)  }
0x5e: {  	[tilespmem:v3+s16+$0x0] =	vst.idx.msk vm0, v4  }
0x5f: {  	s18 =	simm.s32 $0x1;
	s17 =	simm.s32 $0x0;
	s2 =	simm.s32 $0x0;
	v3 =	vld [tilespmem:s16+$0x0]  }
.LBB2_8:
0x60: {  	p1 =	sne.s32 s18, $0x4F;
	_ =	sdelay $0x3  }
0x61: {  	(xrf0) =	vmax.scan.msk.f32 $0xffff, v3;
	_ =	sdelay $0x1  }
0x62: {  	v3 =	vmov s17;
	s17 =	smov.u32 s18;
	_ =	sdelay $0x1  }
.Ltmp5:
0x63: {  	(pc) =	sbr.rel @p1 .LBB2_8-.Ltmp5, $4  }
0x64: {  	_ = 	snop  }
0x65: {  	v4, _, _ =	vpop (xrf0)  }
0x66: {  	s16 =	sadd.s32 $0x10, s16;
	[tilespmem:v3+s0+$0x0] =	vst.idx.msk vm0, v4  }
0x67: {  	s18 =	sadd.s32 $0x1, s18;
	v3 =	vld [tilespmem:s16+$0x0]  }
0x68: {  	_ =	sdelay $0x3  }
0x69: {  	(xrf0) =	vmax.scan.msk.f32 $0xffff, v3;
	_ =	sdelay $0x1  }
0x6a: {  	v3 =	vmov s17;
	_ =	sdelay $0x3  }
0x6b: {  	v4, _, _ =	vpop (xrf0)  }
0x6c: {  	[tilespmem:v3+s0+$0x0] =	vst.idx.msk vm0, v4  }
.LBB2_10:
0x6d: {  	v4 =	vld [tilespmem:$0x19580]  }
0x6e: {  	v5 =	vld [tilespmem:$0x19590]  }
0x6f: {  	v6 =	vld [tilespmem:$0x195A0]  }
0x70: {  	v7 =	vld [tilespmem:$0x195B0];
	_ =	sdelay $0x1  }
0x71: {  	v8 =	vld [tilespmem:$0x195C0];
	_ =	sdelay $0x2  }
0x72: {  	v3 =	vmax.f32 v4, v5;
	v9 =	vmax.f32 v6, v7  }
0x73: {  	v3 =	vmax.f32 v3, v9  }
0x74: {  	v3 =	vmax.f32 v3, v8  }
0x75: {  	(xrf0) =	vmax.scan.msk.f32 $0xffff, v3;
	_ =	sdelay $0x5  }
0x76: {  	v62, _, _ =	vpop (xrf0)  }
0x77: {  	v3 =	vbroadcast v62, $0xF;
	_ =	sdelay $0x1  }
0x78: {  	vm2 =	veq.f32 v8, v3  }
0x79: {  	v8 =	vmpcnt.ones.xlane vm2;
	v10 =	vmctz.xlane vm2;
	vm2 =	veq.f32 v7, v3  }
0x7a: {  	v7 =	vmpcnt.ones.xlane vm2  }
0x7b: {  	v12 =	vmctz.xlane vm2;
	vm3 =	vgt.s32 v8, $0x0;
	v63 =	vadd.s32 $0x40, v10  }
0x7c: {  	v8 =	vnsel vm3, $0x40000000, v63  }
0x7d: {  	vm2 =	vgt.s32 v7, $0x0;
	vm3 =	veq.f32 v6, v3;
	v13 =	vadd.s32 $0x30, v12  }
0x7e: {  	v14 =	vmpcnt.ones.xlane vm3;
	v15 =	vmctz.xlane vm3;
	vm3 =	veq.f32 v5, v3  }
0x7f: {  	v6 =	vsel vm2, v13, v8;
	v5 =	vmpcnt.ones.xlane vm3  }
0x80: {  	v17 =	vmctz.xlane vm3;
	vm3 =	veq.f32 v4, v3;
	vm2 =	vgt.s32 v14, $0x0  }
0x81: {  	v16 =	vadd.s32 $0x20, v15;
	v19 =	vmpcnt.ones.xlane vm3;
	v21 =	vmctz.xlane vm3  }
0x82: {  	v18 =	vsel vm2, v16, v6;
	vm2 =	vgt.s32 v5, $0x0;
	v20 =	vadd.s32 $0x10, v17  }
0x83: {  	v4 =	vsel vm2, v20, v18;
	vm2 =	vgt.s32 v19, $0x0  }
0x84: {  	v4 =	vsel vm2, v21, v4  }
0x85: {  	v4 =	vnsel vm1, $0x0, v4  }
0x86: {  	v4 =	vxor.u32 $0x80000000, v4  }
0x87: {  	(xrf0) =	vmax.scan.msk.u32 $0xffff, v4;
	_ =	sdelay $0x5  }
0x88: {  	(v2sf) =	vpush v62, $0xF;
	v4, _, _ =	vpop (xrf0)  }
0x89: {  	(v2sf) =	vpush v4, $0xF;
	_ =	sdelay $0xd  }
0x8a: {  	s16 =	spop (v2sf)  }
0x8b: {  	s17 =	spop (v2sf)  }
0x8c: {  	s18 =	sshll.u32 s17, $0x4  }
0x8d: {  	v22 =	vld [tilespmem:s18+$0x19080];
	_ =	sdelay $0x4  }
0x8e: {  	vm2 =	veq.f32 v22, v3  }
0x8f: {  	v23 =	vmctz.xlane vm2;
	_ =	sdelay $0x1  }
0x90: {  	v5 =	vadd.s32 s18, v23  }
0x91: {  	v5 =	vnsel vm1, $0x0, v5  }
0x92: {  	v5 =	vxor.u32 $0x80000000, v5  }
0x93: {  	(xrf0) =	vmax.scan.msk.u32 $0xffff, v5;
	_ =	sdelay $0x5  }
0x94: {  	v5, _, _ =	vpop (xrf0)  }
0x95: {  	(v2sf) =	vpush v5, $0xF;
	_ =	sdelay $0xe  }
0x96: {  	s19 =	spop (v2sf)  }
0x97: {  	s20 =	sshll.u32 s19, $0x4  }
0x98: {  	v24 =	vld [tilespmem:s20+$0x80];
	_ =	sdelay $0x4  }
0x99: {  	vm2 =	veq.f32 v24, v3  }
0x9a: {  	v25 =	vmctz.xlane vm2;
	_ =	sdelay $0x1  }
0x9b: {  	vm2 =	veq.s32 v25, v1  }
0x9c: {  	v5 =	vsel vm2, $0x0, v24  }
0x9d: {  	(xrf0) =	vmax.scan.msk.f32 $0xffff, v5;
	_ =	sdelay $0x4  }
0x9e: {  	s19 =	sxor.u32 $0x80000000, s19  }
0x9f: {  	s21 =	sxor.u32 $0x80000000, s17;
	s19 =	ssub.s32 s19, s18;
	v26, _, _ =	vpop (xrf0)  }
0xa0: {  	p2 =	sgt.s32 s17, $0xFFFFFFFF;
	s17 =	sand.u32 $0xF, s17;
	p1 =	slt.s32 s21, $0x1;
	v27 =	vmov s19;
	v7 =	vbroadcast v26, $0xF  }
0xa1: {  	p4 =	sne.s32 s17, $0x0;
	p1 =	por p2, p1;
	s19 =	sshra.s32 s21, $0x1F;
	vm2 =	veq.s32 v27, v1  }
0xa2: {  	p1 =	por !p4, !p1;
	s19 =	sshrl.u32 s19, $0x1C;
	v4 =	vsel vm2, v7, v22  }
0xa3: {  	p1 =	por !p1, !p1;
	s17 =	sadd.s32 s19, s21;
	s19 =	simm.s32 $0x1;
	(xrf0) =	vmax.scan.msk.f32 $0xffff, v4  }
0xa4: {  	s17 =	sshrl.u32 s17, $0x4;
	s19 =	simm.s32 @!p1 $0x0  }
0xa5: {  	s17 =	ssub.s32 s17, s19;
	[tilespmem:s20+$0x80] =	vst v5  }
0xa6: {  	s17 =	sshll.u32 s17, $0x4;
	[tilespmem:s18+$0x19080] =	vst v4  }
0xa7: {  	v4 =	vld [tilespmem:s17+$0x19580];
	_ =	sdelay $0x1  }
0xa8: {  	v28 =	vadd.s32 s20, v25;
	s20 =	ssub.s32 s21, s17;
	v29, _, _ =	vpop (xrf0)  }
0xa9: {  	v30 =	vmov s20;
	v6 =	vbroadcast v29, $0xF  }
0xaa: {  	vm2 =	veq.s32 v30, v1  }
0xab: {  	v4 =	vsel vm2, v6, v4  }
0xac: {  	[tilespmem:s17+$0x19580] =	vst v4  }
0xad: {  	v6 =	vld.idx.msk [tilespmem:v28+s28+$0x0], $0xffff  }
0xae: {  	v8 =	vld.idx.msk [tilespmem:v28+s29+$0x0], $0xffff  }
0xaf: {  	v7 =	vld.idx.msk [tilespmem:v28+s30+$0x0], $0xffff  }
0xb0: {  	v4 =	vld.idx.msk [tilespmem:v28+s31+$0x0], $0xffff  }
0xb1: {  	v31 =	vld [tilespmem:$0x19600]  }
0xb2: {  	v11 =	vld [tilespmem:$0x19700]  }
0xb3: {  	v12 =	vld [tilespmem:$0x19800]  }
0xb4: {  	v13 =	vld [tilespmem:$0x19900]  }
0xb5: {  	v14 =	vld [tilespmem:$0x19A00]  }
0xb6: {  	v15 =	vld [tilespmem:$0x19610]  }
0xb7: {  	v16 =	vld [tilespmem:$0x19710]  }
0xb8: {  	v17 =	vld [tilespmem:$0x19810]  }
0xb9: {  	v19 =	vld [tilespmem:$0x19910]  }
0xba: {  	v21 =	vld [tilespmem:$0x19A10]  }
0xbb: {  	v22 =	vld [tilespmem:$0x19620]  }
0xbc: {  	v32 =	vld [tilespmem:$0x19720]  }
0xbd: {  	v33 =	vld [tilespmem:$0x19820]  }
0xbe: {  	v34 =	vld [tilespmem:$0x19920]  }
0xbf: {  	v37 =	vld [tilespmem:$0x19630]  }
0xc0: {  	v38 =	vld [tilespmem:$0x19730]  }
0xc1: {  	v25 =	vld [tilespmem:$0x19640]  }
0xc2: {  	v26 =	vld [tilespmem:$0x19740]  }
0xc3: {  	v42 =	vld [tilespmem:$0x19840]  }
0xc4: {  	v48 =	vld [tilespmem:$0x19850];
	v5 =	vsub.f32 v7, v6;
	v10 =	vsub.f32 v4, v8  }
0xc5: {  	v45 =	vld [tilespmem:$0x19650];
	v12 =	vmin.f32 v7, v12;
	v9 =	vmax.f32 v6, v31;
	v13 =	vmin.f32 v4, v13  }
0xc6: {  	v39 =	vld [tilespmem:$0x19830];
	v11 =	vmax.f32 v8, v11;
	v17 =	vmin.f32 v7, v17;
	v15 =	vmax.f32 v6, v15  }
0xc7: {  	v60 =	vld [tilespmem:$0x19960];
	v19 =	vmin.f32 v4, v19;
	v16 =	vmax.f32 v8, v16;
	v22 =	vmax.f32 v6, v22  }
0xc8: {  	v23 =	vld [tilespmem:$0x19A20];
	v52 =	vmin.f32 v7, v42;
	v54 =	vmax.f32 v6, v25;
	v55 =	vmax.f32 v8, v26  }
0xc9: {  	v41 =	vld [tilespmem:$0x19930];
	v28 =	vmin.f32 v7, v48;
	v12 =	vsub.f32 v12, v9;
	v11 =	vsub.f32 v13, v11  }
0xca: {  	v56 =	vld [tilespmem:$0x19660];
	v29 =	vmax.f32 v6, v45;
	v35 =	vsub.f32 v17, v15;
	v36 =	vsub.f32 v19, v16  }
0xcb: {  	v59 =	vld [tilespmem:$0x19860];
	v13 =	vmax.f32 v8, v32;
	v19 =	vmin.f32 v7, v39;
	v16 =	vmax.f32 v6, v37  }
0xcc: {  	v24 =	vld [tilespmem:$0x19A30];
	v17 =	vmax.f32 v8, v38;
	v31 =	vsub.f32 v28, v29;
	v37 =	vmin.f32 v4, v60  }
0xcd: {  	v43 =	vld [tilespmem:$0x19940];
	v18 =	vmax.f32 v5, $0.0e+00;
	v20 =	vmax.f32 v10, $0.0e+00;
	v16 =	vsub.f32 v19, v16  }
0xce: {  	v44 =	vld [tilespmem:$0x19A40];
	v9 =	vmul.f32 v20, v18;
	v12 =	vmax.f32 v12, $0.0e+00;
	v11 =	vmax.f32 v11, $0.0e+00  }
0xcf: {  	v46 =	vld [tilespmem:$0x19750];
	v15 =	vmax.f32 v36, $0.0e+00;
	v18 =	vmin.f32 v7, v33;
	v20 =	vmin.f32 v4, v34  }
0xd0: {  	v58 =	vld [tilespmem:$0x19760];
	v34 =	vmin.f32 v7, v59;
	v36 =	vmax.f32 v6, v56;
	v11 =	vmul.f32 v11, v12  }
0xd1: {  	v53 =	vld [tilespmem:$0x19A50];
	v12 =	vmax.f32 v35, $0.0e+00;
	v18 =	vsub.f32 v18, v22;
	v13 =	vsub.f32 v20, v13  }
0xd2: {  	v30 =	vld [tilespmem:$0x19670];
	v16 =	vmax.f32 v16, $0.0e+00;
	v22 =	vmin.f32 v4, v43;
	v14 =	vadd.f32 v14, v9  }
0xd3: {  	v38 =	vld [tilespmem:$0x19A70];
	v12 =	vmul.f32 v15, v12;
	v40 =	vadd.f32 v21, v9;
	v23 =	vadd.f32 v23, v9  }
0xd4: {  	v39 =	vld [tilespmem:$0x19680];
	v21 =	vmin.f32 v4, v41;
	v47 =	vadd.f32 v24, v9;
	v57 =	vsub.f32 v22, v55  }
0xd5: {  	v33 =	vld [tilespmem:$0x19870];
	v27 =	vadd.f32 v44, v9;
	v22 =	vmax.f32 v8, v58;
	v17 =	vsub.f32 v21, v17  }
0xd6: {  	v35 =	vld [tilespmem:$0x19970];
	v18 =	vmax.f32 v18, $0.0e+00;
	v13 =	vmax.f32 v13, $0.0e+00;
	v22 =	vsub.f32 v37, v22  }
0xd7: {  	v41 =	vld [tilespmem:$0x19780];
	v21 =	vmax.f32 v6, v30;
	v14 =	vsub.f32 v14, v11;
	v15 =	vsub.f32 v40, v12  }
0xd8: {  	v44 =	vld [tilespmem:$0x19A80];
	v13 =	vmul.f32 v13, v18;
	v20 =	vmax.f32 v57, $0.0e+00;
	v18 =	vmax.f32 v8, v46  }
0xd9: {  	v55 =	vld [tilespmem:$0x197A0];
	v40 =	vadd.f32 v53, v9;
	v53 =	vadd.f32 v38, v9;
	v17 =	vmax.f32 v17, $0.0e+00  }
0xda: {  	v49 =	vld [tilespmem:$0x19950];
	v22 =	vmax.f32 v22, $0.0e+00;
	v19 =	vmin.f32 v7, v33;
	v14 =	vmax.f32 v14, $9.999999960e-13  }
0xdb: {  	v42 =	vld [tilespmem:$0x19880];
	v15 =	vmax.f32 v15, $9.999999960e-13;
	v16 =	vmul.f32 v17, v16;
	v50 =	vsub.f32 v23, v13  }
0xdc: {  	v57 =	vld [tilespmem:$0x198A0];
	v45 =	vsub.f32 v19, v21;
	v23 =	vmax.f32 v6, v39;
	v14 =	vmul.f32 v14, v2  }
0xdd: {  	v15 =	vmul.f32 v15, v2;
	v17 =	vmax.f32 v8, v41;
	v56 =	vadd.f32 v44, v9  }
0xde: {  	v63 =	vld [tilespmem:$0x19A60];
	v25 =	vmax.f32 v8, v55;
	v51 =	vsub.f32 v47, v16;
	v47 =	vmin.f32 v4, v35  }
0xdf: {  	v48 =	vld [tilespmem:$0x19790];
	vm2 =	vgt.f32 v11, v14;
	vm3 =	vgt.f32 v12, v15;
	v12 =	vmax.f32 v50, $9.999999960e-13  }
0xe0: {  	v32 =	vld [tilespmem:$0x19770];
	v15 =	vsub.f32 v52, v54;
	v11 =	vmin.f32 v4, v49;
	v49 =	vmin.f32 v7, v42  }
0xe1: {  	v43 =	vld [tilespmem:$0x19980];
	v33 =	vmin.f32 v7, v57;
	vm2 =	vmor vm2, vm3;
	v12 =	vmul.f32 v12, v2  }
0xe2: {  	v38 =	vld [tilespmem:$0x199C0];
	v14 =	vmax.f32 v51, $9.999999960e-13;
	v11 =	vsub.f32 v11, v18;
	v18 =	vsub.f32 v34, v36  }
0xe3: {  	v50 =	vld [tilespmem:$0x19890];
	v19 =	vsub.f32 v49, v23;
	v15 =	vmax.f32 v15, $0.0e+00;
	v61 =	vmul.f32 v14, v2  }
0xe4: {  	v52 =	vld [tilespmem:$0x19A90];
	v14 =	vadd.f32 v63, v9;
	vm3 =	vgt.f32 v13, v12;
	v62 =	vmul.f32 v20, v15  }
0xe5: {  	v54 =	vld [tilespmem:$0x196A0];
	v12 =	vmax.f32 v31, $0.0e+00;
	v11 =	vmax.f32 v11, $0.0e+00;
	v18 =	vmax.f32 v18, $0.0e+00  }
0xe6: {  	v51 =	vld [tilespmem:$0x19990];
	v13 =	vmax.f32 v45, $0.0e+00;
	v19 =	vmax.f32 v19, $0.0e+00;
	v20 =	vmax.f32 v8, v48  }
0xe7: {  	v36 =	vld [tilespmem:$0x198C0];
	vm2 =	vmor vm2, vm3;
	vm3 =	vgt.f32 v16, v61;
	v11 =	vmul.f32 v11, v12  }
0xe8: {  	v18 =	vmul.f32 v22, v18;
	v16 =	vmax.f32 v8, v32;
	v22 =	vmin.f32 v4, v43  }
0xe9: {  	v34 =	vld [tilespmem:$0x197C0];
	v15 =	vsub.f32 v27, v62;
	vm2 =	vmor vm2, vm3;
	v16 =	vsub.f32 v47, v16  }
0xea: {  	v17 =	vsub.f32 v22, v17;
	v28 =	vmin.f32 v7, v50;
	v23 =	vmax.f32 v6, v54  }
0xeb: {  	v31 =	vld [tilespmem:$0x196C0];
	v48 =	vadd.f32 v52, v9;
	v50 =	vmin.f32 v4, v38;
	v12 =	vsub.f32 v40, v11  }
0xec: {  	v14 =	vsub.f32 v14, v18;
	v30 =	vmin.f32 v4, v51;
	v49 =	vmin.f32 v7, v36  }
0xed: {  	v46 =	vld [tilespmem:$0x19690];
	v15 =	vmax.f32 v15, $9.999999960e-13;
	v16 =	vmax.f32 v16, $0.0e+00;
	v17 =	vmax.f32 v17, $0.0e+00  }
0xee: {  	v44 =	vld [tilespmem:$0x197D0];
	v32 =	vsub.f32 v30, v20;
	v20 =	vmax.f32 v8, v34;
	v15 =	vmul.f32 v15, v2  }
0xef: {  	v27 =	vld [tilespmem:$0x199A0];
	v12 =	vmax.f32 v12, $9.999999960e-13;
	v13 =	vmul.f32 v16, v13;
	v14 =	vmax.f32 v14, $9.999999960e-13  }
0xf0: {  	v52 =	vld [tilespmem:$0x19AB0];
	v17 =	vmul.f32 v17, v19;
	v19 =	vsub.f32 v33, v23;
	v21 =	vmax.f32 v6, v31  }
0xf1: {  	v20 =	vsub.f32 v50, v20;
	v12 =	vmul.f32 v12, v2;
	v14 =	vmul.f32 v14, v2  }
0xf2: {  	v51 =	vld [tilespmem:$0x19AA0];
	v40 =	vmax.f32 v32, $0.0e+00;
	v21 =	vsub.f32 v49, v21;
	vm3 =	vgt.f32 v62, v15  }
0xf3: {  	v60 =	vld [tilespmem:$0x196B0];
	v16 =	vsub.f32 v53, v13;
	v59 =	vsub.f32 v56, v17;
	v15 =	vmax.f32 v6, v46  }
0xf4: {  	v29 =	vld [tilespmem:$0x199B0];
	v35 =	vmin.f32 v4, v27;
	v42 =	vmax.f32 v19, $0.0e+00;
	v19 =	vmax.f32 v8, v44  }
0xf5: {  	v61 =	vld [tilespmem:$0x197B0];
	v20 =	vmax.f32 v20, $0.0e+00;
	v57 =	vadd.f32 v52, v9;
	vm2 =	vmor vm2, vm3  }
0xf6: {  	v41 =	vld [tilespmem:$0x196D0];
	vm3 =	vgt.f32 v11, v12;
	v37 =	vsub.f32 v35, v25;
	v21 =	vmax.f32 v21, $0.0e+00  }
0xf7: {  	v62 =	vld [tilespmem:$0x198B0];
	v56 =	vadd.f32 v51, v9;
	v58 =	vmax.f32 v16, $9.999999960e-13;
	vm2 =	vmor vm2, vm3  }
0xf8: {  	v46 =	vld [tilespmem:$0x198D0];
	vm3 =	vgt.f32 v18, v14;
	v12 =	vmax.f32 v59, $9.999999960e-13;
	v16 =	vmax.f32 v6, v60  }
0xf9: {  	v47 =	vld [tilespmem:$0x199D0];
	v11 =	vmul.f32 v58, v2;
	v63 =	vmul.f32 v12, v2;
	v12 =	vsub.f32 v28, v15  }
0xfa: {  	v53 =	vld [tilespmem:$0x19AC0];
	v14 =	vmax.f32 v8, v61;
	vm2 =	vmor vm2, vm3;
	v43 =	vmax.f32 v37, $0.0e+00  }
0xfb: {  	v15 =	vmax.f32 v6, v41;
	vm3 =	vgt.f32 v13, v11;
	v39 =	vmax.f32 v12, $0.0e+00  }
0xfc: {  	v12 =	vmul.f32 v43, v42;
	v45 =	vmin.f32 v7, v62;
	v13 =	vmin.f32 v4, v29  }
0xfd: {  	v18 =	vmin.f32 v7, v46;
	vm2 =	vmor vm2, vm3;
	vm3 =	vgt.f32 v17, v63  }
0xfe: {  	v54 =	vld [tilespmem:$0x19AD0];
	v11 =	vmul.f32 v40, v39;
	v16 =	vsub.f32 v45, v16;
	v13 =	vsub.f32 v13, v14  }
0xff: {  	v15 =	vsub.f32 v18, v15;
	v17 =	vmin.f32 v4, v47;
	v18 =	vadd.f32 v53, v9  }
0x100: {  	v55 =	vmul.f32 v20, v21;
	v17 =	vsub.f32 v17, v19;
	v20 =	vsub.f32 v56, v12  }
0x101: {  	v16 =	vmax.f32 v16, $0.0e+00;
	v13 =	vmax.f32 v13, $0.0e+00;
	v14 =	vsub.f32 v48, v11  }
0x102: {  	v15 =	vmax.f32 v15, $0.0e+00;
	v13 =	vmul.f32 v13, v16;
	v17 =	vmax.f32 v17, $0.0e+00  }
0x103: {  	v19 =	vadd.f32 v54, v9;
	v15 =	vmul.f32 v17, v15;
	v14 =	vmax.f32 v14, $9.999999960e-13  }
0x104: {  	vm2 =	vmor vm2, vm3;
	v14 =	vmul.f32 v14, v2;
	v17 =	vsub.f32 v57, v13  }
0x105: {  	v59 =	vsub.f32 v18, v55;
	v58 =	vmax.f32 v20, $9.999999960e-13;
	v60 =	vsub.f32 v19, v15  }
0x106: {  	vm3 =	vgt.f32 v11, v14;
	v11 =	vmul.f32 v58, v2;
	v17 =	vmax.f32 v17, $9.999999960e-13  }
0x107: {  	v14 =	vmax.f32 v59, $9.999999960e-13;
	vm2 =	vmor vm2, vm3;
	v17 =	vmul.f32 v17, v2  }
0x108: {  	v61 =	vmul.f32 v14, v2;
	v62 =	vmax.f32 v60, $9.999999960e-13;
	vm3 =	vgt.f32 v12, v11  }
0x109: {  	v12 =	vmul.f32 v62, v2;
	vm2 =	vmor vm2, vm3;
	vm3 =	vgt.f32 v13, v17  }
0x10a: {  	vm2 =	vmor vm2, vm3;
	vm3 =	vgt.f32 v55, v61  }
0x10b: {  	vm2 =	vmor vm2, vm3;
	vm3 =	vgt.f32 v15, v12  }
0x10c: {  	vm2 =	vmor vm2, vm3  }
0x10d: {  	v63 =	vmpcnt.ones.xlane vm2;
	_ =	sdelay $0x1  }
0x10e: {  	v11 =	vxor.u32 $0x80000000, v63  }
0x10f: {  	(xrf0) =	vmax.scan.msk.u32 $0xffff, v11;
	_ =	sdelay $0x5  }
0x110: {  	v11, _, _ =	vpop (xrf0)  }
0x111: {  	(v2sf) =	vpush v11, $0xF;
	_ =	sdelay $0xe  }
0x112: {  	p5 =	sgt.f32 s16, $0.0e+00;
	s21 =	spop (v2sf)  }
0x113: {  	p6 =	slt.u32 s21, $0x80000001  }
0x114: {  	p1 =	por !p5, !p6  }
0x115: {  	p1 =	por !p1, !p1  }
0x116: {  	s17 =	sand.u32 @p1 $0xF0, s2  }
0x117: {  	v11 =	vld @p1 [tilespmem:s17+$0x19600]  }
0x118: {  	s18 =	sand.u32 @p1 $0xF, s2;
	v12 =	vld @p1 [tilespmem:s17+$0x19700]  }
0x119: {  	v13 =	vld @p1 [tilespmem:s17+$0x19800];
	v14 =	vmov @p1 s18;
	s18 =	simm.s32 $0x1  }
0x11a: {  	s18 =	simm.s32 @!p1 $0x0  }
0x11b: {  	v15 =	vlaneseq.u32 @p1;
	s19 =	sshll.u32 @p1 s2, $0x3;
	s2 =	sadd.s32 s18, s2  }
0x11c: {  	vm2 =	veq.s32 @p1 v14, v15;
	v14 =	vld @p1 [tilespmem:s17+$0x19900];
	p2 =	sgt.u32 s2, $0xC7  }
0x11d: {  	vm3 =	vcmask @p1 $0x3F14;
	v15 =	vld @p1 [tilespmem:s17+$0x19A00];
	p3 =	sgt.f32 @!p2 s16, $0.0e+00;
	v12 =	vsel @p1 vm2, v8, v12;
	v8 =	vadd.f32 @p1 v4, v8  }
0x11e: {  	v11 =	vsel @p1 vm2, v6, v11;
	v13 =	vsel @p1 vm2, v7, v13;
	v6 =	vadd.f32 @p1 v7, v6  }
0x11f: {  	[tilespmem:s17+$0x19600] =	vst @p1 v11;
	p2 =	por p2, !p3;
	v7 =	vmul.f32 @p1 $5.000000000e-01, v8;
	v8 =	vsel @p1 vm3, $0x0, v10;
	vm3 =	vcmask @p1 $0x3F10  }
.Ltmp6:
0x120: {  	[tilespmem:s17+$0x19700] =	vst @p1 v12;
	v6 =	vmul.f32 @p1 $5.000000000e-01, v6;
	v5 =	vsel @p1 vm3, v8, v5;
	vm3 =	vcmask @p1 $0x3F0C;
	(pc) =	sbr.rel @!p2 .LBB2_10-.Ltmp6, $4  }
0x121: {  	[tilespmem:s17+$0x19800] =	vst @p1 v13;
	v4 =	vsel @p1 vm2, v4, v14;
	v5 =	vsel @p1 vm3, v5, v7;
	vm3 =	vcmask @p1 $0x3F08  }
0x122: {  	[tilespmem:s17+$0x19900] =	vst @p1 v4;
	v4 =	vsel @p1 vm2, v9, v15;
	vm2 =	vmmov @p1 $0x1;
	v5 =	vsel @p1 vm3, v5, v6  }
0x123: {  	s16 =	sand.u32 @p1 $0x3FFFFFF8, s19;
	[tilespmem:s17+$0x19A00] =	vst @p1 v4;
	v3 =	vsel @p1 vm2, v3, v5  }
0x124: {  	[tilespmem:s16+$0x19B00] =	vst @p1 v3  }
0x125: {  	[hbm4b:s9+s25] =	stream.strided.scatter [tilespmem:s3], [sflag:$0x1], $0x680, s24, s25, $0x38;
	[tilespmem:$0x1A180] =	vst v63  }
0x126: {  	_ =	swait.ge [sflag:s23], $0x680  }
0x127: {  	[sflag:s23] =	ssyncset.done $0x0  }
0x128: {  	[sflag:s23] =	ssyncadd.s32 $0xFFFFF980  }
0x129: {  	[tilespmem:s25], [sflag:$0x1] =	stream.strided.gather [hbm4b:s10+s25], $0x5000, s24, s25, $0x38;
	[tilespmem:$0x1A180] =	vst v63  }
0x12a: {  	_ =	swait.ge [sflag:s23], $0x5000  }
0x12b: {  	[sflag:s23] =	ssyncset.done $0x0  }
0x12c: {  	[sflag:s23] =	ssyncadd.s32 $0xFFFFB000  }
0x12d: {  	[tilespmem:s28], [sflag:$0x1] =	stream.strided.gather [hbm4b:s11+s25], $0x5000, s26, s25, $0x38;
	[tilespmem:$0x1A180] =	vst v63  }
0x12e: {  	_ =	swait.ge [sflag:s23], $0x5000  }
0x12f: {  	[sflag:s23] =	ssyncset.done $0x0  }
0x130: {  	[sflag:s23] =	ssyncadd.s32 $0xFFFFB000  }
0x131: {  	[tilespmem:s29], [sflag:$0x1] =	stream.strided.gather [hbm4b:s12+s25], $0x5000, s26, s25, $0x38;
	[tilespmem:$0x1A180] =	vst v63  }
0x132: {  	_ =	swait.ge [sflag:s23], $0x5000  }
0x133: {  	[sflag:s23] =	ssyncset.done $0x0  }
0x134: {  	[sflag:s23] =	ssyncadd.s32 $0xFFFFB000  }
0x135: {  	[tilespmem:s30], [sflag:$0x1] =	stream.strided.gather [hbm4b:s13+s25], $0x5000, s26, s25, $0x38;
	[tilespmem:$0x1A180] =	vst v63  }
0x136: {  	_ =	swait.ge [sflag:s23], $0x5000  }
0x137: {  	[sflag:s23] =	ssyncset.done $0x0  }
0x138: {  	[sflag:s23] =	ssyncadd.s32 $0xFFFFB000  }
0x139: {  	[tilespmem:s31], [sflag:$0x1] =	stream.strided.gather [hbm4b:s14+s25], $0x5000, s26, s25, $0x38;
	[tilespmem:$0x1A180] =	vst v63  }
0x13a: {  	_ =	swait.ge [sflag:s23], $0x5000  }
0x13b: {  	s2 =	simm.s32 $0x0;
	[sflag:s23] =	ssyncset.done $0x0  }
0x13c: {  	s17 =	simm.s32 $0x40;
	s16 =	simm.s32 $0x0;
	[sflag:s23] =	ssyncadd.s32 $0xFFFFB000  }
.LBB2_12:
0x13d: {  	p1 =	sne.s32 s17, $0x340;
	[tilespmem:s16+$0x19A00] =	vst v0;
	s18 =	smov.u32 s17;
	s17 =	sadd.s32 $0x40, s17  }
.Ltmp7:
0x13e: {  	[tilespmem:s16+$0x19900] =	vst v0;
	(pc) =	sbr.rel @p1 .LBB2_12-.Ltmp7, $4  }
0x13f: {  	[tilespmem:s16+$0x19800] =	vst v0  }
0x140: {  	[tilespmem:s16+$0x19600] =	vst v0  }
0x141: {  	[tilespmem:s16+$0x19700] =	vst v0  }
0x142: {  	s16 =	sshra.s32 s18, $0x2  }
0x143: {  	[tilespmem:s16+$0x19A00] =	vst v0  }
0x144: {  	[tilespmem:s16+$0x19900] =	vst v0  }
0x145: {  	[tilespmem:s16+$0x19800] =	vst v0  }
0x146: {  	[tilespmem:s16+$0x19600] =	vst v0  }
0x147: {  	[tilespmem:s16+$0x19700] =	vst v0  }
.LBB2_14:
0x148: {  	p1 =	sne.s32 s2, $0x1900  }
.Ltmp8:
0x149: {  	_ = 	snop;
	(pc) =	sbr.rel @p1 .LBB2_14-.Ltmp8, $3  }
0x14a: {  	_ =	sdelay $0x1  }
0x14b: {  	s16 =	sshra.s32 s2, $0x2  }
0x14c: {  	s2 =	sadd.s32 $0x40, s2;
	[tilespmem:s16+$0x19B00] =	vst v0  }
0x14d: {  	s17 =	simm.s32 $0x80  }
0x14e: {  	s2 =	simm.s32 $0x0;
	s19 =	simm.s32 $0x1;
	s18 =	simm.s32 $0x0;
	v3 =	vld [tilespmem:s17+$0x0]  }
.LBB2_16:
0x14f: {  	p1 =	sne.s32 s19, $0x4FF;
	_ =	sdelay $0x3  }
0x150: {  	(xrf0) =	vmax.scan.msk.f32 $0xffff, v3;
	_ =	sdelay $0x1  }
0x151: {  	v3 =	vmov s18;
	s18 =	smov.u32 s19;
	_ =	sdelay $0x1  }
.Ltmp9:
0x152: {  	(pc) =	sbr.rel @p1 .LBB2_16-.Ltmp9, $4  }
0x153: {  	_ = 	snop  }
0x154: {  	s16 =	simm.s32 $0x19080;
	v4, _, _ =	vpop (xrf0)  }
0x155: {  	s17 =	sadd.s32 $0x10, s17;
	[tilespmem:v3+s16+$0x0] =	vst.idx.msk vm0, v4  }
0x156: {  	s19 =	sadd.s32 $0x1, s19;
	v3 =	vld [tilespmem:s17+$0x0]  }
0x157: {  	_ =	sdelay $0x3  }
0x158: {  	(xrf0) =	vmax.scan.msk.f32 $0xffff, v3;
	_ =	sdelay $0x1  }
0x159: {  	v3 =	vmov s18;
	_ =	sdelay $0x3  }
0x15a: {  	v4, _, _ =	vpop (xrf0)  }
0x15b: {  	[tilespmem:v3+s16+$0x0] =	vst.idx.msk vm0, v4  }
0x15c: {  	s17 =	simm.s32 $0x1;
	v3 =	vld [tilespmem:s16+$0x0]  }
.LBB2_18:
0x15d: {  	p1 =	sne.s32 s17, $0x4F;
	_ =	sdelay $0x3  }
0x15e: {  	(xrf0) =	vmax.scan.msk.f32 $0xffff, v3;
	_ =	sdelay $0x1  }
0x15f: {  	v3 =	vmov s2;
	s2 =	smov.u32 s17;
	_ =	sdelay $0x1  }
.Ltmp10:
0x160: {  	(pc) =	sbr.rel @p1 .LBB2_18-.Ltmp10, $4  }
0x161: {  	_ = 	snop  }
0x162: {  	v4, _, _ =	vpop (xrf0)  }
0x163: {  	s16 =	sadd.s32 $0x10, s16;
	[tilespmem:v3+s0+$0x0] =	vst.idx.msk vm0, v4  }
0x164: {  	s17 =	sadd.s32 $0x1, s17;
	v3 =	vld [tilespmem:s16+$0x0]  }
0x165: {  	_ =	sdelay $0x3  }
0x166: {  	(xrf0) =	vmax.scan.msk.f32 $0xffff, v3;
	_ =	sdelay $0x1  }
0x167: {  	v3 =	vmov s2;
	_ =	sdelay $0x3  }
0x168: {  	v4, _, _ =	vpop (xrf0)  }
0x169: {  	s2 =	simm.s32 $0x0;
	[tilespmem:v3+s0+$0x0] =	vst.idx.msk vm0, v4  }
.LBB2_20:
0x16a: {  	v4 =	vld [tilespmem:$0x19580]  }
0x16b: {  	v5 =	vld [tilespmem:$0x19590]  }
0x16c: {  	v6 =	vld [tilespmem:$0x195A0]  }
0x16d: {  	v7 =	vld [tilespmem:$0x195B0];
	_ =	sdelay $0x1  }
0x16e: {  	v8 =	vld [tilespmem:$0x195C0];
	_ =	sdelay $0x2  }
0x16f: {  	v3 =	vmax.f32 v4, v5;
	v9 =	vmax.f32 v6, v7  }
0x170: {  	v3 =	vmax.f32 v3, v9  }
0x171: {  	v3 =	vmax.f32 v3, v8  }
0x172: {  	(xrf0) =	vmax.scan.msk.f32 $0xffff, v3;
	_ =	sdelay $0x5  }
0x173: {  	v62, _, _ =	vpop (xrf0)  }
0x174: {  	v3 =	vbroadcast v62, $0xF;
	_ =	sdelay $0x1  }
0x175: {  	vm2 =	veq.f32 v8, v3  }
0x176: {  	v8 =	vmpcnt.ones.xlane vm2;
	v10 =	vmctz.xlane vm2;
	vm2 =	veq.f32 v7, v3  }
0x177: {  	v7 =	vmpcnt.ones.xlane vm2  }
0x178: {  	v12 =	vmctz.xlane vm2;
	vm3 =	vgt.s32 v8, $0x0;
	v63 =	vadd.s32 $0x40, v10  }
0x179: {  	v8 =	vnsel vm3, $0x40000000, v63  }
0x17a: {  	vm2 =	vgt.s32 v7, $0x0;
	vm3 =	veq.f32 v6, v3;
	v13 =	vadd.s32 $0x30, v12  }
0x17b: {  	v14 =	vmpcnt.ones.xlane vm3;
	v15 =	vmctz.xlane vm3;
	vm3 =	veq.f32 v5, v3  }
0x17c: {  	v6 =	vsel vm2, v13, v8;
	v5 =	vmpcnt.ones.xlane vm3  }
0x17d: {  	v17 =	vmctz.xlane vm3;
	vm3 =	veq.f32 v4, v3;
	vm2 =	vgt.s32 v14, $0x0  }
0x17e: {  	v16 =	vadd.s32 $0x20, v15;
	v19 =	vmpcnt.ones.xlane vm3;
	v21 =	vmctz.xlane vm3  }
0x17f: {  	v18 =	vsel vm2, v16, v6;
	vm2 =	vgt.s32 v5, $0x0;
	v20 =	vadd.s32 $0x10, v17  }
0x180: {  	v4 =	vsel vm2, v20, v18;
	vm2 =	vgt.s32 v19, $0x0  }
0x181: {  	v4 =	vsel vm2, v21, v4  }
0x182: {  	v4 =	vnsel vm1, $0x0, v4  }
0x183: {  	v4 =	vxor.u32 $0x80000000, v4  }
0x184: {  	(xrf0) =	vmax.scan.msk.u32 $0xffff, v4;
	_ =	sdelay $0x5  }
0x185: {  	(v2sf) =	vpush v62, $0xF;
	v4, _, _ =	vpop (xrf0)  }
0x186: {  	(v2sf) =	vpush v4, $0xF;
	_ =	sdelay $0xd  }
0x187: {  	s16 =	spop (v2sf)  }
0x188: {  	s17 =	spop (v2sf)  }
0x189: {  	s18 =	sshll.u32 s17, $0x4  }
0x18a: {  	v22 =	vld [tilespmem:s18+$0x19080];
	_ =	sdelay $0x4  }
0x18b: {  	vm2 =	veq.f32 v22, v3  }
0x18c: {  	v23 =	vmctz.xlane vm2;
	_ =	sdelay $0x1  }
0x18d: {  	v5 =	vadd.s32 s18, v23  }
0x18e: {  	v5 =	vnsel vm1, $0x0, v5  }
0x18f: {  	v5 =	vxor.u32 $0x80000000, v5  }
0x190: {  	(xrf0) =	vmax.scan.msk.u32 $0xffff, v5;
	_ =	sdelay $0x5  }
0x191: {  	v5, _, _ =	vpop (xrf0)  }
0x192: {  	(v2sf) =	vpush v5, $0xF;
	_ =	sdelay $0xe  }
0x193: {  	s19 =	spop (v2sf)  }
0x194: {  	s20 =	sshll.u32 s19, $0x4  }
0x195: {  	v24 =	vld [tilespmem:s20+$0x80];
	_ =	sdelay $0x4  }
0x196: {  	vm2 =	veq.f32 v24, v3  }
0x197: {  	v25 =	vmctz.xlane vm2;
	_ =	sdelay $0x1  }
0x198: {  	vm2 =	veq.s32 v25, v1  }
0x199: {  	v5 =	vsel vm2, $0x0, v24  }
0x19a: {  	(xrf0) =	vmax.scan.msk.f32 $0xffff, v5;
	_ =	sdelay $0x4  }
0x19b: {  	s19 =	sxor.u32 $0x80000000, s19  }
0x19c: {  	s21 =	sxor.u32 $0x80000000, s17;
	s19 =	ssub.s32 s19, s18;
	v26, _, _ =	vpop (xrf0)  }
0x19d: {  	p2 =	sgt.s32 s17, $0xFFFFFFFF;
	s17 =	sand.u32 $0xF, s17;
	p1 =	slt.s32 s21, $0x1;
	v27 =	vmov s19;
	v7 =	vbroadcast v26, $0xF  }
0x19e: {  	p4 =	sne.s32 s17, $0x0;
	p1 =	por p2, p1;
	s19 =	sshra.s32 s21, $0x1F;
	vm2 =	veq.s32 v27, v1  }
0x19f: {  	p1 =	por !p4, !p1;
	s19 =	sshrl.u32 s19, $0x1C;
	v4 =	vsel vm2, v7, v22  }
0x1a0: {  	p1 =	por !p1, !p1;
	s17 =	sadd.s32 s19, s21;
	s19 =	simm.s32 $0x1;
	(xrf0) =	vmax.scan.msk.f32 $0xffff, v4  }
0x1a1: {  	s17 =	sshrl.u32 s17, $0x4;
	s19 =	simm.s32 @!p1 $0x0  }
0x1a2: {  	s17 =	ssub.s32 s17, s19;
	[tilespmem:s20+$0x80] =	vst v5  }
0x1a3: {  	s17 =	sshll.u32 s17, $0x4;
	[tilespmem:s18+$0x19080] =	vst v4  }
0x1a4: {  	v4 =	vld [tilespmem:s17+$0x19580];
	_ =	sdelay $0x1  }
0x1a5: {  	v28 =	vadd.s32 s20, v25;
	s20 =	ssub.s32 s21, s17;
	v29, _, _ =	vpop (xrf0)  }
0x1a6: {  	v30 =	vmov s20;
	v6 =	vbroadcast v29, $0xF  }
0x1a7: {  	vm2 =	veq.s32 v30, v1  }
0x1a8: {  	v4 =	vsel vm2, v6, v4  }
0x1a9: {  	[tilespmem:s17+$0x19580] =	vst v4  }
0x1aa: {  	v6 =	vld.idx.msk [tilespmem:v28+s28+$0x0], $0xffff  }
0x1ab: {  	v8 =	vld.idx.msk [tilespmem:v28+s29+$0x0], $0xffff  }
0x1ac: {  	v7 =	vld.idx.msk [tilespmem:v28+s30+$0x0], $0xffff  }
0x1ad: {  	v4 =	vld.idx.msk [tilespmem:v28+s31+$0x0], $0xffff  }
0x1ae: {  	v31 =	vld [tilespmem:$0x19600]  }
0x1af: {  	v11 =	vld [tilespmem:$0x19700]  }
0x1b0: {  	v12 =	vld [tilespmem:$0x19800]  }
0x1b1: {  	v13 =	vld [tilespmem:$0x19900]  }
0x1b2: {  	v14 =	vld [tilespmem:$0x19A00]  }
0x1b3: {  	v15 =	vld [tilespmem:$0x19610]  }
0x1b4: {  	v16 =	vld [tilespmem:$0x19710]  }
0x1b5: {  	v17 =	vld [tilespmem:$0x19810]  }
0x1b6: {  	v19 =	vld [tilespmem:$0x19910]  }
0x1b7: {  	v21 =	vld [tilespmem:$0x19A10]  }
0x1b8: {  	v22 =	vld [tilespmem:$0x19620]  }
0x1b9: {  	v32 =	vld [tilespmem:$0x19720]  }
0x1ba: {  	v33 =	vld [tilespmem:$0x19820]  }
0x1bb: {  	v34 =	vld [tilespmem:$0x19920]  }
0x1bc: {  	v37 =	vld [tilespmem:$0x19630]  }
0x1bd: {  	v38 =	vld [tilespmem:$0x19730]  }
0x1be: {  	v25 =	vld [tilespmem:$0x19640]  }
0x1bf: {  	v26 =	vld [tilespmem:$0x19740]  }
0x1c0: {  	v42 =	vld [tilespmem:$0x19840]  }
0x1c1: {  	v48 =	vld [tilespmem:$0x19850];
	v5 =	vsub.f32 v7, v6;
	v10 =	vsub.f32 v4, v8  }
0x1c2: {  	v45 =	vld [tilespmem:$0x19650];
	v12 =	vmin.f32 v7, v12;
	v9 =	vmax.f32 v6, v31;
	v13 =	vmin.f32 v4, v13  }
0x1c3: {  	v39 =	vld [tilespmem:$0x19830];
	v11 =	vmax.f32 v8, v11;
	v17 =	vmin.f32 v7, v17;
	v15 =	vmax.f32 v6, v15  }
0x1c4: {  	v60 =	vld [tilespmem:$0x19960];
	v19 =	vmin.f32 v4, v19;
	v16 =	vmax.f32 v8, v16;
	v22 =	vmax.f32 v6, v22  }
0x1c5: {  	v23 =	vld [tilespmem:$0x19A20];
	v52 =	vmin.f32 v7, v42;
	v54 =	vmax.f32 v6, v25;
	v55 =	vmax.f32 v8, v26  }
0x1c6: {  	v41 =	vld [tilespmem:$0x19930];
	v28 =	vmin.f32 v7, v48;
	v12 =	vsub.f32 v12, v9;
	v11 =	vsub.f32 v13, v11  }
0x1c7: {  	v56 =	vld [tilespmem:$0x19660];
	v29 =	vmax.f32 v6, v45;
	v35 =	vsub.f32 v17, v15;
	v36 =	vsub.f32 v19, v16  }
0x1c8: {  	v59 =	vld [tilespmem:$0x19860];
	v13 =	vmax.f32 v8, v32;
	v19 =	vmin.f32 v7, v39;
	v16 =	vmax.f32 v6, v37  }
0x1c9: {  	v24 =	vld [tilespmem:$0x19A30];
	v17 =	vmax.f32 v8, v38;
	v31 =	vsub.f32 v28, v29;
	v37 =	vmin.f32 v4, v60  }
0x1ca: {  	v43 =	vld [tilespmem:$0x19940];
	v18 =	vmax.f32 v5, $0.0e+00;
	v20 =	vmax.f32 v10, $0.0e+00;
	v16 =	vsub.f32 v19, v16  }
0x1cb: {  	v44 =	vld [tilespmem:$0x19A40];
	v9 =	vmul.f32 v20, v18;
	v12 =	vmax.f32 v12, $0.0e+00;
	v11 =	vmax.f32 v11, $0.0e+00  }
0x1cc: {  	v46 =	vld [tilespmem:$0x19750];
	v15 =	vmax.f32 v36, $0.0e+00;
	v18 =	vmin.f32 v7, v33;
	v20 =	vmin.f32 v4, v34  }
0x1cd: {  	v58 =	vld [tilespmem:$0x19760];
	v34 =	vmin.f32 v7, v59;
	v36 =	vmax.f32 v6, v56;
	v11 =	vmul.f32 v11, v12  }
0x1ce: {  	v53 =	vld [tilespmem:$0x19A50];
	v12 =	vmax.f32 v35, $0.0e+00;
	v18 =	vsub.f32 v18, v22;
	v13 =	vsub.f32 v20, v13  }
0x1cf: {  	v30 =	vld [tilespmem:$0x19670];
	v16 =	vmax.f32 v16, $0.0e+00;
	v22 =	vmin.f32 v4, v43;
	v14 =	vadd.f32 v14, v9  }
0x1d0: {  	v38 =	vld [tilespmem:$0x19A70];
	v12 =	vmul.f32 v15, v12;
	v40 =	vadd.f32 v21, v9;
	v23 =	vadd.f32 v23, v9  }
0x1d1: {  	v39 =	vld [tilespmem:$0x19680];
	v21 =	vmin.f32 v4, v41;
	v47 =	vadd.f32 v24, v9;
	v57 =	vsub.f32 v22, v55  }
0x1d2: {  	v33 =	vld [tilespmem:$0x19870];
	v27 =	vadd.f32 v44, v9;
	v22 =	vmax.f32 v8, v58;
	v17 =	vsub.f32 v21, v17  }
0x1d3: {  	v35 =	vld [tilespmem:$0x19970];
	v18 =	vmax.f32 v18, $0.0e+00;
	v13 =	vmax.f32 v13, $0.0e+00;
	v22 =	vsub.f32 v37, v22  }
0x1d4: {  	v41 =	vld [tilespmem:$0x19780];
	v21 =	vmax.f32 v6, v30;
	v14 =	vsub.f32 v14, v11;
	v15 =	vsub.f32 v40, v12  }
0x1d5: {  	v44 =	vld [tilespmem:$0x19A80];
	v13 =	vmul.f32 v13, v18;
	v20 =	vmax.f32 v57, $0.0e+00;
	v18 =	vmax.f32 v8, v46  }
0x1d6: {  	v55 =	vld [tilespmem:$0x197A0];
	v40 =	vadd.f32 v53, v9;
	v53 =	vadd.f32 v38, v9;
	v17 =	vmax.f32 v17, $0.0e+00  }
0x1d7: {  	v49 =	vld [tilespmem:$0x19950];
	v22 =	vmax.f32 v22, $0.0e+00;
	v19 =	vmin.f32 v7, v33;
	v14 =	vmax.f32 v14, $9.999999960e-13  }
0x1d8: {  	v42 =	vld [tilespmem:$0x19880];
	v15 =	vmax.f32 v15, $9.999999960e-13;
	v16 =	vmul.f32 v17, v16;
	v50 =	vsub.f32 v23, v13  }
0x1d9: {  	v57 =	vld [tilespmem:$0x198A0];
	v45 =	vsub.f32 v19, v21;
	v23 =	vmax.f32 v6, v39;
	v14 =	vmul.f32 v14, v2  }
0x1da: {  	v15 =	vmul.f32 v15, v2;
	v17 =	vmax.f32 v8, v41;
	v56 =	vadd.f32 v44, v9  }
0x1db: {  	v63 =	vld [tilespmem:$0x19A60];
	v25 =	vmax.f32 v8, v55;
	v51 =	vsub.f32 v47, v16;
	v47 =	vmin.f32 v4, v35  }
0x1dc: {  	v48 =	vld [tilespmem:$0x19790];
	vm2 =	vgt.f32 v11, v14;
	vm3 =	vgt.f32 v12, v15;
	v12 =	vmax.f32 v50, $9.999999960e-13  }
0x1dd: {  	v32 =	vld [tilespmem:$0x19770];
	v15 =	vsub.f32 v52, v54;
	v11 =	vmin.f32 v4, v49;
	v49 =	vmin.f32 v7, v42  }
0x1de: {  	v43 =	vld [tilespmem:$0x19980];
	v33 =	vmin.f32 v7, v57;
	vm2 =	vmor vm2, vm3;
	v12 =	vmul.f32 v12, v2  }
0x1df: {  	v38 =	vld [tilespmem:$0x199C0];
	v14 =	vmax.f32 v51, $9.999999960e-13;
	v11 =	vsub.f32 v11, v18;
	v18 =	vsub.f32 v34, v36  }
0x1e0: {  	v50 =	vld [tilespmem:$0x19890];
	v19 =	vsub.f32 v49, v23;
	v15 =	vmax.f32 v15, $0.0e+00;
	v61 =	vmul.f32 v14, v2  }
0x1e1: {  	v52 =	vld [tilespmem:$0x19A90];
	v14 =	vadd.f32 v63, v9;
	vm3 =	vgt.f32 v13, v12;
	v62 =	vmul.f32 v20, v15  }
0x1e2: {  	v54 =	vld [tilespmem:$0x196A0];
	v12 =	vmax.f32 v31, $0.0e+00;
	v11 =	vmax.f32 v11, $0.0e+00;
	v18 =	vmax.f32 v18, $0.0e+00  }
0x1e3: {  	v51 =	vld [tilespmem:$0x19990];
	v13 =	vmax.f32 v45, $0.0e+00;
	v19 =	vmax.f32 v19, $0.0e+00;
	v20 =	vmax.f32 v8, v48  }
0x1e4: {  	v36 =	vld [tilespmem:$0x198C0];
	vm2 =	vmor vm2, vm3;
	vm3 =	vgt.f32 v16, v61;
	v11 =	vmul.f32 v11, v12  }
0x1e5: {  	v18 =	vmul.f32 v22, v18;
	v16 =	vmax.f32 v8, v32;
	v22 =	vmin.f32 v4, v43  }
0x1e6: {  	v34 =	vld [tilespmem:$0x197C0];
	v15 =	vsub.f32 v27, v62;
	vm2 =	vmor vm2, vm3;
	v16 =	vsub.f32 v47, v16  }
0x1e7: {  	v17 =	vsub.f32 v22, v17;
	v28 =	vmin.f32 v7, v50;
	v23 =	vmax.f32 v6, v54  }
0x1e8: {  	v31 =	vld [tilespmem:$0x196C0];
	v48 =	vadd.f32 v52, v9;
	v50 =	vmin.f32 v4, v38;
	v12 =	vsub.f32 v40, v11  }
0x1e9: {  	v14 =	vsub.f32 v14, v18;
	v30 =	vmin.f32 v4, v51;
	v49 =	vmin.f32 v7, v36  }
0x1ea: {  	v46 =	vld [tilespmem:$0x19690];
	v15 =	vmax.f32 v15, $9.999999960e-13;
	v16 =	vmax.f32 v16, $0.0e+00;
	v17 =	vmax.f32 v17, $0.0e+00  }
0x1eb: {  	v44 =	vld [tilespmem:$0x197D0];
	v32 =	vsub.f32 v30, v20;
	v20 =	vmax.f32 v8, v34;
	v15 =	vmul.f32 v15, v2  }
0x1ec: {  	v27 =	vld [tilespmem:$0x199A0];
	v12 =	vmax.f32 v12, $9.999999960e-13;
	v13 =	vmul.f32 v16, v13;
	v14 =	vmax.f32 v14, $9.999999960e-13  }
0x1ed: {  	v52 =	vld [tilespmem:$0x19AB0];
	v17 =	vmul.f32 v17, v19;
	v19 =	vsub.f32 v33, v23;
	v21 =	vmax.f32 v6, v31  }
0x1ee: {  	v20 =	vsub.f32 v50, v20;
	v12 =	vmul.f32 v12, v2;
	v14 =	vmul.f32 v14, v2  }
0x1ef: {  	v51 =	vld [tilespmem:$0x19AA0];
	v40 =	vmax.f32 v32, $0.0e+00;
	v21 =	vsub.f32 v49, v21;
	vm3 =	vgt.f32 v62, v15  }
0x1f0: {  	v60 =	vld [tilespmem:$0x196B0];
	v16 =	vsub.f32 v53, v13;
	v59 =	vsub.f32 v56, v17;
	v15 =	vmax.f32 v6, v46  }
0x1f1: {  	v29 =	vld [tilespmem:$0x199B0];
	v35 =	vmin.f32 v4, v27;
	v42 =	vmax.f32 v19, $0.0e+00;
	v19 =	vmax.f32 v8, v44  }
0x1f2: {  	v61 =	vld [tilespmem:$0x197B0];
	v20 =	vmax.f32 v20, $0.0e+00;
	v57 =	vadd.f32 v52, v9;
	vm2 =	vmor vm2, vm3  }
0x1f3: {  	v41 =	vld [tilespmem:$0x196D0];
	vm3 =	vgt.f32 v11, v12;
	v37 =	vsub.f32 v35, v25;
	v21 =	vmax.f32 v21, $0.0e+00  }
0x1f4: {  	v62 =	vld [tilespmem:$0x198B0];
	v56 =	vadd.f32 v51, v9;
	v58 =	vmax.f32 v16, $9.999999960e-13;
	vm2 =	vmor vm2, vm3  }
0x1f5: {  	v46 =	vld [tilespmem:$0x198D0];
	vm3 =	vgt.f32 v18, v14;
	v12 =	vmax.f32 v59, $9.999999960e-13;
	v16 =	vmax.f32 v6, v60  }
0x1f6: {  	v47 =	vld [tilespmem:$0x199D0];
	v11 =	vmul.f32 v58, v2;
	v63 =	vmul.f32 v12, v2;
	v12 =	vsub.f32 v28, v15  }
0x1f7: {  	v53 =	vld [tilespmem:$0x19AC0];
	v14 =	vmax.f32 v8, v61;
	vm2 =	vmor vm2, vm3;
	v43 =	vmax.f32 v37, $0.0e+00  }
0x1f8: {  	v15 =	vmax.f32 v6, v41;
	vm3 =	vgt.f32 v13, v11;
	v39 =	vmax.f32 v12, $0.0e+00  }
0x1f9: {  	v12 =	vmul.f32 v43, v42;
	v45 =	vmin.f32 v7, v62;
	v13 =	vmin.f32 v4, v29  }
0x1fa: {  	v18 =	vmin.f32 v7, v46;
	vm2 =	vmor vm2, vm3;
	vm3 =	vgt.f32 v17, v63  }
0x1fb: {  	v54 =	vld [tilespmem:$0x19AD0];
	v11 =	vmul.f32 v40, v39;
	v16 =	vsub.f32 v45, v16;
	v13 =	vsub.f32 v13, v14  }
0x1fc: {  	v15 =	vsub.f32 v18, v15;
	v17 =	vmin.f32 v4, v47;
	v18 =	vadd.f32 v53, v9  }
0x1fd: {  	v55 =	vmul.f32 v20, v21;
	v17 =	vsub.f32 v17, v19;
	v20 =	vsub.f32 v56, v12  }
0x1fe: {  	v16 =	vmax.f32 v16, $0.0e+00;
	v13 =	vmax.f32 v13, $0.0e+00;
	v14 =	vsub.f32 v48, v11  }
0x1ff: {  	v15 =	vmax.f32 v15, $0.0e+00;
	v13 =	vmul.f32 v13, v16;
	v17 =	vmax.f32 v17, $0.0e+00  }
0x200: {  	v19 =	vadd.f32 v54, v9;
	v15 =	vmul.f32 v17, v15;
	v14 =	vmax.f32 v14, $9.999999960e-13  }
0x201: {  	vm2 =	vmor vm2, vm3;
	v14 =	vmul.f32 v14, v2;
	v17 =	vsub.f32 v57, v13  }
0x202: {  	v59 =	vsub.f32 v18, v55;
	v58 =	vmax.f32 v20, $9.999999960e-13;
	v60 =	vsub.f32 v19, v15  }
0x203: {  	vm3 =	vgt.f32 v11, v14;
	v11 =	vmul.f32 v58, v2;
	v17 =	vmax.f32 v17, $9.999999960e-13  }
0x204: {  	v14 =	vmax.f32 v59, $9.999999960e-13;
	vm2 =	vmor vm2, vm3;
	v17 =	vmul.f32 v17, v2  }
0x205: {  	v61 =	vmul.f32 v14, v2;
	v62 =	vmax.f32 v60, $9.999999960e-13;
	vm3 =	vgt.f32 v12, v11  }
0x206: {  	v12 =	vmul.f32 v62, v2;
	vm2 =	vmor vm2, vm3;
	vm3 =	vgt.f32 v13, v17  }
0x207: {  	vm2 =	vmor vm2, vm3;
	vm3 =	vgt.f32 v55, v61  }
0x208: {  	vm2 =	vmor vm2, vm3;
	vm3 =	vgt.f32 v15, v12  }
0x209: {  	vm2 =	vmor vm2, vm3  }
0x20a: {  	v63 =	vmpcnt.ones.xlane vm2;
	_ =	sdelay $0x1  }
0x20b: {  	v11 =	vxor.u32 $0x80000000, v63  }
0x20c: {  	(xrf0) =	vmax.scan.msk.u32 $0xffff, v11;
	_ =	sdelay $0x5  }
0x20d: {  	v11, _, _ =	vpop (xrf0)  }
0x20e: {  	(v2sf) =	vpush v11, $0xF;
	_ =	sdelay $0xe  }
0x20f: {  	p5 =	sgt.f32 s16, $0.0e+00;
	s21 =	spop (v2sf)  }
0x210: {  	p6 =	slt.u32 s21, $0x80000001  }
0x211: {  	p1 =	por !p5, !p6  }
0x212: {  	p1 =	por !p1, !p1  }
0x213: {  	s17 =	sand.u32 @p1 $0xF0, s2  }
0x214: {  	v11 =	vld @p1 [tilespmem:s17+$0x19600]  }
0x215: {  	s18 =	sand.u32 @p1 $0xF, s2;
	v12 =	vld @p1 [tilespmem:s17+$0x19700]  }
0x216: {  	v13 =	vld @p1 [tilespmem:s17+$0x19800];
	v14 =	vmov @p1 s18;
	s18 =	simm.s32 $0x1  }
0x217: {  	s18 =	simm.s32 @!p1 $0x0  }
0x218: {  	v15 =	vlaneseq.u32 @p1;
	s19 =	sshll.u32 @p1 s2, $0x3;
	s2 =	sadd.s32 s18, s2  }
0x219: {  	vm2 =	veq.s32 @p1 v14, v15;
	v14 =	vld @p1 [tilespmem:s17+$0x19900];
	p2 =	sgt.u32 s2, $0xC7  }
0x21a: {  	vm3 =	vcmask @p1 $0x3F14;
	v15 =	vld @p1 [tilespmem:s17+$0x19A00];
	p3 =	sgt.f32 @!p2 s16, $0.0e+00;
	v12 =	vsel @p1 vm2, v8, v12;
	v8 =	vadd.f32 @p1 v4, v8  }
0x21b: {  	v11 =	vsel @p1 vm2, v6, v11;
	v13 =	vsel @p1 vm2, v7, v13;
	v6 =	vadd.f32 @p1 v7, v6  }
0x21c: {  	[tilespmem:s17+$0x19600] =	vst @p1 v11;
	p2 =	por p2, !p3;
	v7 =	vmul.f32 @p1 $5.000000000e-01, v8;
	v8 =	vsel @p1 vm3, $0x0, v10;
	vm3 =	vcmask @p1 $0x3F10  }
.Ltmp11:
0x21d: {  	[tilespmem:s17+$0x19700] =	vst @p1 v12;
	v6 =	vmul.f32 @p1 $5.000000000e-01, v6;
	v5 =	vsel @p1 vm3, v8, v5;
	vm3 =	vcmask @p1 $0x3F0C;
	(pc) =	sbr.rel @!p2 .LBB2_20-.Ltmp11, $4  }
0x21e: {  	[tilespmem:s17+$0x19800] =	vst @p1 v13;
	v4 =	vsel @p1 vm2, v4, v14;
	v5 =	vsel @p1 vm3, v5, v7;
	vm3 =	vcmask @p1 $0x3F08  }
0x21f: {  	[tilespmem:s17+$0x19900] =	vst @p1 v4;
	v4 =	vsel @p1 vm2, v9, v15;
	vm2 =	vmmov @p1 $0x1;
	v5 =	vsel @p1 vm3, v5, v6  }
0x220: {  	s16 =	sand.u32 @p1 $0x3FFFFFF8, s19;
	[tilespmem:s17+$0x19A00] =	vst @p1 v4;
	v3 =	vsel @p1 vm2, v3, v5  }
0x221: {  	[tilespmem:s16+$0x19B00] =	vst @p1 v3  }
.Ltmp12:
0x222: {  	(pc) =	sbr.rel @p0 .LBB2_33-.Ltmp12, $4  }
0x223: {  	[hbm4b:s15+s25] =	stream.strided.scatter [tilespmem:s3], [sflag:$0x1], $0x680, s24, s25, $0x38;
	[tilespmem:$0x1A180] =	vst v63  }
0x224: {  	_ =	swait.ge [sflag:s23], $0x680  }
0x225: {  	[sflag:s23] =	ssyncset.done $0x0  }
0x226: {  	[sflag:s23] =	ssyncadd.s32 $0xFFFFF980  }
0x227: {  	s2 =	rddreg [dreg:$0x3]  }
0x228: {  	[tilespmem:s25], [sflag:$0x1] =	stream.strided.gather [hbm4b:s2+s25], $0x5000, s24, s25, $0x38;
	[tilespmem:$0x1A180] =	vst v63  }
0x229: {  	_ =	swait.ge [sflag:s23], $0x5000  }
0x22a: {  	[sflag:s23] =	ssyncset.done $0x0  }
0x22b: {  	s18 =	rddreg [dreg:$0x4];
	[sflag:s23] =	ssyncadd.s32 $0xFFFFB000  }
0x22c: {  	[tilespmem:s28], [sflag:$0x1] =	stream.strided.gather [hbm4b:s18+s25], $0x5000, s26, s25, $0x38;
	[tilespmem:$0x1A180] =	vst v63  }
0x22d: {  	_ =	swait.ge [sflag:s23], $0x5000  }
0x22e: {  	[sflag:s23] =	ssyncset.done $0x0  }
0x22f: {  	s19 =	rddreg [dreg:$0x5];
	[sflag:s23] =	ssyncadd.s32 $0xFFFFB000  }
0x230: {  	[tilespmem:s29], [sflag:$0x1] =	stream.strided.gather [hbm4b:s19+s25], $0x5000, s26, s25, $0x38;
	[tilespmem:$0x1A180] =	vst v63  }
0x231: {  	_ =	swait.ge [sflag:s23], $0x5000  }
0x232: {  	[sflag:s23] =	ssyncset.done $0x0  }
0x233: {  	s20 =	rddreg [dreg:$0x6];
	[sflag:s23] =	ssyncadd.s32 $0xFFFFB000  }
0x234: {  	[tilespmem:s30], [sflag:$0x1] =	stream.strided.gather [hbm4b:s20+s25], $0x5000, s26, s25, $0x38;
	[tilespmem:$0x1A180] =	vst v63  }
0x235: {  	_ =	swait.ge [sflag:s23], $0x5000  }
0x236: {  	[sflag:s23] =	ssyncset.done $0x0  }
0x237: {  	s21 =	rddreg [dreg:$0x7];
	[sflag:s23] =	ssyncadd.s32 $0xFFFFB000  }
0x238: {  	[tilespmem:s31], [sflag:$0x1] =	stream.strided.gather [hbm4b:s21+s25], $0x5000, s26, s25, $0x38;
	[tilespmem:$0x1A180] =	vst v63  }
0x239: {  	_ =	swait.ge [sflag:s23], $0x5000  }
0x23a: {  	s17 =	simm.s32 $0x40;
	[sflag:s23] =	ssyncset.done $0x0  }
0x23b: {  	s16 =	simm.s32 $0x0;
	s2 =	simm.s32 $0x0;
	[sflag:s23] =	ssyncadd.s32 $0xFFFFB000  }
.LBB2_23:
0x23c: {  	p1 =	sne.s32 s17, $0x340;
	[tilespmem:s16+$0x19A00] =	vst v0;
	s18 =	smov.u32 s17;
	s17 =	sadd.s32 $0x40, s17  }
.Ltmp13:
0x23d: {  	[tilespmem:s16+$0x19900] =	vst v0;
	(pc) =	sbr.rel @p1 .LBB2_23-.Ltmp13, $4  }
0x23e: {  	[tilespmem:s16+$0x19800] =	vst v0  }
0x23f: {  	[tilespmem:s16+$0x19600] =	vst v0  }
0x240: {  	[tilespmem:s16+$0x19700] =	vst v0  }
0x241: {  	s16 =	sshra.s32 s18, $0x2  }
0x242: {  	[tilespmem:s16+$0x19A00] =	vst v0  }
0x243: {  	[tilespmem:s16+$0x19900] =	vst v0  }
0x244: {  	[tilespmem:s16+$0x19800] =	vst v0  }
0x245: {  	[tilespmem:s16+$0x19600] =	vst v0  }
0x246: {  	[tilespmem:s16+$0x19700] =	vst v0  }
.LBB2_25:
0x247: {  	p1 =	sne.s32 s2, $0x1900  }
.Ltmp14:
0x248: {  	_ = 	snop;
	(pc) =	sbr.rel @p1 .LBB2_25-.Ltmp14, $3  }
0x249: {  	_ =	sdelay $0x1  }
0x24a: {  	s16 =	sshra.s32 s2, $0x2  }
0x24b: {  	s2 =	sadd.s32 $0x40, s2;
	[tilespmem:s16+$0x19B00] =	vst v0  }
0x24c: {  	s17 =	simm.s32 $0x80  }
0x24d: {  	s2 =	simm.s32 $0x0;
	s19 =	simm.s32 $0x1;
	s18 =	simm.s32 $0x0;
	v3 =	vld [tilespmem:s17+$0x0]  }
.LBB2_27:
0x24e: {  	p1 =	sne.s32 s19, $0x4FF;
	_ =	sdelay $0x3  }
0x24f: {  	(xrf0) =	vmax.scan.msk.f32 $0xffff, v3;
	_ =	sdelay $0x1  }
0x250: {  	v3 =	vmov s18;
	s18 =	smov.u32 s19;
	_ =	sdelay $0x1  }
.Ltmp15:
0x251: {  	(pc) =	sbr.rel @p1 .LBB2_27-.Ltmp15, $4  }
0x252: {  	_ = 	snop  }
0x253: {  	s16 =	simm.s32 $0x19080;
	v4, _, _ =	vpop (xrf0)  }
0x254: {  	s17 =	sadd.s32 $0x10, s17;
	[tilespmem:v3+s16+$0x0] =	vst.idx.msk vm0, v4  }
0x255: {  	s19 =	sadd.s32 $0x1, s19;
	v3 =	vld [tilespmem:s17+$0x0]  }
0x256: {  	_ =	sdelay $0x3  }
0x257: {  	(xrf0) =	vmax.scan.msk.f32 $0xffff, v3;
	_ =	sdelay $0x1  }
0x258: {  	v3 =	vmov s18;
	_ =	sdelay $0x3  }
0x259: {  	v4, _, _ =	vpop (xrf0)  }
0x25a: {  	[tilespmem:v3+s16+$0x0] =	vst.idx.msk vm0, v4  }
0x25b: {  	s17 =	simm.s32 $0x1;
	v3 =	vld [tilespmem:s16+$0x0]  }
.LBB2_29:
0x25c: {  	p1 =	sne.s32 s17, $0x4F;
	_ =	sdelay $0x3  }
0x25d: {  	(xrf0) =	vmax.scan.msk.f32 $0xffff, v3;
	_ =	sdelay $0x1  }
0x25e: {  	v3 =	vmov s2;
	s2 =	smov.u32 s17;
	_ =	sdelay $0x1  }
.Ltmp16:
0x25f: {  	(pc) =	sbr.rel @p1 .LBB2_29-.Ltmp16, $4  }
0x260: {  	_ = 	snop  }
0x261: {  	v4, _, _ =	vpop (xrf0)  }
0x262: {  	s16 =	sadd.s32 $0x10, s16;
	[tilespmem:v3+s0+$0x0] =	vst.idx.msk vm0, v4  }
0x263: {  	s17 =	sadd.s32 $0x1, s17;
	v3 =	vld [tilespmem:s16+$0x0]  }
0x264: {  	_ =	sdelay $0x3  }
0x265: {  	(xrf0) =	vmax.scan.msk.f32 $0xffff, v3;
	_ =	sdelay $0x1  }
0x266: {  	v3 =	vmov s2;
	_ =	sdelay $0x3  }
0x267: {  	v4, _, _ =	vpop (xrf0)  }
0x268: {  	s2 =	simm.s32 $0x0;
	[tilespmem:v3+s0+$0x0] =	vst.idx.msk vm0, v4  }
.LBB2_31:
0x269: {  	v4 =	vld [tilespmem:$0x19580]  }
0x26a: {  	v5 =	vld [tilespmem:$0x19590]  }
0x26b: {  	v6 =	vld [tilespmem:$0x195A0]  }
0x26c: {  	v7 =	vld [tilespmem:$0x195B0];
	_ =	sdelay $0x1  }
0x26d: {  	v8 =	vld [tilespmem:$0x195C0];
	_ =	sdelay $0x2  }
0x26e: {  	v3 =	vmax.f32 v4, v5;
	v9 =	vmax.f32 v6, v7  }
0x26f: {  	v3 =	vmax.f32 v3, v9  }
0x270: {  	v3 =	vmax.f32 v3, v8  }
0x271: {  	(xrf0) =	vmax.scan.msk.f32 $0xffff, v3;
	_ =	sdelay $0x5  }
0x272: {  	v62, _, _ =	vpop (xrf0)  }
0x273: {  	v3 =	vbroadcast v62, $0xF;
	_ =	sdelay $0x1  }
0x274: {  	vm2 =	veq.f32 v8, v3  }
0x275: {  	v8 =	vmpcnt.ones.xlane vm2;
	v10 =	vmctz.xlane vm2;
	vm2 =	veq.f32 v7, v3  }
0x276: {  	v7 =	vmpcnt.ones.xlane vm2  }
0x277: {  	v12 =	vmctz.xlane vm2;
	vm3 =	vgt.s32 v8, $0x0;
	v63 =	vadd.s32 $0x40, v10  }
0x278: {  	v8 =	vnsel vm3, $0x40000000, v63  }
0x279: {  	vm2 =	vgt.s32 v7, $0x0;
	vm3 =	veq.f32 v6, v3;
	v13 =	vadd.s32 $0x30, v12  }
0x27a: {  	v14 =	vmpcnt.ones.xlane vm3;
	v15 =	vmctz.xlane vm3;
	vm3 =	veq.f32 v5, v3  }
0x27b: {  	v6 =	vsel vm2, v13, v8;
	v5 =	vmpcnt.ones.xlane vm3  }
0x27c: {  	v17 =	vmctz.xlane vm3;
	vm3 =	veq.f32 v4, v3;
	vm2 =	vgt.s32 v14, $0x0  }
0x27d: {  	v16 =	vadd.s32 $0x20, v15;
	v19 =	vmpcnt.ones.xlane vm3;
	v21 =	vmctz.xlane vm3  }
0x27e: {  	v18 =	vsel vm2, v16, v6;
	vm2 =	vgt.s32 v5, $0x0;
	v20 =	vadd.s32 $0x10, v17  }
0x27f: {  	v4 =	vsel vm2, v20, v18;
	vm2 =	vgt.s32 v19, $0x0  }
0x280: {  	v4 =	vsel vm2, v21, v4  }
0x281: {  	v4 =	vnsel vm1, $0x0, v4  }
0x282: {  	v4 =	vxor.u32 $0x80000000, v4  }
0x283: {  	(xrf0) =	vmax.scan.msk.u32 $0xffff, v4;
	_ =	sdelay $0x5  }
0x284: {  	(v2sf) =	vpush v62, $0xF;
	v4, _, _ =	vpop (xrf0)  }
0x285: {  	(v2sf) =	vpush v4, $0xF;
	_ =	sdelay $0xd  }
0x286: {  	s16 =	spop (v2sf)  }
0x287: {  	s17 =	spop (v2sf)  }
0x288: {  	s18 =	sshll.u32 s17, $0x4  }
0x289: {  	v22 =	vld [tilespmem:s18+$0x19080];
	_ =	sdelay $0x4  }
0x28a: {  	vm2 =	veq.f32 v22, v3  }
0x28b: {  	v23 =	vmctz.xlane vm2;
	_ =	sdelay $0x1  }
0x28c: {  	v5 =	vadd.s32 s18, v23  }
0x28d: {  	v5 =	vnsel vm1, $0x0, v5  }
0x28e: {  	v5 =	vxor.u32 $0x80000000, v5  }
0x28f: {  	(xrf0) =	vmax.scan.msk.u32 $0xffff, v5;
	_ =	sdelay $0x5  }
0x290: {  	v5, _, _ =	vpop (xrf0)  }
0x291: {  	(v2sf) =	vpush v5, $0xF;
	_ =	sdelay $0xe  }
0x292: {  	s19 =	spop (v2sf)  }
0x293: {  	s20 =	sshll.u32 s19, $0x4  }
0x294: {  	v24 =	vld [tilespmem:s20+$0x80];
	_ =	sdelay $0x4  }
0x295: {  	vm2 =	veq.f32 v24, v3  }
0x296: {  	v25 =	vmctz.xlane vm2;
	_ =	sdelay $0x1  }
0x297: {  	vm2 =	veq.s32 v25, v1  }
0x298: {  	v5 =	vsel vm2, $0x0, v24  }
0x299: {  	(xrf0) =	vmax.scan.msk.f32 $0xffff, v5;
	_ =	sdelay $0x4  }
0x29a: {  	s19 =	sxor.u32 $0x80000000, s19  }
0x29b: {  	s21 =	sxor.u32 $0x80000000, s17;
	s19 =	ssub.s32 s19, s18;
	v26, _, _ =	vpop (xrf0)  }
0x29c: {  	p2 =	sgt.s32 s17, $0xFFFFFFFF;
	s17 =	sand.u32 $0xF, s17;
	p1 =	slt.s32 s21, $0x1;
	v27 =	vmov s19;
	v7 =	vbroadcast v26, $0xF  }
0x29d: {  	p4 =	sne.s32 s17, $0x0;
	p1 =	por p2, p1;
	s19 =	sshra.s32 s21, $0x1F;
	vm2 =	veq.s32 v27, v1  }
0x29e: {  	p1 =	por !p4, !p1;
	s19 =	sshrl.u32 s19, $0x1C;
	v4 =	vsel vm2, v7, v22  }
0x29f: {  	p1 =	por !p1, !p1;
	s17 =	sadd.s32 s19, s21;
	s19 =	simm.s32 $0x1;
	(xrf0) =	vmax.scan.msk.f32 $0xffff, v4  }
0x2a0: {  	s17 =	sshrl.u32 s17, $0x4;
	s19 =	simm.s32 @!p1 $0x0  }
0x2a1: {  	s17 =	ssub.s32 s17, s19;
	[tilespmem:s20+$0x80] =	vst v5  }
0x2a2: {  	s17 =	sshll.u32 s17, $0x4;
	[tilespmem:s18+$0x19080] =	vst v4  }
0x2a3: {  	v4 =	vld [tilespmem:s17+$0x19580];
	_ =	sdelay $0x1  }
0x2a4: {  	v28 =	vadd.s32 s20, v25;
	s20 =	ssub.s32 s21, s17;
	v29, _, _ =	vpop (xrf0)  }
0x2a5: {  	v30 =	vmov s20;
	v6 =	vbroadcast v29, $0xF  }
0x2a6: {  	vm2 =	veq.s32 v30, v1  }
0x2a7: {  	v4 =	vsel vm2, v6, v4  }
0x2a8: {  	[tilespmem:s17+$0x19580] =	vst v4  }
0x2a9: {  	v6 =	vld.idx.msk [tilespmem:v28+s28+$0x0], $0xffff  }
0x2aa: {  	v8 =	vld.idx.msk [tilespmem:v28+s29+$0x0], $0xffff  }
0x2ab: {  	v7 =	vld.idx.msk [tilespmem:v28+s30+$0x0], $0xffff  }
0x2ac: {  	v4 =	vld.idx.msk [tilespmem:v28+s31+$0x0], $0xffff  }
0x2ad: {  	v31 =	vld [tilespmem:$0x19600]  }
0x2ae: {  	v11 =	vld [tilespmem:$0x19700]  }
0x2af: {  	v12 =	vld [tilespmem:$0x19800]  }
0x2b0: {  	v13 =	vld [tilespmem:$0x19900]  }
0x2b1: {  	v14 =	vld [tilespmem:$0x19A00]  }
0x2b2: {  	v15 =	vld [tilespmem:$0x19610]  }
0x2b3: {  	v16 =	vld [tilespmem:$0x19710]  }
0x2b4: {  	v17 =	vld [tilespmem:$0x19810]  }
0x2b5: {  	v19 =	vld [tilespmem:$0x19910]  }
0x2b6: {  	v21 =	vld [tilespmem:$0x19A10]  }
0x2b7: {  	v22 =	vld [tilespmem:$0x19620]  }
0x2b8: {  	v32 =	vld [tilespmem:$0x19720]  }
0x2b9: {  	v33 =	vld [tilespmem:$0x19820]  }
0x2ba: {  	v34 =	vld [tilespmem:$0x19920]  }
0x2bb: {  	v37 =	vld [tilespmem:$0x19630]  }
0x2bc: {  	v38 =	vld [tilespmem:$0x19730]  }
0x2bd: {  	v25 =	vld [tilespmem:$0x19640]  }
0x2be: {  	v26 =	vld [tilespmem:$0x19740]  }
0x2bf: {  	v42 =	vld [tilespmem:$0x19840]  }
0x2c0: {  	v48 =	vld [tilespmem:$0x19850];
	v5 =	vsub.f32 v7, v6;
	v10 =	vsub.f32 v4, v8  }
0x2c1: {  	v45 =	vld [tilespmem:$0x19650];
	v12 =	vmin.f32 v7, v12;
	v9 =	vmax.f32 v6, v31;
	v13 =	vmin.f32 v4, v13  }
0x2c2: {  	v39 =	vld [tilespmem:$0x19830];
	v11 =	vmax.f32 v8, v11;
	v17 =	vmin.f32 v7, v17;
	v15 =	vmax.f32 v6, v15  }
0x2c3: {  	v60 =	vld [tilespmem:$0x19960];
	v19 =	vmin.f32 v4, v19;
	v16 =	vmax.f32 v8, v16;
	v22 =	vmax.f32 v6, v22  }
0x2c4: {  	v23 =	vld [tilespmem:$0x19A20];
	v52 =	vmin.f32 v7, v42;
	v54 =	vmax.f32 v6, v25;
	v55 =	vmax.f32 v8, v26  }
0x2c5: {  	v41 =	vld [tilespmem:$0x19930];
	v28 =	vmin.f32 v7, v48;
	v12 =	vsub.f32 v12, v9;
	v11 =	vsub.f32 v13, v11  }
0x2c6: {  	v56 =	vld [tilespmem:$0x19660];
	v29 =	vmax.f32 v6, v45;
	v35 =	vsub.f32 v17, v15;
	v36 =	vsub.f32 v19, v16  }
0x2c7: {  	v59 =	vld [tilespmem:$0x19860];
	v13 =	vmax.f32 v8, v32;
	v19 =	vmin.f32 v7, v39;
	v16 =	vmax.f32 v6, v37  }
0x2c8: {  	v24 =	vld [tilespmem:$0x19A30];
	v17 =	vmax.f32 v8, v38;
	v31 =	vsub.f32 v28, v29;
	v37 =	vmin.f32 v4, v60  }
0x2c9: {  	v43 =	vld [tilespmem:$0x19940];
	v18 =	vmax.f32 v5, $0.0e+00;
	v20 =	vmax.f32 v10, $0.0e+00;
	v16 =	vsub.f32 v19, v16  }
0x2ca: {  	v44 =	vld [tilespmem:$0x19A40];
	v9 =	vmul.f32 v20, v18;
	v12 =	vmax.f32 v12, $0.0e+00;
	v11 =	vmax.f32 v11, $0.0e+00  }
0x2cb: {  	v46 =	vld [tilespmem:$0x19750];
	v15 =	vmax.f32 v36, $0.0e+00;
	v18 =	vmin.f32 v7, v33;
	v20 =	vmin.f32 v4, v34  }
0x2cc: {  	v58 =	vld [tilespmem:$0x19760];
	v34 =	vmin.f32 v7, v59;
	v36 =	vmax.f32 v6, v56;
	v11 =	vmul.f32 v11, v12  }
0x2cd: {  	v53 =	vld [tilespmem:$0x19A50];
	v12 =	vmax.f32 v35, $0.0e+00;
	v18 =	vsub.f32 v18, v22;
	v13 =	vsub.f32 v20, v13  }
0x2ce: {  	v30 =	vld [tilespmem:$0x19670];
	v16 =	vmax.f32 v16, $0.0e+00;
	v22 =	vmin.f32 v4, v43;
	v14 =	vadd.f32 v14, v9  }
0x2cf: {  	v38 =	vld [tilespmem:$0x19A70];
	v12 =	vmul.f32 v15, v12;
	v40 =	vadd.f32 v21, v9;
	v23 =	vadd.f32 v23, v9  }
0x2d0: {  	v39 =	vld [tilespmem:$0x19680];
	v21 =	vmin.f32 v4, v41;
	v47 =	vadd.f32 v24, v9;
	v57 =	vsub.f32 v22, v55  }
0x2d1: {  	v33 =	vld [tilespmem:$0x19870];
	v27 =	vadd.f32 v44, v9;
	v22 =	vmax.f32 v8, v58;
	v17 =	vsub.f32 v21, v17  }
0x2d2: {  	v35 =	vld [tilespmem:$0x19970];
	v18 =	vmax.f32 v18, $0.0e+00;
	v13 =	vmax.f32 v13, $0.0e+00;
	v22 =	vsub.f32 v37, v22  }
0x2d3: {  	v41 =	vld [tilespmem:$0x19780];
	v21 =	vmax.f32 v6, v30;
	v14 =	vsub.f32 v14, v11;
	v15 =	vsub.f32 v40, v12  }
0x2d4: {  	v44 =	vld [tilespmem:$0x19A80];
	v13 =	vmul.f32 v13, v18;
	v20 =	vmax.f32 v57, $0.0e+00;
	v18 =	vmax.f32 v8, v46  }
0x2d5: {  	v55 =	vld [tilespmem:$0x197A0];
	v40 =	vadd.f32 v53, v9;
	v53 =	vadd.f32 v38, v9;
	v17 =	vmax.f32 v17, $0.0e+00  }
0x2d6: {  	v49 =	vld [tilespmem:$0x19950];
	v22 =	vmax.f32 v22, $0.0e+00;
	v19 =	vmin.f32 v7, v33;
	v14 =	vmax.f32 v14, $9.999999960e-13  }
0x2d7: {  	v42 =	vld [tilespmem:$0x19880];
	v15 =	vmax.f32 v15, $9.999999960e-13;
	v16 =	vmul.f32 v17, v16;
	v50 =	vsub.f32 v23, v13  }
0x2d8: {  	v57 =	vld [tilespmem:$0x198A0];
	v45 =	vsub.f32 v19, v21;
	v23 =	vmax.f32 v6, v39;
	v14 =	vmul.f32 v14, v2  }
0x2d9: {  	v15 =	vmul.f32 v15, v2;
	v17 =	vmax.f32 v8, v41;
	v56 =	vadd.f32 v44, v9  }
0x2da: {  	v63 =	vld [tilespmem:$0x19A60];
	v25 =	vmax.f32 v8, v55;
	v51 =	vsub.f32 v47, v16;
	v47 =	vmin.f32 v4, v35  }
0x2db: {  	v48 =	vld [tilespmem:$0x19790];
	vm2 =	vgt.f32 v11, v14;
	vm3 =	vgt.f32 v12, v15;
	v12 =	vmax.f32 v50, $9.999999960e-13  }
0x2dc: {  	v32 =	vld [tilespmem:$0x19770];
	v15 =	vsub.f32 v52, v54;
	v11 =	vmin.f32 v4, v49;
	v49 =	vmin.f32 v7, v42  }
0x2dd: {  	v43 =	vld [tilespmem:$0x19980];
	v33 =	vmin.f32 v7, v57;
	vm2 =	vmor vm2, vm3;
	v12 =	vmul.f32 v12, v2  }
0x2de: {  	v38 =	vld [tilespmem:$0x199C0];
	v14 =	vmax.f32 v51, $9.999999960e-13;
	v11 =	vsub.f32 v11, v18;
	v18 =	vsub.f32 v34, v36  }
0x2df: {  	v50 =	vld [tilespmem:$0x19890];
	v19 =	vsub.f32 v49, v23;
	v15 =	vmax.f32 v15, $0.0e+00;
	v61 =	vmul.f32 v14, v2  }
0x2e0: {  	v52 =	vld [tilespmem:$0x19A90];
	v14 =	vadd.f32 v63, v9;
	vm3 =	vgt.f32 v13, v12;
	v62 =	vmul.f32 v20, v15  }
0x2e1: {  	v54 =	vld [tilespmem:$0x196A0];
	v12 =	vmax.f32 v31, $0.0e+00;
	v11 =	vmax.f32 v11, $0.0e+00;
	v18 =	vmax.f32 v18, $0.0e+00  }
0x2e2: {  	v51 =	vld [tilespmem:$0x19990];
	v13 =	vmax.f32 v45, $0.0e+00;
	v19 =	vmax.f32 v19, $0.0e+00;
	v20 =	vmax.f32 v8, v48  }
0x2e3: {  	v36 =	vld [tilespmem:$0x198C0];
	vm2 =	vmor vm2, vm3;
	vm3 =	vgt.f32 v16, v61;
	v11 =	vmul.f32 v11, v12  }
0x2e4: {  	v18 =	vmul.f32 v22, v18;
	v16 =	vmax.f32 v8, v32;
	v22 =	vmin.f32 v4, v43  }
0x2e5: {  	v34 =	vld [tilespmem:$0x197C0];
	v15 =	vsub.f32 v27, v62;
	vm2 =	vmor vm2, vm3;
	v16 =	vsub.f32 v47, v16  }
0x2e6: {  	v17 =	vsub.f32 v22, v17;
	v28 =	vmin.f32 v7, v50;
	v23 =	vmax.f32 v6, v54  }
0x2e7: {  	v31 =	vld [tilespmem:$0x196C0];
	v48 =	vadd.f32 v52, v9;
	v50 =	vmin.f32 v4, v38;
	v12 =	vsub.f32 v40, v11  }
0x2e8: {  	v14 =	vsub.f32 v14, v18;
	v30 =	vmin.f32 v4, v51;
	v49 =	vmin.f32 v7, v36  }
0x2e9: {  	v46 =	vld [tilespmem:$0x19690];
	v15 =	vmax.f32 v15, $9.999999960e-13;
	v16 =	vmax.f32 v16, $0.0e+00;
	v17 =	vmax.f32 v17, $0.0e+00  }
0x2ea: {  	v44 =	vld [tilespmem:$0x197D0];
	v32 =	vsub.f32 v30, v20;
	v20 =	vmax.f32 v8, v34;
	v15 =	vmul.f32 v15, v2  }
0x2eb: {  	v27 =	vld [tilespmem:$0x199A0];
	v12 =	vmax.f32 v12, $9.999999960e-13;
	v13 =	vmul.f32 v16, v13;
	v14 =	vmax.f32 v14, $9.999999960e-13  }
0x2ec: {  	v52 =	vld [tilespmem:$0x19AB0];
	v17 =	vmul.f32 v17, v19;
	v19 =	vsub.f32 v33, v23;
	v21 =	vmax.f32 v6, v31  }
0x2ed: {  	v20 =	vsub.f32 v50, v20;
	v12 =	vmul.f32 v12, v2;
	v14 =	vmul.f32 v14, v2  }
0x2ee: {  	v51 =	vld [tilespmem:$0x19AA0];
	v40 =	vmax.f32 v32, $0.0e+00;
	v21 =	vsub.f32 v49, v21;
	vm3 =	vgt.f32 v62, v15  }
0x2ef: {  	v60 =	vld [tilespmem:$0x196B0];
	v16 =	vsub.f32 v53, v13;
	v59 =	vsub.f32 v56, v17;
	v15 =	vmax.f32 v6, v46  }
0x2f0: {  	v29 =	vld [tilespmem:$0x199B0];
	v35 =	vmin.f32 v4, v27;
	v42 =	vmax.f32 v19, $0.0e+00;
	v19 =	vmax.f32 v8, v44  }
0x2f1: {  	v61 =	vld [tilespmem:$0x197B0];
	v20 =	vmax.f32 v20, $0.0e+00;
	v57 =	vadd.f32 v52, v9;
	vm2 =	vmor vm2, vm3  }
0x2f2: {  	v41 =	vld [tilespmem:$0x196D0];
	vm3 =	vgt.f32 v11, v12;
	v37 =	vsub.f32 v35, v25;
	v21 =	vmax.f32 v21, $0.0e+00  }
0x2f3: {  	v62 =	vld [tilespmem:$0x198B0];
	v56 =	vadd.f32 v51, v9;
	v58 =	vmax.f32 v16, $9.999999960e-13;
	vm2 =	vmor vm2, vm3  }
0x2f4: {  	v46 =	vld [tilespmem:$0x198D0];
	vm3 =	vgt.f32 v18, v14;
	v12 =	vmax.f32 v59, $9.999999960e-13;
	v16 =	vmax.f32 v6, v60  }
0x2f5: {  	v47 =	vld [tilespmem:$0x199D0];
	v11 =	vmul.f32 v58, v2;
	v63 =	vmul.f32 v12, v2;
	v12 =	vsub.f32 v28, v15  }
0x2f6: {  	v53 =	vld [tilespmem:$0x19AC0];
	v14 =	vmax.f32 v8, v61;
	vm2 =	vmor vm2, vm3;
	v43 =	vmax.f32 v37, $0.0e+00  }
0x2f7: {  	v15 =	vmax.f32 v6, v41;
	vm3 =	vgt.f32 v13, v11;
	v39 =	vmax.f32 v12, $0.0e+00  }
0x2f8: {  	v12 =	vmul.f32 v43, v42;
	v45 =	vmin.f32 v7, v62;
	v13 =	vmin.f32 v4, v29  }
0x2f9: {  	v18 =	vmin.f32 v7, v46;
	vm2 =	vmor vm2, vm3;
	vm3 =	vgt.f32 v17, v63  }
0x2fa: {  	v54 =	vld [tilespmem:$0x19AD0];
	v11 =	vmul.f32 v40, v39;
	v16 =	vsub.f32 v45, v16;
	v13 =	vsub.f32 v13, v14  }
0x2fb: {  	v15 =	vsub.f32 v18, v15;
	v17 =	vmin.f32 v4, v47;
	v18 =	vadd.f32 v53, v9  }
0x2fc: {  	v55 =	vmul.f32 v20, v21;
	v17 =	vsub.f32 v17, v19;
	v20 =	vsub.f32 v56, v12  }
0x2fd: {  	v16 =	vmax.f32 v16, $0.0e+00;
	v13 =	vmax.f32 v13, $0.0e+00;
	v14 =	vsub.f32 v48, v11  }
0x2fe: {  	v15 =	vmax.f32 v15, $0.0e+00;
	v13 =	vmul.f32 v13, v16;
	v17 =	vmax.f32 v17, $0.0e+00  }
0x2ff: {  	v19 =	vadd.f32 v54, v9;
	v15 =	vmul.f32 v17, v15;
	v14 =	vmax.f32 v14, $9.999999960e-13  }
0x300: {  	vm2 =	vmor vm2, vm3;
	v14 =	vmul.f32 v14, v2;
	v17 =	vsub.f32 v57, v13  }
0x301: {  	v59 =	vsub.f32 v18, v55;
	v58 =	vmax.f32 v20, $9.999999960e-13;
	v60 =	vsub.f32 v19, v15  }
0x302: {  	vm3 =	vgt.f32 v11, v14;
	v11 =	vmul.f32 v58, v2;
	v17 =	vmax.f32 v17, $9.999999960e-13  }
0x303: {  	v14 =	vmax.f32 v59, $9.999999960e-13;
	vm2 =	vmor vm2, vm3;
	v17 =	vmul.f32 v17, v2  }
0x304: {  	v61 =	vmul.f32 v14, v2;
	v62 =	vmax.f32 v60, $9.999999960e-13;
	vm3 =	vgt.f32 v12, v11  }
0x305: {  	v12 =	vmul.f32 v62, v2;
	vm2 =	vmor vm2, vm3;
	vm3 =	vgt.f32 v13, v17  }
0x306: {  	vm2 =	vmor vm2, vm3;
	vm3 =	vgt.f32 v55, v61  }
0x307: {  	vm2 =	vmor vm2, vm3;
	vm3 =	vgt.f32 v15, v12  }
0x308: {  	vm2 =	vmor vm2, vm3  }
0x309: {  	v63 =	vmpcnt.ones.xlane vm2;
	_ =	sdelay $0x1  }
0x30a: {  	v11 =	vxor.u32 $0x80000000, v63  }
0x30b: {  	(xrf0) =	vmax.scan.msk.u32 $0xffff, v11;
	_ =	sdelay $0x5  }
0x30c: {  	v11, _, _ =	vpop (xrf0)  }
0x30d: {  	(v2sf) =	vpush v11, $0xF;
	_ =	sdelay $0xe  }
0x30e: {  	p5 =	sgt.f32 s16, $0.0e+00;
	s21 =	spop (v2sf)  }
0x30f: {  	p6 =	slt.u32 s21, $0x80000001  }
0x310: {  	p1 =	por !p5, !p6  }
0x311: {  	p1 =	por !p1, !p1  }
0x312: {  	s17 =	sand.u32 @p1 $0xF0, s2  }
0x313: {  	v11 =	vld @p1 [tilespmem:s17+$0x19600]  }
0x314: {  	s18 =	sand.u32 @p1 $0xF, s2;
	v12 =	vld @p1 [tilespmem:s17+$0x19700]  }
0x315: {  	v13 =	vld @p1 [tilespmem:s17+$0x19800];
	v14 =	vmov @p1 s18;
	s18 =	simm.s32 $0x1  }
0x316: {  	s18 =	simm.s32 @!p1 $0x0  }
0x317: {  	v15 =	vlaneseq.u32 @p1;
	s19 =	sshll.u32 @p1 s2, $0x3;
	s2 =	sadd.s32 s18, s2  }
0x318: {  	vm2 =	veq.s32 @p1 v14, v15;
	v14 =	vld @p1 [tilespmem:s17+$0x19900];
	p2 =	sgt.u32 s2, $0xC7  }
0x319: {  	vm3 =	vcmask @p1 $0x3F14;
	v15 =	vld @p1 [tilespmem:s17+$0x19A00];
	p3 =	sgt.f32 @!p2 s16, $0.0e+00;
	v12 =	vsel @p1 vm2, v8, v12;
	v8 =	vadd.f32 @p1 v4, v8  }
0x31a: {  	v11 =	vsel @p1 vm2, v6, v11;
	v13 =	vsel @p1 vm2, v7, v13;
	v6 =	vadd.f32 @p1 v7, v6  }
0x31b: {  	[tilespmem:s17+$0x19600] =	vst @p1 v11;
	p2 =	por p2, !p3;
	v7 =	vmul.f32 @p1 $5.000000000e-01, v8;
	v8 =	vsel @p1 vm3, $0x0, v10;
	vm3 =	vcmask @p1 $0x3F10  }
.Ltmp17:
0x31c: {  	[tilespmem:s17+$0x19700] =	vst @p1 v12;
	v6 =	vmul.f32 @p1 $5.000000000e-01, v6;
	v5 =	vsel @p1 vm3, v8, v5;
	vm3 =	vcmask @p1 $0x3F0C;
	(pc) =	sbr.rel @!p2 .LBB2_31-.Ltmp17, $4  }
0x31d: {  	[tilespmem:s17+$0x19800] =	vst @p1 v13;
	v4 =	vsel @p1 vm2, v4, v14;
	v5 =	vsel @p1 vm3, v5, v7;
	vm3 =	vcmask @p1 $0x3F08  }
0x31e: {  	[tilespmem:s17+$0x19900] =	vst @p1 v4;
	v4 =	vsel @p1 vm2, v9, v15;
	vm2 =	vmmov @p1 $0x1;
	v5 =	vsel @p1 vm3, v5, v6  }
0x31f: {  	s16 =	sand.u32 @p1 $0x3FFFFFF8, s19;
	[tilespmem:s17+$0x19A00] =	vst @p1 v4;
	v3 =	vsel @p1 vm2, v3, v5  }
0x320: {  	[tilespmem:s16+$0x19B00] =	vst @p1 v3  }
.Ltmp18:
0x321: {  	_ = 	snop;
	(pc) =	sbr.rel .LBB2_32-.Ltmp18, $1  }
0x322: {  	_ =	sdelay $0x3  }
.LBB2_34:
0x323: {  	_ =	sfence.sel $0x180000  }
0x324: {  	[bflag:$0x0] =	sbarrier.arrive $0xFFFF  }
0x325: {  	_ =	strace $0x90000047  }
0x326: {  	s0 =	stileid.u32;
	[bflag:$0x2] =	sbarrier.arrive $0xFFFF  }
0x327: {  	p0 =	sne.s32 s0, $0x0;
	s0 =	rddreg [dreg:$0x2]  }
0x328: {  	s0 =	sadd.s32 @!p0 $0x100000, s0  }
0x329: {  	[sflag:s0] =	ssyncadd.tile.s32 @!p0 $0x1;
	_ =	shalt  }
.Lfunc_end2:
_tile_overlayer_lowered:
.L_overlay_start_2:
0x32a: {  	(tag) =	ssettag $0x2  }
0x32b: {  	s0 =	rddreg [dreg:$0x0];
	s2 =	stileid.u32  }
0x32c: {  	s1 =	rddreg [dreg:$0x1];
	p0 =	sne.s32 s2, $0x0  }
0x32d: {  	s3 =	rddreg [dreg:$0x2];
	[bflag:$0x3] =	sbarrier.arrive $0xFFFF;
	s2 =	simm.s32 @!p0 $0x1C01  }
0x32e: {  	[timem:s3], [sflag:s2] =	dma.local @!p0 [hbm:s0], s1  }
0x32f: {  	s0 =	simm.s32 @!p0 $0x1  }
0x330: {  	_ =	swait.ge @!p0 [sflag:s0], s1  }
0x331: {  	s1 =	ssub.s32 @!p0 $0x0, s1;
	[sflag:s0] =	ssyncset.done @!p0 $0x0  }
0x332: {  	[sflag:s0] =	ssyncadd.s32 @!p0 s1  }
0x333: {  	[bflag:$0x3] =	sbarrier.arrive $0xFFFF  }
0x334: {  	_ =	shalt  }

</sc_bundles>
